<compile_context>
chip_gen: v7x
topology: tpu7x:2x2x1
jax: 0.10.2.dev20260603
libtpu: 0.0.44.dev20260713+nightly
codegen_flags: <defaults>
</compile_context>

<pallas_src>
import functools

import jax
import jax.numpy as jnp
from jax import lax
from jax.experimental import pallas as pl
from jax.experimental.pallas import tpu as pltpu
from jax.experimental.pallas import tpu_sc as plsc

_S = 30.0
_M = 0.35
_SUB = 8
_C1 = _S * 1.4426950408889634
_NW = 32


def _sc_gather_build(batch):
    b_per_w = batch // _NW
    mesh = plsc.VectorSubcoreMesh(core_axis_name="c", subcore_axis_name="s")

    @functools.partial(
        pl.kernel, mesh=mesh,
        out_type=jax.ShapeDtypeStruct((batch, batch), jnp.float32),
        scratch_types=[
            pltpu.VMEM((b_per_w,), jnp.int32),
            pltpu.VMEM((b_per_w, batch), jnp.float32),
            pltpu.SemaphoreType.DMA,
        ],
    )
    def gather_k(xt_hbm, lbl_hbm, out_hbm, idx_v, rows_v, sem):
        wid = lax.axis_index("s") * 2 + lax.axis_index("c")
        base = wid * b_per_w
        pltpu.sync_copy(lbl_hbm.at[pl.ds(base, b_per_w)], idx_v)
        pltpu.async_copy(xt_hbm.at[idx_v], rows_v, sem).wait()
        pltpu.sync_copy(rows_v, out_hbm.at[pl.ds(base, b_per_w)])

    return gather_k


def _stripe_body(n_cls, n_blocks, bs, xt_ref, m_ref, s_ref):
    i = pl.program_id(0)
    ns = bs // _SUB
    ns_tail = (n_cls - (n_blocks - 1) * bs) // _SUB

    @pl.when(i == 0)
    def _init():
        m_ref[...] = jnp.full_like(m_ref, -jnp.inf)
        s_ref[...] = jnp.zeros_like(s_ref)

    def update(n_slices):
        m_old = m_ref[...]
        bm = m_old
        for k in range(n_slices):
            bm = jnp.maximum(bm, xt_ref[k * _SUB:(k + 1) * _SUB, :])
        acc = s_ref[...] * jnp.exp2(_C1 * (m_old - bm))
        for k in range(n_slices):
            ch = xt_ref[k * _SUB:(k + 1) * _SUB, :]
            acc = acc + jnp.exp2(_C1 * (ch - bm))
        s_ref[...] = acc
        m_ref[...] = bm

    @pl.when(i < n_blocks - 1)
    def _main():
        update(ns)

    @pl.when(i == n_blocks - 1)
    def _tail():
        update(ns_tail)


def _combine_body(n_rows, m_ref, s_ref, g_ref, out_ref):
    m8 = m_ref[...]
    mrow = jnp.max(m8, axis=0, keepdims=True)
    srow = jnp.sum(s_ref[...] * jnp.exp2(_C1 * (m8 - mrow)),
                   axis=0, keepdims=True)
    g = g_ref[...]
    rid = lax.broadcasted_iota(jnp.int32, g.shape, 0)
    cid = lax.broadcasted_iota(jnp.int32, g.shape, 1)
    t = jnp.sum(jnp.where(rid == cid, g, 0.0), axis=0, keepdims=True)
    e1 = jnp.exp(_S * (t - mrow))
    e2 = jnp.exp(_S * (t - _M - mrow))
    s_corr = jnp.maximum(srow - e1, 0.0) + e2
    nll = jnp.log(s_corr) + _S * mrow - _S * (t - _M)
    out_ref[...] = jnp.sum(nll, axis=(0, 1), keepdims=True) / n_rows


@jax.jit
def kernel(input, label):
    n_rows, n_cls = input.shape
    xt = input.T
    lbl = label.astype(jnp.int32)

    g = _sc_gather_build(n_rows)(xt, lbl)

    bs = 2048
    n_blocks = pl.cdiv(n_cls, bs)
    body = lambda *refs: _stripe_body(n_cls, n_blocks, bs, *refs)
    m8, s8 = pl.pallas_call(
        body,
        grid=(n_blocks,),
        in_specs=[pl.BlockSpec((bs, n_rows), lambda i: (i, 0))],
        out_specs=[
            pl.BlockSpec((_SUB, n_rows), lambda i: (0, 0)),
            pl.BlockSpec((_SUB, n_rows), lambda i: (0, 0)),
        ],
        out_shape=[
            jax.ShapeDtypeStruct((_SUB, n_rows), jnp.float32),
            jax.ShapeDtypeStruct((_SUB, n_rows), jnp.float32),
        ],
    )(xt)

    out = pl.pallas_call(
        functools.partial(_combine_body, n_rows),
        out_shape=jax.ShapeDtypeStruct((1, 1), jnp.float32),
    )(m8, s8, g)
    return out[0, 0]

# --- scband reference (transcript-rebuilt; emitter-appended) ---
"""Pipeline reference for scband-cos-face-38560216383946 (READ-ONLY COPY).

The authoritative reference and input builder live on the scoring server;
editing this copy changes nothing except your own understanding.
"""

import jax, jax.numpy as jnp
import numpy as np

S = 30.0
M = 0.35

def setup_inputs(seed: int = 0) -> dict:
    key = jax.random.key(seed)
    k1, k2 = jax.random.split(key)
    input = jax.random.normal(k1, (1024, 100000), dtype=jnp.float32)
    label = jax.random.randint(k2, (1024,), 0, 100000, dtype=jnp.int64)
    return {"input": input, "label": label}

def reference(input, label):
    # CosFace: subtract margin m at the target logit, scale by s, cross-entropy (mean)
    num_classes = input.shape[1]
    one_hot = jax.nn.one_hot(label, num_classes, dtype=input.dtype)
    target_logits = input - M
    output = input * (1.0 - one_hot) + target_logits * one_hot
    output = output * S
    logp = jax.nn.log_softmax(output, axis=-1)
    nll = -jnp.take_along_axis(logp, label[:, None].astype(jnp.int32), axis=1)[:, 0]
    return jnp.mean(nll)

if __name__ == "__main__":
    import jax
    _d = setup_inputs()
    print(jax.jit(kernel)(*tuple(_d.values())))

</pallas_src>

<mosaic_0001>
#map = affine_map<(d0, d1) -> (0, 0)>
#map1 = affine_map<(d0, d1) -> (0)>
module attributes {stable_mosaic.version = 14 : i64} {
  func.func @gather_k(%arg0: i32, %arg1: i32, %arg2: memref<100000x1024xf32, #tpu.memory_space<hbm>>, %arg3: memref<1024xi32, #tpu.memory_space<hbm>>, %arg4: memref<1024x1024xf32, #tpu.memory_space<hbm>>, %arg5: memref<32xi32, #tpu.memory_space<vmem>>, %arg6: memref<32x1024xf32, #tpu.memory_space<vmem>>, %arg7: memref<!tpu.dma_semaphore, #tpu.memory_space<semaphore_mem>>) attributes {dimension_semantics = [#tpu.dimension_semantics<core_parallel>, #tpu.dimension_semantics<subcore_parallel>], iteration_bounds = array<i64: 2, 16>, scalar_prefetch = 0 : i64, scratch_operands = 3 : i64, tpu.core_type = #tpu.core_type<sc_vector_subcore>, window_params = [{transform_indices = #map}, {transform_indices = #map1}, {transform_indices = #map}]} {
    %mul3A = arith.constant 2 : i32
    %mul3A_0 = arith.muli %arg1, %mul3A : i32
    %add3A = arith.addi %mul3A_0, %arg0 : i32
    %mul3A_1 = arith.constant 32 : i32
    %mul3A_2 = arith.muli %add3A, %mul3A_1 : i32
    "tpu.region"() ({
      %run_scoped3A = tpu.sem_alloc : memref<!tpu.dma_semaphore, #tpu.memory_space<semaphore_mem>>
      %dma_start3A_7 = tpu.memref_slice %arg3[%mul3A_2] : memref<1024xi32, #tpu.memory_space<hbm>> -> memref<32xi32, #tpu.memory_space<hbm>>
      %dma_start3A_8 = tpu.memref_slice %arg3[%mul3A_2] : memref<1024xi32, #tpu.memory_space<hbm>> -> memref<32xi32, #tpu.memory_space<hbm>>
      tpu.enqueue_dma source(%dma_start3A_8 : memref<32xi32, #tpu.memory_space<hbm>>) target(%arg5 : memref<32xi32, #tpu.memory_space<vmem>>) target_semaphore(%run_scoped3A : memref<!tpu.dma_semaphore, #tpu.memory_space<semaphore_mem>>)
      %dma_wait3A_9 = tpu.memref_slice %arg3[%mul3A_2] : memref<1024xi32, #tpu.memory_space<hbm>> -> memref<32xi32, #tpu.memory_space<hbm>>
      %dma_wait3A_10 = tpu.memref_slice %arg3[%mul3A_2] : memref<1024xi32, #tpu.memory_space<hbm>> -> memref<32xi32, #tpu.memory_space<hbm>>
      tpu.wait_dma2 semaphore(%run_scoped3A : memref<!tpu.dma_semaphore, #tpu.memory_space<semaphore_mem>>) src(%dma_wait3A_10 : memref<32xi32, #tpu.memory_space<hbm>>) dst(%arg5 : memref<32xi32, #tpu.memory_space<vmem>>)
      tpu.yield
    }) : () -> ()
    %dma_start3A = arith.constant 0 : i32
    %dma_start3A_3 = arith.constant 0 : i32
    %dma_start3A_4 = tpu.memref_slice %arg2[%dma_start3A, %dma_start3A_3] : memref<100000x1024xf32, #tpu.memory_space<hbm>> -> memref<100000x1024xf32, #tpu.memory_space<hbm>>
    tpu.enqueue_indirect_dma source(%dma_start3A_4 : memref<100000x1024xf32, #tpu.memory_space<hbm>>) target(%arg6 : memref<32x1024xf32, #tpu.memory_space<vmem>>) offsets(%arg5 : memref<32xi32, #tpu.memory_space<vmem>>) semaphore(%arg7 : memref<!tpu.dma_semaphore, #tpu.memory_space<semaphore_mem>>)
    %dma_wait3A = arith.constant 0 : i32
    %dma_wait3A_5 = arith.constant 0 : i32
    %dma_wait3A_6 = tpu.memref_slice %arg2[%dma_wait3A, %dma_wait3A_5] : memref<100000x1024xf32, #tpu.memory_space<hbm>> -> memref<100000x1024xf32, #tpu.memory_space<hbm>>
    tpu.wait_indirect_dma semaphore(%arg7 : memref<!tpu.dma_semaphore, #tpu.memory_space<semaphore_mem>>) src(%dma_wait3A_6 : memref<100000x1024xf32, #tpu.memory_space<hbm>>) dst(%arg6 : memref<32x1024xf32, #tpu.memory_space<vmem>>)
    "tpu.region"() ({
      %run_scoped3A = tpu.sem_alloc : memref<!tpu.dma_semaphore, #tpu.memory_space<semaphore_mem>>
      %dma_start3A_7 = arith.constant 0 : i32
      %dma_start3A_8 = tpu.memref_slice %arg4[%mul3A_2, %dma_start3A_7] : memref<1024x1024xf32, #tpu.memory_space<hbm>> -> memref<32x1024xf32, #tpu.memory_space<hbm>>
      %dma_start3A_9 = arith.constant 0 : i32
      %dma_start3A_10 = tpu.memref_slice %arg4[%mul3A_2, %dma_start3A_9] : memref<1024x1024xf32, #tpu.memory_space<hbm>> -> memref<32x1024xf32, #tpu.memory_space<hbm>>
      tpu.enqueue_dma source(%arg6 : memref<32x1024xf32, #tpu.memory_space<vmem>>) target(%dma_start3A_10 : memref<32x1024xf32, #tpu.memory_space<hbm>>) target_semaphore(%run_scoped3A : memref<!tpu.dma_semaphore, #tpu.memory_space<semaphore_mem>>)
      %dma_wait3A_11 = arith.constant 0 : i32
      %dma_wait3A_12 = tpu.memref_slice %arg4[%mul3A_2, %dma_wait3A_11] : memref<1024x1024xf32, #tpu.memory_space<hbm>> -> memref<32x1024xf32, #tpu.memory_space<hbm>>
      %dma_wait3A_13 = arith.constant 0 : i32
      %dma_wait3A_14 = tpu.memref_slice %arg4[%mul3A_2, %dma_wait3A_13] : memref<1024x1024xf32, #tpu.memory_space<hbm>> -> memref<32x1024xf32, #tpu.memory_space<hbm>>
      tpu.wait_dma2 semaphore(%run_scoped3A : memref<!tpu.dma_semaphore, #tpu.memory_space<semaphore_mem>>) src(%arg6 : memref<32x1024xf32, #tpu.memory_space<vmem>>) dst(%dma_wait3A_14 : memref<32x1024xf32, #tpu.memory_space<hbm>>)
      tpu.yield
    }) : () -> ()
    return
  }
}

module attributes {stable_mosaic.version = 14 : i64} {
  func.func @_combine_body(%arg0: memref<8x1024xf32, #tpu.memory_space<vmem>>, %arg1: memref<8x1024xf32, #tpu.memory_space<vmem>>, %arg2: memref<1024x1024xf32, #tpu.memory_space<vmem>>, %arg3: memref<1x1xf32, #tpu.memory_space<vmem>>) attributes {dimension_semantics = [], scalar_prefetch = 0 : i64, scratch_operands = 0 : i64, tpu.core_type = #tpu.core_type<tc>} {
    %get3A = arith.constant 0 : index
    %get3A_0 = arith.constant 0 : index
    %get3A_1 = vector.load %arg0[%get3A, %get3A_0] : memref<8x1024xf32, #tpu.memory_space<vmem>>, vector<8x1024xf32>
    %reduce_max3A = arith.constant dense<0xFF800000> : vector<1024xf32>
    %reduce_max3A_2 = vector.multi_reduction <maximumf>, %get3A_1, %reduce_max3A [0] : vector<8x1024xf32> to vector<1024xf32>
    %broadcast_in_dim3A = vector.shape_cast %reduce_max3A_2 : vector<1024xf32> to vector<1x1024xf32>
    %get3A_3 = arith.constant 0 : index
    %get3A_4 = arith.constant 0 : index
    %get3A_5 = vector.load %arg1[%get3A_3, %get3A_4] : memref<8x1024xf32, #tpu.memory_space<vmem>>, vector<8x1024xf32>
    %sub3A = vector.broadcast %broadcast_in_dim3A : vector<1x1024xf32> to vector<8x1024xf32>
    %sub3A_6 = arith.subf %get3A_1, %sub3A : vector<8x1024xf32>
    %mul3A = arith.constant 43.2808495 : f32
    %mul3A_7 = vector.broadcast %mul3A : f32 to vector<8x1024xf32>
    %mul3A_8 = arith.mulf %mul3A_7, %sub3A_6 : vector<8x1024xf32>
    %exp23A = math.exp2 %mul3A_8 : vector<8x1024xf32>
    %mul3A_9 = arith.mulf %get3A_5, %exp23A : vector<8x1024xf32>
    %reduce_sum3A = arith.constant dense<0.000000e+00> : vector<1024xf32>
    %reduce_sum3A_10 = vector.multi_reduction <add>, %mul3A_9, %reduce_sum3A [0] : vector<8x1024xf32> to vector<1024xf32>
    %broadcast_in_dim3A_11 = vector.shape_cast %reduce_sum3A_10 : vector<1024xf32> to vector<1x1024xf32>
    %get3A_12 = arith.constant 0 : index
    %get3A_13 = arith.constant 0 : index
    %get3A_14 = vector.load %arg2[%get3A_12, %get3A_13] : memref<1024x1024xf32, #tpu.memory_space<vmem>>, vector<1024x1024xf32>
    %iota3A = tpu.iota {dimensions = array<i32: 0>} : vector<1024x1024xi32>
    %iota3A_15 = tpu.iota {dimensions = array<i32: 1>} : vector<1024x1024xi32>
    %eq3A = arith.cmpi eq, %iota3A, %iota3A_15 : vector<1024x1024xi32>
    %jit3A = arith.constant 0.000000e+00 : f32
    %broadcast_in_dim3A_16 = vector.broadcast %jit3A : f32 to vector<1024x1024xf32>
    %select_n3A = arith.select %eq3A, %get3A_14, %broadcast_in_dim3A_16 : vector<1024x1024xi1>, vector<1024x1024xf32>
    %reduce_sum3A_17 = arith.constant dense<0.000000e+00> : vector<1024xf32>
    %reduce_sum3A_18 = vector.multi_reduction <add>, %select_n3A, %reduce_sum3A_17 [0] : vector<1024x1024xf32> to vector<1024xf32>
    %broadcast_in_dim3A_19 = vector.shape_cast %reduce_sum3A_18 : vector<1024xf32> to vector<1x1024xf32>
    %sub3A_20 = arith.subf %broadcast_in_dim3A_19, %broadcast_in_dim3A : vector<1x1024xf32>
    %mul3A_21 = arith.constant 3.000000e+01 : f32
    %mul3A_22 = vector.broadcast %mul3A_21 : f32 to vector<1x1024xf32>
    %mul3A_23 = arith.mulf %mul3A_22, %sub3A_20 : vector<1x1024xf32>
    %exp3A = math.exp %mul3A_23 : vector<1x1024xf32>
    %sub3A_24 = arith.constant 3.500000e-01 : f32
    %sub3A_25 = vector.broadcast %sub3A_24 : f32 to vector<1x1024xf32>
    %sub3A_26 = arith.subf %broadcast_in_dim3A_19, %sub3A_25 : vector<1x1024xf32>
    %sub3A_27 = arith.subf %sub3A_26, %broadcast_in_dim3A : vector<1x1024xf32>
    %mul3A_28 = arith.constant 3.000000e+01 : f32
    %mul3A_29 = vector.broadcast %mul3A_28 : f32 to vector<1x1024xf32>
    %mul3A_30 = arith.mulf %mul3A_29, %sub3A_27 : vector<1x1024xf32>
    %exp3A_31 = math.exp %mul3A_30 : vector<1x1024xf32>
    %sub3A_32 = arith.subf %broadcast_in_dim3A_11, %exp3A : vector<1x1024xf32>
    %max3A = arith.constant 0.000000e+00 : f32
    %max3A_33 = vector.broadcast %max3A : f32 to vector<1x1024xf32>
    %max3A_34 = arith.maximumf %sub3A_32, %max3A_33 : vector<1x1024xf32>
    %add3A = arith.addf %max3A_34, %exp3A_31 : vector<1x1024xf32>
    %log3A = math.log %add3A : vector<1x1024xf32>
    %mul3A_35 = arith.constant 3.000000e+01 : f32
    %mul3A_36 = vector.broadcast %mul3A_35 : f32 to vector<1x1024xf32>
    %mul3A_37 = arith.mulf %mul3A_36, %broadcast_in_dim3A : vector<1x1024xf32>
    %add3A_38 = arith.addf %log3A, %mul3A_37 : vector<1x1024xf32>
    %sub3A_39 = arith.constant 3.500000e-01 : f32
    %sub3A_40 = vector.broadcast %sub3A_39 : f32 to vector<1x1024xf32>
    %sub3A_41 = arith.subf %broadcast_in_dim3A_19, %sub3A_40 : vector<1x1024xf32>
    %mul3A_42 = arith.constant 3.000000e+01 : f32
    %mul3A_43 = vector.broadcast %mul3A_42 : f32 to vector<1x1024xf32>
    %mul3A_44 = arith.mulf %mul3A_43, %sub3A_41 : vector<1x1024xf32>
    %sub3A_45 = arith.subf %add3A_38, %mul3A_44 : vector<1x1024xf32>
    %reduce_sum3A_46 = vector.shape_cast %sub3A_45 : vector<1x1024xf32> to vector<1x1x1024xf32>
    %reduce_sum3A_47 = arith.constant dense<0.000000e+00> : vector<1xf32>
    %reduce_sum3A_48 = vector.multi_reduction <add>, %reduce_sum3A_46, %reduce_sum3A_47 [1, 2] : vector<1x1x1024xf32> to vector<1xf32>
    %reduce_sum3A_49 = vector.shape_cast %reduce_sum3A_48 : vector<1xf32> to vector<1x1x1xf32>
    %reduce_sum3A_50 = vector.extract %reduce_sum3A_49[0, 0, 0] : f32 from vector<1x1x1xf32>
    %broadcast_in_dim3A_51 = vector.broadcast %reduce_sum3A_50 : f32 to vector<1x1xf32>
    %div3A = arith.constant 1.024000e+03 : f32
    %div3A_52 = vector.broadcast %div3A : f32 to vector<1x1xf32>
    %div3A_53 = arith.divf %broadcast_in_dim3A_51, %div3A_52 : vector<1x1xf32>
    %swap3A = arith.constant 0 : index
    %swap3A_54 = arith.constant 0 : index
    %swap3A_55 = vector.load %arg3[%swap3A, %swap3A_54] : memref<1x1xf32, #tpu.memory_space<vmem>>, vector<1x1xf32>
    tpu.vector_store %arg3[%swap3A, %swap3A_54], %div3A_53 {strides = array<i32>} : memref<1x1xf32, #tpu.memory_space<vmem>>, vector<1x1xf32>,
    return
  }
}

module attributes {stable_mosaic.version = 14 : i64} {
  func.func @_lambda_(%arg0: i32, %arg1: memref<2048x1024xf32, #tpu.memory_space<vmem>>, %arg2: memref<8x1024xf32, #tpu.memory_space<vmem>>, %arg3: memref<8x1024xf32, #tpu.memory_space<vmem>>) attributes {dimension_semantics = [#tpu.dimension_semantics<arbitrary>], iteration_bounds = array<i64: 49>, scalar_prefetch = 0 : i64, scratch_operands = 0 : i64, tpu.core_type = #tpu.core_type<tc>, window_params = [{transform_indices = @transform_0, window_bounds = array<i64: 2048, 1024>}, {pipeline_mode = #tpu.pipeline_mode<synchronous>, transform_indices = @transform_1, window_bounds = array<i64: 8, 1024>}, {pipeline_mode = #tpu.pipeline_mode<synchronous>, transform_indices = @transform_2, window_bounds = array<i64: 8, 1024>}]} {
    %eq3A = arith.constant 0 : i32
    %eq3A_0 = arith.cmpi eq, %arg0, %eq3A : i32
    %convert_element_type3A = arith.extui %eq3A_0 : i1 to i32
    %cond3A = arith.constant 0 : i32
    %cond3A_1 = arith.cmpi ne, %convert_element_type3A, %cond3A : i32
    scf.if %cond3A_1 {
      %broadcast_in_dim3A = arith.constant 0xFF800000 : f32
      %broadcast_in_dim3A_11 = vector.broadcast %broadcast_in_dim3A : f32 to vector<8x1024xf32>
      %swap3A = arith.constant 0 : index
      %swap3A_12 = arith.constant 0 : index
      %swap3A_13 = vector.load %arg2[%swap3A, %swap3A_12] : memref<8x1024xf32, #tpu.memory_space<vmem>>, vector<8x1024xf32>
      tpu.vector_store %arg2[%swap3A, %swap3A_12], %broadcast_in_dim3A_11 {strides = array<i32>} : memref<8x1024xf32, #tpu.memory_space<vmem>>, vector<8x1024xf32>,
      %broadcast_in_dim3A_14 = arith.constant 0.000000e+00 : f32
      %broadcast_in_dim3A_15 = vector.broadcast %broadcast_in_dim3A_14 : f32 to vector<8x1024xf32>
      %swap3A_16 = arith.constant 0 : index
      %swap3A_17 = arith.constant 0 : index
      %swap3A_18 = vector.load %arg3[%swap3A_16, %swap3A_17] : memref<8x1024xf32, #tpu.memory_space<vmem>>, vector<8x1024xf32>
      tpu.vector_store %arg3[%swap3A_16, %swap3A_17], %broadcast_in_dim3A_15 {strides = array<i32>} : memref<8x1024xf32, #tpu.memory_space<vmem>>, vector<8x1024xf32>,
    } else {
    }
    %lt3A = arith.constant 48 : i32
    %lt3A_2 = arith.cmpi slt, %arg0, %lt3A : i32
    %convert_element_type3A_3 = arith.extui %lt3A_2 : i1 to i32
    %cond3A_4 = arith.constant 0 : i32
    %cond3A_5 = arith.cmpi ne, %convert_element_type3A_3, %cond3A_4 : i32
    scf.if %cond3A_5 {
      %get3A = arith.constant 0 : index
      %get3A_11 = arith.constant 0 : index
      %get3A_12 = vector.load %arg2[%get3A, %get3A_11] : memref<8x1024xf32, #tpu.memory_space<vmem>>, vector<8x1024xf32>
      %get3A_13 = arith.constant 0 : index
      %get3A_14 = arith.constant 0 : index
      %get3A_15 = vector.load %arg1[%get3A_13, %get3A_14] : memref<2048x1024xf32, #tpu.memory_space<vmem>>, vector<8x1024xf32>
      %max3A = arith.maximumf %get3A_12, %get3A_15 : vector<8x1024xf32>
      %get3A_16 = arith.constant 8 : index
      %get3A_17 = arith.constant 0 : index
      %get3A_18 = vector.load %arg1[%get3A_16, %get3A_17] : memref<2048x1024xf32, #tpu.memory_space<vmem>>, vector<8x1024xf32>
      %max3A_19 = arith.maximumf %max3A, %get3A_18 : vector<8x1024xf32>
      %get3A_20 = arith.constant 16 : index
      %get3A_21 = arith.constant 0 : index
      %get3A_22 = vector.load %arg1[%get3A_20, %get3A_21] : memref<2048x1024xf32, #tpu.memory_space<vmem>>, vector<8x1024xf32>
      %max3A_23 = arith.maximumf %max3A_19, %get3A_22 : vector<8x1024xf32>
      %get3A_24 = arith.constant 24 : index
      %get3A_25 = arith.constant 0 : index
      %get3A_26 = vector.load %arg1[%get3A_24, %get3A_25] : memref<2048x1024xf32, #tpu.memory_space<vmem>>, vector<8x1024xf32>
      %max3A_27 = arith.maximumf %max3A_23, %get3A_26 : vector<8x1024xf32>
      %get3A_28 = arith.constant 32 : index
      %get3A_29 = arith.constant 0 : index
      %get3A_30 = vector.load %arg1[%get3A_28, %get3A_29] : memref<2048x1024xf32, #tpu.memory_space<vmem>>, vector<8x1024xf32>
      %max3A_31 = arith.maximumf %max3A_27, %get3A_30 : vector<8x1024xf32>
      %get3A_32 = arith.constant 40 : index
      %get3A_33 = arith.constant 0 : index
      %get3A_34 = vector.load %arg1[%get3A_32, %get3A_33] : memref<2048x1024xf32, #tpu.memory_space<vmem>>, vector<8x1024xf32>
      %max3A_35 = arith.maximumf %max3A_31, %get3A_34 : vector<8x1024xf32>
      %get3A_36 = arith.constant 48 : index
      %get3A_37 = arith.constant 0 : index
      %get3A_38 = vector.load %arg1[%get3A_36, %get3A_37] : memref<2048x1024xf32, #tpu.memory_space<vmem>>, vector<8x1024xf32>
      %max3A_39 = arith.maximumf %max3A_35, %get3A_38 : vector<8x1024xf32>
      %get3A_40 = arith.constant 56 : index
      %get3A_41 = arith.constant 0 : index
      %get3A_42 = vector.load %arg1[%get3A_40, %get3A_41] : memref<2048x1024xf32, #tpu.memory_space<vmem>>, vector<8x1024xf32>
      %max3A_43 = arith.maximumf %max3A_39, %get3A_42 : vector<8x1024xf32>
      %get3A_44 = arith.constant 64 : index
      %get3A_45 = arith.constant 0 : index
      %get3A_46 = vector.load %arg1[%get3A_44, %get3A_45] : memref<2048x1024xf32, #tpu.memory_space<vmem>>, vector<8x1024xf32>
      %max3A_47 = arith.maximumf %max3A_43, %get3A_46 : vector<8x1024xf32>
      %get3A_48 = arith.constant 72 : index
      %get3A_49 = arith.constant 0 : index
      %get3A_50 = vector.load %arg1[%get3A_48, %get3A_49] : memref<2048x1024xf32, #tpu.memory_space<vmem>>, vector<8x1024xf32>
      %max3A_51 = arith.maximumf %max3A_47, %get3A_50 : vector<8x1024xf32>
      %get3A_52 = arith.constant 80 : index
      %get3A_53 = arith.constant 0 : index
      %get3A_54 = vector.load %arg1[%get3A_52, %get3A_53] : memref<2048x1024xf32, #tpu.memory_space<vmem>>, vector<8x1024xf32>
      %max3A_55 = arith.maximumf %max3A_51, %get3A_54 : vector<8x1024xf32>
      %get3A_56 = arith.constant 88 : index
      %get3A_57 = arith.constant 0 : index
      %get3A_58 = vector.load %arg1[%get3A_56, %get3A_57] : memref<2048x1024xf32, #tpu.memory_space<vmem>>, vector<8x1024xf32>
      %max3A_59 = arith.maximumf %max3A_55, %get3A_58 : vector<8x1024xf32>
      %get3A_60 = arith.constant 96 : index
      %get3A_61 = arith.constant 0 : index
      %get3A_62 = vector.load %arg1[%get3A_60, %get3A_61] : memref<2048x1024xf32, #tpu.memory_space<vmem>>, vector<8x1024xf32>
      %max3A_63 = arith.maximumf %max3A_59, %get3A_62 : vector<8x1024xf32>
      %get3A_64 = arith.constant 104 : index
      %get3A_65 = arith.constant 0 : index
      %get3A_66 = vector.load %arg1[%get3A_64, %get3A_65] : memref<2048x1024xf32, #tpu.memory_space<vmem>>, vector<8x1024xf32>
      %max3A_67 = arith.maximumf %max3A_63, %get3A_66 : vector<8x1024xf32>
      %get3A_68 = arith.constant 112 : index
      %get3A_69 = arith.constant 0 : index
      %get3A_70 = vector.load %arg1[%get3A_68, %get3A_69] : memref<2048x1024xf32, #tpu.memory_space<vmem>>, vector<8x1024xf32>
      %max3A_71 = arith.maximumf %max3A_67, %get3A_70 : vector<8x1024xf32>
      %get3A_72 = arith.constant 120 : index
      %get3A_73 = arith.constant 0 : index
      %get3A_74 = vector.load %arg1[%get3A_72, %get3A_73] : memref<2048x1024xf32, #tpu.memory_space<vmem>>, vector<8x1024xf32>
      %max3A_75 = arith.maximumf %max3A_71, %get3A_74 : vector<8x1024xf32>
      %get3A_76 = arith.constant 128 : index
      %get3A_77 = arith.constant 0 : index
      %get3A_78 = vector.load %arg1[%get3A_76, %get3A_77] : memref<2048x1024xf32, #tpu.memory_space<vmem>>, vector<8x1024xf32>
      %max3A_79 = arith.maximumf %max3A_75, %get3A_78 : vector<8x1024xf32>
      %get3A_80 = arith.constant 136 : index
      %get3A_81 = arith.constant 0 : index
      %get3A_82 = vector.load %arg1[%get3A_80, %get3A_81] : memref<2048x1024xf32, #tpu.memory_space<vmem>>, vector<8x1024xf32>
      %max3A_83 = arith.maximumf %max3A_79, %get3A_82 : vector<8x1024xf32>
      %get3A_84 = arith.constant 144 : index
      %get3A_85 = arith.constant 0 : index
      %get3A_86 = vector.load %arg1[%get3A_84, %get3A_85] : memref<2048x1024xf32, #tpu.memory_space<vmem>>, vector<8x1024xf32>
      %max3A_87 = arith.maximumf %max3A_83, %get3A_86 : vector<8x1024xf32>
      %get3A_88 = arith.constant 152 : index
      %get3A_89 = arith.constant 0 : index
      %get3A_90 = vector.load %arg1[%get3A_88, %get3A_89] : memref<2048x1024xf32, #tpu.memory_space<vmem>>, vector<8x1024xf32>
      %max3A_91 = arith.maximumf %max3A_87, %get3A_90 : vector<8x1024xf32>
      %get3A_92 = arith.constant 160 : index
      %get3A_93 = arith.constant 0 : index
      %get3A_94 = vector.load %arg1[%get3A_92, %get3A_93] : memref<2048x1024xf32, #tpu.memory_space<vmem>>, vector<8x1024xf32>
      %max3A_95 = arith.maximumf %max3A_91, %get3A_94 : vector<8x1024xf32>
      %get3A_96 = arith.constant 168 : index
      %get3A_97 = arith.constant 0 : index
      %get3A_98 = vector.load %arg1[%get3A_96, %get3A_97] : memref<2048x1024xf32, #tpu.memory_space<vmem>>, vector<8x1024xf32>
      %max3A_99 = arith.maximumf %max3A_95, %get3A_98 : vector<8x1024xf32>
      %get3A_100 = arith.constant 176 : index
      %get3A_101 = arith.constant 0 : index
      %get3A_102 = vector.load %arg1[%get3A_100, %get3A_101] : memref<2048x1024xf32, #tpu.memory_space<vmem>>, vector<8x1024xf32>
      %max3A_103 = arith.maximumf %max3A_99, %get3A_102 : vector<8x1024xf32>
      %get3A_104 = arith.constant 184 : index
      %get3A_105 = arith.constant 0 : index
      %get3A_106 = vector.load %arg1[%get3A_104, %get3A_105] : memref<2048x1024xf32, #tpu.memory_space<vmem>>, vector<8x1024xf32>
      %max3A_107 = arith.maximumf %max3A_103, %get3A_106 : vector<8x1024xf32>
      %get3A_108 = arith.constant 192 : index
      %get3A_109 = arith.constant 0 : index
      %get3A_110 = vector.load %arg1[%get3A_108, %get3A_109] : memref<2048x1024xf32, #tpu.memory_space<vmem>>, vector<8x1024xf32>
      %max3A_111 = arith.maximumf %max3A_107, %get3A_110 : vector<8x1024xf32>
      %get3A_112 = arith.constant 200 : index
      %get3A_113 = arith.constant 0 : index
      %get3A_114 = vector.load %arg1[%get3A_112, %get3A_113] : memref<2048x1024xf32, #tpu.memory_space<vmem>>, vector<8x1024xf32>
      %max3A_115 = arith.maximumf %max3A_111, %get3A_114 : vector<8x1024xf32>
      %get3A_116 = arith.constant 208 : index
      %get3A_117 = arith.constant 0 : index
      %get3A_118 = vector.load %arg1[%get3A_116, %get3A_117] : memref<2048x1024xf32, #tpu.memory_space<vmem>>, vector<8x1024xf32>
      %max3A_119 = arith.maximumf %max3A_115, %get3A_118 : vector<8x1024xf32>
      %get3A_120 = arith.constant 216 : index
      %get3A_121 = arith.constant 0 : index
      %get3A_122 = vector.load %arg1[%get3A_120, %get3A_121] : memref<2048x1024xf32, #tpu.memory_space<vmem>>, vector<8x1024xf32>
      %max3A_123 = arith.maximumf %max3A_119, %get3A_122 : vector<8x1024xf32>
      %get3A_124 = arith.constant 224 : index
      %get3A_125 = arith.constant 0 : index
      %get3A_126 = vector.load %arg1[%get3A_124, %get3A_125] : memref<2048x1024xf32, #tpu.memory_space<vmem>>, vector<8x1024xf32>
      %max3A_127 = arith.maximumf %max3A_123, %get3A_126 : vector<8x1024xf32>
      %get3A_128 = arith.constant 232 : index
      %get3A_129 = arith.constant 0 : index
      %get3A_130 = vector.load %arg1[%get3A_128, %get3A_129] : memref<2048x1024xf32, #tpu.memory_space<vmem>>, vector<8x1024xf32>
      %max3A_131 = arith.maximumf %max3A_127, %get3A_130 : vector<8x1024xf32>
      %get3A_132 = arith.constant 240 : index
      %get3A_133 = arith.constant 0 : index
      %get3A_134 = vector.load %arg1[%get3A_132, %get3A_133] : memref<2048x1024xf32, #tpu.memory_space<vmem>>, vector<8x1024xf32>
      %max3A_135 = arith.maximumf %max3A_131, %get3A_134 : vector<8x1024xf32>
      %get3A_136 = arith.constant 248 : index
      %get3A_137 = arith.constant 0 : index
      %get3A_138 = vector.load %arg1[%get3A_136, %get3A_137] : memref<2048x1024xf32, #tpu.memory_space<vmem>>, vector<8x1024xf32>
      %max3A_139 = arith.maximumf %max3A_135, %get3A_138 : vector<8x1024xf32>
      %get3A_140 = arith.constant 256 : index
      %get3A_141 = arith.constant 0 : index
      %get3A_142 = vector.load %arg1[%get3A_140, %get3A_141] : memref<2048x1024xf32, #tpu.memory_space<vmem>>, vector<8x1024xf32>
      %max3A_143 = arith.maximumf %max3A_139, %get3A_142 : vector<8x1024xf32>
      %get3A_144 = arith.constant 264 : index
      %get3A_145 = arith.constant 0 : index
      %get3A_146 = vector.load %arg1[%get3A_144, %get3A_145] : memref<2048x1024xf32, #tpu.memory_space<vmem>>, vector<8x1024xf32>
      %max3A_147 = arith.maximumf %max3A_143, %get3A_146 : vector<8x1024xf32>
      %get3A_148 = arith.constant 272 : index
      %get3A_149 = arith.constant 0 : index
      %get3A_150 = vector.load %arg1[%get3A_148, %get3A_149] : memref<2048x1024xf32, #tpu.memory_space<vmem>>, vector<8x1024xf32>
      %max3A_151 = arith.maximumf %max3A_147, %get3A_150 : vector<8x1024xf32>
      %get3A_152 = arith.constant 280 : index
      %get3A_153 = arith.constant 0 : index
      %get3A_154 = vector.load %arg1[%get3A_152, %get3A_153] : memref<2048x1024xf32, #tpu.memory_space<vmem>>, vector<8x1024xf32>
      %max3A_155 = arith.maximumf %max3A_151, %get3A_154 : vector<8x1024xf32>
      %get3A_156 = arith.constant 288 : index
      %get3A_157 = arith.constant 0 : index
      %get3A_158 = vector.load %arg1[%get3A_156, %get3A_157] : memref<2048x1024xf32, #tpu.memory_space<vmem>>, vector<8x1024xf32>
      %max3A_159 = arith.maximumf %max3A_155, %get3A_158 : vector<8x1024xf32>
      %get3A_160 = arith.constant 296 : index
      %get3A_161 = arith.constant 0 : index
      %get3A_162 = vector.load %arg1[%get3A_160, %get3A_161] : memref<2048x1024xf32, #tpu.memory_space<vmem>>, vector<8x1024xf32>
      %max3A_163 = arith.maximumf %max3A_159, %get3A_162 : vector<8x1024xf32>
      %get3A_164 = arith.constant 304 : index
      %get3A_165 = arith.constant 0 : index
      %get3A_166 = vector.load %arg1[%get3A_164, %get3A_165] : memref<2048x1024xf32, #tpu.memory_space<vmem>>, vector<8x1024xf32>
      %max3A_167 = arith.maximumf %max3A_163, %get3A_166 : vector<8x1024xf32>
      %get3A_168 = arith.constant 312 : index
      %get3A_169 = arith.constant 0 : index
      %get3A_170 = vector.load %arg1[%get3A_168, %get3A_169] : memref<2048x1024xf32, #tpu.memory_space<vmem>>, vector<8x1024xf32>
      %max3A_171 = arith.maximumf %max3A_167, %get3A_170 : vector<8x1024xf32>
      %get3A_172 = arith.constant 320 : index
      %get3A_173 = arith.constant 0 : index
      %get3A_174 = vector.load %arg1[%get3A_172, %get3A_173] : memref<2048x1024xf32, #tpu.memory_space<vmem>>, vector<8x1024xf32>
      %max3A_175 = arith.maximumf %max3A_171, %get3A_174 : vector<8x1024xf32>
      %get3A_176 = arith.constant 328 : index
      %get3A_177 = arith.constant 0 : index
      %get3A_178 = vector.load %arg1[%get3A_176, %get3A_177] : memref<2048x1024xf32, #tpu.memory_space<vmem>>, vector<8x1024xf32>
      %max3A_179 = arith.maximumf %max3A_175, %get3A_178 : vector<8x1024xf32>
      %get3A_180 = arith.constant 336 : index
      %get3A_181 = arith.constant 0 : index
      %get3A_182 = vector.load %arg1[%get3A_180, %get3A_181] : memref<2048x1024xf32, #tpu.memory_space<vmem>>, vector<8x1024xf32>
      %max3A_183 = arith.maximumf %max3A_179, %get3A_182 : vector<8x1024xf32>
      %get3A_184 = arith.constant 344 : index
      %get3A_185 = arith.constant 0 : index
      %get3A_186 = vector.load %arg1[%get3A_184, %get3A_185] : memref<2048x1024xf32, #tpu.memory_space<vmem>>, vector<8x1024xf32>
      %max3A_187 = arith.maximumf %max3A_183, %get3A_186 : vector<8x1024xf32>
      %get3A_188 = arith.constant 352 : index
      %get3A_189 = arith.constant 0 : index
      %get3A_190 = vector.load %arg1[%get3A_188, %get3A_189] : memref<2048x1024xf32, #tpu.memory_space<vmem>>, vector<8x1024xf32>
      %max3A_191 = arith.maximumf %max3A_187, %get3A_190 : vector<8x1024xf32>
      %get3A_192 = arith.constant 360 : index
      %get3A_193 = arith.constant 0 : index
      %get3A_194 = vector.load %arg1[%get3A_192, %get3A_193] : memref<2048x1024xf32, #tpu.memory_space<vmem>>, vector<8x1024xf32>
      %max3A_195 = arith.maximumf %max3A_191, %get3A_194 : vector<8x1024xf32>
      %get3A_196 = arith.constant 368 : index
      %get3A_197 = arith.constant 0 : index
      %get3A_198 = vector.load %arg1[%get3A_196, %get3A_197] : memref<2048x1024xf32, #tpu.memory_space<vmem>>, vector<8x1024xf32>
      %max3A_199 = arith.maximumf %max3A_195, %get3A_198 : vector<8x1024xf32>
      %get3A_200 = arith.constant 376 : index
      %get3A_201 = arith.constant 0 : index
      %get3A_202 = vector.load %arg1[%get3A_200, %get3A_201] : memref<2048x1024xf32, #tpu.memory_space<vmem>>, vector<8x1024xf32>
      %max3A_203 = arith.maximumf %max3A_199, %get3A_202 : vector<8x1024xf32>
      %get3A_204 = arith.constant 384 : index
      %get3A_205 = arith.constant 0 : index
      %get3A_206 = vector.load %arg1[%get3A_204, %get3A_205] : memref<2048x1024xf32, #tpu.memory_space<vmem>>, vector<8x1024xf32>
      %max3A_207 = arith.maximumf %max3A_203, %get3A_206 : vector<8x1024xf32>
      %get3A_208 = arith.constant 392 : index
      %get3A_209 = arith.constant 0 : index
      %get3A_210 = vector.load %arg1[%get3A_208, %get3A_209] : memref<2048x1024xf32, #tpu.memory_space<vmem>>, vector<8x1024xf32>
      %max3A_211 = arith.maximumf %max3A_207, %get3A_210 : vector<8x1024xf32>
      %get3A_212 = arith.constant 400 : index
      %get3A_213 = arith.constant 0 : index
      %get3A_214 = vector.load %arg1[%get3A_212, %get3A_213] : memref<2048x1024xf32, #tpu.memory_space<vmem>>, vector<8x1024xf32>
      %max3A_215 = arith.maximumf %max3A_211, %get3A_214 : vector<8x1024xf32>
      %get3A_216 = arith.constant 408 : index
      %get3A_217 = arith.constant 0 : index
      %get3A_218 = vector.load %arg1[%get3A_216, %get3A_217] : memref<2048x1024xf32, #tpu.memory_space<vmem>>, vector<8x1024xf32>
      %max3A_219 = arith.maximumf %max3A_215, %get3A_218 : vector<8x1024xf32>
      %get3A_220 = arith.constant 416 : index
      %get3A_221 = arith.constant 0 : index
      %get3A_222 = vector.load %arg1[%get3A_220, %get3A_221] : memref<2048x1024xf32, #tpu.memory_space<vmem>>, vector<8x1024xf32>
      %max3A_223 = arith.maximumf %max3A_219, %get3A_222 : vector<8x1024xf32>
      %get3A_224 = arith.constant 424 : index
      %get3A_225 = arith.constant 0 : index
      %get3A_226 = vector.load %arg1[%get3A_224, %get3A_225] : memref<2048x1024xf32, #tpu.memory_space<vmem>>, vector<8x1024xf32>
      %max3A_227 = arith.maximumf %max3A_223, %get3A_226 : vector<8x1024xf32>
      %get3A_228 = arith.constant 432 : index
      %get3A_229 = arith.constant 0 : index
      %get3A_230 = vector.load %arg1[%get3A_228, %get3A_229] : memref<2048x1024xf32, #tpu.memory_space<vmem>>, vector<8x1024xf32>
      %max3A_231 = arith.maximumf %max3A_227, %get3A_230 : vector<8x1024xf32>
      %get3A_232 = arith.constant 440 : index
      %get3A_233 = arith.constant 0 : index
      %get3A_234 = vector.load %arg1[%get3A_232, %get3A_233] : memref<2048x1024xf32, #tpu.memory_space<vmem>>, vector<8x1024xf32>
      %max3A_235 = arith.maximumf %max3A_231, %get3A_234 : vector<8x1024xf32>
      %get3A_236 = arith.constant 448 : index
      %get3A_237 = arith.constant 0 : index
      %get3A_238 = vector.load %arg1[%get3A_236, %get3A_237] : memref<2048x1024xf32, #tpu.memory_space<vmem>>, vector<8x1024xf32>
      %max3A_239 = arith.maximumf %max3A_235, %get3A_238 : vector<8x1024xf32>
      %get3A_240 = arith.constant 456 : index
      %get3A_241 = arith.constant 0 : index
      %get3A_242 = vector.load %arg1[%get3A_240, %get3A_241] : memref<2048x1024xf32, #tpu.memory_space<vmem>>, vector<8x1024xf32>
      %max3A_243 = arith.maximumf %max3A_239, %get3A_242 : vector<8x1024xf32>
      %get3A_244 = arith.constant 464 : index
      %get3A_245 = arith.constant 0 : index
      %get3A_246 = vector.load %arg1[%get3A_244, %get3A_245] : memref<2048x1024xf32, #tpu.memory_space<vmem>>, vector<8x1024xf32>
      %max3A_247 = arith.maximumf %max3A_243, %get3A_246 : vector<8x1024xf32>
      %get3A_248 = arith.constant 472 : index
      %get3A_249 = arith.constant 0 : index
      %get3A_250 = vector.load %arg1[%get3A_248, %get3A_249] : memref<2048x1024xf32, #tpu.memory_space<vmem>>, vector<8x1024xf32>
      %max3A_251 = arith.maximumf %max3A_247, %get3A_250 : vector<8x1024xf32>
      %get3A_252 = arith.constant 480 : index
      %get3A_253 = arith.constant 0 : index
      %get3A_254 = vector.load %arg1[%get3A_252, %get3A_253] : memref<2048x1024xf32, #tpu.memory_space<vmem>>, vector<8x1024xf32>
      %max3A_255 = arith.maximumf %max3A_251, %get3A_254 : vector<8x1024xf32>
      %get3A_256 = arith.constant 488 : index
      %get3A_257 = arith.constant 0 : index
      %get3A_258 = vector.load %arg1[%get3A_256, %get3A_257] : memref<2048x1024xf32, #tpu.memory_space<vmem>>, vector<8x1024xf32>
      %max3A_259 = arith.maximumf %max3A_255, %get3A_258 : vector<8x1024xf32>
      %get3A_260 = arith.constant 496 : index
      %get3A_261 = arith.constant 0 : index
      %get3A_262 = vector.load %arg1[%get3A_260, %get3A_261] : memref<2048x1024xf32, #tpu.memory_space<vmem>>, vector<8x1024xf32>
      %max3A_263 = arith.maximumf %max3A_259, %get3A_262 : vector<8x1024xf32>
      %get3A_264 = arith.constant 504 : index
      %get3A_265 = arith.constant 0 : index
      %get3A_266 = vector.load %arg1[%get3A_264, %get3A_265] : memref<2048x1024xf32, #tpu.memory_space<vmem>>, vector<8x1024xf32>
      %max3A_267 = arith.maximumf %max3A_263, %get3A_266 : vector<8x1024xf32>
      %get3A_268 = arith.constant 512 : index
      %get3A_269 = arith.constant 0 : index
      %get3A_270 = vector.load %arg1[%get3A_268, %get3A_269] : memref<2048x1024xf32, #tpu.memory_space<vmem>>, vector<8x1024xf32>
      %max3A_271 = arith.maximumf %max3A_267, %get3A_270 : vector<8x1024xf32>
      %get3A_272 = arith.constant 520 : index
      %get3A_273 = arith.constant 0 : index
      %get3A_274 = vector.load %arg1[%get3A_272, %get3A_273] : memref<2048x1024xf32, #tpu.memory_space<vmem>>, vector<8x1024xf32>
      %max3A_275 = arith.maximumf %max3A_271, %get3A_274 : vector<8x1024xf32>
      %get3A_276 = arith.constant 528 : index
      %get3A_277 = arith.constant 0 : index
      %get3A_278 = vector.load %arg1[%get3A_276, %get3A_277] : memref<2048x1024xf32, #tpu.memory_space<vmem>>, vector<8x1024xf32>
      %max3A_279 = arith.maximumf %max3A_275, %get3A_278 : vector<8x1024xf32>
      %get3A_280 = arith.constant 536 : index
      %get3A_281 = arith.constant 0 : index
      %get3A_282 = vector.load %arg1[%get3A_280, %get3A_281] : memref<2048x1024xf32, #tpu.memory_space<vmem>>, vector<8x1024xf32>
      %max3A_283 = arith.maximumf %max3A_279, %get3A_282 : vector<8x1024xf32>
      %get3A_284 = arith.constant 544 : index
      %get3A_285 = arith.constant 0 : index
      %get3A_286 = vector.load %arg1[%get3A_284, %get3A_285] : memref<2048x1024xf32, #tpu.memory_space<vmem>>, vector<8x1024xf32>
      %max3A_287 = arith.maximumf %max3A_283, %get3A_286 : vector<8x1024xf32>
      %get3A_288 = arith.constant 552 : index
      %get3A_289 = arith.constant 0 : index
      %get3A_290 = vector.load %arg1[%get3A_288, %get3A_289] : memref<2048x1024xf32, #tpu.memory_space<vmem>>, vector<8x1024xf32>
      %max3A_291 = arith.maximumf %max3A_287, %get3A_290 : vector<8x1024xf32>
      %get3A_292 = arith.constant 560 : index
      %get3A_293 = arith.constant 0 : index
      %get3A_294 = vector.load %arg1[%get3A_292, %get3A_293] : memref<2048x1024xf32, #tpu.memory_space<vmem>>, vector<8x1024xf32>
      %max3A_295 = arith.maximumf %max3A_291, %get3A_294 : vector<8x1024xf32>
      %get3A_296 = arith.constant 568 : index
      %get3A_297 = arith.constant 0 : index
      %get3A_298 = vector.load %arg1[%get3A_296, %get3A_297] : memref<2048x1024xf32, #tpu.memory_space<vmem>>, vector<8x1024xf32>
      %max3A_299 = arith.maximumf %max3A_295, %get3A_298 : vector<8x1024xf32>
      %get3A_300 = arith.constant 576 : index
      %get3A_301 = arith.constant 0 : index
      %get3A_302 = vector.load %arg1[%get3A_300, %get3A_301] : memref<2048x1024xf32, #tpu.memory_space<vmem>>, vector<8x1024xf32>
      %max3A_303 = arith.maximumf %max3A_299, %get3A_302 : vector<8x1024xf32>
      %get3A_304 = arith.constant 584 : index
      %get3A_305 = arith.constant 0 : index
      %get3A_306 = vector.load %arg1[%get3A_304, %get3A_305] : memref<2048x1024xf32, #tpu.memory_space<vmem>>, vector<8x1024xf32>
      %max3A_307 = arith.maximumf %max3A_303, %get3A_306 : vector<8x1024xf32>
      %get3A_308 = arith.constant 592 : index
      %get3A_309 = arith.constant 0 : index
      %get3A_310 = vector.load %arg1[%get3A_308, %get3A_309] : memref<2048x1024xf32, #tpu.memory_space<vmem>>, vector<8x1024xf32>
      %max3A_311 = arith.maximumf %max3A_307, %get3A_310 : vector<8x1024xf32>
      %get3A_312 = arith.constant 600 : index
      %get3A_313 = arith.constant 0 : index
      %get3A_314 = vector.load %arg1[%get3A_312, %get3A_313] : memref<2048x1024xf32, #tpu.memory_space<vmem>>, vector<8x1024xf32>
      %max3A_315 = arith.maximumf %max3A_311, %get3A_314 : vector<8x1024xf32>
      %get3A_316 = arith.constant 608 : index
      %get3A_317 = arith.constant 0 : index
      %get3A_318 = vector.load %arg1[%get3A_316, %get3A_317] : memref<2048x1024xf32, #tpu.memory_space<vmem>>, vector<8x1024xf32>
      %max3A_319 = arith.maximumf %max3A_315, %get3A_318 : vector<8x1024xf32>
      %get3A_320 = arith.constant 616 : index
      %get3A_321 = arith.constant 0 : index
      %get3A_322 = vector.load %arg1[%get3A_320, %get3A_321] : memref<2048x1024xf32, #tpu.memory_space<vmem>>, vector<8x1024xf32>
      %max3A_323 = arith.maximumf %max3A_319, %get3A_322 : vector<8x1024xf32>
      %get3A_324 = arith.constant 624 : index
      %get3A_325 = arith.constant 0 : index
      %get3A_326 = vector.load %arg1[%get3A_324, %get3A_325] : memref<2048x1024xf32, #tpu.memory_space<vmem>>, vector<8x1024xf32>
      %max3A_327 = arith.maximumf %max3A_323, %get3A_326 : vector<8x1024xf32>
      %get3A_328 = arith.constant 632 : index
      %get3A_329 = arith.constant 0 : index
      %get3A_330 = vector.load %arg1[%get3A_328, %get3A_329] : memref<2048x1024xf32, #tpu.memory_space<vmem>>, vector<8x1024xf32>
      %max3A_331 = arith.maximumf %max3A_327, %get3A_330 : vector<8x1024xf32>
      %get3A_332 = arith.constant 640 : index
      %get3A_333 = arith.constant 0 : index
      %get3A_334 = vector.load %arg1[%get3A_332, %get3A_333] : memref<2048x1024xf32, #tpu.memory_space<vmem>>, vector<8x1024xf32>
      %max3A_335 = arith.maximumf %max3A_331, %get3A_334 : vector<8x1024xf32>
      %get3A_336 = arith.constant 648 : index
      %get3A_337 = arith.constant 0 : index
      %get3A_338 = vector.load %arg1[%get3A_336, %get3A_337] : memref<2048x1024xf32, #tpu.memory_space<vmem>>, vector<8x1024xf32>
      %max3A_339 = arith.maximumf %max3A_335, %get3A_338 : vector<8x1024xf32>
      %get3A_340 = arith.constant 656 : index
      %get3A_341 = arith.constant 0 : index
      %get3A_342 = vector.load %arg1[%get3A_340, %get3A_341] : memref<2048x1024xf32, #tpu.memory_space<vmem>>, vector<8x1024xf32>
      %max3A_343 = arith.maximumf %max3A_339, %get3A_342 : vector<8x1024xf32>
      %get3A_344 = arith.constant 664 : index
      %get3A_345 = arith.constant 0 : index
      %get3A_346 = vector.load %arg1[%get3A_344, %get3A_345] : memref<2048x1024xf32, #tpu.memory_space<vmem>>, vector<8x1024xf32>
      %max3A_347 = arith.maximumf %max3A_343, %get3A_346 : vector<8x1024xf32>
      %get3A_348 = arith.constant 672 : index
      %get3A_349 = arith.constant 0 : index
      %get3A_350 = vector.load %arg1[%get3A_348, %get3A_349] : memref<2048x1024xf32, #tpu.memory_space<vmem>>, vector<8x1024xf32>
      %max3A_351 = arith.maximumf %max3A_347, %get3A_350 : vector<8x1024xf32>
      %get3A_352 = arith.constant 680 : index
      %get3A_353 = arith.constant 0 : index
      %get3A_354 = vector.load %arg1[%get3A_352, %get3A_353] : memref<2048x1024xf32, #tpu.memory_space<vmem>>, vector<8x1024xf32>
      %max3A_355 = arith.maximumf %max3A_351, %get3A_354 : vector<8x1024xf32>
      %get3A_356 = arith.constant 688 : index
      %get3A_357 = arith.constant 0 : index
      %get3A_358 = vector.load %arg1[%get3A_356, %get3A_357] : memref<2048x1024xf32, #tpu.memory_space<vmem>>, vector<8x1024xf32>
      %max3A_359 = arith.maximumf %max3A_355, %get3A_358 : vector<8x1024xf32>
      %get3A_360 = arith.constant 696 : index
      %get3A_361 = arith.constant 0 : index
      %get3A_362 = vector.load %arg1[%get3A_360, %get3A_361] : memref<2048x1024xf32, #tpu.memory_space<vmem>>, vector<8x1024xf32>
      %max3A_363 = arith.maximumf %max3A_359, %get3A_362 : vector<8x1024xf32>
      %get3A_364 = arith.constant 704 : index
      %get3A_365 = arith.constant 0 : index
      %get3A_366 = vector.load %arg1[%get3A_364, %get3A_365] : memref<2048x1024xf32, #tpu.memory_space<vmem>>, vector<8x1024xf32>
      %max3A_367 = arith.maximumf %max3A_363, %get3A_366 : vector<8x1024xf32>
      %get3A_368 = arith.constant 712 : index
      %get3A_369 = arith.constant 0 : index
      %get3A_370 = vector.load %arg1[%get3A_368, %get3A_369] : memref<2048x1024xf32, #tpu.memory_space<vmem>>, vector<8x1024xf32>
      %max3A_371 = arith.maximumf %max3A_367, %get3A_370 : vector<8x1024xf32>
      %get3A_372 = arith.constant 720 : index
      %get3A_373 = arith.constant 0 : index
      %get3A_374 = vector.load %arg1[%get3A_372, %get3A_373] : memref<2048x1024xf32, #tpu.memory_space<vmem>>, vector<8x1024xf32>
      %max3A_375 = arith.maximumf %max3A_371, %get3A_374 : vector<8x1024xf32>
      %get3A_376 = arith.constant 728 : index
      %get3A_377 = arith.constant 0 : index
      %get3A_378 = vector.load %arg1[%get3A_376, %get3A_377] : memref<2048x1024xf32, #tpu.memory_space<vmem>>, vector<8x1024xf32>
      %max3A_379 = arith.maximumf %max3A_375, %get3A_378 : vector<8x1024xf32>
      %get3A_380 = arith.constant 736 : index
      %get3A_381 = arith.constant 0 : index
      %get3A_382 = vector.load %arg1[%get3A_380, %get3A_381] : memref<2048x1024xf32, #tpu.memory_space<vmem>>, vector<8x1024xf32>
      %max3A_383 = arith.maximumf %max3A_379, %get3A_382 : vector<8x1024xf32>
      %get3A_384 = arith.constant 744 : index
      %get3A_385 = arith.constant 0 : index
      %get3A_386 = vector.load %arg1[%get3A_384, %get3A_385] : memref<2048x1024xf32, #tpu.memory_space<vmem>>, vector<8x1024xf32>
      %max3A_387 = arith.maximumf %max3A_383, %get3A_386 : vector<8x1024xf32>
      %get3A_388 = arith.constant 752 : index
      %get3A_389 = arith.constant 0 : index
      %get3A_390 = vector.load %arg1[%get3A_388, %get3A_389] : memref<2048x1024xf32, #tpu.memory_space<vmem>>, vector<8x1024xf32>
      %max3A_391 = arith.maximumf %max3A_387, %get3A_390 : vector<8x1024xf32>
      %get3A_392 = arith.constant 760 : index
      %get3A_393 = arith.constant 0 : index
      %get3A_394 = vector.load %arg1[%get3A_392, %get3A_393] : memref<2048x1024xf32, #tpu.memory_space<vmem>>, vector<8x1024xf32>
      %max3A_395 = arith.maximumf %max3A_391, %get3A_394 : vector<8x1024xf32>
      %get3A_396 = arith.constant 768 : index
      %get3A_397 = arith.constant 0 : index
      %get3A_398 = vector.load %arg1[%get3A_396, %get3A_397] : memref<2048x1024xf32, #tpu.memory_space<vmem>>, vector<8x1024xf32>
      %max3A_399 = arith.maximumf %max3A_395, %get3A_398 : vector<8x1024xf32>
      %get3A_400 = arith.constant 776 : index
      %get3A_401 = arith.constant 0 : index
      %get3A_402 = vector.load %arg1[%get3A_400, %get3A_401] : memref<2048x1024xf32, #tpu.memory_space<vmem>>, vector<8x1024xf32>
      %max3A_403 = arith.maximumf %max3A_399, %get3A_402 : vector<8x1024xf32>
      %get3A_404 = arith.constant 784 : index
      %get3A_405 = arith.constant 0 : index
      %get3A_406 = vector.load %arg1[%get3A_404, %get3A_405] : memref<2048x1024xf32, #tpu.memory_space<vmem>>, vector<8x1024xf32>
      %max3A_407 = arith.maximumf %max3A_403, %get3A_406 : vector<8x1024xf32>
      %get3A_408 = arith.constant 792 : index
      %get3A_409 = arith.constant 0 : index
      %get3A_410 = vector.load %arg1[%get3A_408, %get3A_409] : memref<2048x1024xf32, #tpu.memory_space<vmem>>, vector<8x1024xf32>
      %max3A_411 = arith.maximumf %max3A_407, %get3A_410 : vector<8x1024xf32>
      %get3A_412 = arith.constant 800 : index
      %get3A_413 = arith.constant 0 : index
      %get3A_414 = vector.load %arg1[%get3A_412, %get3A_413] : memref<2048x1024xf32, #tpu.memory_space<vmem>>, vector<8x1024xf32>
      %max3A_415 = arith.maximumf %max3A_411, %get3A_414 : vector<8x1024xf32>
      %get3A_416 = arith.constant 808 : index
      %get3A_417 = arith.constant 0 : index
      %get3A_418 = vector.load %arg1[%get3A_416, %get3A_417] : memref<2048x1024xf32, #tpu.memory_space<vmem>>, vector<8x1024xf32>
      %max3A_419 = arith.maximumf %max3A_415, %get3A_418 : vector<8x1024xf32>
      %get3A_420 = arith.constant 816 : index
      %get3A_421 = arith.constant 0 : index
      %get3A_422 = vector.load %arg1[%get3A_420, %get3A_421] : memref<2048x1024xf32, #tpu.memory_space<vmem>>, vector<8x1024xf32>
      %max3A_423 = arith.maximumf %max3A_419, %get3A_422 : vector<8x1024xf32>
      %get3A_424 = arith.constant 824 : index
      %get3A_425 = arith.constant 0 : index
      %get3A_426 = vector.load %arg1[%get3A_424, %get3A_425] : memref<2048x1024xf32, #tpu.memory_space<vmem>>, vector<8x1024xf32>
      %max3A_427 = arith.maximumf %max3A_423, %get3A_426 : vector<8x1024xf32>
      %get3A_428 = arith.constant 832 : index
      %get3A_429 = arith.constant 0 : index
      %get3A_430 = vector.load %arg1[%get3A_428, %get3A_429] : memref<2048x1024xf32, #tpu.memory_space<vmem>>, vector<8x1024xf32>
      %max3A_431 = arith.maximumf %max3A_427, %get3A_430 : vector<8x1024xf32>
      %get3A_432 = arith.constant 840 : index
      %get3A_433 = arith.constant 0 : index
      %get3A_434 = vector.load %arg1[%get3A_432, %get3A_433] : memref<2048x1024xf32, #tpu.memory_space<vmem>>, vector<8x1024xf32>
      %max3A_435 = arith.maximumf %max3A_431, %get3A_434 : vector<8x1024xf32>
      %get3A_436 = arith.constant 848 : index
      %get3A_437 = arith.constant 0 : index
      %get3A_438 = vector.load %arg1[%get3A_436, %get3A_437] : memref<2048x1024xf32, #tpu.memory_space<vmem>>, vector<8x1024xf32>
      %max3A_439 = arith.maximumf %max3A_435, %get3A_438 : vector<8x1024xf32>
      %get3A_440 = arith.constant 856 : index
      %get3A_441 = arith.constant 0 : index
      %get3A_442 = vector.load %arg1[%get3A_440, %get3A_441] : memref<2048x1024xf32, #tpu.memory_space<vmem>>, vector<8x1024xf32>
      %max3A_443 = arith.maximumf %max3A_439, %get3A_442 : vector<8x1024xf32>
      %get3A_444 = arith.constant 864 : index
      %get3A_445 = arith.constant 0 : index
      %get3A_446 = vector.load %arg1[%get3A_444, %get3A_445] : memref<2048x1024xf32, #tpu.memory_space<vmem>>, vector<8x1024xf32>
      %max3A_447 = arith.maximumf %max3A_443, %get3A_446 : vector<8x1024xf32>
      %get3A_448 = arith.constant 872 : index
      %get3A_449 = arith.constant 0 : index
      %get3A_450 = vector.load %arg1[%get3A_448, %get3A_449] : memref<2048x1024xf32, #tpu.memory_space<vmem>>, vector<8x1024xf32>
      %max3A_451 = arith.maximumf %max3A_447, %get3A_450 : vector<8x1024xf32>
      %get3A_452 = arith.constant 880 : index
      %get3A_453 = arith.constant 0 : index
      %get3A_454 = vector.load %arg1[%get3A_452, %get3A_453] : memref<2048x1024xf32, #tpu.memory_space<vmem>>, vector<8x1024xf32>
      %max3A_455 = arith.maximumf %max3A_451, %get3A_454 : vector<8x1024xf32>
      %get3A_456 = arith.constant 888 : index
      %get3A_457 = arith.constant 0 : index
      %get3A_458 = vector.load %arg1[%get3A_456, %get3A_457] : memref<2048x1024xf32, #tpu.memory_space<vmem>>, vector<8x1024xf32>
      %max3A_459 = arith.maximumf %max3A_455, %get3A_458 : vector<8x1024xf32>
      %get3A_460 = arith.constant 896 : index
      %get3A_461 = arith.constant 0 : index
      %get3A_462 = vector.load %arg1[%get3A_460, %get3A_461] : memref<2048x1024xf32, #tpu.memory_space<vmem>>, vector<8x1024xf32>
      %max3A_463 = arith.maximumf %max3A_459, %get3A_462 : vector<8x1024xf32>
      %get3A_464 = arith.constant 904 : index
      %get3A_465 = arith.constant 0 : index
      %get3A_466 = vector.load %arg1[%get3A_464, %get3A_465] : memref<2048x1024xf32, #tpu.memory_space<vmem>>, vector<8x1024xf32>
      %max3A_467 = arith.maximumf %max3A_463, %get3A_466 : vector<8x1024xf32>
      %get3A_468 = arith.constant 912 : index
      %get3A_469 = arith.constant 0 : index
      %get3A_470 = vector.load %arg1[%get3A_468, %get3A_469] : memref<2048x1024xf32, #tpu.memory_space<vmem>>, vector<8x1024xf32>
      %max3A_471 = arith.maximumf %max3A_467, %get3A_470 : vector<8x1024xf32>
      %get3A_472 = arith.constant 920 : index
      %get3A_473 = arith.constant 0 : index
      %get3A_474 = vector.load %arg1[%get3A_472, %get3A_473] : memref<2048x1024xf32, #tpu.memory_space<vmem>>, vector<8x1024xf32>
      %max3A_475 = arith.maximumf %max3A_471, %get3A_474 : vector<8x1024xf32>
      %get3A_476 = arith.constant 928 : index
      %get3A_477 = arith.constant 0 : index
      %get3A_478 = vector.load %arg1[%get3A_476, %get3A_477] : memref<2048x1024xf32, #tpu.memory_space<vmem>>, vector<8x1024xf32>
      %max3A_479 = arith.maximumf %max3A_475, %get3A_478 : vector<8x1024xf32>
      %get3A_480 = arith.constant 936 : index
      %get3A_481 = arith.constant 0 : index
      %get3A_482 = vector.load %arg1[%get3A_480, %get3A_481] : memref<2048x1024xf32, #tpu.memory_space<vmem>>, vector<8x1024xf32>
      %max3A_483 = arith.maximumf %max3A_479, %get3A_482 : vector<8x1024xf32>
      %get3A_484 = arith.constant 944 : index
      %get3A_485 = arith.constant 0 : index
      %get3A_486 = vector.load %arg1[%get3A_484, %get3A_485] : memref<2048x1024xf32, #tpu.memory_space<vmem>>, vector<8x1024xf32>
      %max3A_487 = arith.maximumf %max3A_483, %get3A_486 : vector<8x1024xf32>
      %get3A_488 = arith.constant 952 : index
      %get3A_489 = arith.constant 0 : index
      %get3A_490 = vector.load %arg1[%get3A_488, %get3A_489] : memref<2048x1024xf32, #tpu.memory_space<vmem>>, vector<8x1024xf32>
      %max3A_491 = arith.maximumf %max3A_487, %get3A_490 : vector<8x1024xf32>
      %get3A_492 = arith.constant 960 : index
      %get3A_493 = arith.constant 0 : index
      %get3A_494 = vector.load %arg1[%get3A_492, %get3A_493] : memref<2048x1024xf32, #tpu.memory_space<vmem>>, vector<8x1024xf32>
      %max3A_495 = arith.maximumf %max3A_491, %get3A_494 : vector<8x1024xf32>
      %get3A_496 = arith.constant 968 : index
      %get3A_497 = arith.constant 0 : index
      %get3A_498 = vector.load %arg1[%get3A_496, %get3A_497] : memref<2048x1024xf32, #tpu.memory_space<vmem>>, vector<8x1024xf32>
      %max3A_499 = arith.maximumf %max3A_495, %get3A_498 : vector<8x1024xf32>
      %get3A_500 = arith.constant 976 : index
      %get3A_501 = arith.constant 0 : index
      %get3A_502 = vector.load %arg1[%get3A_500, %get3A_501] : memref<2048x1024xf32, #tpu.memory_space<vmem>>, vector<8x1024xf32>
      %max3A_503 = arith.maximumf %max3A_499, %get3A_502 : vector<8x1024xf32>
      %get3A_504 = arith.constant 984 : index
      %get3A_505 = arith.constant 0 : index
      %get3A_506 = vector.load %arg1[%get3A_504, %get3A_505] : memref<2048x1024xf32, #tpu.memory_space<vmem>>, vector<8x1024xf32>
      %max3A_507 = arith.maximumf %max3A_503, %get3A_506 : vector<8x1024xf32>
      %get3A_508 = arith.constant 992 : index
      %get3A_509 = arith.constant 0 : index
      %get3A_510 = vector.load %arg1[%get3A_508, %get3A_509] : memref<2048x1024xf32, #tpu.memory_space<vmem>>, vector<8x1024xf32>
      %max3A_511 = arith.maximumf %max3A_507, %get3A_510 : vector<8x1024xf32>
      %get3A_512 = arith.constant 1000 : index
      %get3A_513 = arith.constant 0 : index
      %get3A_514 = vector.load %arg1[%get3A_512, %get3A_513] : memref<2048x1024xf32, #tpu.memory_space<vmem>>, vector<8x1024xf32>
      %max3A_515 = arith.maximumf %max3A_511, %get3A_514 : vector<8x1024xf32>
      %get3A_516 = arith.constant 1008 : index
      %get3A_517 = arith.constant 0 : index
      %get3A_518 = vector.load %arg1[%get3A_516, %get3A_517] : memref<2048x1024xf32, #tpu.memory_space<vmem>>, vector<8x1024xf32>
      %max3A_519 = arith.maximumf %max3A_515, %get3A_518 : vector<8x1024xf32>
      %get3A_520 = arith.constant 1016 : index
      %get3A_521 = arith.constant 0 : index
      %get3A_522 = vector.load %arg1[%get3A_520, %get3A_521] : memref<2048x1024xf32, #tpu.memory_space<vmem>>, vector<8x1024xf32>
      %max3A_523 = arith.maximumf %max3A_519, %get3A_522 : vector<8x1024xf32>
      %get3A_524 = arith.constant 1024 : index
      %get3A_525 = arith.constant 0 : index
      %get3A_526 = vector.load %arg1[%get3A_524, %get3A_525] : memref<2048x1024xf32, #tpu.memory_space<vmem>>, vector<8x1024xf32>
      %max3A_527 = arith.maximumf %max3A_523, %get3A_526 : vector<8x1024xf32>
      %get3A_528 = arith.constant 1032 : index
      %get3A_529 = arith.constant 0 : index
      %get3A_530 = vector.load %arg1[%get3A_528, %get3A_529] : memref<2048x1024xf32, #tpu.memory_space<vmem>>, vector<8x1024xf32>
      %max3A_531 = arith.maximumf %max3A_527, %get3A_530 : vector<8x1024xf32>
      %get3A_532 = arith.constant 1040 : index
      %get3A_533 = arith.constant 0 : index
      %get3A_534 = vector.load %arg1[%get3A_532, %get3A_533] : memref<2048x1024xf32, #tpu.memory_space<vmem>>, vector<8x1024xf32>
      %max3A_535 = arith.maximumf %max3A_531, %get3A_534 : vector<8x1024xf32>
      %get3A_536 = arith.constant 1048 : index
      %get3A_537 = arith.constant 0 : index
      %get3A_538 = vector.load %arg1[%get3A_536, %get3A_537] : memref<2048x1024xf32, #tpu.memory_space<vmem>>, vector<8x1024xf32>
      %max3A_539 = arith.maximumf %max3A_535, %get3A_538 : vector<8x1024xf32>
      %get3A_540 = arith.constant 1056 : index
      %get3A_541 = arith.constant 0 : index
      %get3A_542 = vector.load %arg1[%get3A_540, %get3A_541] : memref<2048x1024xf32, #tpu.memory_space<vmem>>, vector<8x1024xf32>
      %max3A_543 = arith.maximumf %max3A_539, %get3A_542 : vector<8x1024xf32>
      %get3A_544 = arith.constant 1064 : index
      %get3A_545 = arith.constant 0 : index
      %get3A_546 = vector.load %arg1[%get3A_544, %get3A_545] : memref<2048x1024xf32, #tpu.memory_space<vmem>>, vector<8x1024xf32>
      %max3A_547 = arith.maximumf %max3A_543, %get3A_546 : vector<8x1024xf32>
      %get3A_548 = arith.constant 1072 : index
      %get3A_549 = arith.constant 0 : index
      %get3A_550 = vector.load %arg1[%get3A_548, %get3A_549] : memref<2048x1024xf32, #tpu.memory_space<vmem>>, vector<8x1024xf32>
      %max3A_551 = arith.maximumf %max3A_547, %get3A_550 : vector<8x1024xf32>
      %get3A_552 = arith.constant 1080 : index
      %get3A_553 = arith.constant 0 : index
      %get3A_554 = vector.load %arg1[%get3A_552, %get3A_553] : memref<2048x1024xf32, #tpu.memory_space<vmem>>, vector<8x1024xf32>
      %max3A_555 = arith.maximumf %max3A_551, %get3A_554 : vector<8x1024xf32>
      %get3A_556 = arith.constant 1088 : index
      %get3A_557 = arith.constant 0 : index
      %get3A_558 = vector.load %arg1[%get3A_556, %get3A_557] : memref<2048x1024xf32, #tpu.memory_space<vmem>>, vector<8x1024xf32>
      %max3A_559 = arith.maximumf %max3A_555, %get3A_558 : vector<8x1024xf32>
      %get3A_560 = arith.constant 1096 : index
      %get3A_561 = arith.constant 0 : index
      %get3A_562 = vector.load %arg1[%get3A_560, %get3A_561] : memref<2048x1024xf32, #tpu.memory_space<vmem>>, vector<8x1024xf32>
      %max3A_563 = arith.maximumf %max3A_559, %get3A_562 : vector<8x1024xf32>
      %get3A_564 = arith.constant 1104 : index
      %get3A_565 = arith.constant 0 : index
      %get3A_566 = vector.load %arg1[%get3A_564, %get3A_565] : memref<2048x1024xf32, #tpu.memory_space<vmem>>, vector<8x1024xf32>
      %max3A_567 = arith.maximumf %max3A_563, %get3A_566 : vector<8x1024xf32>
      %get3A_568 = arith.constant 1112 : index
      %get3A_569 = arith.constant 0 : index
      %get3A_570 = vector.load %arg1[%get3A_568, %get3A_569] : memref<2048x1024xf32, #tpu.memory_space<vmem>>, vector<8x1024xf32>
      %max3A_571 = arith.maximumf %max3A_567, %get3A_570 : vector<8x1024xf32>
      %get3A_572 = arith.constant 1120 : index
      %get3A_573 = arith.constant 0 : index
      %get3A_574 = vector.load %arg1[%get3A_572, %get3A_573] : memref<2048x1024xf32, #tpu.memory_space<vmem>>, vector<8x1024xf32>
      %max3A_575 = arith.maximumf %max3A_571, %get3A_574 : vector<8x1024xf32>
      %get3A_576 = arith.constant 1128 : index
      %get3A_577 = arith.constant 0 : index
      %get3A_578 = vector.load %arg1[%get3A_576, %get3A_577] : memref<2048x1024xf32, #tpu.memory_space<vmem>>, vector<8x1024xf32>
      %max3A_579 = arith.maximumf %max3A_575, %get3A_578 : vector<8x1024xf32>
      %get3A_580 = arith.constant 1136 : index
      %get3A_581 = arith.constant 0 : index
      %get3A_582 = vector.load %arg1[%get3A_580, %get3A_581] : memref<2048x1024xf32, #tpu.memory_space<vmem>>, vector<8x1024xf32>
      %max3A_583 = arith.maximumf %max3A_579, %get3A_582 : vector<8x1024xf32>
      %get3A_584 = arith.constant 1144 : index
      %get3A_585 = arith.constant 0 : index
      %get3A_586 = vector.load %arg1[%get3A_584, %get3A_585] : memref<2048x1024xf32, #tpu.memory_space<vmem>>, vector<8x1024xf32>
      %max3A_587 = arith.maximumf %max3A_583, %get3A_586 : vector<8x1024xf32>
      %get3A_588 = arith.constant 1152 : index
      %get3A_589 = arith.constant 0 : index
      %get3A_590 = vector.load %arg1[%get3A_588, %get3A_589] : memref<2048x1024xf32, #tpu.memory_space<vmem>>, vector<8x1024xf32>
      %max3A_591 = arith.maximumf %max3A_587, %get3A_590 : vector<8x1024xf32>
      %get3A_592 = arith.constant 1160 : index
      %get3A_593 = arith.constant 0 : index
      %get3A_594 = vector.load %arg1[%get3A_592, %get3A_593] : memref<2048x1024xf32, #tpu.memory_space<vmem>>, vector<8x1024xf32>
      %max3A_595 = arith.maximumf %max3A_591, %get3A_594 : vector<8x1024xf32>
      %get3A_596 = arith.constant 1168 : index
      %get3A_597 = arith.constant 0 : index
      %get3A_598 = vector.load %arg1[%get3A_596, %get3A_597] : memref<2048x1024xf32, #tpu.memory_space<vmem>>, vector<8x1024xf32>
      %max3A_599 = arith.maximumf %max3A_595, %get3A_598 : vector<8x1024xf32>
      %get3A_600 = arith.constant 1176 : index
      %get3A_601 = arith.constant 0 : index
      %get3A_602 = vector.load %arg1[%get3A_600, %get3A_601] : memref<2048x1024xf32, #tpu.memory_space<vmem>>, vector<8x1024xf32>
      %max3A_603 = arith.maximumf %max3A_599, %get3A_602 : vector<8x1024xf32>
      %get3A_604 = arith.constant 1184 : index
      %get3A_605 = arith.constant 0 : index
      %get3A_606 = vector.load %arg1[%get3A_604, %get3A_605] : memref<2048x1024xf32, #tpu.memory_space<vmem>>, vector<8x1024xf32>
      %max3A_607 = arith.maximumf %max3A_603, %get3A_606 : vector<8x1024xf32>
      %get3A_608 = arith.constant 1192 : index
      %get3A_609 = arith.constant 0 : index
      %get3A_610 = vector.load %arg1[%get3A_608, %get3A_609] : memref<2048x1024xf32, #tpu.memory_space<vmem>>, vector<8x1024xf32>
      %max3A_611 = arith.maximumf %max3A_607, %get3A_610 : vector<8x1024xf32>
      %get3A_612 = arith.constant 1200 : index
      %get3A_613 = arith.constant 0 : index
      %get3A_614 = vector.load %arg1[%get3A_612, %get3A_613] : memref<2048x1024xf32, #tpu.memory_space<vmem>>, vector<8x1024xf32>
      %max3A_615 = arith.maximumf %max3A_611, %get3A_614 : vector<8x1024xf32>
      %get3A_616 = arith.constant 1208 : index
      %get3A_617 = arith.constant 0 : index
      %get3A_618 = vector.load %arg1[%get3A_616, %get3A_617] : memref<2048x1024xf32, #tpu.memory_space<vmem>>, vector<8x1024xf32>
      %max3A_619 = arith.maximumf %max3A_615, %get3A_618 : vector<8x1024xf32>
      %get3A_620 = arith.constant 1216 : index
      %get3A_621 = arith.constant 0 : index
      %get3A_622 = vector.load %arg1[%get3A_620, %get3A_621] : memref<2048x1024xf32, #tpu.memory_space<vmem>>, vector<8x1024xf32>
      %max3A_623 = arith.maximumf %max3A_619, %get3A_622 : vector<8x1024xf32>
      %get3A_624 = arith.constant 1224 : index
      %get3A_625 = arith.constant 0 : index
      %get3A_626 = vector.load %arg1[%get3A_624, %get3A_625] : memref<2048x1024xf32, #tpu.memory_space<vmem>>, vector<8x1024xf32>
      %max3A_627 = arith.maximumf %max3A_623, %get3A_626 : vector<8x1024xf32>
      %get3A_628 = arith.constant 1232 : index
      %get3A_629 = arith.constant 0 : index
      %get3A_630 = vector.load %arg1[%get3A_628, %get3A_629] : memref<2048x1024xf32, #tpu.memory_space<vmem>>, vector<8x1024xf32>
      %max3A_631 = arith.maximumf %max3A_627, %get3A_630 : vector<8x1024xf32>
      %get3A_632 = arith.constant 1240 : index
      %get3A_633 = arith.constant 0 : index
      %get3A_634 = vector.load %arg1[%get3A_632, %get3A_633] : memref<2048x1024xf32, #tpu.memory_space<vmem>>, vector<8x1024xf32>
      %max3A_635 = arith.maximumf %max3A_631, %get3A_634 : vector<8x1024xf32>
      %get3A_636 = arith.constant 1248 : index
      %get3A_637 = arith.constant 0 : index
      %get3A_638 = vector.load %arg1[%get3A_636, %get3A_637] : memref<2048x1024xf32, #tpu.memory_space<vmem>>, vector<8x1024xf32>
      %max3A_639 = arith.maximumf %max3A_635, %get3A_638 : vector<8x1024xf32>
      %get3A_640 = arith.constant 1256 : index
      %get3A_641 = arith.constant 0 : index
      %get3A_642 = vector.load %arg1[%get3A_640, %get3A_641] : memref<2048x1024xf32, #tpu.memory_space<vmem>>, vector<8x1024xf32>
      %max3A_643 = arith.maximumf %max3A_639, %get3A_642 : vector<8x1024xf32>
      %get3A_644 = arith.constant 1264 : index
      %get3A_645 = arith.constant 0 : index
      %get3A_646 = vector.load %arg1[%get3A_644, %get3A_645] : memref<2048x1024xf32, #tpu.memory_space<vmem>>, vector<8x1024xf32>
      %max3A_647 = arith.maximumf %max3A_643, %get3A_646 : vector<8x1024xf32>
      %get3A_648 = arith.constant 1272 : index
      %get3A_649 = arith.constant 0 : index
      %get3A_650 = vector.load %arg1[%get3A_648, %get3A_649] : memref<2048x1024xf32, #tpu.memory_space<vmem>>, vector<8x1024xf32>
      %max3A_651 = arith.maximumf %max3A_647, %get3A_650 : vector<8x1024xf32>
      %get3A_652 = arith.constant 1280 : index
      %get3A_653 = arith.constant 0 : index
      %get3A_654 = vector.load %arg1[%get3A_652, %get3A_653] : memref<2048x1024xf32, #tpu.memory_space<vmem>>, vector<8x1024xf32>
      %max3A_655 = arith.maximumf %max3A_651, %get3A_654 : vector<8x1024xf32>
      %get3A_656 = arith.constant 1288 : index
      %get3A_657 = arith.constant 0 : index
      %get3A_658 = vector.load %arg1[%get3A_656, %get3A_657] : memref<2048x1024xf32, #tpu.memory_space<vmem>>, vector<8x1024xf32>
      %max3A_659 = arith.maximumf %max3A_655, %get3A_658 : vector<8x1024xf32>
      %get3A_660 = arith.constant 1296 : index
      %get3A_661 = arith.constant 0 : index
      %get3A_662 = vector.load %arg1[%get3A_660, %get3A_661] : memref<2048x1024xf32, #tpu.memory_space<vmem>>, vector<8x1024xf32>
      %max3A_663 = arith.maximumf %max3A_659, %get3A_662 : vector<8x1024xf32>
      %get3A_664 = arith.constant 1304 : index
      %get3A_665 = arith.constant 0 : index
      %get3A_666 = vector.load %arg1[%get3A_664, %get3A_665] : memref<2048x1024xf32, #tpu.memory_space<vmem>>, vector<8x1024xf32>
      %max3A_667 = arith.maximumf %max3A_663, %get3A_666 : vector<8x1024xf32>
      %get3A_668 = arith.constant 1312 : index
      %get3A_669 = arith.constant 0 : index
      %get3A_670 = vector.load %arg1[%get3A_668, %get3A_669] : memref<2048x1024xf32, #tpu.memory_space<vmem>>, vector<8x1024xf32>
      %max3A_671 = arith.maximumf %max3A_667, %get3A_670 : vector<8x1024xf32>
      %get3A_672 = arith.constant 1320 : index
      %get3A_673 = arith.constant 0 : index
      %get3A_674 = vector.load %arg1[%get3A_672, %get3A_673] : memref<2048x1024xf32, #tpu.memory_space<vmem>>, vector<8x1024xf32>
      %max3A_675 = arith.maximumf %max3A_671, %get3A_674 : vector<8x1024xf32>
      %get3A_676 = arith.constant 1328 : index
      %get3A_677 = arith.constant 0 : index
      %get3A_678 = vector.load %arg1[%get3A_676, %get3A_677] : memref<2048x1024xf32, #tpu.memory_space<vmem>>, vector<8x1024xf32>
      %max3A_679 = arith.maximumf %max3A_675, %get3A_678 : vector<8x1024xf32>
      %get3A_680 = arith.constant 1336 : index
      %get3A_681 = arith.constant 0 : index
      %get3A_682 = vector.load %arg1[%get3A_680, %get3A_681] : memref<2048x1024xf32, #tpu.memory_space<vmem>>, vector<8x1024xf32>
      %max3A_683 = arith.maximumf %max3A_679, %get3A_682 : vector<8x1024xf32>
      %get3A_684 = arith.constant 1344 : index
      %get3A_685 = arith.constant 0 : index
      %get3A_686 = vector.load %arg1[%get3A_684, %get3A_685] : memref<2048x1024xf32, #tpu.memory_space<vmem>>, vector<8x1024xf32>
      %max3A_687 = arith.maximumf %max3A_683, %get3A_686 : vector<8x1024xf32>
      %get3A_688 = arith.constant 1352 : index
      %get3A_689 = arith.constant 0 : index
      %get3A_690 = vector.load %arg1[%get3A_688, %get3A_689] : memref<2048x1024xf32, #tpu.memory_space<vmem>>, vector<8x1024xf32>
      %max3A_691 = arith.maximumf %max3A_687, %get3A_690 : vector<8x1024xf32>
      %get3A_692 = arith.constant 1360 : index
      %get3A_693 = arith.constant 0 : index
      %get3A_694 = vector.load %arg1[%get3A_692, %get3A_693] : memref<2048x1024xf32, #tpu.memory_space<vmem>>, vector<8x1024xf32>
      %max3A_695 = arith.maximumf %max3A_691, %get3A_694 : vector<8x1024xf32>
      %get3A_696 = arith.constant 1368 : index
      %get3A_697 = arith.constant 0 : index
      %get3A_698 = vector.load %arg1[%get3A_696, %get3A_697] : memref<2048x1024xf32, #tpu.memory_space<vmem>>, vector<8x1024xf32>
      %max3A_699 = arith.maximumf %max3A_695, %get3A_698 : vector<8x1024xf32>
      %get3A_700 = arith.constant 1376 : index
      %get3A_701 = arith.constant 0 : index
      %get3A_702 = vector.load %arg1[%get3A_700, %get3A_701] : memref<2048x1024xf32, #tpu.memory_space<vmem>>, vector<8x1024xf32>
      %max3A_703 = arith.maximumf %max3A_699, %get3A_702 : vector<8x1024xf32>
      %get3A_704 = arith.constant 1384 : index
      %get3A_705 = arith.constant 0 : index
      %get3A_706 = vector.load %arg1[%get3A_704, %get3A_705] : memref<2048x1024xf32, #tpu.memory_space<vmem>>, vector<8x1024xf32>
      %max3A_707 = arith.maximumf %max3A_703, %get3A_706 : vector<8x1024xf32>
      %get3A_708 = arith.constant 1392 : index
      %get3A_709 = arith.constant 0 : index
      %get3A_710 = vector.load %arg1[%get3A_708, %get3A_709] : memref<2048x1024xf32, #tpu.memory_space<vmem>>, vector<8x1024xf32>
      %max3A_711 = arith.maximumf %max3A_707, %get3A_710 : vector<8x1024xf32>
      %get3A_712 = arith.constant 1400 : index
      %get3A_713 = arith.constant 0 : index
      %get3A_714 = vector.load %arg1[%get3A_712, %get3A_713] : memref<2048x1024xf32, #tpu.memory_space<vmem>>, vector<8x1024xf32>
      %max3A_715 = arith.maximumf %max3A_711, %get3A_714 : vector<8x1024xf32>
      %get3A_716 = arith.constant 1408 : index
      %get3A_717 = arith.constant 0 : index
      %get3A_718 = vector.load %arg1[%get3A_716, %get3A_717] : memref<2048x1024xf32, #tpu.memory_space<vmem>>, vector<8x1024xf32>
      %max3A_719 = arith.maximumf %max3A_715, %get3A_718 : vector<8x1024xf32>
      %get3A_720 = arith.constant 1416 : index
      %get3A_721 = arith.constant 0 : index
      %get3A_722 = vector.load %arg1[%get3A_720, %get3A_721] : memref<2048x1024xf32, #tpu.memory_space<vmem>>, vector<8x1024xf32>
      %max3A_723 = arith.maximumf %max3A_719, %get3A_722 : vector<8x1024xf32>
      %get3A_724 = arith.constant 1424 : index
      %get3A_725 = arith.constant 0 : index
      %get3A_726 = vector.load %arg1[%get3A_724, %get3A_725] : memref<2048x1024xf32, #tpu.memory_space<vmem>>, vector<8x1024xf32>
      %max3A_727 = arith.maximumf %max3A_723, %get3A_726 : vector<8x1024xf32>
      %get3A_728 = arith.constant 1432 : index
      %get3A_729 = arith.constant 0 : index
      %get3A_730 = vector.load %arg1[%get3A_728, %get3A_729] : memref<2048x1024xf32, #tpu.memory_space<vmem>>, vector<8x1024xf32>
      %max3A_731 = arith.maximumf %max3A_727, %get3A_730 : vector<8x1024xf32>
      %get3A_732 = arith.constant 1440 : index
      %get3A_733 = arith.constant 0 : index
      %get3A_734 = vector.load %arg1[%get3A_732, %get3A_733] : memref<2048x1024xf32, #tpu.memory_space<vmem>>, vector<8x1024xf32>
      %max3A_735 = arith.maximumf %max3A_731, %get3A_734 : vector<8x1024xf32>
      %get3A_736 = arith.constant 1448 : index
      %get3A_737 = arith.constant 0 : index
      %get3A_738 = vector.load %arg1[%get3A_736, %get3A_737] : memref<2048x1024xf32, #tpu.memory_space<vmem>>, vector<8x1024xf32>
      %max3A_739 = arith.maximumf %max3A_735, %get3A_738 : vector<8x1024xf32>
      %get3A_740 = arith.constant 1456 : index
      %get3A_741 = arith.constant 0 : index
      %get3A_742 = vector.load %arg1[%get3A_740, %get3A_741] : memref<2048x1024xf32, #tpu.memory_space<vmem>>, vector<8x1024xf32>
      %max3A_743 = arith.maximumf %max3A_739, %get3A_742 : vector<8x1024xf32>
      %get3A_744 = arith.constant 1464 : index
      %get3A_745 = arith.constant 0 : index
      %get3A_746 = vector.load %arg1[%get3A_744, %get3A_745] : memref<2048x1024xf32, #tpu.memory_space<vmem>>, vector<8x1024xf32>
      %max3A_747 = arith.maximumf %max3A_743, %get3A_746 : vector<8x1024xf32>
      %get3A_748 = arith.constant 1472 : index
      %get3A_749 = arith.constant 0 : index
      %get3A_750 = vector.load %arg1[%get3A_748, %get3A_749] : memref<2048x1024xf32, #tpu.memory_space<vmem>>, vector<8x1024xf32>
      %max3A_751 = arith.maximumf %max3A_747, %get3A_750 : vector<8x1024xf32>
      %get3A_752 = arith.constant 1480 : index
      %get3A_753 = arith.constant 0 : index
      %get3A_754 = vector.load %arg1[%get3A_752, %get3A_753] : memref<2048x1024xf32, #tpu.memory_space<vmem>>, vector<8x1024xf32>
      %max3A_755 = arith.maximumf %max3A_751, %get3A_754 : vector<8x1024xf32>
      %get3A_756 = arith.constant 1488 : index
      %get3A_757 = arith.constant 0 : index
      %get3A_758 = vector.load %arg1[%get3A_756, %get3A_757] : memref<2048x1024xf32, #tpu.memory_space<vmem>>, vector<8x1024xf32>
      %max3A_759 = arith.maximumf %max3A_755, %get3A_758 : vector<8x1024xf32>
      %get3A_760 = arith.constant 1496 : index
      %get3A_761 = arith.constant 0 : index
      %get3A_762 = vector.load %arg1[%get3A_760, %get3A_761] : memref<2048x1024xf32, #tpu.memory_space<vmem>>, vector<8x1024xf32>
      %max3A_763 = arith.maximumf %max3A_759, %get3A_762 : vector<8x1024xf32>
      %get3A_764 = arith.constant 1504 : index
      %get3A_765 = arith.constant 0 : index
      %get3A_766 = vector.load %arg1[%get3A_764, %get3A_765] : memref<2048x1024xf32, #tpu.memory_space<vmem>>, vector<8x1024xf32>
      %max3A_767 = arith.maximumf %max3A_763, %get3A_766 : vector<8x1024xf32>
      %get3A_768 = arith.constant 1512 : index
      %get3A_769 = arith.constant 0 : index
      %get3A_770 = vector.load %arg1[%get3A_768, %get3A_769] : memref<2048x1024xf32, #tpu.memory_space<vmem>>, vector<8x1024xf32>
      %max3A_771 = arith.maximumf %max3A_767, %get3A_770 : vector<8x1024xf32>
      %get3A_772 = arith.constant 1520 : index
      %get3A_773 = arith.constant 0 : index
      %get3A_774 = vector.load %arg1[%get3A_772, %get3A_773] : memref<2048x1024xf32, #tpu.memory_space<vmem>>, vector<8x1024xf32>
      %max3A_775 = arith.maximumf %max3A_771, %get3A_774 : vector<8x1024xf32>
      %get3A_776 = arith.constant 1528 : index
      %get3A_777 = arith.constant 0 : index
      %get3A_778 = vector.load %arg1[%get3A_776, %get3A_777] : memref<2048x1024xf32, #tpu.memory_space<vmem>>, vector<8x1024xf32>
      %max3A_779 = arith.maximumf %max3A_775, %get3A_778 : vector<8x1024xf32>
      %get3A_780 = arith.constant 1536 : index
      %get3A_781 = arith.constant 0 : index
      %get3A_782 = vector.load %arg1[%get3A_780, %get3A_781] : memref<2048x1024xf32, #tpu.memory_space<vmem>>, vector<8x1024xf32>
      %max3A_783 = arith.maximumf %max3A_779, %get3A_782 : vector<8x1024xf32>
      %get3A_784 = arith.constant 1544 : index
      %get3A_785 = arith.constant 0 : index
      %get3A_786 = vector.load %arg1[%get3A_784, %get3A_785] : memref<2048x1024xf32, #tpu.memory_space<vmem>>, vector<8x1024xf32>
      %max3A_787 = arith.maximumf %max3A_783, %get3A_786 : vector<8x1024xf32>
      %get3A_788 = arith.constant 1552 : index
      %get3A_789 = arith.constant 0 : index
      %get3A_790 = vector.load %arg1[%get3A_788, %get3A_789] : memref<2048x1024xf32, #tpu.memory_space<vmem>>, vector<8x1024xf32>
      %max3A_791 = arith.maximumf %max3A_787, %get3A_790 : vector<8x1024xf32>
      %get3A_792 = arith.constant 1560 : index
      %get3A_793 = arith.constant 0 : index
      %get3A_794 = vector.load %arg1[%get3A_792, %get3A_793] : memref<2048x1024xf32, #tpu.memory_space<vmem>>, vector<8x1024xf32>
      %max3A_795 = arith.maximumf %max3A_791, %get3A_794 : vector<8x1024xf32>
      %get3A_796 = arith.constant 1568 : index
      %get3A_797 = arith.constant 0 : index
      %get3A_798 = vector.load %arg1[%get3A_796, %get3A_797] : memref<2048x1024xf32, #tpu.memory_space<vmem>>, vector<8x1024xf32>
      %max3A_799 = arith.maximumf %max3A_795, %get3A_798 : vector<8x1024xf32>
      %get3A_800 = arith.constant 1576 : index
      %get3A_801 = arith.constant 0 : index
      %get3A_802 = vector.load %arg1[%get3A_800, %get3A_801] : memref<2048x1024xf32, #tpu.memory_space<vmem>>, vector<8x1024xf32>
      %max3A_803 = arith.maximumf %max3A_799, %get3A_802 : vector<8x1024xf32>
      %get3A_804 = arith.constant 1584 : index
      %get3A_805 = arith.constant 0 : index
      %get3A_806 = vector.load %arg1[%get3A_804, %get3A_805] : memref<2048x1024xf32, #tpu.memory_space<vmem>>, vector<8x1024xf32>
      %max3A_807 = arith.maximumf %max3A_803, %get3A_806 : vector<8x1024xf32>
      %get3A_808 = arith.constant 1592 : index
      %get3A_809 = arith.constant 0 : index
      %get3A_810 = vector.load %arg1[%get3A_808, %get3A_809] : memref<2048x1024xf32, #tpu.memory_space<vmem>>, vector<8x1024xf32>
      %max3A_811 = arith.maximumf %max3A_807, %get3A_810 : vector<8x1024xf32>
      %get3A_812 = arith.constant 1600 : index
      %get3A_813 = arith.constant 0 : index
      %get3A_814 = vector.load %arg1[%get3A_812, %get3A_813] : memref<2048x1024xf32, #tpu.memory_space<vmem>>, vector<8x1024xf32>
      %max3A_815 = arith.maximumf %max3A_811, %get3A_814 : vector<8x1024xf32>
      %get3A_816 = arith.constant 1608 : index
      %get3A_817 = arith.constant 0 : index
      %get3A_818 = vector.load %arg1[%get3A_816, %get3A_817] : memref<2048x1024xf32, #tpu.memory_space<vmem>>, vector<8x1024xf32>
      %max3A_819 = arith.maximumf %max3A_815, %get3A_818 : vector<8x1024xf32>
      %get3A_820 = arith.constant 1616 : index
      %get3A_821 = arith.constant 0 : index
      %get3A_822 = vector.load %arg1[%get3A_820, %get3A_821] : memref<2048x1024xf32, #tpu.memory_space<vmem>>, vector<8x1024xf32>
      %max3A_823 = arith.maximumf %max3A_819, %get3A_822 : vector<8x1024xf32>
      %get3A_824 = arith.constant 1624 : index
      %get3A_825 = arith.constant 0 : index
      %get3A_826 = vector.load %arg1[%get3A_824, %get3A_825] : memref<2048x1024xf32, #tpu.memory_space<vmem>>, vector<8x1024xf32>
      %max3A_827 = arith.maximumf %max3A_823, %get3A_826 : vector<8x1024xf32>
      %get3A_828 = arith.constant 1632 : index
      %get3A_829 = arith.constant 0 : index
      %get3A_830 = vector.load %arg1[%get3A_828, %get3A_829] : memref<2048x1024xf32, #tpu.memory_space<vmem>>, vector<8x1024xf32>
      %max3A_831 = arith.maximumf %max3A_827, %get3A_830 : vector<8x1024xf32>
      %get3A_832 = arith.constant 1640 : index
      %get3A_833 = arith.constant 0 : index
      %get3A_834 = vector.load %arg1[%get3A_832, %get3A_833] : memref<2048x1024xf32, #tpu.memory_space<vmem>>, vector<8x1024xf32>
      %max3A_835 = arith.maximumf %max3A_831, %get3A_834 : vector<8x1024xf32>
      %get3A_836 = arith.constant 1648 : index
      %get3A_837 = arith.constant 0 : index
      %get3A_838 = vector.load %arg1[%get3A_836, %get3A_837] : memref<2048x1024xf32, #tpu.memory_space<vmem>>, vector<8x1024xf32>
      %max3A_839 = arith.maximumf %max3A_835, %get3A_838 : vector<8x1024xf32>
      %get3A_840 = arith.constant 1656 : index
      %get3A_841 = arith.constant 0 : index
      %get3A_842 = vector.load %arg1[%get3A_840, %get3A_841] : memref<2048x1024xf32, #tpu.memory_space<vmem>>, vector<8x1024xf32>
      %max3A_843 = arith.maximumf %max3A_839, %get3A_842 : vector<8x1024xf32>
      %get3A_844 = arith.constant 1664 : index
      %get3A_845 = arith.constant 0 : index
      %get3A_846 = vector.load %arg1[%get3A_844, %get3A_845] : memref<2048x1024xf32, #tpu.memory_space<vmem>>, vector<8x1024xf32>
      %max3A_847 = arith.maximumf %max3A_843, %get3A_846 : vector<8x1024xf32>
      %get3A_848 = arith.constant 1672 : index
      %get3A_849 = arith.constant 0 : index
      %get3A_850 = vector.load %arg1[%get3A_848, %get3A_849] : memref<2048x1024xf32, #tpu.memory_space<vmem>>, vector<8x1024xf32>
      %max3A_851 = arith.maximumf %max3A_847, %get3A_850 : vector<8x1024xf32>
      %get3A_852 = arith.constant 1680 : index
      %get3A_853 = arith.constant 0 : index
      %get3A_854 = vector.load %arg1[%get3A_852, %get3A_853] : memref<2048x1024xf32, #tpu.memory_space<vmem>>, vector<8x1024xf32>
      %max3A_855 = arith.maximumf %max3A_851, %get3A_854 : vector<8x1024xf32>
      %get3A_856 = arith.constant 1688 : index
      %get3A_857 = arith.constant 0 : index
      %get3A_858 = vector.load %arg1[%get3A_856, %get3A_857] : memref<2048x1024xf32, #tpu.memory_space<vmem>>, vector<8x1024xf32>
      %max3A_859 = arith.maximumf %max3A_855, %get3A_858 : vector<8x1024xf32>
      %get3A_860 = arith.constant 1696 : index
      %get3A_861 = arith.constant 0 : index
      %get3A_862 = vector.load %arg1[%get3A_860, %get3A_861] : memref<2048x1024xf32, #tpu.memory_space<vmem>>, vector<8x1024xf32>
      %max3A_863 = arith.maximumf %max3A_859, %get3A_862 : vector<8x1024xf32>
      %get3A_864 = arith.constant 1704 : index
      %get3A_865 = arith.constant 0 : index
      %get3A_866 = vector.load %arg1[%get3A_864, %get3A_865] : memref<2048x1024xf32, #tpu.memory_space<vmem>>, vector<8x1024xf32>
      %max3A_867 = arith.maximumf %max3A_863, %get3A_866 : vector<8x1024xf32>
      %get3A_868 = arith.constant 1712 : index
      %get3A_869 = arith.constant 0 : index
      %get3A_870 = vector.load %arg1[%get3A_868, %get3A_869] : memref<2048x1024xf32, #tpu.memory_space<vmem>>, vector<8x1024xf32>
      %max3A_871 = arith.maximumf %max3A_867, %get3A_870 : vector<8x1024xf32>
      %get3A_872 = arith.constant 1720 : index
      %get3A_873 = arith.constant 0 : index
      %get3A_874 = vector.load %arg1[%get3A_872, %get3A_873] : memref<2048x1024xf32, #tpu.memory_space<vmem>>, vector<8x1024xf32>
      %max3A_875 = arith.maximumf %max3A_871, %get3A_874 : vector<8x1024xf32>
      %get3A_876 = arith.constant 1728 : index
      %get3A_877 = arith.constant 0 : index
      %get3A_878 = vector.load %arg1[%get3A_876, %get3A_877] : memref<2048x1024xf32, #tpu.memory_space<vmem>>, vector<8x1024xf32>
      %max3A_879 = arith.maximumf %max3A_875, %get3A_878 : vector<8x1024xf32>
      %get3A_880 = arith.constant 1736 : index
      %get3A_881 = arith.constant 0 : index
      %get3A_882 = vector.load %arg1[%get3A_880, %get3A_881] : memref<2048x1024xf32, #tpu.memory_space<vmem>>, vector<8x1024xf32>
      %max3A_883 = arith.maximumf %max3A_879, %get3A_882 : vector<8x1024xf32>
      %get3A_884 = arith.constant 1744 : index
      %get3A_885 = arith.constant 0 : index
      %get3A_886 = vector.load %arg1[%get3A_884, %get3A_885] : memref<2048x1024xf32, #tpu.memory_space<vmem>>, vector<8x1024xf32>
      %max3A_887 = arith.maximumf %max3A_883, %get3A_886 : vector<8x1024xf32>
      %get3A_888 = arith.constant 1752 : index
      %get3A_889 = arith.constant 0 : index
      %get3A_890 = vector.load %arg1[%get3A_888, %get3A_889] : memref<2048x1024xf32, #tpu.memory_space<vmem>>, vector<8x1024xf32>
      %max3A_891 = arith.maximumf %max3A_887, %get3A_890 : vector<8x1024xf32>
      %get3A_892 = arith.constant 1760 : index
      %get3A_893 = arith.constant 0 : index
      %get3A_894 = vector.load %arg1[%get3A_892, %get3A_893] : memref<2048x1024xf32, #tpu.memory_space<vmem>>, vector<8x1024xf32>
      %max3A_895 = arith.maximumf %max3A_891, %get3A_894 : vector<8x1024xf32>
      %get3A_896 = arith.constant 1768 : index
      %get3A_897 = arith.constant 0 : index
      %get3A_898 = vector.load %arg1[%get3A_896, %get3A_897] : memref<2048x1024xf32, #tpu.memory_space<vmem>>, vector<8x1024xf32>
      %max3A_899 = arith.maximumf %max3A_895, %get3A_898 : vector<8x1024xf32>
      %get3A_900 = arith.constant 1776 : index
      %get3A_901 = arith.constant 0 : index
      %get3A_902 = vector.load %arg1[%get3A_900, %get3A_901] : memref<2048x1024xf32, #tpu.memory_space<vmem>>, vector<8x1024xf32>
      %max3A_903 = arith.maximumf %max3A_899, %get3A_902 : vector<8x1024xf32>
      %get3A_904 = arith.constant 1784 : index
      %get3A_905 = arith.constant 0 : index
      %get3A_906 = vector.load %arg1[%get3A_904, %get3A_905] : memref<2048x1024xf32, #tpu.memory_space<vmem>>, vector<8x1024xf32>
      %max3A_907 = arith.maximumf %max3A_903, %get3A_906 : vector<8x1024xf32>
      %get3A_908 = arith.constant 1792 : index
      %get3A_909 = arith.constant 0 : index
      %get3A_910 = vector.load %arg1[%get3A_908, %get3A_909] : memref<2048x1024xf32, #tpu.memory_space<vmem>>, vector<8x1024xf32>
      %max3A_911 = arith.maximumf %max3A_907, %get3A_910 : vector<8x1024xf32>
      %get3A_912 = arith.constant 1800 : index
      %get3A_913 = arith.constant 0 : index
      %get3A_914 = vector.load %arg1[%get3A_912, %get3A_913] : memref<2048x1024xf32, #tpu.memory_space<vmem>>, vector<8x1024xf32>
      %max3A_915 = arith.maximumf %max3A_911, %get3A_914 : vector<8x1024xf32>
      %get3A_916 = arith.constant 1808 : index
      %get3A_917 = arith.constant 0 : index
      %get3A_918 = vector.load %arg1[%get3A_916, %get3A_917] : memref<2048x1024xf32, #tpu.memory_space<vmem>>, vector<8x1024xf32>
      %max3A_919 = arith.maximumf %max3A_915, %get3A_918 : vector<8x1024xf32>
      %get3A_920 = arith.constant 1816 : index
      %get3A_921 = arith.constant 0 : index
      %get3A_922 = vector.load %arg1[%get3A_920, %get3A_921] : memref<2048x1024xf32, #tpu.memory_space<vmem>>, vector<8x1024xf32>
      %max3A_923 = arith.maximumf %max3A_919, %get3A_922 : vector<8x1024xf32>
      %get3A_924 = arith.constant 1824 : index
      %get3A_925 = arith.constant 0 : index
      %get3A_926 = vector.load %arg1[%get3A_924, %get3A_925] : memref<2048x1024xf32, #tpu.memory_space<vmem>>, vector<8x1024xf32>
      %max3A_927 = arith.maximumf %max3A_923, %get3A_926 : vector<8x1024xf32>
      %get3A_928 = arith.constant 1832 : index
      %get3A_929 = arith.constant 0 : index
      %get3A_930 = vector.load %arg1[%get3A_928, %get3A_929] : memref<2048x1024xf32, #tpu.memory_space<vmem>>, vector<8x1024xf32>
      %max3A_931 = arith.maximumf %max3A_927, %get3A_930 : vector<8x1024xf32>
      %get3A_932 = arith.constant 1840 : index
      %get3A_933 = arith.constant 0 : index
      %get3A_934 = vector.load %arg1[%get3A_932, %get3A_933] : memref<2048x1024xf32, #tpu.memory_space<vmem>>, vector<8x1024xf32>
      %max3A_935 = arith.maximumf %max3A_931, %get3A_934 : vector<8x1024xf32>
      %get3A_936 = arith.constant 1848 : index
      %get3A_937 = arith.constant 0 : index
      %get3A_938 = vector.load %arg1[%get3A_936, %get3A_937] : memref<2048x1024xf32, #tpu.memory_space<vmem>>, vector<8x1024xf32>
      %max3A_939 = arith.maximumf %max3A_935, %get3A_938 : vector<8x1024xf32>
      %get3A_940 = arith.constant 1856 : index
      %get3A_941 = arith.constant 0 : index
      %get3A_942 = vector.load %arg1[%get3A_940, %get3A_941] : memref<2048x1024xf32, #tpu.memory_space<vmem>>, vector<8x1024xf32>
      %max3A_943 = arith.maximumf %max3A_939, %get3A_942 : vector<8x1024xf32>
      %get3A_944 = arith.constant 1864 : index
      %get3A_945 = arith.constant 0 : index
      %get3A_946 = vector.load %arg1[%get3A_944, %get3A_945] : memref<2048x1024xf32, #tpu.memory_space<vmem>>, vector<8x1024xf32>
      %max3A_947 = arith.maximumf %max3A_943, %get3A_946 : vector<8x1024xf32>
      %get3A_948 = arith.constant 1872 : index
      %get3A_949 = arith.constant 0 : index
      %get3A_950 = vector.load %arg1[%get3A_948, %get3A_949] : memref<2048x1024xf32, #tpu.memory_space<vmem>>, vector<8x1024xf32>
      %max3A_951 = arith.maximumf %max3A_947, %get3A_950 : vector<8x1024xf32>
      %get3A_952 = arith.constant 1880 : index
      %get3A_953 = arith.constant 0 : index
      %get3A_954 = vector.load %arg1[%get3A_952, %get3A_953] : memref<2048x1024xf32, #tpu.memory_space<vmem>>, vector<8x1024xf32>
      %max3A_955 = arith.maximumf %max3A_951, %get3A_954 : vector<8x1024xf32>
      %get3A_956 = arith.constant 1888 : index
      %get3A_957 = arith.constant 0 : index
      %get3A_958 = vector.load %arg1[%get3A_956, %get3A_957] : memref<2048x1024xf32, #tpu.memory_space<vmem>>, vector<8x1024xf32>
      %max3A_959 = arith.maximumf %max3A_955, %get3A_958 : vector<8x1024xf32>
      %get3A_960 = arith.constant 1896 : index
      %get3A_961 = arith.constant 0 : index
      %get3A_962 = vector.load %arg1[%get3A_960, %get3A_961] : memref<2048x1024xf32, #tpu.memory_space<vmem>>, vector<8x1024xf32>
      %max3A_963 = arith.maximumf %max3A_959, %get3A_962 : vector<8x1024xf32>
      %get3A_964 = arith.constant 1904 : index
      %get3A_965 = arith.constant 0 : index
      %get3A_966 = vector.load %arg1[%get3A_964, %get3A_965] : memref<2048x1024xf32, #tpu.memory_space<vmem>>, vector<8x1024xf32>
      %max3A_967 = arith.maximumf %max3A_963, %get3A_966 : vector<8x1024xf32>
      %get3A_968 = arith.constant 1912 : index
      %get3A_969 = arith.constant 0 : index
      %get3A_970 = vector.load %arg1[%get3A_968, %get3A_969] : memref<2048x1024xf32, #tpu.memory_space<vmem>>, vector<8x1024xf32>
      %max3A_971 = arith.maximumf %max3A_967, %get3A_970 : vector<8x1024xf32>
      %get3A_972 = arith.constant 1920 : index
      %get3A_973 = arith.constant 0 : index
      %get3A_974 = vector.load %arg1[%get3A_972, %get3A_973] : memref<2048x1024xf32, #tpu.memory_space<vmem>>, vector<8x1024xf32>
      %max3A_975 = arith.maximumf %max3A_971, %get3A_974 : vector<8x1024xf32>
      %get3A_976 = arith.constant 1928 : index
      %get3A_977 = arith.constant 0 : index
      %get3A_978 = vector.load %arg1[%get3A_976, %get3A_977] : memref<2048x1024xf32, #tpu.memory_space<vmem>>, vector<8x1024xf32>
      %max3A_979 = arith.maximumf %max3A_975, %get3A_978 : vector<8x1024xf32>
      %get3A_980 = arith.constant 1936 : index
      %get3A_981 = arith.constant 0 : index
      %get3A_982 = vector.load %arg1[%get3A_980, %get3A_981] : memref<2048x1024xf32, #tpu.memory_space<vmem>>, vector<8x1024xf32>
      %max3A_983 = arith.maximumf %max3A_979, %get3A_982 : vector<8x1024xf32>
      %get3A_984 = arith.constant 1944 : index
      %get3A_985 = arith.constant 0 : index
      %get3A_986 = vector.load %arg1[%get3A_984, %get3A_985] : memref<2048x1024xf32, #tpu.memory_space<vmem>>, vector<8x1024xf32>
      %max3A_987 = arith.maximumf %max3A_983, %get3A_986 : vector<8x1024xf32>
      %get3A_988 = arith.constant 1952 : index
      %get3A_989 = arith.constant 0 : index
      %get3A_990 = vector.load %arg1[%get3A_988, %get3A_989] : memref<2048x1024xf32, #tpu.memory_space<vmem>>, vector<8x1024xf32>
      %max3A_991 = arith.maximumf %max3A_987, %get3A_990 : vector<8x1024xf32>
      %get3A_992 = arith.constant 1960 : index
      %get3A_993 = arith.constant 0 : index
      %get3A_994 = vector.load %arg1[%get3A_992, %get3A_993] : memref<2048x1024xf32, #tpu.memory_space<vmem>>, vector<8x1024xf32>
      %max3A_995 = arith.maximumf %max3A_991, %get3A_994 : vector<8x1024xf32>
      %get3A_996 = arith.constant 1968 : index
      %get3A_997 = arith.constant 0 : index
      %get3A_998 = vector.load %arg1[%get3A_996, %get3A_997] : memref<2048x1024xf32, #tpu.memory_space<vmem>>, vector<8x1024xf32>
      %max3A_999 = arith.maximumf %max3A_995, %get3A_998 : vector<8x1024xf32>
      %get3A_1000 = arith.constant 1976 : index
      %get3A_1001 = arith.constant 0 : index
      %get3A_1002 = vector.load %arg1[%get3A_1000, %get3A_1001] : memref<2048x1024xf32, #tpu.memory_space<vmem>>, vector<8x1024xf32>
      %max3A_1003 = arith.maximumf %max3A_999, %get3A_1002 : vector<8x1024xf32>
      %get3A_1004 = arith.constant 1984 : index
      %get3A_1005 = arith.constant 0 : index
      %get3A_1006 = vector.load %arg1[%get3A_1004, %get3A_1005] : memref<2048x1024xf32, #tpu.memory_space<vmem>>, vector<8x1024xf32>
      %max3A_1007 = arith.maximumf %max3A_1003, %get3A_1006 : vector<8x1024xf32>
      %get3A_1008 = arith.constant 1992 : index
      %get3A_1009 = arith.constant 0 : index
      %get3A_1010 = vector.load %arg1[%get3A_1008, %get3A_1009] : memref<2048x1024xf32, #tpu.memory_space<vmem>>, vector<8x1024xf32>
      %max3A_1011 = arith.maximumf %max3A_1007, %get3A_1010 : vector<8x1024xf32>
      %get3A_1012 = arith.constant 2000 : index
      %get3A_1013 = arith.constant 0 : index
      %get3A_1014 = vector.load %arg1[%get3A_1012, %get3A_1013] : memref<2048x1024xf32, #tpu.memory_space<vmem>>, vector<8x1024xf32>
      %max3A_1015 = arith.maximumf %max3A_1011, %get3A_1014 : vector<8x1024xf32>
      %get3A_1016 = arith.constant 2008 : index
      %get3A_1017 = arith.constant 0 : index
      %get3A_1018 = vector.load %arg1[%get3A_1016, %get3A_1017] : memref<2048x1024xf32, #tpu.memory_space<vmem>>, vector<8x1024xf32>
      %max3A_1019 = arith.maximumf %max3A_1015, %get3A_1018 : vector<8x1024xf32>
      %get3A_1020 = arith.constant 2016 : index
      %get3A_1021 = arith.constant 0 : index
      %get3A_1022 = vector.load %arg1[%get3A_1020, %get3A_1021] : memref<2048x1024xf32, #tpu.memory_space<vmem>>, vector<8x1024xf32>
      %max3A_1023 = arith.maximumf %max3A_1019, %get3A_1022 : vector<8x1024xf32>
      %get3A_1024 = arith.constant 2024 : index
      %get3A_1025 = arith.constant 0 : index
      %get3A_1026 = vector.load %arg1[%get3A_1024, %get3A_1025] : memref<2048x1024xf32, #tpu.memory_space<vmem>>, vector<8x1024xf32>
      %max3A_1027 = arith.maximumf %max3A_1023, %get3A_1026 : vector<8x1024xf32>
      %get3A_1028 = arith.constant 2032 : index
      %get3A_1029 = arith.constant 0 : index
      %get3A_1030 = vector.load %arg1[%get3A_1028, %get3A_1029] : memref<2048x1024xf32, #tpu.memory_space<vmem>>, vector<8x1024xf32>
      %max3A_1031 = arith.maximumf %max3A_1027, %get3A_1030 : vector<8x1024xf32>
      %get3A_1032 = arith.constant 2040 : index
      %get3A_1033 = arith.constant 0 : index
      %get3A_1034 = vector.load %arg1[%get3A_1032, %get3A_1033] : memref<2048x1024xf32, #tpu.memory_space<vmem>>, vector<8x1024xf32>
      %max3A_1035 = arith.maximumf %max3A_1031, %get3A_1034 : vector<8x1024xf32>
      %get3A_1036 = arith.constant 0 : index
      %get3A_1037 = arith.constant 0 : index
      %get3A_1038 = vector.load %arg3[%get3A_1036, %get3A_1037] : memref<8x1024xf32, #tpu.memory_space<vmem>>, vector<8x1024xf32>
      %sub3A = arith.subf %get3A_12, %max3A_1035 : vector<8x1024xf32>
      %mul3A = arith.constant 43.2808495 : f32
      %mul3A_1039 = vector.broadcast %mul3A : f32 to vector<8x1024xf32>
      %mul3A_1040 = arith.mulf %mul3A_1039, %sub3A : vector<8x1024xf32>
      %exp23A = math.exp2 %mul3A_1040 : vector<8x1024xf32>
      %mul3A_1041 = arith.mulf %get3A_1038, %exp23A : vector<8x1024xf32>
      %get3A_1042 = arith.constant 0 : index
      %get3A_1043 = arith.constant 0 : index
      %get3A_1044 = vector.load %arg1[%get3A_1042, %get3A_1043] : memref<2048x1024xf32, #tpu.memory_space<vmem>>, vector<8x1024xf32>
      %sub3A_1045 = arith.subf %get3A_1044, %max3A_1035 : vector<8x1024xf32>
      %mul3A_1046 = arith.constant 43.2808495 : f32
      %mul3A_1047 = vector.broadcast %mul3A_1046 : f32 to vector<8x1024xf32>
      %mul3A_1048 = arith.mulf %mul3A_1047, %sub3A_1045 : vector<8x1024xf32>
      %exp23A_1049 = math.exp2 %mul3A_1048 : vector<8x1024xf32>
      %add3A = arith.addf %mul3A_1041, %exp23A_1049 : vector<8x1024xf32>
      %get3A_1050 = arith.constant 8 : index
      %get3A_1051 = arith.constant 0 : index
      %get3A_1052 = vector.load %arg1[%get3A_1050, %get3A_1051] : memref<2048x1024xf32, #tpu.memory_space<vmem>>, vector<8x1024xf32>
      %sub3A_1053 = arith.subf %get3A_1052, %max3A_1035 : vector<8x1024xf32>
      %mul3A_1054 = arith.constant 43.2808495 : f32
      %mul3A_1055 = vector.broadcast %mul3A_1054 : f32 to vector<8x1024xf32>
      %mul3A_1056 = arith.mulf %mul3A_1055, %sub3A_1053 : vector<8x1024xf32>
      %exp23A_1057 = math.exp2 %mul3A_1056 : vector<8x1024xf32>
      %add3A_1058 = arith.addf %add3A, %exp23A_1057 : vector<8x1024xf32>
      %get3A_1059 = arith.constant 16 : index
      %get3A_1060 = arith.constant 0 : index
      %get3A_1061 = vector.load %arg1[%get3A_1059, %get3A_1060] : memref<2048x1024xf32, #tpu.memory_space<vmem>>, vector<8x1024xf32>
      %sub3A_1062 = arith.subf %get3A_1061, %max3A_1035 : vector<8x1024xf32>
      %mul3A_1063 = arith.constant 43.2808495 : f32
      %mul3A_1064 = vector.broadcast %mul3A_1063 : f32 to vector<8x1024xf32>
      %mul3A_1065 = arith.mulf %mul3A_1064, %sub3A_1062 : vector<8x1024xf32>
      %exp23A_1066 = math.exp2 %mul3A_1065 : vector<8x1024xf32>
      %add3A_1067 = arith.addf %add3A_1058, %exp23A_1066 : vector<8x1024xf32>
      %get3A_1068 = arith.constant 24 : index
      %get3A_1069 = arith.constant 0 : index
      %get3A_1070 = vector.load %arg1[%get3A_1068, %get3A_1069] : memref<2048x1024xf32, #tpu.memory_space<vmem>>, vector<8x1024xf32>
      %sub3A_1071 = arith.subf %get3A_1070, %max3A_1035 : vector<8x1024xf32>
      %mul3A_1072 = arith.constant 43.2808495 : f32
      %mul3A_1073 = vector.broadcast %mul3A_1072 : f32 to vector<8x1024xf32>
      %mul3A_1074 = arith.mulf %mul3A_1073, %sub3A_1071 : vector<8x1024xf32>
      %exp23A_1075 = math.exp2 %mul3A_1074 : vector<8x1024xf32>
      %add3A_1076 = arith.addf %add3A_1067, %exp23A_1075 : vector<8x1024xf32>
      %get3A_1077 = arith.constant 32 : index
      %get3A_1078 = arith.constant 0 : index
      %get3A_1079 = vector.load %arg1[%get3A_1077, %get3A_1078] : memref<2048x1024xf32, #tpu.memory_space<vmem>>, vector<8x1024xf32>
      %sub3A_1080 = arith.subf %get3A_1079, %max3A_1035 : vector<8x1024xf32>
      %mul3A_1081 = arith.constant 43.2808495 : f32
      %mul3A_1082 = vector.broadcast %mul3A_1081 : f32 to vector<8x1024xf32>
      %mul3A_1083 = arith.mulf %mul3A_1082, %sub3A_1080 : vector<8x1024xf32>
      %exp23A_1084 = math.exp2 %mul3A_1083 : vector<8x1024xf32>
      %add3A_1085 = arith.addf %add3A_1076, %exp23A_1084 : vector<8x1024xf32>
      %get3A_1086 = arith.constant 40 : index
      %get3A_1087 = arith.constant 0 : index
      %get3A_1088 = vector.load %arg1[%get3A_1086, %get3A_1087] : memref<2048x1024xf32, #tpu.memory_space<vmem>>, vector<8x1024xf32>
      %sub3A_1089 = arith.subf %get3A_1088, %max3A_1035 : vector<8x1024xf32>
      %mul3A_1090 = arith.constant 43.2808495 : f32
      %mul3A_1091 = vector.broadcast %mul3A_1090 : f32 to vector<8x1024xf32>
      %mul3A_1092 = arith.mulf %mul3A_1091, %sub3A_1089 : vector<8x1024xf32>
      %exp23A_1093 = math.exp2 %mul3A_1092 : vector<8x1024xf32>
      %add3A_1094 = arith.addf %add3A_1085, %exp23A_1093 : vector<8x1024xf32>
      %get3A_1095 = arith.constant 48 : index
      %get3A_1096 = arith.constant 0 : index
      %get3A_1097 = vector.load %arg1[%get3A_1095, %get3A_1096] : memref<2048x1024xf32, #tpu.memory_space<vmem>>, vector<8x1024xf32>
      %sub3A_1098 = arith.subf %get3A_1097, %max3A_1035 : vector<8x1024xf32>
      %mul3A_1099 = arith.constant 43.2808495 : f32
      %mul3A_1100 = vector.broadcast %mul3A_1099 : f32 to vector<8x1024xf32>
      %mul3A_1101 = arith.mulf %mul3A_1100, %sub3A_1098 : vector<8x1024xf32>
      %exp23A_1102 = math.exp2 %mul3A_1101 : vector<8x1024xf32>
      %add3A_1103 = arith.addf %add3A_1094, %exp23A_1102 : vector<8x1024xf32>
      %get3A_1104 = arith.constant 56 : index
      %get3A_1105 = arith.constant 0 : index
      %get3A_1106 = vector.load %arg1[%get3A_1104, %get3A_1105] : memref<2048x1024xf32, #tpu.memory_space<vmem>>, vector<8x1024xf32>
      %sub3A_1107 = arith.subf %get3A_1106, %max3A_1035 : vector<8x1024xf32>
      %mul3A_1108 = arith.constant 43.2808495 : f32
      %mul3A_1109 = vector.broadcast %mul3A_1108 : f32 to vector<8x1024xf32>
      %mul3A_1110 = arith.mulf %mul3A_1109, %sub3A_1107 : vector<8x1024xf32>
      %exp23A_1111 = math.exp2 %mul3A_1110 : vector<8x1024xf32>
      %add3A_1112 = arith.addf %add3A_1103, %exp23A_1111 : vector<8x1024xf32>
      %get3A_1113 = arith.constant 64 : index
      %get3A_1114 = arith.constant 0 : index
      %get3A_1115 = vector.load %arg1[%get3A_1113, %get3A_1114] : memref<2048x1024xf32, #tpu.memory_space<vmem>>, vector<8x1024xf32>
      %sub3A_1116 = arith.subf %get3A_1115, %max3A_1035 : vector<8x1024xf32>
      %mul3A_1117 = arith.constant 43.2808495 : f32
      %mul3A_1118 = vector.broadcast %mul3A_1117 : f32 to vector<8x1024xf32>
      %mul3A_1119 = arith.mulf %mul3A_1118, %sub3A_1116 : vector<8x1024xf32>
      %exp23A_1120 = math.exp2 %mul3A_1119 : vector<8x1024xf32>
      %add3A_1121 = arith.addf %add3A_1112, %exp23A_1120 : vector<8x1024xf32>
      %get3A_1122 = arith.constant 72 : index
      %get3A_1123 = arith.constant 0 : index
      %get3A_1124 = vector.load %arg1[%get3A_1122, %get3A_1123] : memref<2048x1024xf32, #tpu.memory_space<vmem>>, vector<8x1024xf32>
      %sub3A_1125 = arith.subf %get3A_1124, %max3A_1035 : vector<8x1024xf32>
      %mul3A_1126 = arith.constant 43.2808495 : f32
      %mul3A_1127 = vector.broadcast %mul3A_1126 : f32 to vector<8x1024xf32>
      %mul3A_1128 = arith.mulf %mul3A_1127, %sub3A_1125 : vector<8x1024xf32>
      %exp23A_1129 = math.exp2 %mul3A_1128 : vector<8x1024xf32>
      %add3A_1130 = arith.addf %add3A_1121, %exp23A_1129 : vector<8x1024xf32>
      %get3A_1131 = arith.constant 80 : index
      %get3A_1132 = arith.constant 0 : index
      %get3A_1133 = vector.load %arg1[%get3A_1131, %get3A_1132] : memref<2048x1024xf32, #tpu.memory_space<vmem>>, vector<8x1024xf32>
      %sub3A_1134 = arith.subf %get3A_1133, %max3A_1035 : vector<8x1024xf32>
      %mul3A_1135 = arith.constant 43.2808495 : f32
      %mul3A_1136 = vector.broadcast %mul3A_1135 : f32 to vector<8x1024xf32>
      %mul3A_1137 = arith.mulf %mul3A_1136, %sub3A_1134 : vector<8x1024xf32>
      %exp23A_1138 = math.exp2 %mul3A_1137 : vector<8x1024xf32>
      %add3A_1139 = arith.addf %add3A_1130, %exp23A_1138 : vector<8x1024xf32>
      %get3A_1140 = arith.constant 88 : index
      %get3A_1141 = arith.constant 0 : index
      %get3A_1142 = vector.load %arg1[%get3A_1140, %get3A_1141] : memref<2048x1024xf32, #tpu.memory_space<vmem>>, vector<8x1024xf32>
      %sub3A_1143 = arith.subf %get3A_1142, %max3A_1035 : vector<8x1024xf32>
      %mul3A_1144 = arith.constant 43.2808495 : f32
      %mul3A_1145 = vector.broadcast %mul3A_1144 : f32 to vector<8x1024xf32>
      %mul3A_1146 = arith.mulf %mul3A_1145, %sub3A_1143 : vector<8x1024xf32>
      %exp23A_1147 = math.exp2 %mul3A_1146 : vector<8x1024xf32>
      %add3A_1148 = arith.addf %add3A_1139, %exp23A_1147 : vector<8x1024xf32>
      %get3A_1149 = arith.constant 96 : index
      %get3A_1150 = arith.constant 0 : index
      %get3A_1151 = vector.load %arg1[%get3A_1149, %get3A_1150] : memref<2048x1024xf32, #tpu.memory_space<vmem>>, vector<8x1024xf32>
      %sub3A_1152 = arith.subf %get3A_1151, %max3A_1035 : vector<8x1024xf32>
      %mul3A_1153 = arith.constant 43.2808495 : f32
      %mul3A_1154 = vector.broadcast %mul3A_1153 : f32 to vector<8x1024xf32>
      %mul3A_1155 = arith.mulf %mul3A_1154, %sub3A_1152 : vector<8x1024xf32>
      %exp23A_1156 = math.exp2 %mul3A_1155 : vector<8x1024xf32>
      %add3A_1157 = arith.addf %add3A_1148, %exp23A_1156 : vector<8x1024xf32>
      %get3A_1158 = arith.constant 104 : index
      %get3A_1159 = arith.constant 0 : index
      %get3A_1160 = vector.load %arg1[%get3A_1158, %get3A_1159] : memref<2048x1024xf32, #tpu.memory_space<vmem>>, vector<8x1024xf32>
      %sub3A_1161 = arith.subf %get3A_1160, %max3A_1035 : vector<8x1024xf32>
      %mul3A_1162 = arith.constant 43.2808495 : f32
      %mul3A_1163 = vector.broadcast %mul3A_1162 : f32 to vector<8x1024xf32>
      %mul3A_1164 = arith.mulf %mul3A_1163, %sub3A_1161 : vector<8x1024xf32>
      %exp23A_1165 = math.exp2 %mul3A_1164 : vector<8x1024xf32>
      %add3A_1166 = arith.addf %add3A_1157, %exp23A_1165 : vector<8x1024xf32>
      %get3A_1167 = arith.constant 112 : index
      %get3A_1168 = arith.constant 0 : index
      %get3A_1169 = vector.load %arg1[%get3A_1167, %get3A_1168] : memref<2048x1024xf32, #tpu.memory_space<vmem>>, vector<8x1024xf32>
      %sub3A_1170 = arith.subf %get3A_1169, %max3A_1035 : vector<8x1024xf32>
      %mul3A_1171 = arith.constant 43.2808495 : f32
      %mul3A_1172 = vector.broadcast %mul3A_1171 : f32 to vector<8x1024xf32>
      %mul3A_1173 = arith.mulf %mul3A_1172, %sub3A_1170 : vector<8x1024xf32>
      %exp23A_1174 = math.exp2 %mul3A_1173 : vector<8x1024xf32>
      %add3A_1175 = arith.addf %add3A_1166, %exp23A_1174 : vector<8x1024xf32>
      %get3A_1176 = arith.constant 120 : index
      %get3A_1177 = arith.constant 0 : index
      %get3A_1178 = vector.load %arg1[%get3A_1176, %get3A_1177] : memref<2048x1024xf32, #tpu.memory_space<vmem>>, vector<8x1024xf32>
      %sub3A_1179 = arith.subf %get3A_1178, %max3A_1035 : vector<8x1024xf32>
      %mul3A_1180 = arith.constant 43.2808495 : f32
      %mul3A_1181 = vector.broadcast %mul3A_1180 : f32 to vector<8x1024xf32>
      %mul3A_1182 = arith.mulf %mul3A_1181, %sub3A_1179 : vector<8x1024xf32>
      %exp23A_1183 = math.exp2 %mul3A_1182 : vector<8x1024xf32>
      %add3A_1184 = arith.addf %add3A_1175, %exp23A_1183 : vector<8x1024xf32>
      %get3A_1185 = arith.constant 128 : index
      %get3A_1186 = arith.constant 0 : index
      %get3A_1187 = vector.load %arg1[%get3A_1185, %get3A_1186] : memref<2048x1024xf32, #tpu.memory_space<vmem>>, vector<8x1024xf32>
      %sub3A_1188 = arith.subf %get3A_1187, %max3A_1035 : vector<8x1024xf32>
      %mul3A_1189 = arith.constant 43.2808495 : f32
      %mul3A_1190 = vector.broadcast %mul3A_1189 : f32 to vector<8x1024xf32>
      %mul3A_1191 = arith.mulf %mul3A_1190, %sub3A_1188 : vector<8x1024xf32>
      %exp23A_1192 = math.exp2 %mul3A_1191 : vector<8x1024xf32>
      %add3A_1193 = arith.addf %add3A_1184, %exp23A_1192 : vector<8x1024xf32>
      %get3A_1194 = arith.constant 136 : index
      %get3A_1195 = arith.constant 0 : index
      %get3A_1196 = vector.load %arg1[%get3A_1194, %get3A_1195] : memref<2048x1024xf32, #tpu.memory_space<vmem>>, vector<8x1024xf32>
      %sub3A_1197 = arith.subf %get3A_1196, %max3A_1035 : vector<8x1024xf32>
      %mul3A_1198 = arith.constant 43.2808495 : f32
      %mul3A_1199 = vector.broadcast %mul3A_1198 : f32 to vector<8x1024xf32>
      %mul3A_1200 = arith.mulf %mul3A_1199, %sub3A_1197 : vector<8x1024xf32>
      %exp23A_1201 = math.exp2 %mul3A_1200 : vector<8x1024xf32>
      %add3A_1202 = arith.addf %add3A_1193, %exp23A_1201 : vector<8x1024xf32>
      %get3A_1203 = arith.constant 144 : index
      %get3A_1204 = arith.constant 0 : index
      %get3A_1205 = vector.load %arg1[%get3A_1203, %get3A_1204] : memref<2048x1024xf32, #tpu.memory_space<vmem>>, vector<8x1024xf32>
      %sub3A_1206 = arith.subf %get3A_1205, %max3A_1035 : vector<8x1024xf32>
      %mul3A_1207 = arith.constant 43.2808495 : f32
      %mul3A_1208 = vector.broadcast %mul3A_1207 : f32 to vector<8x1024xf32>
      %mul3A_1209 = arith.mulf %mul3A_1208, %sub3A_1206 : vector<8x1024xf32>
      %exp23A_1210 = math.exp2 %mul3A_1209 : vector<8x1024xf32>
      %add3A_1211 = arith.addf %add3A_1202, %exp23A_1210 : vector<8x1024xf32>
      %get3A_1212 = arith.constant 152 : index
      %get3A_1213 = arith.constant 0 : index
      %get3A_1214 = vector.load %arg1[%get3A_1212, %get3A_1213] : memref<2048x1024xf32, #tpu.memory_space<vmem>>, vector<8x1024xf32>
      %sub3A_1215 = arith.subf %get3A_1214, %max3A_1035 : vector<8x1024xf32>
      %mul3A_1216 = arith.constant 43.2808495 : f32
      %mul3A_1217 = vector.broadcast %mul3A_1216 : f32 to vector<8x1024xf32>
      %mul3A_1218 = arith.mulf %mul3A_1217, %sub3A_1215 : vector<8x1024xf32>
      %exp23A_1219 = math.exp2 %mul3A_1218 : vector<8x1024xf32>
      %add3A_1220 = arith.addf %add3A_1211, %exp23A_1219 : vector<8x1024xf32>
      %get3A_1221 = arith.constant 160 : index
      %get3A_1222 = arith.constant 0 : index
      %get3A_1223 = vector.load %arg1[%get3A_1221, %get3A_1222] : memref<2048x1024xf32, #tpu.memory_space<vmem>>, vector<8x1024xf32>
      %sub3A_1224 = arith.subf %get3A_1223, %max3A_1035 : vector<8x1024xf32>
      %mul3A_1225 = arith.constant 43.2808495 : f32
      %mul3A_1226 = vector.broadcast %mul3A_1225 : f32 to vector<8x1024xf32>
      %mul3A_1227 = arith.mulf %mul3A_1226, %sub3A_1224 : vector<8x1024xf32>
      %exp23A_1228 = math.exp2 %mul3A_1227 : vector<8x1024xf32>
      %add3A_1229 = arith.addf %add3A_1220, %exp23A_1228 : vector<8x1024xf32>
      %get3A_1230 = arith.constant 168 : index
      %get3A_1231 = arith.constant 0 : index
      %get3A_1232 = vector.load %arg1[%get3A_1230, %get3A_1231] : memref<2048x1024xf32, #tpu.memory_space<vmem>>, vector<8x1024xf32>
      %sub3A_1233 = arith.subf %get3A_1232, %max3A_1035 : vector<8x1024xf32>
      %mul3A_1234 = arith.constant 43.2808495 : f32
      %mul3A_1235 = vector.broadcast %mul3A_1234 : f32 to vector<8x1024xf32>
      %mul3A_1236 = arith.mulf %mul3A_1235, %sub3A_1233 : vector<8x1024xf32>
      %exp23A_1237 = math.exp2 %mul3A_1236 : vector<8x1024xf32>
      %add3A_1238 = arith.addf %add3A_1229, %exp23A_1237 : vector<8x1024xf32>
      %get3A_1239 = arith.constant 176 : index
      %get3A_1240 = arith.constant 0 : index
      %get3A_1241 = vector.load %arg1[%get3A_1239, %get3A_1240] : memref<2048x1024xf32, #tpu.memory_space<vmem>>, vector<8x1024xf32>
      %sub3A_1242 = arith.subf %get3A_1241, %max3A_1035 : vector<8x1024xf32>
      %mul3A_1243 = arith.constant 43.2808495 : f32
      %mul3A_1244 = vector.broadcast %mul3A_1243 : f32 to vector<8x1024xf32>
      %mul3A_1245 = arith.mulf %mul3A_1244, %sub3A_1242 : vector<8x1024xf32>
      %exp23A_1246 = math.exp2 %mul3A_1245 : vector<8x1024xf32>
      %add3A_1247 = arith.addf %add3A_1238, %exp23A_1246 : vector<8x1024xf32>
      %get3A_1248 = arith.constant 184 : index
      %get3A_1249 = arith.constant 0 : index
      %get3A_1250 = vector.load %arg1[%get3A_1248, %get3A_1249] : memref<2048x1024xf32, #tpu.memory_space<vmem>>, vector<8x1024xf32>
      %sub3A_1251 = arith.subf %get3A_1250, %max3A_1035 : vector<8x1024xf32>
      %mul3A_1252 = arith.constant 43.2808495 : f32
      %mul3A_1253 = vector.broadcast %mul3A_1252 : f32 to vector<8x1024xf32>
      %mul3A_1254 = arith.mulf %mul3A_1253, %sub3A_1251 : vector<8x1024xf32>
      %exp23A_1255 = math.exp2 %mul3A_1254 : vector<8x1024xf32>
      %add3A_1256 = arith.addf %add3A_1247, %exp23A_1255 : vector<8x1024xf32>
      %get3A_1257 = arith.constant 192 : index
      %get3A_1258 = arith.constant 0 : index
      %get3A_1259 = vector.load %arg1[%get3A_1257, %get3A_1258] : memref<2048x1024xf32, #tpu.memory_space<vmem>>, vector<8x1024xf32>
      %sub3A_1260 = arith.subf %get3A_1259, %max3A_1035 : vector<8x1024xf32>
      %mul3A_1261 = arith.constant 43.2808495 : f32
      %mul3A_1262 = vector.broadcast %mul3A_1261 : f32 to vector<8x1024xf32>
      %mul3A_1263 = arith.mulf %mul3A_1262, %sub3A_1260 : vector<8x1024xf32>
      %exp23A_1264 = math.exp2 %mul3A_1263 : vector<8x1024xf32>
      %add3A_1265 = arith.addf %add3A_1256, %exp23A_1264 : vector<8x1024xf32>
      %get3A_1266 = arith.constant 200 : index
      %get3A_1267 = arith.constant 0 : index
      %get3A_1268 = vector.load %arg1[%get3A_1266, %get3A_1267] : memref<2048x1024xf32, #tpu.memory_space<vmem>>, vector<8x1024xf32>
      %sub3A_1269 = arith.subf %get3A_1268, %max3A_1035 : vector<8x1024xf32>
      %mul3A_1270 = arith.constant 43.2808495 : f32
      %mul3A_1271 = vector.broadcast %mul3A_1270 : f32 to vector<8x1024xf32>
      %mul3A_1272 = arith.mulf %mul3A_1271, %sub3A_1269 : vector<8x1024xf32>
      %exp23A_1273 = math.exp2 %mul3A_1272 : vector<8x1024xf32>
      %add3A_1274 = arith.addf %add3A_1265, %exp23A_1273 : vector<8x1024xf32>
      %get3A_1275 = arith.constant 208 : index
      %get3A_1276 = arith.constant 0 : index
      %get3A_1277 = vector.load %arg1[%get3A_1275, %get3A_1276] : memref<2048x1024xf32, #tpu.memory_space<vmem>>, vector<8x1024xf32>
      %sub3A_1278 = arith.subf %get3A_1277, %max3A_1035 : vector<8x1024xf32>
      %mul3A_1279 = arith.constant 43.2808495 : f32
      %mul3A_1280 = vector.broadcast %mul3A_1279 : f32 to vector<8x1024xf32>
      %mul3A_1281 = arith.mulf %mul3A_1280, %sub3A_1278 : vector<8x1024xf32>
      %exp23A_1282 = math.exp2 %mul3A_1281 : vector<8x1024xf32>
      %add3A_1283 = arith.addf %add3A_1274, %exp23A_1282 : vector<8x1024xf32>
      %get3A_1284 = arith.constant 216 : index
      %get3A_1285 = arith.constant 0 : index
      %get3A_1286 = vector.load %arg1[%get3A_1284, %get3A_1285] : memref<2048x1024xf32, #tpu.memory_space<vmem>>, vector<8x1024xf32>
      %sub3A_1287 = arith.subf %get3A_1286, %max3A_1035 : vector<8x1024xf32>
      %mul3A_1288 = arith.constant 43.2808495 : f32
      %mul3A_1289 = vector.broadcast %mul3A_1288 : f32 to vector<8x1024xf32>
      %mul3A_1290 = arith.mulf %mul3A_1289, %sub3A_1287 : vector<8x1024xf32>
      %exp23A_1291 = math.exp2 %mul3A_1290 : vector<8x1024xf32>
      %add3A_1292 = arith.addf %add3A_1283, %exp23A_1291 : vector<8x1024xf32>
      %get3A_1293 = arith.constant 224 : index
      %get3A_1294 = arith.constant 0 : index
      %get3A_1295 = vector.load %arg1[%get3A_1293, %get3A_1294] : memref<2048x1024xf32, #tpu.memory_space<vmem>>, vector<8x1024xf32>
      %sub3A_1296 = arith.subf %get3A_1295, %max3A_1035 : vector<8x1024xf32>
      %mul3A_1297 = arith.constant 43.2808495 : f32
      %mul3A_1298 = vector.broadcast %mul3A_1297 : f32 to vector<8x1024xf32>
      %mul3A_1299 = arith.mulf %mul3A_1298, %sub3A_1296 : vector<8x1024xf32>
      %exp23A_1300 = math.exp2 %mul3A_1299 : vector<8x1024xf32>
      %add3A_1301 = arith.addf %add3A_1292, %exp23A_1300 : vector<8x1024xf32>
      %get3A_1302 = arith.constant 232 : index
      %get3A_1303 = arith.constant 0 : index
      %get3A_1304 = vector.load %arg1[%get3A_1302, %get3A_1303] : memref<2048x1024xf32, #tpu.memory_space<vmem>>, vector<8x1024xf32>
      %sub3A_1305 = arith.subf %get3A_1304, %max3A_1035 : vector<8x1024xf32>
      %mul3A_1306 = arith.constant 43.2808495 : f32
      %mul3A_1307 = vector.broadcast %mul3A_1306 : f32 to vector<8x1024xf32>
      %mul3A_1308 = arith.mulf %mul3A_1307, %sub3A_1305 : vector<8x1024xf32>
      %exp23A_1309 = math.exp2 %mul3A_1308 : vector<8x1024xf32>
      %add3A_1310 = arith.addf %add3A_1301, %exp23A_1309 : vector<8x1024xf32>
      %get3A_1311 = arith.constant 240 : index
      %get3A_1312 = arith.constant 0 : index
      %get3A_1313 = vector.load %arg1[%get3A_1311, %get3A_1312] : memref<2048x1024xf32, #tpu.memory_space<vmem>>, vector<8x1024xf32>
      %sub3A_1314 = arith.subf %get3A_1313, %max3A_1035 : vector<8x1024xf32>
      %mul3A_1315 = arith.constant 43.2808495 : f32
      %mul3A_1316 = vector.broadcast %mul3A_1315 : f32 to vector<8x1024xf32>
      %mul3A_1317 = arith.mulf %mul3A_1316, %sub3A_1314 : vector<8x1024xf32>
      %exp23A_1318 = math.exp2 %mul3A_1317 : vector<8x1024xf32>
      %add3A_1319 = arith.addf %add3A_1310, %exp23A_1318 : vector<8x1024xf32>
      %get3A_1320 = arith.constant 248 : index
      %get3A_1321 = arith.constant 0 : index
      %get3A_1322 = vector.load %arg1[%get3A_1320, %get3A_1321] : memref<2048x1024xf32, #tpu.memory_space<vmem>>, vector<8x1024xf32>
      %sub3A_1323 = arith.subf %get3A_1322, %max3A_1035 : vector<8x1024xf32>
      %mul3A_1324 = arith.constant 43.2808495 : f32
      %mul3A_1325 = vector.broadcast %mul3A_1324 : f32 to vector<8x1024xf32>
      %mul3A_1326 = arith.mulf %mul3A_1325, %sub3A_1323 : vector<8x1024xf32>
      %exp23A_1327 = math.exp2 %mul3A_1326 : vector<8x1024xf32>
      %add3A_1328 = arith.addf %add3A_1319, %exp23A_1327 : vector<8x1024xf32>
      %get3A_1329 = arith.constant 256 : index
      %get3A_1330 = arith.constant 0 : index
      %get3A_1331 = vector.load %arg1[%get3A_1329, %get3A_1330] : memref<2048x1024xf32, #tpu.memory_space<vmem>>, vector<8x1024xf32>
      %sub3A_1332 = arith.subf %get3A_1331, %max3A_1035 : vector<8x1024xf32>
      %mul3A_1333 = arith.constant 43.2808495 : f32
      %mul3A_1334 = vector.broadcast %mul3A_1333 : f32 to vector<8x1024xf32>
      %mul3A_1335 = arith.mulf %mul3A_1334, %sub3A_1332 : vector<8x1024xf32>
      %exp23A_1336 = math.exp2 %mul3A_1335 : vector<8x1024xf32>
      %add3A_1337 = arith.addf %add3A_1328, %exp23A_1336 : vector<8x1024xf32>
      %get3A_1338 = arith.constant 264 : index
      %get3A_1339 = arith.constant 0 : index
      %get3A_1340 = vector.load %arg1[%get3A_1338, %get3A_1339] : memref<2048x1024xf32, #tpu.memory_space<vmem>>, vector<8x1024xf32>
      %sub3A_1341 = arith.subf %get3A_1340, %max3A_1035 : vector<8x1024xf32>
      %mul3A_1342 = arith.constant 43.2808495 : f32
      %mul3A_1343 = vector.broadcast %mul3A_1342 : f32 to vector<8x1024xf32>
      %mul3A_1344 = arith.mulf %mul3A_1343, %sub3A_1341 : vector<8x1024xf32>
      %exp23A_1345 = math.exp2 %mul3A_1344 : vector<8x1024xf32>
      %add3A_1346 = arith.addf %add3A_1337, %exp23A_1345 : vector<8x1024xf32>
      %get3A_1347 = arith.constant 272 : index
      %get3A_1348 = arith.constant 0 : index
      %get3A_1349 = vector.load %arg1[%get3A_1347, %get3A_1348] : memref<2048x1024xf32, #tpu.memory_space<vmem>>, vector<8x1024xf32>
      %sub3A_1350 = arith.subf %get3A_1349, %max3A_1035 : vector<8x1024xf32>
      %mul3A_1351 = arith.constant 43.2808495 : f32
      %mul3A_1352 = vector.broadcast %mul3A_1351 : f32 to vector<8x1024xf32>
      %mul3A_1353 = arith.mulf %mul3A_1352, %sub3A_1350 : vector<8x1024xf32>
      %exp23A_1354 = math.exp2 %mul3A_1353 : vector<8x1024xf32>
      %add3A_1355 = arith.addf %add3A_1346, %exp23A_1354 : vector<8x1024xf32>
      %get3A_1356 = arith.constant 280 : index
      %get3A_1357 = arith.constant 0 : index
      %get3A_1358 = vector.load %arg1[%get3A_1356, %get3A_1357] : memref<2048x1024xf32, #tpu.memory_space<vmem>>, vector<8x1024xf32>
      %sub3A_1359 = arith.subf %get3A_1358, %max3A_1035 : vector<8x1024xf32>
      %mul3A_1360 = arith.constant 43.2808495 : f32
      %mul3A_1361 = vector.broadcast %mul3A_1360 : f32 to vector<8x1024xf32>
      %mul3A_1362 = arith.mulf %mul3A_1361, %sub3A_1359 : vector<8x1024xf32>
      %exp23A_1363 = math.exp2 %mul3A_1362 : vector<8x1024xf32>
      %add3A_1364 = arith.addf %add3A_1355, %exp23A_1363 : vector<8x1024xf32>
      %get3A_1365 = arith.constant 288 : index
      %get3A_1366 = arith.constant 0 : index
      %get3A_1367 = vector.load %arg1[%get3A_1365, %get3A_1366] : memref<2048x1024xf32, #tpu.memory_space<vmem>>, vector<8x1024xf32>
      %sub3A_1368 = arith.subf %get3A_1367, %max3A_1035 : vector<8x1024xf32>
      %mul3A_1369 = arith.constant 43.2808495 : f32
      %mul3A_1370 = vector.broadcast %mul3A_1369 : f32 to vector<8x1024xf32>
      %mul3A_1371 = arith.mulf %mul3A_1370, %sub3A_1368 : vector<8x1024xf32>
      %exp23A_1372 = math.exp2 %mul3A_1371 : vector<8x1024xf32>
      %add3A_1373 = arith.addf %add3A_1364, %exp23A_1372 : vector<8x1024xf32>
      %get3A_1374 = arith.constant 296 : index
      %get3A_1375 = arith.constant 0 : index
      %get3A_1376 = vector.load %arg1[%get3A_1374, %get3A_1375] : memref<2048x1024xf32, #tpu.memory_space<vmem>>, vector<8x1024xf32>
      %sub3A_1377 = arith.subf %get3A_1376, %max3A_1035 : vector<8x1024xf32>
      %mul3A_1378 = arith.constant 43.2808495 : f32
      %mul3A_1379 = vector.broadcast %mul3A_1378 : f32 to vector<8x1024xf32>
      %mul3A_1380 = arith.mulf %mul3A_1379, %sub3A_1377 : vector<8x1024xf32>
      %exp23A_1381 = math.exp2 %mul3A_1380 : vector<8x1024xf32>
      %add3A_1382 = arith.addf %add3A_1373, %exp23A_1381 : vector<8x1024xf32>
      %get3A_1383 = arith.constant 304 : index
      %get3A_1384 = arith.constant 0 : index
      %get3A_1385 = vector.load %arg1[%get3A_1383, %get3A_1384] : memref<2048x1024xf32, #tpu.memory_space<vmem>>, vector<8x1024xf32>
      %sub3A_1386 = arith.subf %get3A_1385, %max3A_1035 : vector<8x1024xf32>
      %mul3A_1387 = arith.constant 43.2808495 : f32
      %mul3A_1388 = vector.broadcast %mul3A_1387 : f32 to vector<8x1024xf32>
      %mul3A_1389 = arith.mulf %mul3A_1388, %sub3A_1386 : vector<8x1024xf32>
      %exp23A_1390 = math.exp2 %mul3A_1389 : vector<8x1024xf32>
      %add3A_1391 = arith.addf %add3A_1382, %exp23A_1390 : vector<8x1024xf32>
      %get3A_1392 = arith.constant 312 : index
      %get3A_1393 = arith.constant 0 : index
      %get3A_1394 = vector.load %arg1[%get3A_1392, %get3A_1393] : memref<2048x1024xf32, #tpu.memory_space<vmem>>, vector<8x1024xf32>
      %sub3A_1395 = arith.subf %get3A_1394, %max3A_1035 : vector<8x1024xf32>
      %mul3A_1396 = arith.constant 43.2808495 : f32
      %mul3A_1397 = vector.broadcast %mul3A_1396 : f32 to vector<8x1024xf32>
      %mul3A_1398 = arith.mulf %mul3A_1397, %sub3A_1395 : vector<8x1024xf32>
      %exp23A_1399 = math.exp2 %mul3A_1398 : vector<8x1024xf32>
      %add3A_1400 = arith.addf %add3A_1391, %exp23A_1399 : vector<8x1024xf32>
      %get3A_1401 = arith.constant 320 : index
      %get3A_1402 = arith.constant 0 : index
      %get3A_1403 = vector.load %arg1[%get3A_1401, %get3A_1402] : memref<2048x1024xf32, #tpu.memory_space<vmem>>, vector<8x1024xf32>
      %sub3A_1404 = arith.subf %get3A_1403, %max3A_1035 : vector<8x1024xf32>
      %mul3A_1405 = arith.constant 43.2808495 : f32
      %mul3A_1406 = vector.broadcast %mul3A_1405 : f32 to vector<8x1024xf32>
      %mul3A_1407 = arith.mulf %mul3A_1406, %sub3A_1404 : vector<8x1024xf32>
      %exp23A_1408 = math.exp2 %mul3A_1407 : vector<8x1024xf32>
      %add3A_1409 = arith.addf %add3A_1400, %exp23A_1408 : vector<8x1024xf32>
      %get3A_1410 = arith.constant 328 : index
      %get3A_1411 = arith.constant 0 : index
      %get3A_1412 = vector.load %arg1[%get3A_1410, %get3A_1411] : memref<2048x1024xf32, #tpu.memory_space<vmem>>, vector<8x1024xf32>
      %sub3A_1413 = arith.subf %get3A_1412, %max3A_1035 : vector<8x1024xf32>
      %mul3A_1414 = arith.constant 43.2808495 : f32
      %mul3A_1415 = vector.broadcast %mul3A_1414 : f32 to vector<8x1024xf32>
      %mul3A_1416 = arith.mulf %mul3A_1415, %sub3A_1413 : vector<8x1024xf32>
      %exp23A_1417 = math.exp2 %mul3A_1416 : vector<8x1024xf32>
      %add3A_1418 = arith.addf %add3A_1409, %exp23A_1417 : vector<8x1024xf32>
      %get3A_1419 = arith.constant 336 : index
      %get3A_1420 = arith.constant 0 : index
      %get3A_1421 = vector.load %arg1[%get3A_1419, %get3A_1420] : memref<2048x1024xf32, #tpu.memory_space<vmem>>, vector<8x1024xf32>
      %sub3A_1422 = arith.subf %get3A_1421, %max3A_1035 : vector<8x1024xf32>
      %mul3A_1423 = arith.constant 43.2808495 : f32
      %mul3A_1424 = vector.broadcast %mul3A_1423 : f32 to vector<8x1024xf32>
      %mul3A_1425 = arith.mulf %mul3A_1424, %sub3A_1422 : vector<8x1024xf32>
      %exp23A_1426 = math.exp2 %mul3A_1425 : vector<8x1024xf32>
      %add3A_1427 = arith.addf %add3A_1418, %exp23A_1426 : vector<8x1024xf32>
      %get3A_1428 = arith.constant 344 : index
      %get3A_1429 = arith.constant 0 : index
      %get3A_1430 = vector.load %arg1[%get3A_1428, %get3A_1429] : memref<2048x1024xf32, #tpu.memory_space<vmem>>, vector<8x1024xf32>
      %sub3A_1431 = arith.subf %get3A_1430, %max3A_1035 : vector<8x1024xf32>
      %mul3A_1432 = arith.constant 43.2808495 : f32
      %mul3A_1433 = vector.broadcast %mul3A_1432 : f32 to vector<8x1024xf32>
      %mul3A_1434 = arith.mulf %mul3A_1433, %sub3A_1431 : vector<8x1024xf32>
      %exp23A_1435 = math.exp2 %mul3A_1434 : vector<8x1024xf32>
      %add3A_1436 = arith.addf %add3A_1427, %exp23A_1435 : vector<8x1024xf32>
      %get3A_1437 = arith.constant 352 : index
      %get3A_1438 = arith.constant 0 : index
      %get3A_1439 = vector.load %arg1[%get3A_1437, %get3A_1438] : memref<2048x1024xf32, #tpu.memory_space<vmem>>, vector<8x1024xf32>
      %sub3A_1440 = arith.subf %get3A_1439, %max3A_1035 : vector<8x1024xf32>
      %mul3A_1441 = arith.constant 43.2808495 : f32
      %mul3A_1442 = vector.broadcast %mul3A_1441 : f32 to vector<8x1024xf32>
      %mul3A_1443 = arith.mulf %mul3A_1442, %sub3A_1440 : vector<8x1024xf32>
      %exp23A_1444 = math.exp2 %mul3A_1443 : vector<8x1024xf32>
      %add3A_1445 = arith.addf %add3A_1436, %exp23A_1444 : vector<8x1024xf32>
      %get3A_1446 = arith.constant 360 : index
      %get3A_1447 = arith.constant 0 : index
      %get3A_1448 = vector.load %arg1[%get3A_1446, %get3A_1447] : memref<2048x1024xf32, #tpu.memory_space<vmem>>, vector<8x1024xf32>
      %sub3A_1449 = arith.subf %get3A_1448, %max3A_1035 : vector<8x1024xf32>
      %mul3A_1450 = arith.constant 43.2808495 : f32
      %mul3A_1451 = vector.broadcast %mul3A_1450 : f32 to vector<8x1024xf32>
      %mul3A_1452 = arith.mulf %mul3A_1451, %sub3A_1449 : vector<8x1024xf32>
      %exp23A_1453 = math.exp2 %mul3A_1452 : vector<8x1024xf32>
      %add3A_1454 = arith.addf %add3A_1445, %exp23A_1453 : vector<8x1024xf32>
      %get3A_1455 = arith.constant 368 : index
      %get3A_1456 = arith.constant 0 : index
      %get3A_1457 = vector.load %arg1[%get3A_1455, %get3A_1456] : memref<2048x1024xf32, #tpu.memory_space<vmem>>, vector<8x1024xf32>
      %sub3A_1458 = arith.subf %get3A_1457, %max3A_1035 : vector<8x1024xf32>
      %mul3A_1459 = arith.constant 43.2808495 : f32
      %mul3A_1460 = vector.broadcast %mul3A_1459 : f32 to vector<8x1024xf32>
      %mul3A_1461 = arith.mulf %mul3A_1460, %sub3A_1458 : vector<8x1024xf32>
      %exp23A_1462 = math.exp2 %mul3A_1461 : vector<8x1024xf32>
      %add3A_1463 = arith.addf %add3A_1454, %exp23A_1462 : vector<8x1024xf32>
      %get3A_1464 = arith.constant 376 : index
      %get3A_1465 = arith.constant 0 : index
      %get3A_1466 = vector.load %arg1[%get3A_1464, %get3A_1465] : memref<2048x1024xf32, #tpu.memory_space<vmem>>, vector<8x1024xf32>
      %sub3A_1467 = arith.subf %get3A_1466, %max3A_1035 : vector<8x1024xf32>
      %mul3A_1468 = arith.constant 43.2808495 : f32
      %mul3A_1469 = vector.broadcast %mul3A_1468 : f32 to vector<8x1024xf32>
      %mul3A_1470 = arith.mulf %mul3A_1469, %sub3A_1467 : vector<8x1024xf32>
      %exp23A_1471 = math.exp2 %mul3A_1470 : vector<8x1024xf32>
      %add3A_1472 = arith.addf %add3A_1463, %exp23A_1471 : vector<8x1024xf32>
      %get3A_1473 = arith.constant 384 : index
      %get3A_1474 = arith.constant 0 : index
      %get3A_1475 = vector.load %arg1[%get3A_1473, %get3A_1474] : memref<2048x1024xf32, #tpu.memory_space<vmem>>, vector<8x1024xf32>
      %sub3A_1476 = arith.subf %get3A_1475, %max3A_1035 : vector<8x1024xf32>
      %mul3A_1477 = arith.constant 43.2808495 : f32
      %mul3A_1478 = vector.broadcast %mul3A_1477 : f32 to vector<8x1024xf32>
      %mul3A_1479 = arith.mulf %mul3A_1478, %sub3A_1476 : vector<8x1024xf32>
      %exp23A_1480 = math.exp2 %mul3A_1479 : vector<8x1024xf32>
      %add3A_1481 = arith.addf %add3A_1472, %exp23A_1480 : vector<8x1024xf32>
      %get3A_1482 = arith.constant 392 : index
      %get3A_1483 = arith.constant 0 : index
      %get3A_1484 = vector.load %arg1[%get3A_1482, %get3A_1483] : memref<2048x1024xf32, #tpu.memory_space<vmem>>, vector<8x1024xf32>
      %sub3A_1485 = arith.subf %get3A_1484, %max3A_1035 : vector<8x1024xf32>
      %mul3A_1486 = arith.constant 43.2808495 : f32
      %mul3A_1487 = vector.broadcast %mul3A_1486 : f32 to vector<8x1024xf32>
      %mul3A_1488 = arith.mulf %mul3A_1487, %sub3A_1485 : vector<8x1024xf32>
      %exp23A_1489 = math.exp2 %mul3A_1488 : vector<8x1024xf32>
      %add3A_1490 = arith.addf %add3A_1481, %exp23A_1489 : vector<8x1024xf32>
      %get3A_1491 = arith.constant 400 : index
      %get3A_1492 = arith.constant 0 : index
      %get3A_1493 = vector.load %arg1[%get3A_1491, %get3A_1492] : memref<2048x1024xf32, #tpu.memory_space<vmem>>, vector<8x1024xf32>
      %sub3A_1494 = arith.subf %get3A_1493, %max3A_1035 : vector<8x1024xf32>
      %mul3A_1495 = arith.constant 43.2808495 : f32
      %mul3A_1496 = vector.broadcast %mul3A_1495 : f32 to vector<8x1024xf32>
      %mul3A_1497 = arith.mulf %mul3A_1496, %sub3A_1494 : vector<8x1024xf32>
      %exp23A_1498 = math.exp2 %mul3A_1497 : vector<8x1024xf32>
      %add3A_1499 = arith.addf %add3A_1490, %exp23A_1498 : vector<8x1024xf32>
      %get3A_1500 = arith.constant 408 : index
      %get3A_1501 = arith.constant 0 : index
      %get3A_1502 = vector.load %arg1[%get3A_1500, %get3A_1501] : memref<2048x1024xf32, #tpu.memory_space<vmem>>, vector<8x1024xf32>
      %sub3A_1503 = arith.subf %get3A_1502, %max3A_1035 : vector<8x1024xf32>
      %mul3A_1504 = arith.constant 43.2808495 : f32
      %mul3A_1505 = vector.broadcast %mul3A_1504 : f32 to vector<8x1024xf32>
      %mul3A_1506 = arith.mulf %mul3A_1505, %sub3A_1503 : vector<8x1024xf32>
      %exp23A_1507 = math.exp2 %mul3A_1506 : vector<8x1024xf32>
      %add3A_1508 = arith.addf %add3A_1499, %exp23A_1507 : vector<8x1024xf32>
      %get3A_1509 = arith.constant 416 : index
      %get3A_1510 = arith.constant 0 : index
      %get3A_1511 = vector.load %arg1[%get3A_1509, %get3A_1510] : memref<2048x1024xf32, #tpu.memory_space<vmem>>, vector<8x1024xf32>
      %sub3A_1512 = arith.subf %get3A_1511, %max3A_1035 : vector<8x1024xf32>
      %mul3A_1513 = arith.constant 43.2808495 : f32
      %mul3A_1514 = vector.broadcast %mul3A_1513 : f32 to vector<8x1024xf32>
      %mul3A_1515 = arith.mulf %mul3A_1514, %sub3A_1512 : vector<8x1024xf32>
      %exp23A_1516 = math.exp2 %mul3A_1515 : vector<8x1024xf32>
      %add3A_1517 = arith.addf %add3A_1508, %exp23A_1516 : vector<8x1024xf32>
      %get3A_1518 = arith.constant 424 : index
      %get3A_1519 = arith.constant 0 : index
      %get3A_1520 = vector.load %arg1[%get3A_1518, %get3A_1519] : memref<2048x1024xf32, #tpu.memory_space<vmem>>, vector<8x1024xf32>
      %sub3A_1521 = arith.subf %get3A_1520, %max3A_1035 : vector<8x1024xf32>
      %mul3A_1522 = arith.constant 43.2808495 : f32
      %mul3A_1523 = vector.broadcast %mul3A_1522 : f32 to vector<8x1024xf32>
      %mul3A_1524 = arith.mulf %mul3A_1523, %sub3A_1521 : vector<8x1024xf32>
      %exp23A_1525 = math.exp2 %mul3A_1524 : vector<8x1024xf32>
      %add3A_1526 = arith.addf %add3A_1517, %exp23A_1525 : vector<8x1024xf32>
      %get3A_1527 = arith.constant 432 : index
      %get3A_1528 = arith.constant 0 : index
      %get3A_1529 = vector.load %arg1[%get3A_1527, %get3A_1528] : memref<2048x1024xf32, #tpu.memory_space<vmem>>, vector<8x1024xf32>
      %sub3A_1530 = arith.subf %get3A_1529, %max3A_1035 : vector<8x1024xf32>
      %mul3A_1531 = arith.constant 43.2808495 : f32
      %mul3A_1532 = vector.broadcast %mul3A_1531 : f32 to vector<8x1024xf32>
      %mul3A_1533 = arith.mulf %mul3A_1532, %sub3A_1530 : vector<8x1024xf32>
      %exp23A_1534 = math.exp2 %mul3A_1533 : vector<8x1024xf32>
      %add3A_1535 = arith.addf %add3A_1526, %exp23A_1534 : vector<8x1024xf32>
      %get3A_1536 = arith.constant 440 : index
      %get3A_1537 = arith.constant 0 : index
      %get3A_1538 = vector.load %arg1[%get3A_1536, %get3A_1537] : memref<2048x1024xf32, #tpu.memory_space<vmem>>, vector<8x1024xf32>
      %sub3A_1539 = arith.subf %get3A_1538, %max3A_1035 : vector<8x1024xf32>
      %mul3A_1540 = arith.constant 43.2808495 : f32
      %mul3A_1541 = vector.broadcast %mul3A_1540 : f32 to vector<8x1024xf32>
      %mul3A_1542 = arith.mulf %mul3A_1541, %sub3A_1539 : vector<8x1024xf32>
      %exp23A_1543 = math.exp2 %mul3A_1542 : vector<8x1024xf32>
      %add3A_1544 = arith.addf %add3A_1535, %exp23A_1543 : vector<8x1024xf32>
      %get3A_1545 = arith.constant 448 : index
      %get3A_1546 = arith.constant 0 : index
      %get3A_1547 = vector.load %arg1[%get3A_1545, %get3A_1546] : memref<2048x1024xf32, #tpu.memory_space<vmem>>, vector<8x1024xf32>
      %sub3A_1548 = arith.subf %get3A_1547, %max3A_1035 : vector<8x1024xf32>
      %mul3A_1549 = arith.constant 43.2808495 : f32
      %mul3A_1550 = vector.broadcast %mul3A_1549 : f32 to vector<8x1024xf32>
      %mul3A_1551 = arith.mulf %mul3A_1550, %sub3A_1548 : vector<8x1024xf32>
      %exp23A_1552 = math.exp2 %mul3A_1551 : vector<8x1024xf32>
      %add3A_1553 = arith.addf %add3A_1544, %exp23A_1552 : vector<8x1024xf32>
      %get3A_1554 = arith.constant 456 : index
      %get3A_1555 = arith.constant 0 : index
      %get3A_1556 = vector.load %arg1[%get3A_1554, %get3A_1555] : memref<2048x1024xf32, #tpu.memory_space<vmem>>, vector<8x1024xf32>
      %sub3A_1557 = arith.subf %get3A_1556, %max3A_1035 : vector<8x1024xf32>
      %mul3A_1558 = arith.constant 43.2808495 : f32
      %mul3A_1559 = vector.broadcast %mul3A_1558 : f32 to vector<8x1024xf32>
      %mul3A_1560 = arith.mulf %mul3A_1559, %sub3A_1557 : vector<8x1024xf32>
      %exp23A_1561 = math.exp2 %mul3A_1560 : vector<8x1024xf32>
      %add3A_1562 = arith.addf %add3A_1553, %exp23A_1561 : vector<8x1024xf32>
      %get3A_1563 = arith.constant 464 : index
      %get3A_1564 = arith.constant 0 : index
      %get3A_1565 = vector.load %arg1[%get3A_1563, %get3A_1564] : memref<2048x1024xf32, #tpu.memory_space<vmem>>, vector<8x1024xf32>
      %sub3A_1566 = arith.subf %get3A_1565, %max3A_1035 : vector<8x1024xf32>
      %mul3A_1567 = arith.constant 43.2808495 : f32
      %mul3A_1568 = vector.broadcast %mul3A_1567 : f32 to vector<8x1024xf32>
      %mul3A_1569 = arith.mulf %mul3A_1568, %sub3A_1566 : vector<8x1024xf32>
      %exp23A_1570 = math.exp2 %mul3A_1569 : vector<8x1024xf32>
      %add3A_1571 = arith.addf %add3A_1562, %exp23A_1570 : vector<8x1024xf32>
      %get3A_1572 = arith.constant 472 : index
      %get3A_1573 = arith.constant 0 : index
      %get3A_1574 = vector.load %arg1[%get3A_1572, %get3A_1573] : memref<2048x1024xf32, #tpu.memory_space<vmem>>, vector<8x1024xf32>
      %sub3A_1575 = arith.subf %get3A_1574, %max3A_1035 : vector<8x1024xf32>
      %mul3A_1576 = arith.constant 43.2808495 : f32
      %mul3A_1577 = vector.broadcast %mul3A_1576 : f32 to vector<8x1024xf32>
      %mul3A_1578 = arith.mulf %mul3A_1577, %sub3A_1575 : vector<8x1024xf32>
      %exp23A_1579 = math.exp2 %mul3A_1578 : vector<8x1024xf32>
      %add3A_1580 = arith.addf %add3A_1571, %exp23A_1579 : vector<8x1024xf32>
      %get3A_1581 = arith.constant 480 : index
      %get3A_1582 = arith.constant 0 : index
      %get3A_1583 = vector.load %arg1[%get3A_1581, %get3A_1582] : memref<2048x1024xf32, #tpu.memory_space<vmem>>, vector<8x1024xf32>
      %sub3A_1584 = arith.subf %get3A_1583, %max3A_1035 : vector<8x1024xf32>
      %mul3A_1585 = arith.constant 43.2808495 : f32
      %mul3A_1586 = vector.broadcast %mul3A_1585 : f32 to vector<8x1024xf32>
      %mul3A_1587 = arith.mulf %mul3A_1586, %sub3A_1584 : vector<8x1024xf32>
      %exp23A_1588 = math.exp2 %mul3A_1587 : vector<8x1024xf32>
      %add3A_1589 = arith.addf %add3A_1580, %exp23A_1588 : vector<8x1024xf32>
      %get3A_1590 = arith.constant 488 : index
      %get3A_1591 = arith.constant 0 : index
      %get3A_1592 = vector.load %arg1[%get3A_1590, %get3A_1591] : memref<2048x1024xf32, #tpu.memory_space<vmem>>, vector<8x1024xf32>
      %sub3A_1593 = arith.subf %get3A_1592, %max3A_1035 : vector<8x1024xf32>
      %mul3A_1594 = arith.constant 43.2808495 : f32
      %mul3A_1595 = vector.broadcast %mul3A_1594 : f32 to vector<8x1024xf32>
      %mul3A_1596 = arith.mulf %mul3A_1595, %sub3A_1593 : vector<8x1024xf32>
      %exp23A_1597 = math.exp2 %mul3A_1596 : vector<8x1024xf32>
      %add3A_1598 = arith.addf %add3A_1589, %exp23A_1597 : vector<8x1024xf32>
      %get3A_1599 = arith.constant 496 : index
      %get3A_1600 = arith.constant 0 : index
      %get3A_1601 = vector.load %arg1[%get3A_1599, %get3A_1600] : memref<2048x1024xf32, #tpu.memory_space<vmem>>, vector<8x1024xf32>
      %sub3A_1602 = arith.subf %get3A_1601, %max3A_1035 : vector<8x1024xf32>
      %mul3A_1603 = arith.constant 43.2808495 : f32
      %mul3A_1604 = vector.broadcast %mul3A_1603 : f32 to vector<8x1024xf32>
      %mul3A_1605 = arith.mulf %mul3A_1604, %sub3A_1602 : vector<8x1024xf32>
      %exp23A_1606 = math.exp2 %mul3A_1605 : vector<8x1024xf32>
      %add3A_1607 = arith.addf %add3A_1598, %exp23A_1606 : vector<8x1024xf32>
      %get3A_1608 = arith.constant 504 : index
      %get3A_1609 = arith.constant 0 : index
      %get3A_1610 = vector.load %arg1[%get3A_1608, %get3A_1609] : memref<2048x1024xf32, #tpu.memory_space<vmem>>, vector<8x1024xf32>
      %sub3A_1611 = arith.subf %get3A_1610, %max3A_1035 : vector<8x1024xf32>
      %mul3A_1612 = arith.constant 43.2808495 : f32
      %mul3A_1613 = vector.broadcast %mul3A_1612 : f32 to vector<8x1024xf32>
      %mul3A_1614 = arith.mulf %mul3A_1613, %sub3A_1611 : vector<8x1024xf32>
      %exp23A_1615 = math.exp2 %mul3A_1614 : vector<8x1024xf32>
      %add3A_1616 = arith.addf %add3A_1607, %exp23A_1615 : vector<8x1024xf32>
      %get3A_1617 = arith.constant 512 : index
      %get3A_1618 = arith.constant 0 : index
      %get3A_1619 = vector.load %arg1[%get3A_1617, %get3A_1618] : memref<2048x1024xf32, #tpu.memory_space<vmem>>, vector<8x1024xf32>
      %sub3A_1620 = arith.subf %get3A_1619, %max3A_1035 : vector<8x1024xf32>
      %mul3A_1621 = arith.constant 43.2808495 : f32
      %mul3A_1622 = vector.broadcast %mul3A_1621 : f32 to vector<8x1024xf32>
      %mul3A_1623 = arith.mulf %mul3A_1622, %sub3A_1620 : vector<8x1024xf32>
      %exp23A_1624 = math.exp2 %mul3A_1623 : vector<8x1024xf32>
      %add3A_1625 = arith.addf %add3A_1616, %exp23A_1624 : vector<8x1024xf32>
      %get3A_1626 = arith.constant 520 : index
      %get3A_1627 = arith.constant 0 : index
      %get3A_1628 = vector.load %arg1[%get3A_1626, %get3A_1627] : memref<2048x1024xf32, #tpu.memory_space<vmem>>, vector<8x1024xf32>
      %sub3A_1629 = arith.subf %get3A_1628, %max3A_1035 : vector<8x1024xf32>
      %mul3A_1630 = arith.constant 43.2808495 : f32
      %mul3A_1631 = vector.broadcast %mul3A_1630 : f32 to vector<8x1024xf32>
      %mul3A_1632 = arith.mulf %mul3A_1631, %sub3A_1629 : vector<8x1024xf32>
      %exp23A_1633 = math.exp2 %mul3A_1632 : vector<8x1024xf32>
      %add3A_1634 = arith.addf %add3A_1625, %exp23A_1633 : vector<8x1024xf32>
      %get3A_1635 = arith.constant 528 : index
      %get3A_1636 = arith.constant 0 : index
      %get3A_1637 = vector.load %arg1[%get3A_1635, %get3A_1636] : memref<2048x1024xf32, #tpu.memory_space<vmem>>, vector<8x1024xf32>
      %sub3A_1638 = arith.subf %get3A_1637, %max3A_1035 : vector<8x1024xf32>
      %mul3A_1639 = arith.constant 43.2808495 : f32
      %mul3A_1640 = vector.broadcast %mul3A_1639 : f32 to vector<8x1024xf32>
      %mul3A_1641 = arith.mulf %mul3A_1640, %sub3A_1638 : vector<8x1024xf32>
      %exp23A_1642 = math.exp2 %mul3A_1641 : vector<8x1024xf32>
      %add3A_1643 = arith.addf %add3A_1634, %exp23A_1642 : vector<8x1024xf32>
      %get3A_1644 = arith.constant 536 : index
      %get3A_1645 = arith.constant 0 : index
      %get3A_1646 = vector.load %arg1[%get3A_1644, %get3A_1645] : memref<2048x1024xf32, #tpu.memory_space<vmem>>, vector<8x1024xf32>
      %sub3A_1647 = arith.subf %get3A_1646, %max3A_1035 : vector<8x1024xf32>
      %mul3A_1648 = arith.constant 43.2808495 : f32
      %mul3A_1649 = vector.broadcast %mul3A_1648 : f32 to vector<8x1024xf32>
      %mul3A_1650 = arith.mulf %mul3A_1649, %sub3A_1647 : vector<8x1024xf32>
      %exp23A_1651 = math.exp2 %mul3A_1650 : vector<8x1024xf32>
      %add3A_1652 = arith.addf %add3A_1643, %exp23A_1651 : vector<8x1024xf32>
      %get3A_1653 = arith.constant 544 : index
      %get3A_1654 = arith.constant 0 : index
      %get3A_1655 = vector.load %arg1[%get3A_1653, %get3A_1654] : memref<2048x1024xf32, #tpu.memory_space<vmem>>, vector<8x1024xf32>
      %sub3A_1656 = arith.subf %get3A_1655, %max3A_1035 : vector<8x1024xf32>
      %mul3A_1657 = arith.constant 43.2808495 : f32
      %mul3A_1658 = vector.broadcast %mul3A_1657 : f32 to vector<8x1024xf32>
      %mul3A_1659 = arith.mulf %mul3A_1658, %sub3A_1656 : vector<8x1024xf32>
      %exp23A_1660 = math.exp2 %mul3A_1659 : vector<8x1024xf32>
      %add3A_1661 = arith.addf %add3A_1652, %exp23A_1660 : vector<8x1024xf32>
      %get3A_1662 = arith.constant 552 : index
      %get3A_1663 = arith.constant 0 : index
      %get3A_1664 = vector.load %arg1[%get3A_1662, %get3A_1663] : memref<2048x1024xf32, #tpu.memory_space<vmem>>, vector<8x1024xf32>
      %sub3A_1665 = arith.subf %get3A_1664, %max3A_1035 : vector<8x1024xf32>
      %mul3A_1666 = arith.constant 43.2808495 : f32
      %mul3A_1667 = vector.broadcast %mul3A_1666 : f32 to vector<8x1024xf32>
      %mul3A_1668 = arith.mulf %mul3A_1667, %sub3A_1665 : vector<8x1024xf32>
      %exp23A_1669 = math.exp2 %mul3A_1668 : vector<8x1024xf32>
      %add3A_1670 = arith.addf %add3A_1661, %exp23A_1669 : vector<8x1024xf32>
      %get3A_1671 = arith.constant 560 : index
      %get3A_1672 = arith.constant 0 : index
      %get3A_1673 = vector.load %arg1[%get3A_1671, %get3A_1672] : memref<2048x1024xf32, #tpu.memory_space<vmem>>, vector<8x1024xf32>
      %sub3A_1674 = arith.subf %get3A_1673, %max3A_1035 : vector<8x1024xf32>
      %mul3A_1675 = arith.constant 43.2808495 : f32
      %mul3A_1676 = vector.broadcast %mul3A_1675 : f32 to vector<8x1024xf32>
      %mul3A_1677 = arith.mulf %mul3A_1676, %sub3A_1674 : vector<8x1024xf32>
      %exp23A_1678 = math.exp2 %mul3A_1677 : vector<8x1024xf32>
      %add3A_1679 = arith.addf %add3A_1670, %exp23A_1678 : vector<8x1024xf32>
      %get3A_1680 = arith.constant 568 : index
      %get3A_1681 = arith.constant 0 : index
      %get3A_1682 = vector.load %arg1[%get3A_1680, %get3A_1681] : memref<2048x1024xf32, #tpu.memory_space<vmem>>, vector<8x1024xf32>
      %sub3A_1683 = arith.subf %get3A_1682, %max3A_1035 : vector<8x1024xf32>
      %mul3A_1684 = arith.constant 43.2808495 : f32
      %mul3A_1685 = vector.broadcast %mul3A_1684 : f32 to vector<8x1024xf32>
      %mul3A_1686 = arith.mulf %mul3A_1685, %sub3A_1683 : vector<8x1024xf32>
      %exp23A_1687 = math.exp2 %mul3A_1686 : vector<8x1024xf32>
      %add3A_1688 = arith.addf %add3A_1679, %exp23A_1687 : vector<8x1024xf32>
      %get3A_1689 = arith.constant 576 : index
      %get3A_1690 = arith.constant 0 : index
      %get3A_1691 = vector.load %arg1[%get3A_1689, %get3A_1690] : memref<2048x1024xf32, #tpu.memory_space<vmem>>, vector<8x1024xf32>
      %sub3A_1692 = arith.subf %get3A_1691, %max3A_1035 : vector<8x1024xf32>
      %mul3A_1693 = arith.constant 43.2808495 : f32
      %mul3A_1694 = vector.broadcast %mul3A_1693 : f32 to vector<8x1024xf32>
      %mul3A_1695 = arith.mulf %mul3A_1694, %sub3A_1692 : vector<8x1024xf32>
      %exp23A_1696 = math.exp2 %mul3A_1695 : vector<8x1024xf32>
      %add3A_1697 = arith.addf %add3A_1688, %exp23A_1696 : vector<8x1024xf32>
      %get3A_1698 = arith.constant 584 : index
      %get3A_1699 = arith.constant 0 : index
      %get3A_1700 = vector.load %arg1[%get3A_1698, %get3A_1699] : memref<2048x1024xf32, #tpu.memory_space<vmem>>, vector<8x1024xf32>
      %sub3A_1701 = arith.subf %get3A_1700, %max3A_1035 : vector<8x1024xf32>
      %mul3A_1702 = arith.constant 43.2808495 : f32
      %mul3A_1703 = vector.broadcast %mul3A_1702 : f32 to vector<8x1024xf32>
      %mul3A_1704 = arith.mulf %mul3A_1703, %sub3A_1701 : vector<8x1024xf32>
      %exp23A_1705 = math.exp2 %mul3A_1704 : vector<8x1024xf32>
      %add3A_1706 = arith.addf %add3A_1697, %exp23A_1705 : vector<8x1024xf32>
      %get3A_1707 = arith.constant 592 : index
      %get3A_1708 = arith.constant 0 : index
      %get3A_1709 = vector.load %arg1[%get3A_1707, %get3A_1708] : memref<2048x1024xf32, #tpu.memory_space<vmem>>, vector<8x1024xf32>
      %sub3A_1710 = arith.subf %get3A_1709, %max3A_1035 : vector<8x1024xf32>
      %mul3A_1711 = arith.constant 43.2808495 : f32
      %mul3A_1712 = vector.broadcast %mul3A_1711 : f32 to vector<8x1024xf32>
      %mul3A_1713 = arith.mulf %mul3A_1712, %sub3A_1710 : vector<8x1024xf32>
      %exp23A_1714 = math.exp2 %mul3A_1713 : vector<8x1024xf32>
      %add3A_1715 = arith.addf %add3A_1706, %exp23A_1714 : vector<8x1024xf32>
      %get3A_1716 = arith.constant 600 : index
      %get3A_1717 = arith.constant 0 : index
      %get3A_1718 = vector.load %arg1[%get3A_1716, %get3A_1717] : memref<2048x1024xf32, #tpu.memory_space<vmem>>, vector<8x1024xf32>
      %sub3A_1719 = arith.subf %get3A_1718, %max3A_1035 : vector<8x1024xf32>
      %mul3A_1720 = arith.constant 43.2808495 : f32
      %mul3A_1721 = vector.broadcast %mul3A_1720 : f32 to vector<8x1024xf32>
      %mul3A_1722 = arith.mulf %mul3A_1721, %sub3A_1719 : vector<8x1024xf32>
      %exp23A_1723 = math.exp2 %mul3A_1722 : vector<8x1024xf32>
      %add3A_1724 = arith.addf %add3A_1715, %exp23A_1723 : vector<8x1024xf32>
      %get3A_1725 = arith.constant 608 : index
      %get3A_1726 = arith.constant 0 : index
      %get3A_1727 = vector.load %arg1[%get3A_1725, %get3A_1726] : memref<2048x1024xf32, #tpu.memory_space<vmem>>, vector<8x1024xf32>
      %sub3A_1728 = arith.subf %get3A_1727, %max3A_1035 : vector<8x1024xf32>
      %mul3A_1729 = arith.constant 43.2808495 : f32
      %mul3A_1730 = vector.broadcast %mul3A_1729 : f32 to vector<8x1024xf32>
      %mul3A_1731 = arith.mulf %mul3A_1730, %sub3A_1728 : vector<8x1024xf32>
      %exp23A_1732 = math.exp2 %mul3A_1731 : vector<8x1024xf32>
      %add3A_1733 = arith.addf %add3A_1724, %exp23A_1732 : vector<8x1024xf32>
      %get3A_1734 = arith.constant 616 : index
      %get3A_1735 = arith.constant 0 : index
      %get3A_1736 = vector.load %arg1[%get3A_1734, %get3A_1735] : memref<2048x1024xf32, #tpu.memory_space<vmem>>, vector<8x1024xf32>
      %sub3A_1737 = arith.subf %get3A_1736, %max3A_1035 : vector<8x1024xf32>
      %mul3A_1738 = arith.constant 43.2808495 : f32
      %mul3A_1739 = vector.broadcast %mul3A_1738 : f32 to vector<8x1024xf32>
      %mul3A_1740 = arith.mulf %mul3A_1739, %sub3A_1737 : vector<8x1024xf32>
      %exp23A_1741 = math.exp2 %mul3A_1740 : vector<8x1024xf32>
      %add3A_1742 = arith.addf %add3A_1733, %exp23A_1741 : vector<8x1024xf32>
      %get3A_1743 = arith.constant 624 : index
      %get3A_1744 = arith.constant 0 : index
      %get3A_1745 = vector.load %arg1[%get3A_1743, %get3A_1744] : memref<2048x1024xf32, #tpu.memory_space<vmem>>, vector<8x1024xf32>
      %sub3A_1746 = arith.subf %get3A_1745, %max3A_1035 : vector<8x1024xf32>
      %mul3A_1747 = arith.constant 43.2808495 : f32
      %mul3A_1748 = vector.broadcast %mul3A_1747 : f32 to vector<8x1024xf32>
      %mul3A_1749 = arith.mulf %mul3A_1748, %sub3A_1746 : vector<8x1024xf32>
      %exp23A_1750 = math.exp2 %mul3A_1749 : vector<8x1024xf32>
      %add3A_1751 = arith.addf %add3A_1742, %exp23A_1750 : vector<8x1024xf32>
      %get3A_1752 = arith.constant 632 : index
      %get3A_1753 = arith.constant 0 : index
      %get3A_1754 = vector.load %arg1[%get3A_1752, %get3A_1753] : memref<2048x1024xf32, #tpu.memory_space<vmem>>, vector<8x1024xf32>
      %sub3A_1755 = arith.subf %get3A_1754, %max3A_1035 : vector<8x1024xf32>
      %mul3A_1756 = arith.constant 43.2808495 : f32
      %mul3A_1757 = vector.broadcast %mul3A_1756 : f32 to vector<8x1024xf32>
      %mul3A_1758 = arith.mulf %mul3A_1757, %sub3A_1755 : vector<8x1024xf32>
      %exp23A_1759 = math.exp2 %mul3A_1758 : vector<8x1024xf32>
      %add3A_1760 = arith.addf %add3A_1751, %exp23A_1759 : vector<8x1024xf32>
      %get3A_1761 = arith.constant 640 : index
      %get3A_1762 = arith.constant 0 : index
      %get3A_1763 = vector.load %arg1[%get3A_1761, %get3A_1762] : memref<2048x1024xf32, #tpu.memory_space<vmem>>, vector<8x1024xf32>
      %sub3A_1764 = arith.subf %get3A_1763, %max3A_1035 : vector<8x1024xf32>
      %mul3A_1765 = arith.constant 43.2808495 : f32
      %mul3A_1766 = vector.broadcast %mul3A_1765 : f32 to vector<8x1024xf32>
      %mul3A_1767 = arith.mulf %mul3A_1766, %sub3A_1764 : vector<8x1024xf32>
      %exp23A_1768 = math.exp2 %mul3A_1767 : vector<8x1024xf32>
      %add3A_1769 = arith.addf %add3A_1760, %exp23A_1768 : vector<8x1024xf32>
      %get3A_1770 = arith.constant 648 : index
      %get3A_1771 = arith.constant 0 : index
      %get3A_1772 = vector.load %arg1[%get3A_1770, %get3A_1771] : memref<2048x1024xf32, #tpu.memory_space<vmem>>, vector<8x1024xf32>
      %sub3A_1773 = arith.subf %get3A_1772, %max3A_1035 : vector<8x1024xf32>
      %mul3A_1774 = arith.constant 43.2808495 : f32
      %mul3A_1775 = vector.broadcast %mul3A_1774 : f32 to vector<8x1024xf32>
      %mul3A_1776 = arith.mulf %mul3A_1775, %sub3A_1773 : vector<8x1024xf32>
      %exp23A_1777 = math.exp2 %mul3A_1776 : vector<8x1024xf32>
      %add3A_1778 = arith.addf %add3A_1769, %exp23A_1777 : vector<8x1024xf32>
      %get3A_1779 = arith.constant 656 : index
      %get3A_1780 = arith.constant 0 : index
      %get3A_1781 = vector.load %arg1[%get3A_1779, %get3A_1780] : memref<2048x1024xf32, #tpu.memory_space<vmem>>, vector<8x1024xf32>
      %sub3A_1782 = arith.subf %get3A_1781, %max3A_1035 : vector<8x1024xf32>
      %mul3A_1783 = arith.constant 43.2808495 : f32
      %mul3A_1784 = vector.broadcast %mul3A_1783 : f32 to vector<8x1024xf32>
      %mul3A_1785 = arith.mulf %mul3A_1784, %sub3A_1782 : vector<8x1024xf32>
      %exp23A_1786 = math.exp2 %mul3A_1785 : vector<8x1024xf32>
      %add3A_1787 = arith.addf %add3A_1778, %exp23A_1786 : vector<8x1024xf32>
      %get3A_1788 = arith.constant 664 : index
      %get3A_1789 = arith.constant 0 : index
      %get3A_1790 = vector.load %arg1[%get3A_1788, %get3A_1789] : memref<2048x1024xf32, #tpu.memory_space<vmem>>, vector<8x1024xf32>
      %sub3A_1791 = arith.subf %get3A_1790, %max3A_1035 : vector<8x1024xf32>
      %mul3A_1792 = arith.constant 43.2808495 : f32
      %mul3A_1793 = vector.broadcast %mul3A_1792 : f32 to vector<8x1024xf32>
      %mul3A_1794 = arith.mulf %mul3A_1793, %sub3A_1791 : vector<8x1024xf32>
      %exp23A_1795 = math.exp2 %mul3A_1794 : vector<8x1024xf32>
      %add3A_1796 = arith.addf %add3A_1787, %exp23A_1795 : vector<8x1024xf32>
      %get3A_1797 = arith.constant 672 : index
      %get3A_1798 = arith.constant 0 : index
      %get3A_1799 = vector.load %arg1[%get3A_1797, %get3A_1798] : memref<2048x1024xf32, #tpu.memory_space<vmem>>, vector<8x1024xf32>
      %sub3A_1800 = arith.subf %get3A_1799, %max3A_1035 : vector<8x1024xf32>
      %mul3A_1801 = arith.constant 43.2808495 : f32
      %mul3A_1802 = vector.broadcast %mul3A_1801 : f32 to vector<8x1024xf32>
      %mul3A_1803 = arith.mulf %mul3A_1802, %sub3A_1800 : vector<8x1024xf32>
      %exp23A_1804 = math.exp2 %mul3A_1803 : vector<8x1024xf32>
      %add3A_1805 = arith.addf %add3A_1796, %exp23A_1804 : vector<8x1024xf32>
      %get3A_1806 = arith.constant 680 : index
      %get3A_1807 = arith.constant 0 : index
      %get3A_1808 = vector.load %arg1[%get3A_1806, %get3A_1807] : memref<2048x1024xf32, #tpu.memory_space<vmem>>, vector<8x1024xf32>
      %sub3A_1809 = arith.subf %get3A_1808, %max3A_1035 : vector<8x1024xf32>
      %mul3A_1810 = arith.constant 43.2808495 : f32
      %mul3A_1811 = vector.broadcast %mul3A_1810 : f32 to vector<8x1024xf32>
      %mul3A_1812 = arith.mulf %mul3A_1811, %sub3A_1809 : vector<8x1024xf32>
      %exp23A_1813 = math.exp2 %mul3A_1812 : vector<8x1024xf32>
      %add3A_1814 = arith.addf %add3A_1805, %exp23A_1813 : vector<8x1024xf32>
      %get3A_1815 = arith.constant 688 : index
      %get3A_1816 = arith.constant 0 : index
      %get3A_1817 = vector.load %arg1[%get3A_1815, %get3A_1816] : memref<2048x1024xf32, #tpu.memory_space<vmem>>, vector<8x1024xf32>
      %sub3A_1818 = arith.subf %get3A_1817, %max3A_1035 : vector<8x1024xf32>
      %mul3A_1819 = arith.constant 43.2808495 : f32
      %mul3A_1820 = vector.broadcast %mul3A_1819 : f32 to vector<8x1024xf32>
      %mul3A_1821 = arith.mulf %mul3A_1820, %sub3A_1818 : vector<8x1024xf32>
      %exp23A_1822 = math.exp2 %mul3A_1821 : vector<8x1024xf32>
      %add3A_1823 = arith.addf %add3A_1814, %exp23A_1822 : vector<8x1024xf32>
      %get3A_1824 = arith.constant 696 : index
      %get3A_1825 = arith.constant 0 : index
      %get3A_1826 = vector.load %arg1[%get3A_1824, %get3A_1825] : memref<2048x1024xf32, #tpu.memory_space<vmem>>, vector<8x1024xf32>
      %sub3A_1827 = arith.subf %get3A_1826, %max3A_1035 : vector<8x1024xf32>
      %mul3A_1828 = arith.constant 43.2808495 : f32
      %mul3A_1829 = vector.broadcast %mul3A_1828 : f32 to vector<8x1024xf32>
      %mul3A_1830 = arith.mulf %mul3A_1829, %sub3A_1827 : vector<8x1024xf32>
      %exp23A_1831 = math.exp2 %mul3A_1830 : vector<8x1024xf32>
      %add3A_1832 = arith.addf %add3A_1823, %exp23A_1831 : vector<8x1024xf32>
      %get3A_1833 = arith.constant 704 : index
      %get3A_1834 = arith.constant 0 : index
      %get3A_1835 = vector.load %arg1[%get3A_1833, %get3A_1834] : memref<2048x1024xf32, #tpu.memory_space<vmem>>, vector<8x1024xf32>
      %sub3A_1836 = arith.subf %get3A_1835, %max3A_1035 : vector<8x1024xf32>
      %mul3A_1837 = arith.constant 43.2808495 : f32
      %mul3A_1838 = vector.broadcast %mul3A_1837 : f32 to vector<8x1024xf32>
      %mul3A_1839 = arith.mulf %mul3A_1838, %sub3A_1836 : vector<8x1024xf32>
      %exp23A_1840 = math.exp2 %mul3A_1839 : vector<8x1024xf32>
      %add3A_1841 = arith.addf %add3A_1832, %exp23A_1840 : vector<8x1024xf32>
      %get3A_1842 = arith.constant 712 : index
      %get3A_1843 = arith.constant 0 : index
      %get3A_1844 = vector.load %arg1[%get3A_1842, %get3A_1843] : memref<2048x1024xf32, #tpu.memory_space<vmem>>, vector<8x1024xf32>
      %sub3A_1845 = arith.subf %get3A_1844, %max3A_1035 : vector<8x1024xf32>
      %mul3A_1846 = arith.constant 43.2808495 : f32
      %mul3A_1847 = vector.broadcast %mul3A_1846 : f32 to vector<8x1024xf32>
      %mul3A_1848 = arith.mulf %mul3A_1847, %sub3A_1845 : vector<8x1024xf32>
      %exp23A_1849 = math.exp2 %mul3A_1848 : vector<8x1024xf32>
      %add3A_1850 = arith.addf %add3A_1841, %exp23A_1849 : vector<8x1024xf32>
      %get3A_1851 = arith.constant 720 : index
      %get3A_1852 = arith.constant 0 : index
      %get3A_1853 = vector.load %arg1[%get3A_1851, %get3A_1852] : memref<2048x1024xf32, #tpu.memory_space<vmem>>, vector<8x1024xf32>
      %sub3A_1854 = arith.subf %get3A_1853, %max3A_1035 : vector<8x1024xf32>
      %mul3A_1855 = arith.constant 43.2808495 : f32
      %mul3A_1856 = vector.broadcast %mul3A_1855 : f32 to vector<8x1024xf32>
      %mul3A_1857 = arith.mulf %mul3A_1856, %sub3A_1854 : vector<8x1024xf32>
      %exp23A_1858 = math.exp2 %mul3A_1857 : vector<8x1024xf32>
      %add3A_1859 = arith.addf %add3A_1850, %exp23A_1858 : vector<8x1024xf32>
      %get3A_1860 = arith.constant 728 : index
      %get3A_1861 = arith.constant 0 : index
      %get3A_1862 = vector.load %arg1[%get3A_1860, %get3A_1861] : memref<2048x1024xf32, #tpu.memory_space<vmem>>, vector<8x1024xf32>
      %sub3A_1863 = arith.subf %get3A_1862, %max3A_1035 : vector<8x1024xf32>
      %mul3A_1864 = arith.constant 43.2808495 : f32
      %mul3A_1865 = vector.broadcast %mul3A_1864 : f32 to vector<8x1024xf32>
      %mul3A_1866 = arith.mulf %mul3A_1865, %sub3A_1863 : vector<8x1024xf32>
      %exp23A_1867 = math.exp2 %mul3A_1866 : vector<8x1024xf32>
      %add3A_1868 = arith.addf %add3A_1859, %exp23A_1867 : vector<8x1024xf32>
      %get3A_1869 = arith.constant 736 : index
      %get3A_1870 = arith.constant 0 : index
      %get3A_1871 = vector.load %arg1[%get3A_1869, %get3A_1870] : memref<2048x1024xf32, #tpu.memory_space<vmem>>, vector<8x1024xf32>
      %sub3A_1872 = arith.subf %get3A_1871, %max3A_1035 : vector<8x1024xf32>
      %mul3A_1873 = arith.constant 43.2808495 : f32
      %mul3A_1874 = vector.broadcast %mul3A_1873 : f32 to vector<8x1024xf32>
      %mul3A_1875 = arith.mulf %mul3A_1874, %sub3A_1872 : vector<8x1024xf32>
      %exp23A_1876 = math.exp2 %mul3A_1875 : vector<8x1024xf32>
      %add3A_1877 = arith.addf %add3A_1868, %exp23A_1876 : vector<8x1024xf32>
      %get3A_1878 = arith.constant 744 : index
      %get3A_1879 = arith.constant 0 : index
      %get3A_1880 = vector.load %arg1[%get3A_1878, %get3A_1879] : memref<2048x1024xf32, #tpu.memory_space<vmem>>, vector<8x1024xf32>
      %sub3A_1881 = arith.subf %get3A_1880, %max3A_1035 : vector<8x1024xf32>
      %mul3A_1882 = arith.constant 43.2808495 : f32
      %mul3A_1883 = vector.broadcast %mul3A_1882 : f32 to vector<8x1024xf32>
      %mul3A_1884 = arith.mulf %mul3A_1883, %sub3A_1881 : vector<8x1024xf32>
      %exp23A_1885 = math.exp2 %mul3A_1884 : vector<8x1024xf32>
      %add3A_1886 = arith.addf %add3A_1877, %exp23A_1885 : vector<8x1024xf32>
      %get3A_1887 = arith.constant 752 : index
      %get3A_1888 = arith.constant 0 : index
      %get3A_1889 = vector.load %arg1[%get3A_1887, %get3A_1888] : memref<2048x1024xf32, #tpu.memory_space<vmem>>, vector<8x1024xf32>
      %sub3A_1890 = arith.subf %get3A_1889, %max3A_1035 : vector<8x1024xf32>
      %mul3A_1891 = arith.constant 43.2808495 : f32
      %mul3A_1892 = vector.broadcast %mul3A_1891 : f32 to vector<8x1024xf32>
      %mul3A_1893 = arith.mulf %mul3A_1892, %sub3A_1890 : vector<8x1024xf32>
      %exp23A_1894 = math.exp2 %mul3A_1893 : vector<8x1024xf32>
      %add3A_1895 = arith.addf %add3A_1886, %exp23A_1894 : vector<8x1024xf32>
      %get3A_1896 = arith.constant 760 : index
      %get3A_1897 = arith.constant 0 : index
      %get3A_1898 = vector.load %arg1[%get3A_1896, %get3A_1897] : memref<2048x1024xf32, #tpu.memory_space<vmem>>, vector<8x1024xf32>
      %sub3A_1899 = arith.subf %get3A_1898, %max3A_1035 : vector<8x1024xf32>
      %mul3A_1900 = arith.constant 43.2808495 : f32
      %mul3A_1901 = vector.broadcast %mul3A_1900 : f32 to vector<8x1024xf32>
      %mul3A_1902 = arith.mulf %mul3A_1901, %sub3A_1899 : vector<8x1024xf32>
      %exp23A_1903 = math.exp2 %mul3A_1902 : vector<8x1024xf32>
      %add3A_1904 = arith.addf %add3A_1895, %exp23A_1903 : vector<8x1024xf32>
      %get3A_1905 = arith.constant 768 : index
      %get3A_1906 = arith.constant 0 : index
      %get3A_1907 = vector.load %arg1[%get3A_1905, %get3A_1906] : memref<2048x1024xf32, #tpu.memory_space<vmem>>, vector<8x1024xf32>
      %sub3A_1908 = arith.subf %get3A_1907, %max3A_1035 : vector<8x1024xf32>
      %mul3A_1909 = arith.constant 43.2808495 : f32
      %mul3A_1910 = vector.broadcast %mul3A_1909 : f32 to vector<8x1024xf32>
      %mul3A_1911 = arith.mulf %mul3A_1910, %sub3A_1908 : vector<8x1024xf32>
      %exp23A_1912 = math.exp2 %mul3A_1911 : vector<8x1024xf32>
      %add3A_1913 = arith.addf %add3A_1904, %exp23A_1912 : vector<8x1024xf32>
      %get3A_1914 = arith.constant 776 : index
      %get3A_1915 = arith.constant 0 : index
      %get3A_1916 = vector.load %arg1[%get3A_1914, %get3A_1915] : memref<2048x1024xf32, #tpu.memory_space<vmem>>, vector<8x1024xf32>
      %sub3A_1917 = arith.subf %get3A_1916, %max3A_1035 : vector<8x1024xf32>
      %mul3A_1918 = arith.constant 43.2808495 : f32
      %mul3A_1919 = vector.broadcast %mul3A_1918 : f32 to vector<8x1024xf32>
      %mul3A_1920 = arith.mulf %mul3A_1919, %sub3A_1917 : vector<8x1024xf32>
      %exp23A_1921 = math.exp2 %mul3A_1920 : vector<8x1024xf32>
      %add3A_1922 = arith.addf %add3A_1913, %exp23A_1921 : vector<8x1024xf32>
      %get3A_1923 = arith.constant 784 : index
      %get3A_1924 = arith.constant 0 : index
      %get3A_1925 = vector.load %arg1[%get3A_1923, %get3A_1924] : memref<2048x1024xf32, #tpu.memory_space<vmem>>, vector<8x1024xf32>
      %sub3A_1926 = arith.subf %get3A_1925, %max3A_1035 : vector<8x1024xf32>
      %mul3A_1927 = arith.constant 43.2808495 : f32
      %mul3A_1928 = vector.broadcast %mul3A_1927 : f32 to vector<8x1024xf32>
      %mul3A_1929 = arith.mulf %mul3A_1928, %sub3A_1926 : vector<8x1024xf32>
      %exp23A_1930 = math.exp2 %mul3A_1929 : vector<8x1024xf32>
      %add3A_1931 = arith.addf %add3A_1922, %exp23A_1930 : vector<8x1024xf32>
      %get3A_1932 = arith.constant 792 : index
      %get3A_1933 = arith.constant 0 : index
      %get3A_1934 = vector.load %arg1[%get3A_1932, %get3A_1933] : memref<2048x1024xf32, #tpu.memory_space<vmem>>, vector<8x1024xf32>
      %sub3A_1935 = arith.subf %get3A_1934, %max3A_1035 : vector<8x1024xf32>
      %mul3A_1936 = arith.constant 43.2808495 : f32
      %mul3A_1937 = vector.broadcast %mul3A_1936 : f32 to vector<8x1024xf32>
      %mul3A_1938 = arith.mulf %mul3A_1937, %sub3A_1935 : vector<8x1024xf32>
      %exp23A_1939 = math.exp2 %mul3A_1938 : vector<8x1024xf32>
      %add3A_1940 = arith.addf %add3A_1931, %exp23A_1939 : vector<8x1024xf32>
      %get3A_1941 = arith.constant 800 : index
      %get3A_1942 = arith.constant 0 : index
      %get3A_1943 = vector.load %arg1[%get3A_1941, %get3A_1942] : memref<2048x1024xf32, #tpu.memory_space<vmem>>, vector<8x1024xf32>
      %sub3A_1944 = arith.subf %get3A_1943, %max3A_1035 : vector<8x1024xf32>
      %mul3A_1945 = arith.constant 43.2808495 : f32
      %mul3A_1946 = vector.broadcast %mul3A_1945 : f32 to vector<8x1024xf32>
      %mul3A_1947 = arith.mulf %mul3A_1946, %sub3A_1944 : vector<8x1024xf32>
      %exp23A_1948 = math.exp2 %mul3A_1947 : vector<8x1024xf32>
      %add3A_1949 = arith.addf %add3A_1940, %exp23A_1948 : vector<8x1024xf32>
      %get3A_1950 = arith.constant 808 : index
      %get3A_1951 = arith.constant 0 : index
      %get3A_1952 = vector.load %arg1[%get3A_1950, %get3A_1951] : memref<2048x1024xf32, #tpu.memory_space<vmem>>, vector<8x1024xf32>
      %sub3A_1953 = arith.subf %get3A_1952, %max3A_1035 : vector<8x1024xf32>
      %mul3A_1954 = arith.constant 43.2808495 : f32
      %mul3A_1955 = vector.broadcast %mul3A_1954 : f32 to vector<8x1024xf32>
      %mul3A_1956 = arith.mulf %mul3A_1955, %sub3A_1953 : vector<8x1024xf32>
      %exp23A_1957 = math.exp2 %mul3A_1956 : vector<8x1024xf32>
      %add3A_1958 = arith.addf %add3A_1949, %exp23A_1957 : vector<8x1024xf32>
      %get3A_1959 = arith.constant 816 : index
      %get3A_1960 = arith.constant 0 : index
      %get3A_1961 = vector.load %arg1[%get3A_1959, %get3A_1960] : memref<2048x1024xf32, #tpu.memory_space<vmem>>, vector<8x1024xf32>
      %sub3A_1962 = arith.subf %get3A_1961, %max3A_1035 : vector<8x1024xf32>
      %mul3A_1963 = arith.constant 43.2808495 : f32
      %mul3A_1964 = vector.broadcast %mul3A_1963 : f32 to vector<8x1024xf32>
      %mul3A_1965 = arith.mulf %mul3A_1964, %sub3A_1962 : vector<8x1024xf32>
      %exp23A_1966 = math.exp2 %mul3A_1965 : vector<8x1024xf32>
      %add3A_1967 = arith.addf %add3A_1958, %exp23A_1966 : vector<8x1024xf32>
      %get3A_1968 = arith.constant 824 : index
      %get3A_1969 = arith.constant 0 : index
      %get3A_1970 = vector.load %arg1[%get3A_1968, %get3A_1969] : memref<2048x1024xf32, #tpu.memory_space<vmem>>, vector<8x1024xf32>
      %sub3A_1971 = arith.subf %get3A_1970, %max3A_1035 : vector<8x1024xf32>
      %mul3A_1972 = arith.constant 43.2808495 : f32
      %mul3A_1973 = vector.broadcast %mul3A_1972 : f32 to vector<8x1024xf32>
      %mul3A_1974 = arith.mulf %mul3A_1973, %sub3A_1971 : vector<8x1024xf32>
      %exp23A_1975 = math.exp2 %mul3A_1974 : vector<8x1024xf32>
      %add3A_1976 = arith.addf %add3A_1967, %exp23A_1975 : vector<8x1024xf32>
      %get3A_1977 = arith.constant 832 : index
      %get3A_1978 = arith.constant 0 : index
      %get3A_1979 = vector.load %arg1[%get3A_1977, %get3A_1978] : memref<2048x1024xf32, #tpu.memory_space<vmem>>, vector<8x1024xf32>
      %sub3A_1980 = arith.subf %get3A_1979, %max3A_1035 : vector<8x1024xf32>
      %mul3A_1981 = arith.constant 43.2808495 : f32
      %mul3A_1982 = vector.broadcast %mul3A_1981 : f32 to vector<8x1024xf32>
      %mul3A_1983 = arith.mulf %mul3A_1982, %sub3A_1980 : vector<8x1024xf32>
      %exp23A_1984 = math.exp2 %mul3A_1983 : vector<8x1024xf32>
      %add3A_1985 = arith.addf %add3A_1976, %exp23A_1984 : vector<8x1024xf32>
      %get3A_1986 = arith.constant 840 : index
      %get3A_1987 = arith.constant 0 : index
      %get3A_1988 = vector.load %arg1[%get3A_1986, %get3A_1987] : memref<2048x1024xf32, #tpu.memory_space<vmem>>, vector<8x1024xf32>
      %sub3A_1989 = arith.subf %get3A_1988, %max3A_1035 : vector<8x1024xf32>
      %mul3A_1990 = arith.constant 43.2808495 : f32
      %mul3A_1991 = vector.broadcast %mul3A_1990 : f32 to vector<8x1024xf32>
      %mul3A_1992 = arith.mulf %mul3A_1991, %sub3A_1989 : vector<8x1024xf32>
      %exp23A_1993 = math.exp2 %mul3A_1992 : vector<8x1024xf32>
      %add3A_1994 = arith.addf %add3A_1985, %exp23A_1993 : vector<8x1024xf32>
      %get3A_1995 = arith.constant 848 : index
      %get3A_1996 = arith.constant 0 : index
      %get3A_1997 = vector.load %arg1[%get3A_1995, %get3A_1996] : memref<2048x1024xf32, #tpu.memory_space<vmem>>, vector<8x1024xf32>
      %sub3A_1998 = arith.subf %get3A_1997, %max3A_1035 : vector<8x1024xf32>
      %mul3A_1999 = arith.constant 43.2808495 : f32
      %mul3A_2000 = vector.broadcast %mul3A_1999 : f32 to vector<8x1024xf32>
      %mul3A_2001 = arith.mulf %mul3A_2000, %sub3A_1998 : vector<8x1024xf32>
      %exp23A_2002 = math.exp2 %mul3A_2001 : vector<8x1024xf32>
      %add3A_2003 = arith.addf %add3A_1994, %exp23A_2002 : vector<8x1024xf32>
      %get3A_2004 = arith.constant 856 : index
      %get3A_2005 = arith.constant 0 : index
      %get3A_2006 = vector.load %arg1[%get3A_2004, %get3A_2005] : memref<2048x1024xf32, #tpu.memory_space<vmem>>, vector<8x1024xf32>
      %sub3A_2007 = arith.subf %get3A_2006, %max3A_1035 : vector<8x1024xf32>
      %mul3A_2008 = arith.constant 43.2808495 : f32
      %mul3A_2009 = vector.broadcast %mul3A_2008 : f32 to vector<8x1024xf32>
      %mul3A_2010 = arith.mulf %mul3A_2009, %sub3A_2007 : vector<8x1024xf32>
      %exp23A_2011 = math.exp2 %mul3A_2010 : vector<8x1024xf32>
      %add3A_2012 = arith.addf %add3A_2003, %exp23A_2011 : vector<8x1024xf32>
      %get3A_2013 = arith.constant 864 : index
      %get3A_2014 = arith.constant 0 : index
      %get3A_2015 = vector.load %arg1[%get3A_2013, %get3A_2014] : memref<2048x1024xf32, #tpu.memory_space<vmem>>, vector<8x1024xf32>
      %sub3A_2016 = arith.subf %get3A_2015, %max3A_1035 : vector<8x1024xf32>
      %mul3A_2017 = arith.constant 43.2808495 : f32
      %mul3A_2018 = vector.broadcast %mul3A_2017 : f32 to vector<8x1024xf32>
      %mul3A_2019 = arith.mulf %mul3A_2018, %sub3A_2016 : vector<8x1024xf32>
      %exp23A_2020 = math.exp2 %mul3A_2019 : vector<8x1024xf32>
      %add3A_2021 = arith.addf %add3A_2012, %exp23A_2020 : vector<8x1024xf32>
      %get3A_2022 = arith.constant 872 : index
      %get3A_2023 = arith.constant 0 : index
      %get3A_2024 = vector.load %arg1[%get3A_2022, %get3A_2023] : memref<2048x1024xf32, #tpu.memory_space<vmem>>, vector<8x1024xf32>
      %sub3A_2025 = arith.subf %get3A_2024, %max3A_1035 : vector<8x1024xf32>
      %mul3A_2026 = arith.constant 43.2808495 : f32
      %mul3A_2027 = vector.broadcast %mul3A_2026 : f32 to vector<8x1024xf32>
      %mul3A_2028 = arith.mulf %mul3A_2027, %sub3A_2025 : vector<8x1024xf32>
      %exp23A_2029 = math.exp2 %mul3A_2028 : vector<8x1024xf32>
      %add3A_2030 = arith.addf %add3A_2021, %exp23A_2029 : vector<8x1024xf32>
      %get3A_2031 = arith.constant 880 : index
      %get3A_2032 = arith.constant 0 : index
      %get3A_2033 = vector.load %arg1[%get3A_2031, %get3A_2032] : memref<2048x1024xf32, #tpu.memory_space<vmem>>, vector<8x1024xf32>
      %sub3A_2034 = arith.subf %get3A_2033, %max3A_1035 : vector<8x1024xf32>
      %mul3A_2035 = arith.constant 43.2808495 : f32
      %mul3A_2036 = vector.broadcast %mul3A_2035 : f32 to vector<8x1024xf32>
      %mul3A_2037 = arith.mulf %mul3A_2036, %sub3A_2034 : vector<8x1024xf32>
      %exp23A_2038 = math.exp2 %mul3A_2037 : vector<8x1024xf32>
      %add3A_2039 = arith.addf %add3A_2030, %exp23A_2038 : vector<8x1024xf32>
      %get3A_2040 = arith.constant 888 : index
      %get3A_2041 = arith.constant 0 : index
      %get3A_2042 = vector.load %arg1[%get3A_2040, %get3A_2041] : memref<2048x1024xf32, #tpu.memory_space<vmem>>, vector<8x1024xf32>
      %sub3A_2043 = arith.subf %get3A_2042, %max3A_1035 : vector<8x1024xf32>
      %mul3A_2044 = arith.constant 43.2808495 : f32
      %mul3A_2045 = vector.broadcast %mul3A_2044 : f32 to vector<8x1024xf32>
      %mul3A_2046 = arith.mulf %mul3A_2045, %sub3A_2043 : vector<8x1024xf32>
      %exp23A_2047 = math.exp2 %mul3A_2046 : vector<8x1024xf32>
      %add3A_2048 = arith.addf %add3A_2039, %exp23A_2047 : vector<8x1024xf32>
      %get3A_2049 = arith.constant 896 : index
      %get3A_2050 = arith.constant 0 : index
      %get3A_2051 = vector.load %arg1[%get3A_2049, %get3A_2050] : memref<2048x1024xf32, #tpu.memory_space<vmem>>, vector<8x1024xf32>
      %sub3A_2052 = arith.subf %get3A_2051, %max3A_1035 : vector<8x1024xf32>
      %mul3A_2053 = arith.constant 43.2808495 : f32
      %mul3A_2054 = vector.broadcast %mul3A_2053 : f32 to vector<8x1024xf32>
      %mul3A_2055 = arith.mulf %mul3A_2054, %sub3A_2052 : vector<8x1024xf32>
      %exp23A_2056 = math.exp2 %mul3A_2055 : vector<8x1024xf32>
      %add3A_2057 = arith.addf %add3A_2048, %exp23A_2056 : vector<8x1024xf32>
      %get3A_2058 = arith.constant 904 : index
      %get3A_2059 = arith.constant 0 : index
      %get3A_2060 = vector.load %arg1[%get3A_2058, %get3A_2059] : memref<2048x1024xf32, #tpu.memory_space<vmem>>, vector<8x1024xf32>
      %sub3A_2061 = arith.subf %get3A_2060, %max3A_1035 : vector<8x1024xf32>
      %mul3A_2062 = arith.constant 43.2808495 : f32
      %mul3A_2063 = vector.broadcast %mul3A_2062 : f32 to vector<8x1024xf32>
      %mul3A_2064 = arith.mulf %mul3A_2063, %sub3A_2061 : vector<8x1024xf32>
      %exp23A_2065 = math.exp2 %mul3A_2064 : vector<8x1024xf32>
      %add3A_2066 = arith.addf %add3A_2057, %exp23A_2065 : vector<8x1024xf32>
      %get3A_2067 = arith.constant 912 : index
      %get3A_2068 = arith.constant 0 : index
      %get3A_2069 = vector.load %arg1[%get3A_2067, %get3A_2068] : memref<2048x1024xf32, #tpu.memory_space<vmem>>, vector<8x1024xf32>
      %sub3A_2070 = arith.subf %get3A_2069, %max3A_1035 : vector<8x1024xf32>
      %mul3A_2071 = arith.constant 43.2808495 : f32
      %mul3A_2072 = vector.broadcast %mul3A_2071 : f32 to vector<8x1024xf32>
      %mul3A_2073 = arith.mulf %mul3A_2072, %sub3A_2070 : vector<8x1024xf32>
      %exp23A_2074 = math.exp2 %mul3A_2073 : vector<8x1024xf32>
      %add3A_2075 = arith.addf %add3A_2066, %exp23A_2074 : vector<8x1024xf32>
      %get3A_2076 = arith.constant 920 : index
      %get3A_2077 = arith.constant 0 : index
      %get3A_2078 = vector.load %arg1[%get3A_2076, %get3A_2077] : memref<2048x1024xf32, #tpu.memory_space<vmem>>, vector<8x1024xf32>
      %sub3A_2079 = arith.subf %get3A_2078, %max3A_1035 : vector<8x1024xf32>
      %mul3A_2080 = arith.constant 43.2808495 : f32
      %mul3A_2081 = vector.broadcast %mul3A_2080 : f32 to vector<8x1024xf32>
      %mul3A_2082 = arith.mulf %mul3A_2081, %sub3A_2079 : vector<8x1024xf32>
      %exp23A_2083 = math.exp2 %mul3A_2082 : vector<8x1024xf32>
      %add3A_2084 = arith.addf %add3A_2075, %exp23A_2083 : vector<8x1024xf32>
      %get3A_2085 = arith.constant 928 : index
      %get3A_2086 = arith.constant 0 : index
      %get3A_2087 = vector.load %arg1[%get3A_2085, %get3A_2086] : memref<2048x1024xf32, #tpu.memory_space<vmem>>, vector<8x1024xf32>
      %sub3A_2088 = arith.subf %get3A_2087, %max3A_1035 : vector<8x1024xf32>
      %mul3A_2089 = arith.constant 43.2808495 : f32
      %mul3A_2090 = vector.broadcast %mul3A_2089 : f32 to vector<8x1024xf32>
      %mul3A_2091 = arith.mulf %mul3A_2090, %sub3A_2088 : vector<8x1024xf32>
      %exp23A_2092 = math.exp2 %mul3A_2091 : vector<8x1024xf32>
      %add3A_2093 = arith.addf %add3A_2084, %exp23A_2092 : vector<8x1024xf32>
      %get3A_2094 = arith.constant 936 : index
      %get3A_2095 = arith.constant 0 : index
      %get3A_2096 = vector.load %arg1[%get3A_2094, %get3A_2095] : memref<2048x1024xf32, #tpu.memory_space<vmem>>, vector<8x1024xf32>
      %sub3A_2097 = arith.subf %get3A_2096, %max3A_1035 : vector<8x1024xf32>
      %mul3A_2098 = arith.constant 43.2808495 : f32
      %mul3A_2099 = vector.broadcast %mul3A_2098 : f32 to vector<8x1024xf32>
      %mul3A_2100 = arith.mulf %mul3A_2099, %sub3A_2097 : vector<8x1024xf32>
      %exp23A_2101 = math.exp2 %mul3A_2100 : vector<8x1024xf32>
      %add3A_2102 = arith.addf %add3A_2093, %exp23A_2101 : vector<8x1024xf32>
      %get3A_2103 = arith.constant 944 : index
      %get3A_2104 = arith.constant 0 : index
      %get3A_2105 = vector.load %arg1[%get3A_2103, %get3A_2104] : memref<2048x1024xf32, #tpu.memory_space<vmem>>, vector<8x1024xf32>
      %sub3A_2106 = arith.subf %get3A_2105, %max3A_1035 : vector<8x1024xf32>
      %mul3A_2107 = arith.constant 43.2808495 : f32
      %mul3A_2108 = vector.broadcast %mul3A_2107 : f32 to vector<8x1024xf32>
      %mul3A_2109 = arith.mulf %mul3A_2108, %sub3A_2106 : vector<8x1024xf32>
      %exp23A_2110 = math.exp2 %mul3A_2109 : vector<8x1024xf32>
      %add3A_2111 = arith.addf %add3A_2102, %exp23A_2110 : vector<8x1024xf32>
      %get3A_2112 = arith.constant 952 : index
      %get3A_2113 = arith.constant 0 : index
      %get3A_2114 = vector.load %arg1[%get3A_2112, %get3A_2113] : memref<2048x1024xf32, #tpu.memory_space<vmem>>, vector<8x1024xf32>
      %sub3A_2115 = arith.subf %get3A_2114, %max3A_1035 : vector<8x1024xf32>
      %mul3A_2116 = arith.constant 43.2808495 : f32
      %mul3A_2117 = vector.broadcast %mul3A_2116 : f32 to vector<8x1024xf32>
      %mul3A_2118 = arith.mulf %mul3A_2117, %sub3A_2115 : vector<8x1024xf32>
      %exp23A_2119 = math.exp2 %mul3A_2118 : vector<8x1024xf32>
      %add3A_2120 = arith.addf %add3A_2111, %exp23A_2119 : vector<8x1024xf32>
      %get3A_2121 = arith.constant 960 : index
      %get3A_2122 = arith.constant 0 : index
      %get3A_2123 = vector.load %arg1[%get3A_2121, %get3A_2122] : memref<2048x1024xf32, #tpu.memory_space<vmem>>, vector<8x1024xf32>
      %sub3A_2124 = arith.subf %get3A_2123, %max3A_1035 : vector<8x1024xf32>
      %mul3A_2125 = arith.constant 43.2808495 : f32
      %mul3A_2126 = vector.broadcast %mul3A_2125 : f32 to vector<8x1024xf32>
      %mul3A_2127 = arith.mulf %mul3A_2126, %sub3A_2124 : vector<8x1024xf32>
      %exp23A_2128 = math.exp2 %mul3A_2127 : vector<8x1024xf32>
      %add3A_2129 = arith.addf %add3A_2120, %exp23A_2128 : vector<8x1024xf32>
      %get3A_2130 = arith.constant 968 : index
      %get3A_2131 = arith.constant 0 : index
      %get3A_2132 = vector.load %arg1[%get3A_2130, %get3A_2131] : memref<2048x1024xf32, #tpu.memory_space<vmem>>, vector<8x1024xf32>
      %sub3A_2133 = arith.subf %get3A_2132, %max3A_1035 : vector<8x1024xf32>
      %mul3A_2134 = arith.constant 43.2808495 : f32
      %mul3A_2135 = vector.broadcast %mul3A_2134 : f32 to vector<8x1024xf32>
      %mul3A_2136 = arith.mulf %mul3A_2135, %sub3A_2133 : vector<8x1024xf32>
      %exp23A_2137 = math.exp2 %mul3A_2136 : vector<8x1024xf32>
      %add3A_2138 = arith.addf %add3A_2129, %exp23A_2137 : vector<8x1024xf32>
      %get3A_2139 = arith.constant 976 : index
      %get3A_2140 = arith.constant 0 : index
      %get3A_2141 = vector.load %arg1[%get3A_2139, %get3A_2140] : memref<2048x1024xf32, #tpu.memory_space<vmem>>, vector<8x1024xf32>
      %sub3A_2142 = arith.subf %get3A_2141, %max3A_1035 : vector<8x1024xf32>
      %mul3A_2143 = arith.constant 43.2808495 : f32
      %mul3A_2144 = vector.broadcast %mul3A_2143 : f32 to vector<8x1024xf32>
      %mul3A_2145 = arith.mulf %mul3A_2144, %sub3A_2142 : vector<8x1024xf32>
      %exp23A_2146 = math.exp2 %mul3A_2145 : vector<8x1024xf32>
      %add3A_2147 = arith.addf %add3A_2138, %exp23A_2146 : vector<8x1024xf32>
      %get3A_2148 = arith.constant 984 : index
      %get3A_2149 = arith.constant 0 : index
      %get3A_2150 = vector.load %arg1[%get3A_2148, %get3A_2149] : memref<2048x1024xf32, #tpu.memory_space<vmem>>, vector<8x1024xf32>
      %sub3A_2151 = arith.subf %get3A_2150, %max3A_1035 : vector<8x1024xf32>
      %mul3A_2152 = arith.constant 43.2808495 : f32
      %mul3A_2153 = vector.broadcast %mul3A_2152 : f32 to vector<8x1024xf32>
      %mul3A_2154 = arith.mulf %mul3A_2153, %sub3A_2151 : vector<8x1024xf32>
      %exp23A_2155 = math.exp2 %mul3A_2154 : vector<8x1024xf32>
      %add3A_2156 = arith.addf %add3A_2147, %exp23A_2155 : vector<8x1024xf32>
      %get3A_2157 = arith.constant 992 : index
      %get3A_2158 = arith.constant 0 : index
      %get3A_2159 = vector.load %arg1[%get3A_2157, %get3A_2158] : memref<2048x1024xf32, #tpu.memory_space<vmem>>, vector<8x1024xf32>
      %sub3A_2160 = arith.subf %get3A_2159, %max3A_1035 : vector<8x1024xf32>
      %mul3A_2161 = arith.constant 43.2808495 : f32
      %mul3A_2162 = vector.broadcast %mul3A_2161 : f32 to vector<8x1024xf32>
      %mul3A_2163 = arith.mulf %mul3A_2162, %sub3A_2160 : vector<8x1024xf32>
      %exp23A_2164 = math.exp2 %mul3A_2163 : vector<8x1024xf32>
      %add3A_2165 = arith.addf %add3A_2156, %exp23A_2164 : vector<8x1024xf32>
      %get3A_2166 = arith.constant 1000 : index
      %get3A_2167 = arith.constant 0 : index
      %get3A_2168 = vector.load %arg1[%get3A_2166, %get3A_2167] : memref<2048x1024xf32, #tpu.memory_space<vmem>>, vector<8x1024xf32>
      %sub3A_2169 = arith.subf %get3A_2168, %max3A_1035 : vector<8x1024xf32>
      %mul3A_2170 = arith.constant 43.2808495 : f32
      %mul3A_2171 = vector.broadcast %mul3A_2170 : f32 to vector<8x1024xf32>
      %mul3A_2172 = arith.mulf %mul3A_2171, %sub3A_2169 : vector<8x1024xf32>
      %exp23A_2173 = math.exp2 %mul3A_2172 : vector<8x1024xf32>
      %add3A_2174 = arith.addf %add3A_2165, %exp23A_2173 : vector<8x1024xf32>
      %get3A_2175 = arith.constant 1008 : index
      %get3A_2176 = arith.constant 0 : index
      %get3A_2177 = vector.load %arg1[%get3A_2175, %get3A_2176] : memref<2048x1024xf32, #tpu.memory_space<vmem>>, vector<8x1024xf32>
      %sub3A_2178 = arith.subf %get3A_2177, %max3A_1035 : vector<8x1024xf32>
      %mul3A_2179 = arith.constant 43.2808495 : f32
      %mul3A_2180 = vector.broadcast %mul3A_2179 : f32 to vector<8x1024xf32>
      %mul3A_2181 = arith.mulf %mul3A_2180, %sub3A_2178 : vector<8x1024xf32>
      %exp23A_2182 = math.exp2 %mul3A_2181 : vector<8x1024xf32>
      %add3A_2183 = arith.addf %add3A_2174, %exp23A_2182 : vector<8x1024xf32>
      %get3A_2184 = arith.constant 1016 : index
      %get3A_2185 = arith.constant 0 : index
      %get3A_2186 = vector.load %arg1[%get3A_2184, %get3A_2185] : memref<2048x1024xf32, #tpu.memory_space<vmem>>, vector<8x1024xf32>
      %sub3A_2187 = arith.subf %get3A_2186, %max3A_1035 : vector<8x1024xf32>
      %mul3A_2188 = arith.constant 43.2808495 : f32
      %mul3A_2189 = vector.broadcast %mul3A_2188 : f32 to vector<8x1024xf32>
      %mul3A_2190 = arith.mulf %mul3A_2189, %sub3A_2187 : vector<8x1024xf32>
      %exp23A_2191 = math.exp2 %mul3A_2190 : vector<8x1024xf32>
      %add3A_2192 = arith.addf %add3A_2183, %exp23A_2191 : vector<8x1024xf32>
      %get3A_2193 = arith.constant 1024 : index
      %get3A_2194 = arith.constant 0 : index
      %get3A_2195 = vector.load %arg1[%get3A_2193, %get3A_2194] : memref<2048x1024xf32, #tpu.memory_space<vmem>>, vector<8x1024xf32>
      %sub3A_2196 = arith.subf %get3A_2195, %max3A_1035 : vector<8x1024xf32>
      %mul3A_2197 = arith.constant 43.2808495 : f32
      %mul3A_2198 = vector.broadcast %mul3A_2197 : f32 to vector<8x1024xf32>
      %mul3A_2199 = arith.mulf %mul3A_2198, %sub3A_2196 : vector<8x1024xf32>
      %exp23A_2200 = math.exp2 %mul3A_2199 : vector<8x1024xf32>
      %add3A_2201 = arith.addf %add3A_2192, %exp23A_2200 : vector<8x1024xf32>
      %get3A_2202 = arith.constant 1032 : index
      %get3A_2203 = arith.constant 0 : index
      %get3A_2204 = vector.load %arg1[%get3A_2202, %get3A_2203] : memref<2048x1024xf32, #tpu.memory_space<vmem>>, vector<8x1024xf32>
      %sub3A_2205 = arith.subf %get3A_2204, %max3A_1035 : vector<8x1024xf32>
      %mul3A_2206 = arith.constant 43.2808495 : f32
      %mul3A_2207 = vector.broadcast %mul3A_2206 : f32 to vector<8x1024xf32>
      %mul3A_2208 = arith.mulf %mul3A_2207, %sub3A_2205 : vector<8x1024xf32>
      %exp23A_2209 = math.exp2 %mul3A_2208 : vector<8x1024xf32>
      %add3A_2210 = arith.addf %add3A_2201, %exp23A_2209 : vector<8x1024xf32>
      %get3A_2211 = arith.constant 1040 : index
      %get3A_2212 = arith.constant 0 : index
      %get3A_2213 = vector.load %arg1[%get3A_2211, %get3A_2212] : memref<2048x1024xf32, #tpu.memory_space<vmem>>, vector<8x1024xf32>
      %sub3A_2214 = arith.subf %get3A_2213, %max3A_1035 : vector<8x1024xf32>
      %mul3A_2215 = arith.constant 43.2808495 : f32
      %mul3A_2216 = vector.broadcast %mul3A_2215 : f32 to vector<8x1024xf32>
      %mul3A_2217 = arith.mulf %mul3A_2216, %sub3A_2214 : vector<8x1024xf32>
      %exp23A_2218 = math.exp2 %mul3A_2217 : vector<8x1024xf32>
      %add3A_2219 = arith.addf %add3A_2210, %exp23A_2218 : vector<8x1024xf32>
      %get3A_2220 = arith.constant 1048 : index
      %get3A_2221 = arith.constant 0 : index
      %get3A_2222 = vector.load %arg1[%get3A_2220, %get3A_2221] : memref<2048x1024xf32, #tpu.memory_space<vmem>>, vector<8x1024xf32>
      %sub3A_2223 = arith.subf %get3A_2222, %max3A_1035 : vector<8x1024xf32>
      %mul3A_2224 = arith.constant 43.2808495 : f32
      %mul3A_2225 = vector.broadcast %mul3A_2224 : f32 to vector<8x1024xf32>
      %mul3A_2226 = arith.mulf %mul3A_2225, %sub3A_2223 : vector<8x1024xf32>
      %exp23A_2227 = math.exp2 %mul3A_2226 : vector<8x1024xf32>
      %add3A_2228 = arith.addf %add3A_2219, %exp23A_2227 : vector<8x1024xf32>
      %get3A_2229 = arith.constant 1056 : index
      %get3A_2230 = arith.constant 0 : index
      %get3A_2231 = vector.load %arg1[%get3A_2229, %get3A_2230] : memref<2048x1024xf32, #tpu.memory_space<vmem>>, vector<8x1024xf32>
      %sub3A_2232 = arith.subf %get3A_2231, %max3A_1035 : vector<8x1024xf32>
      %mul3A_2233 = arith.constant 43.2808495 : f32
      %mul3A_2234 = vector.broadcast %mul3A_2233 : f32 to vector<8x1024xf32>
      %mul3A_2235 = arith.mulf %mul3A_2234, %sub3A_2232 : vector<8x1024xf32>
      %exp23A_2236 = math.exp2 %mul3A_2235 : vector<8x1024xf32>
      %add3A_2237 = arith.addf %add3A_2228, %exp23A_2236 : vector<8x1024xf32>
      %get3A_2238 = arith.constant 1064 : index
      %get3A_2239 = arith.constant 0 : index
      %get3A_2240 = vector.load %arg1[%get3A_2238, %get3A_2239] : memref<2048x1024xf32, #tpu.memory_space<vmem>>, vector<8x1024xf32>
      %sub3A_2241 = arith.subf %get3A_2240, %max3A_1035 : vector<8x1024xf32>
      %mul3A_2242 = arith.constant 43.2808495 : f32
      %mul3A_2243 = vector.broadcast %mul3A_2242 : f32 to vector<8x1024xf32>
      %mul3A_2244 = arith.mulf %mul3A_2243, %sub3A_2241 : vector<8x1024xf32>
      %exp23A_2245 = math.exp2 %mul3A_2244 : vector<8x1024xf32>
      %add3A_2246 = arith.addf %add3A_2237, %exp23A_2245 : vector<8x1024xf32>
      %get3A_2247 = arith.constant 1072 : index
      %get3A_2248 = arith.constant 0 : index
      %get3A_2249 = vector.load %arg1[%get3A_2247, %get3A_2248] : memref<2048x1024xf32, #tpu.memory_space<vmem>>, vector<8x1024xf32>
      %sub3A_2250 = arith.subf %get3A_2249, %max3A_1035 : vector<8x1024xf32>
      %mul3A_2251 = arith.constant 43.2808495 : f32
      %mul3A_2252 = vector.broadcast %mul3A_2251 : f32 to vector<8x1024xf32>
      %mul3A_2253 = arith.mulf %mul3A_2252, %sub3A_2250 : vector<8x1024xf32>
      %exp23A_2254 = math.exp2 %mul3A_2253 : vector<8x1024xf32>
      %add3A_2255 = arith.addf %add3A_2246, %exp23A_2254 : vector<8x1024xf32>
      %get3A_2256 = arith.constant 1080 : index
      %get3A_2257 = arith.constant 0 : index
      %get3A_2258 = vector.load %arg1[%get3A_2256, %get3A_2257] : memref<2048x1024xf32, #tpu.memory_space<vmem>>, vector<8x1024xf32>
      %sub3A_2259 = arith.subf %get3A_2258, %max3A_1035 : vector<8x1024xf32>
      %mul3A_2260 = arith.constant 43.2808495 : f32
      %mul3A_2261 = vector.broadcast %mul3A_2260 : f32 to vector<8x1024xf32>
      %mul3A_2262 = arith.mulf %mul3A_2261, %sub3A_2259 : vector<8x1024xf32>
      %exp23A_2263 = math.exp2 %mul3A_2262 : vector<8x1024xf32>
      %add3A_2264 = arith.addf %add3A_2255, %exp23A_2263 : vector<8x1024xf32>
      %get3A_2265 = arith.constant 1088 : index
      %get3A_2266 = arith.constant 0 : index
      %get3A_2267 = vector.load %arg1[%get3A_2265, %get3A_2266] : memref<2048x1024xf32, #tpu.memory_space<vmem>>, vector<8x1024xf32>
      %sub3A_2268 = arith.subf %get3A_2267, %max3A_1035 : vector<8x1024xf32>
      %mul3A_2269 = arith.constant 43.2808495 : f32
      %mul3A_2270 = vector.broadcast %mul3A_2269 : f32 to vector<8x1024xf32>
      %mul3A_2271 = arith.mulf %mul3A_2270, %sub3A_2268 : vector<8x1024xf32>
      %exp23A_2272 = math.exp2 %mul3A_2271 : vector<8x1024xf32>
      %add3A_2273 = arith.addf %add3A_2264, %exp23A_2272 : vector<8x1024xf32>
      %get3A_2274 = arith.constant 1096 : index
      %get3A_2275 = arith.constant 0 : index
      %get3A_2276 = vector.load %arg1[%get3A_2274, %get3A_2275] : memref<2048x1024xf32, #tpu.memory_space<vmem>>, vector<8x1024xf32>
      %sub3A_2277 = arith.subf %get3A_2276, %max3A_1035 : vector<8x1024xf32>
      %mul3A_2278 = arith.constant 43.2808495 : f32
      %mul3A_2279 = vector.broadcast %mul3A_2278 : f32 to vector<8x1024xf32>
      %mul3A_2280 = arith.mulf %mul3A_2279, %sub3A_2277 : vector<8x1024xf32>
      %exp23A_2281 = math.exp2 %mul3A_2280 : vector<8x1024xf32>
      %add3A_2282 = arith.addf %add3A_2273, %exp23A_2281 : vector<8x1024xf32>
      %get3A_2283 = arith.constant 1104 : index
      %get3A_2284 = arith.constant 0 : index
      %get3A_2285 = vector.load %arg1[%get3A_2283, %get3A_2284] : memref<2048x1024xf32, #tpu.memory_space<vmem>>, vector<8x1024xf32>
      %sub3A_2286 = arith.subf %get3A_2285, %max3A_1035 : vector<8x1024xf32>
      %mul3A_2287 = arith.constant 43.2808495 : f32
      %mul3A_2288 = vector.broadcast %mul3A_2287 : f32 to vector<8x1024xf32>
      %mul3A_2289 = arith.mulf %mul3A_2288, %sub3A_2286 : vector<8x1024xf32>
      %exp23A_2290 = math.exp2 %mul3A_2289 : vector<8x1024xf32>
      %add3A_2291 = arith.addf %add3A_2282, %exp23A_2290 : vector<8x1024xf32>
      %get3A_2292 = arith.constant 1112 : index
      %get3A_2293 = arith.constant 0 : index
      %get3A_2294 = vector.load %arg1[%get3A_2292, %get3A_2293] : memref<2048x1024xf32, #tpu.memory_space<vmem>>, vector<8x1024xf32>
      %sub3A_2295 = arith.subf %get3A_2294, %max3A_1035 : vector<8x1024xf32>
      %mul3A_2296 = arith.constant 43.2808495 : f32
      %mul3A_2297 = vector.broadcast %mul3A_2296 : f32 to vector<8x1024xf32>
      %mul3A_2298 = arith.mulf %mul3A_2297, %sub3A_2295 : vector<8x1024xf32>
      %exp23A_2299 = math.exp2 %mul3A_2298 : vector<8x1024xf32>
      %add3A_2300 = arith.addf %add3A_2291, %exp23A_2299 : vector<8x1024xf32>
      %get3A_2301 = arith.constant 1120 : index
      %get3A_2302 = arith.constant 0 : index
      %get3A_2303 = vector.load %arg1[%get3A_2301, %get3A_2302] : memref<2048x1024xf32, #tpu.memory_space<vmem>>, vector<8x1024xf32>
      %sub3A_2304 = arith.subf %get3A_2303, %max3A_1035 : vector<8x1024xf32>
      %mul3A_2305 = arith.constant 43.2808495 : f32
      %mul3A_2306 = vector.broadcast %mul3A_2305 : f32 to vector<8x1024xf32>
      %mul3A_2307 = arith.mulf %mul3A_2306, %sub3A_2304 : vector<8x1024xf32>
      %exp23A_2308 = math.exp2 %mul3A_2307 : vector<8x1024xf32>
      %add3A_2309 = arith.addf %add3A_2300, %exp23A_2308 : vector<8x1024xf32>
      %get3A_2310 = arith.constant 1128 : index
      %get3A_2311 = arith.constant 0 : index
      %get3A_2312 = vector.load %arg1[%get3A_2310, %get3A_2311] : memref<2048x1024xf32, #tpu.memory_space<vmem>>, vector<8x1024xf32>
      %sub3A_2313 = arith.subf %get3A_2312, %max3A_1035 : vector<8x1024xf32>
      %mul3A_2314 = arith.constant 43.2808495 : f32
      %mul3A_2315 = vector.broadcast %mul3A_2314 : f32 to vector<8x1024xf32>
      %mul3A_2316 = arith.mulf %mul3A_2315, %sub3A_2313 : vector<8x1024xf32>
      %exp23A_2317 = math.exp2 %mul3A_2316 : vector<8x1024xf32>
      %add3A_2318 = arith.addf %add3A_2309, %exp23A_2317 : vector<8x1024xf32>
      %get3A_2319 = arith.constant 1136 : index
      %get3A_2320 = arith.constant 0 : index
      %get3A_2321 = vector.load %arg1[%get3A_2319, %get3A_2320] : memref<2048x1024xf32, #tpu.memory_space<vmem>>, vector<8x1024xf32>
      %sub3A_2322 = arith.subf %get3A_2321, %max3A_1035 : vector<8x1024xf32>
      %mul3A_2323 = arith.constant 43.2808495 : f32
      %mul3A_2324 = vector.broadcast %mul3A_2323 : f32 to vector<8x1024xf32>
      %mul3A_2325 = arith.mulf %mul3A_2324, %sub3A_2322 : vector<8x1024xf32>
      %exp23A_2326 = math.exp2 %mul3A_2325 : vector<8x1024xf32>
      %add3A_2327 = arith.addf %add3A_2318, %exp23A_2326 : vector<8x1024xf32>
      %get3A_2328 = arith.constant 1144 : index
      %get3A_2329 = arith.constant 0 : index
      %get3A_2330 = vector.load %arg1[%get3A_2328, %get3A_2329] : memref<2048x1024xf32, #tpu.memory_space<vmem>>, vector<8x1024xf32>
      %sub3A_2331 = arith.subf %get3A_2330, %max3A_1035 : vector<8x1024xf32>
      %mul3A_2332 = arith.constant 43.2808495 : f32
      %mul3A_2333 = vector.broadcast %mul3A_2332 : f32 to vector<8x1024xf32>
      %mul3A_2334 = arith.mulf %mul3A_2333, %sub3A_2331 : vector<8x1024xf32>
      %exp23A_2335 = math.exp2 %mul3A_2334 : vector<8x1024xf32>
      %add3A_2336 = arith.addf %add3A_2327, %exp23A_2335 : vector<8x1024xf32>
      %get3A_2337 = arith.constant 1152 : index
      %get3A_2338 = arith.constant 0 : index
      %get3A_2339 = vector.load %arg1[%get3A_2337, %get3A_2338] : memref<2048x1024xf32, #tpu.memory_space<vmem>>, vector<8x1024xf32>
      %sub3A_2340 = arith.subf %get3A_2339, %max3A_1035 : vector<8x1024xf32>
      %mul3A_2341 = arith.constant 43.2808495 : f32
      %mul3A_2342 = vector.broadcast %mul3A_2341 : f32 to vector<8x1024xf32>
      %mul3A_2343 = arith.mulf %mul3A_2342, %sub3A_2340 : vector<8x1024xf32>
      %exp23A_2344 = math.exp2 %mul3A_2343 : vector<8x1024xf32>
      %add3A_2345 = arith.addf %add3A_2336, %exp23A_2344 : vector<8x1024xf32>
      %get3A_2346 = arith.constant 1160 : index
      %get3A_2347 = arith.constant 0 : index
      %get3A_2348 = vector.load %arg1[%get3A_2346, %get3A_2347] : memref<2048x1024xf32, #tpu.memory_space<vmem>>, vector<8x1024xf32>
      %sub3A_2349 = arith.subf %get3A_2348, %max3A_1035 : vector<8x1024xf32>
      %mul3A_2350 = arith.constant 43.2808495 : f32
      %mul3A_2351 = vector.broadcast %mul3A_2350 : f32 to vector<8x1024xf32>
      %mul3A_2352 = arith.mulf %mul3A_2351, %sub3A_2349 : vector<8x1024xf32>
      %exp23A_2353 = math.exp2 %mul3A_2352 : vector<8x1024xf32>
      %add3A_2354 = arith.addf %add3A_2345, %exp23A_2353 : vector<8x1024xf32>
      %get3A_2355 = arith.constant 1168 : index
      %get3A_2356 = arith.constant 0 : index
      %get3A_2357 = vector.load %arg1[%get3A_2355, %get3A_2356] : memref<2048x1024xf32, #tpu.memory_space<vmem>>, vector<8x1024xf32>
      %sub3A_2358 = arith.subf %get3A_2357, %max3A_1035 : vector<8x1024xf32>
      %mul3A_2359 = arith.constant 43.2808495 : f32
      %mul3A_2360 = vector.broadcast %mul3A_2359 : f32 to vector<8x1024xf32>
      %mul3A_2361 = arith.mulf %mul3A_2360, %sub3A_2358 : vector<8x1024xf32>
      %exp23A_2362 = math.exp2 %mul3A_2361 : vector<8x1024xf32>
      %add3A_2363 = arith.addf %add3A_2354, %exp23A_2362 : vector<8x1024xf32>
      %get3A_2364 = arith.constant 1176 : index
      %get3A_2365 = arith.constant 0 : index
      %get3A_2366 = vector.load %arg1[%get3A_2364, %get3A_2365] : memref<2048x1024xf32, #tpu.memory_space<vmem>>, vector<8x1024xf32>
      %sub3A_2367 = arith.subf %get3A_2366, %max3A_1035 : vector<8x1024xf32>
      %mul3A_2368 = arith.constant 43.2808495 : f32
      %mul3A_2369 = vector.broadcast %mul3A_2368 : f32 to vector<8x1024xf32>
      %mul3A_2370 = arith.mulf %mul3A_2369, %sub3A_2367 : vector<8x1024xf32>
      %exp23A_2371 = math.exp2 %mul3A_2370 : vector<8x1024xf32>
      %add3A_2372 = arith.addf %add3A_2363, %exp23A_2371 : vector<8x1024xf32>
      %get3A_2373 = arith.constant 1184 : index
      %get3A_2374 = arith.constant 0 : index
      %get3A_2375 = vector.load %arg1[%get3A_2373, %get3A_2374] : memref<2048x1024xf32, #tpu.memory_space<vmem>>, vector<8x1024xf32>
      %sub3A_2376 = arith.subf %get3A_2375, %max3A_1035 : vector<8x1024xf32>
      %mul3A_2377 = arith.constant 43.2808495 : f32
      %mul3A_2378 = vector.broadcast %mul3A_2377 : f32 to vector<8x1024xf32>
      %mul3A_2379 = arith.mulf %mul3A_2378, %sub3A_2376 : vector<8x1024xf32>
      %exp23A_2380 = math.exp2 %mul3A_2379 : vector<8x1024xf32>
      %add3A_2381 = arith.addf %add3A_2372, %exp23A_2380 : vector<8x1024xf32>
      %get3A_2382 = arith.constant 1192 : index
      %get3A_2383 = arith.constant 0 : index
      %get3A_2384 = vector.load %arg1[%get3A_2382, %get3A_2383] : memref<2048x1024xf32, #tpu.memory_space<vmem>>, vector<8x1024xf32>
      %sub3A_2385 = arith.subf %get3A_2384, %max3A_1035 : vector<8x1024xf32>
      %mul3A_2386 = arith.constant 43.2808495 : f32
      %mul3A_2387 = vector.broadcast %mul3A_2386 : f32 to vector<8x1024xf32>
      %mul3A_2388 = arith.mulf %mul3A_2387, %sub3A_2385 : vector<8x1024xf32>
      %exp23A_2389 = math.exp2 %mul3A_2388 : vector<8x1024xf32>
      %add3A_2390 = arith.addf %add3A_2381, %exp23A_2389 : vector<8x1024xf32>
      %get3A_2391 = arith.constant 1200 : index
      %get3A_2392 = arith.constant 0 : index
      %get3A_2393 = vector.load %arg1[%get3A_2391, %get3A_2392] : memref<2048x1024xf32, #tpu.memory_space<vmem>>, vector<8x1024xf32>
      %sub3A_2394 = arith.subf %get3A_2393, %max3A_1035 : vector<8x1024xf32>
      %mul3A_2395 = arith.constant 43.2808495 : f32
      %mul3A_2396 = vector.broadcast %mul3A_2395 : f32 to vector<8x1024xf32>
      %mul3A_2397 = arith.mulf %mul3A_2396, %sub3A_2394 : vector<8x1024xf32>
      %exp23A_2398 = math.exp2 %mul3A_2397 : vector<8x1024xf32>
      %add3A_2399 = arith.addf %add3A_2390, %exp23A_2398 : vector<8x1024xf32>
      %get3A_2400 = arith.constant 1208 : index
      %get3A_2401 = arith.constant 0 : index
      %get3A_2402 = vector.load %arg1[%get3A_2400, %get3A_2401] : memref<2048x1024xf32, #tpu.memory_space<vmem>>, vector<8x1024xf32>
      %sub3A_2403 = arith.subf %get3A_2402, %max3A_1035 : vector<8x1024xf32>
      %mul3A_2404 = arith.constant 43.2808495 : f32
      %mul3A_2405 = vector.broadcast %mul3A_2404 : f32 to vector<8x1024xf32>
      %mul3A_2406 = arith.mulf %mul3A_2405, %sub3A_2403 : vector<8x1024xf32>
      %exp23A_2407 = math.exp2 %mul3A_2406 : vector<8x1024xf32>
      %add3A_2408 = arith.addf %add3A_2399, %exp23A_2407 : vector<8x1024xf32>
      %get3A_2409 = arith.constant 1216 : index
      %get3A_2410 = arith.constant 0 : index
      %get3A_2411 = vector.load %arg1[%get3A_2409, %get3A_2410] : memref<2048x1024xf32, #tpu.memory_space<vmem>>, vector<8x1024xf32>
      %sub3A_2412 = arith.subf %get3A_2411, %max3A_1035 : vector<8x1024xf32>
      %mul3A_2413 = arith.constant 43.2808495 : f32
      %mul3A_2414 = vector.broadcast %mul3A_2413 : f32 to vector<8x1024xf32>
      %mul3A_2415 = arith.mulf %mul3A_2414, %sub3A_2412 : vector<8x1024xf32>
      %exp23A_2416 = math.exp2 %mul3A_2415 : vector<8x1024xf32>
      %add3A_2417 = arith.addf %add3A_2408, %exp23A_2416 : vector<8x1024xf32>
      %get3A_2418 = arith.constant 1224 : index
      %get3A_2419 = arith.constant 0 : index
      %get3A_2420 = vector.load %arg1[%get3A_2418, %get3A_2419] : memref<2048x1024xf32, #tpu.memory_space<vmem>>, vector<8x1024xf32>
      %sub3A_2421 = arith.subf %get3A_2420, %max3A_1035 : vector<8x1024xf32>
      %mul3A_2422 = arith.constant 43.2808495 : f32
      %mul3A_2423 = vector.broadcast %mul3A_2422 : f32 to vector<8x1024xf32>
      %mul3A_2424 = arith.mulf %mul3A_2423, %sub3A_2421 : vector<8x1024xf32>
      %exp23A_2425 = math.exp2 %mul3A_2424 : vector<8x1024xf32>
      %add3A_2426 = arith.addf %add3A_2417, %exp23A_2425 : vector<8x1024xf32>
      %get3A_2427 = arith.constant 1232 : index
      %get3A_2428 = arith.constant 0 : index
      %get3A_2429 = vector.load %arg1[%get3A_2427, %get3A_2428] : memref<2048x1024xf32, #tpu.memory_space<vmem>>, vector<8x1024xf32>
      %sub3A_2430 = arith.subf %get3A_2429, %max3A_1035 : vector<8x1024xf32>
      %mul3A_2431 = arith.constant 43.2808495 : f32
      %mul3A_2432 = vector.broadcast %mul3A_2431 : f32 to vector<8x1024xf32>
      %mul3A_2433 = arith.mulf %mul3A_2432, %sub3A_2430 : vector<8x1024xf32>
      %exp23A_2434 = math.exp2 %mul3A_2433 : vector<8x1024xf32>
      %add3A_2435 = arith.addf %add3A_2426, %exp23A_2434 : vector<8x1024xf32>
      %get3A_2436 = arith.constant 1240 : index
      %get3A_2437 = arith.constant 0 : index
      %get3A_2438 = vector.load %arg1[%get3A_2436, %get3A_2437] : memref<2048x1024xf32, #tpu.memory_space<vmem>>, vector<8x1024xf32>
      %sub3A_2439 = arith.subf %get3A_2438, %max3A_1035 : vector<8x1024xf32>
      %mul3A_2440 = arith.constant 43.2808495 : f32
      %mul3A_2441 = vector.broadcast %mul3A_2440 : f32 to vector<8x1024xf32>
      %mul3A_2442 = arith.mulf %mul3A_2441, %sub3A_2439 : vector<8x1024xf32>
      %exp23A_2443 = math.exp2 %mul3A_2442 : vector<8x1024xf32>
      %add3A_2444 = arith.addf %add3A_2435, %exp23A_2443 : vector<8x1024xf32>
      %get3A_2445 = arith.constant 1248 : index
      %get3A_2446 = arith.constant 0 : index
      %get3A_2447 = vector.load %arg1[%get3A_2445, %get3A_2446] : memref<2048x1024xf32, #tpu.memory_space<vmem>>, vector<8x1024xf32>
      %sub3A_2448 = arith.subf %get3A_2447, %max3A_1035 : vector<8x1024xf32>
      %mul3A_2449 = arith.constant 43.2808495 : f32
      %mul3A_2450 = vector.broadcast %mul3A_2449 : f32 to vector<8x1024xf32>
      %mul3A_2451 = arith.mulf %mul3A_2450, %sub3A_2448 : vector<8x1024xf32>
      %exp23A_2452 = math.exp2 %mul3A_2451 : vector<8x1024xf32>
      %add3A_2453 = arith.addf %add3A_2444, %exp23A_2452 : vector<8x1024xf32>
      %get3A_2454 = arith.constant 1256 : index
      %get3A_2455 = arith.constant 0 : index
      %get3A_2456 = vector.load %arg1[%get3A_2454, %get3A_2455] : memref<2048x1024xf32, #tpu.memory_space<vmem>>, vector<8x1024xf32>
      %sub3A_2457 = arith.subf %get3A_2456, %max3A_1035 : vector<8x1024xf32>
      %mul3A_2458 = arith.constant 43.2808495 : f32
      %mul3A_2459 = vector.broadcast %mul3A_2458 : f32 to vector<8x1024xf32>
      %mul3A_2460 = arith.mulf %mul3A_2459, %sub3A_2457 : vector<8x1024xf32>
      %exp23A_2461 = math.exp2 %mul3A_2460 : vector<8x1024xf32>
      %add3A_2462 = arith.addf %add3A_2453, %exp23A_2461 : vector<8x1024xf32>
      %get3A_2463 = arith.constant 1264 : index
      %get3A_2464 = arith.constant 0 : index
      %get3A_2465 = vector.load %arg1[%get3A_2463, %get3A_2464] : memref<2048x1024xf32, #tpu.memory_space<vmem>>, vector<8x1024xf32>
      %sub3A_2466 = arith.subf %get3A_2465, %max3A_1035 : vector<8x1024xf32>
      %mul3A_2467 = arith.constant 43.2808495 : f32
      %mul3A_2468 = vector.broadcast %mul3A_2467 : f32 to vector<8x1024xf32>
      %mul3A_2469 = arith.mulf %mul3A_2468, %sub3A_2466 : vector<8x1024xf32>
      %exp23A_2470 = math.exp2 %mul3A_2469 : vector<8x1024xf32>
      %add3A_2471 = arith.addf %add3A_2462, %exp23A_2470 : vector<8x1024xf32>
      %get3A_2472 = arith.constant 1272 : index
      %get3A_2473 = arith.constant 0 : index
      %get3A_2474 = vector.load %arg1[%get3A_2472, %get3A_2473] : memref<2048x1024xf32, #tpu.memory_space<vmem>>, vector<8x1024xf32>
      %sub3A_2475 = arith.subf %get3A_2474, %max3A_1035 : vector<8x1024xf32>
      %mul3A_2476 = arith.constant 43.2808495 : f32
      %mul3A_2477 = vector.broadcast %mul3A_2476 : f32 to vector<8x1024xf32>
      %mul3A_2478 = arith.mulf %mul3A_2477, %sub3A_2475 : vector<8x1024xf32>
      %exp23A_2479 = math.exp2 %mul3A_2478 : vector<8x1024xf32>
      %add3A_2480 = arith.addf %add3A_2471, %exp23A_2479 : vector<8x1024xf32>
      %get3A_2481 = arith.constant 1280 : index
      %get3A_2482 = arith.constant 0 : index
      %get3A_2483 = vector.load %arg1[%get3A_2481, %get3A_2482] : memref<2048x1024xf32, #tpu.memory_space<vmem>>, vector<8x1024xf32>
      %sub3A_2484 = arith.subf %get3A_2483, %max3A_1035 : vector<8x1024xf32>
      %mul3A_2485 = arith.constant 43.2808495 : f32
      %mul3A_2486 = vector.broadcast %mul3A_2485 : f32 to vector<8x1024xf32>
      %mul3A_2487 = arith.mulf %mul3A_2486, %sub3A_2484 : vector<8x1024xf32>
      %exp23A_2488 = math.exp2 %mul3A_2487 : vector<8x1024xf32>
      %add3A_2489 = arith.addf %add3A_2480, %exp23A_2488 : vector<8x1024xf32>
      %get3A_2490 = arith.constant 1288 : index
      %get3A_2491 = arith.constant 0 : index
      %get3A_2492 = vector.load %arg1[%get3A_2490, %get3A_2491] : memref<2048x1024xf32, #tpu.memory_space<vmem>>, vector<8x1024xf32>
      %sub3A_2493 = arith.subf %get3A_2492, %max3A_1035 : vector<8x1024xf32>
      %mul3A_2494 = arith.constant 43.2808495 : f32
      %mul3A_2495 = vector.broadcast %mul3A_2494 : f32 to vector<8x1024xf32>
      %mul3A_2496 = arith.mulf %mul3A_2495, %sub3A_2493 : vector<8x1024xf32>
      %exp23A_2497 = math.exp2 %mul3A_2496 : vector<8x1024xf32>
      %add3A_2498 = arith.addf %add3A_2489, %exp23A_2497 : vector<8x1024xf32>
      %get3A_2499 = arith.constant 1296 : index
      %get3A_2500 = arith.constant 0 : index
      %get3A_2501 = vector.load %arg1[%get3A_2499, %get3A_2500] : memref<2048x1024xf32, #tpu.memory_space<vmem>>, vector<8x1024xf32>
      %sub3A_2502 = arith.subf %get3A_2501, %max3A_1035 : vector<8x1024xf32>
      %mul3A_2503 = arith.constant 43.2808495 : f32
      %mul3A_2504 = vector.broadcast %mul3A_2503 : f32 to vector<8x1024xf32>
      %mul3A_2505 = arith.mulf %mul3A_2504, %sub3A_2502 : vector<8x1024xf32>
      %exp23A_2506 = math.exp2 %mul3A_2505 : vector<8x1024xf32>
      %add3A_2507 = arith.addf %add3A_2498, %exp23A_2506 : vector<8x1024xf32>
      %get3A_2508 = arith.constant 1304 : index
      %get3A_2509 = arith.constant 0 : index
      %get3A_2510 = vector.load %arg1[%get3A_2508, %get3A_2509] : memref<2048x1024xf32, #tpu.memory_space<vmem>>, vector<8x1024xf32>
      %sub3A_2511 = arith.subf %get3A_2510, %max3A_1035 : vector<8x1024xf32>
      %mul3A_2512 = arith.constant 43.2808495 : f32
      %mul3A_2513 = vector.broadcast %mul3A_2512 : f32 to vector<8x1024xf32>
      %mul3A_2514 = arith.mulf %mul3A_2513, %sub3A_2511 : vector<8x1024xf32>
      %exp23A_2515 = math.exp2 %mul3A_2514 : vector<8x1024xf32>
      %add3A_2516 = arith.addf %add3A_2507, %exp23A_2515 : vector<8x1024xf32>
      %get3A_2517 = arith.constant 1312 : index
      %get3A_2518 = arith.constant 0 : index
      %get3A_2519 = vector.load %arg1[%get3A_2517, %get3A_2518] : memref<2048x1024xf32, #tpu.memory_space<vmem>>, vector<8x1024xf32>
      %sub3A_2520 = arith.subf %get3A_2519, %max3A_1035 : vector<8x1024xf32>
      %mul3A_2521 = arith.constant 43.2808495 : f32
      %mul3A_2522 = vector.broadcast %mul3A_2521 : f32 to vector<8x1024xf32>
      %mul3A_2523 = arith.mulf %mul3A_2522, %sub3A_2520 : vector<8x1024xf32>
      %exp23A_2524 = math.exp2 %mul3A_2523 : vector<8x1024xf32>
      %add3A_2525 = arith.addf %add3A_2516, %exp23A_2524 : vector<8x1024xf32>
      %get3A_2526 = arith.constant 1320 : index
      %get3A_2527 = arith.constant 0 : index
      %get3A_2528 = vector.load %arg1[%get3A_2526, %get3A_2527] : memref<2048x1024xf32, #tpu.memory_space<vmem>>, vector<8x1024xf32>
      %sub3A_2529 = arith.subf %get3A_2528, %max3A_1035 : vector<8x1024xf32>
      %mul3A_2530 = arith.constant 43.2808495 : f32
      %mul3A_2531 = vector.broadcast %mul3A_2530 : f32 to vector<8x1024xf32>
      %mul3A_2532 = arith.mulf %mul3A_2531, %sub3A_2529 : vector<8x1024xf32>
      %exp23A_2533 = math.exp2 %mul3A_2532 : vector<8x1024xf32>
      %add3A_2534 = arith.addf %add3A_2525, %exp23A_2533 : vector<8x1024xf32>
      %get3A_2535 = arith.constant 1328 : index
      %get3A_2536 = arith.constant 0 : index
      %get3A_2537 = vector.load %arg1[%get3A_2535, %get3A_2536] : memref<2048x1024xf32, #tpu.memory_space<vmem>>, vector<8x1024xf32>
      %sub3A_2538 = arith.subf %get3A_2537, %max3A_1035 : vector<8x1024xf32>
      %mul3A_2539 = arith.constant 43.2808495 : f32
      %mul3A_2540 = vector.broadcast %mul3A_2539 : f32 to vector<8x1024xf32>
      %mul3A_2541 = arith.mulf %mul3A_2540, %sub3A_2538 : vector<8x1024xf32>
      %exp23A_2542 = math.exp2 %mul3A_2541 : vector<8x1024xf32>
      %add3A_2543 = arith.addf %add3A_2534, %exp23A_2542 : vector<8x1024xf32>
      %get3A_2544 = arith.constant 1336 : index
      %get3A_2545 = arith.constant 0 : index
      %get3A_2546 = vector.load %arg1[%get3A_2544, %get3A_2545] : memref<2048x1024xf32, #tpu.memory_space<vmem>>, vector<8x1024xf32>
      %sub3A_2547 = arith.subf %get3A_2546, %max3A_1035 : vector<8x1024xf32>
      %mul3A_2548 = arith.constant 43.2808495 : f32
      %mul3A_2549 = vector.broadcast %mul3A_2548 : f32 to vector<8x1024xf32>
      %mul3A_2550 = arith.mulf %mul3A_2549, %sub3A_2547 : vector<8x1024xf32>
      %exp23A_2551 = math.exp2 %mul3A_2550 : vector<8x1024xf32>
      %add3A_2552 = arith.addf %add3A_2543, %exp23A_2551 : vector<8x1024xf32>
      %get3A_2553 = arith.constant 1344 : index
      %get3A_2554 = arith.constant 0 : index
      %get3A_2555 = vector.load %arg1[%get3A_2553, %get3A_2554] : memref<2048x1024xf32, #tpu.memory_space<vmem>>, vector<8x1024xf32>
      %sub3A_2556 = arith.subf %get3A_2555, %max3A_1035 : vector<8x1024xf32>
      %mul3A_2557 = arith.constant 43.2808495 : f32
      %mul3A_2558 = vector.broadcast %mul3A_2557 : f32 to vector<8x1024xf32>
      %mul3A_2559 = arith.mulf %mul3A_2558, %sub3A_2556 : vector<8x1024xf32>
      %exp23A_2560 = math.exp2 %mul3A_2559 : vector<8x1024xf32>
      %add3A_2561 = arith.addf %add3A_2552, %exp23A_2560 : vector<8x1024xf32>
      %get3A_2562 = arith.constant 1352 : index
      %get3A_2563 = arith.constant 0 : index
      %get3A_2564 = vector.load %arg1[%get3A_2562, %get3A_2563] : memref<2048x1024xf32, #tpu.memory_space<vmem>>, vector<8x1024xf32>
      %sub3A_2565 = arith.subf %get3A_2564, %max3A_1035 : vector<8x1024xf32>
      %mul3A_2566 = arith.constant 43.2808495 : f32
      %mul3A_2567 = vector.broadcast %mul3A_2566 : f32 to vector<8x1024xf32>
      %mul3A_2568 = arith.mulf %mul3A_2567, %sub3A_2565 : vector<8x1024xf32>
      %exp23A_2569 = math.exp2 %mul3A_2568 : vector<8x1024xf32>
      %add3A_2570 = arith.addf %add3A_2561, %exp23A_2569 : vector<8x1024xf32>
      %get3A_2571 = arith.constant 1360 : index
      %get3A_2572 = arith.constant 0 : index
      %get3A_2573 = vector.load %arg1[%get3A_2571, %get3A_2572] : memref<2048x1024xf32, #tpu.memory_space<vmem>>, vector<8x1024xf32>
      %sub3A_2574 = arith.subf %get3A_2573, %max3A_1035 : vector<8x1024xf32>
      %mul3A_2575 = arith.constant 43.2808495 : f32
      %mul3A_2576 = vector.broadcast %mul3A_2575 : f32 to vector<8x1024xf32>
      %mul3A_2577 = arith.mulf %mul3A_2576, %sub3A_2574 : vector<8x1024xf32>
      %exp23A_2578 = math.exp2 %mul3A_2577 : vector<8x1024xf32>
      %add3A_2579 = arith.addf %add3A_2570, %exp23A_2578 : vector<8x1024xf32>
      %get3A_2580 = arith.constant 1368 : index
      %get3A_2581 = arith.constant 0 : index
      %get3A_2582 = vector.load %arg1[%get3A_2580, %get3A_2581] : memref<2048x1024xf32, #tpu.memory_space<vmem>>, vector<8x1024xf32>
      %sub3A_2583 = arith.subf %get3A_2582, %max3A_1035 : vector<8x1024xf32>
      %mul3A_2584 = arith.constant 43.2808495 : f32
      %mul3A_2585 = vector.broadcast %mul3A_2584 : f32 to vector<8x1024xf32>
      %mul3A_2586 = arith.mulf %mul3A_2585, %sub3A_2583 : vector<8x1024xf32>
      %exp23A_2587 = math.exp2 %mul3A_2586 : vector<8x1024xf32>
      %add3A_2588 = arith.addf %add3A_2579, %exp23A_2587 : vector<8x1024xf32>
      %get3A_2589 = arith.constant 1376 : index
      %get3A_2590 = arith.constant 0 : index
      %get3A_2591 = vector.load %arg1[%get3A_2589, %get3A_2590] : memref<2048x1024xf32, #tpu.memory_space<vmem>>, vector<8x1024xf32>
      %sub3A_2592 = arith.subf %get3A_2591, %max3A_1035 : vector<8x1024xf32>
      %mul3A_2593 = arith.constant 43.2808495 : f32
      %mul3A_2594 = vector.broadcast %mul3A_2593 : f32 to vector<8x1024xf32>
      %mul3A_2595 = arith.mulf %mul3A_2594, %sub3A_2592 : vector<8x1024xf32>
      %exp23A_2596 = math.exp2 %mul3A_2595 : vector<8x1024xf32>
      %add3A_2597 = arith.addf %add3A_2588, %exp23A_2596 : vector<8x1024xf32>
      %get3A_2598 = arith.constant 1384 : index
      %get3A_2599 = arith.constant 0 : index
      %get3A_2600 = vector.load %arg1[%get3A_2598, %get3A_2599] : memref<2048x1024xf32, #tpu.memory_space<vmem>>, vector<8x1024xf32>
      %sub3A_2601 = arith.subf %get3A_2600, %max3A_1035 : vector<8x1024xf32>
      %mul3A_2602 = arith.constant 43.2808495 : f32
      %mul3A_2603 = vector.broadcast %mul3A_2602 : f32 to vector<8x1024xf32>
      %mul3A_2604 = arith.mulf %mul3A_2603, %sub3A_2601 : vector<8x1024xf32>
      %exp23A_2605 = math.exp2 %mul3A_2604 : vector<8x1024xf32>
      %add3A_2606 = arith.addf %add3A_2597, %exp23A_2605 : vector<8x1024xf32>
      %get3A_2607 = arith.constant 1392 : index
      %get3A_2608 = arith.constant 0 : index
      %get3A_2609 = vector.load %arg1[%get3A_2607, %get3A_2608] : memref<2048x1024xf32, #tpu.memory_space<vmem>>, vector<8x1024xf32>
      %sub3A_2610 = arith.subf %get3A_2609, %max3A_1035 : vector<8x1024xf32>
      %mul3A_2611 = arith.constant 43.2808495 : f32
      %mul3A_2612 = vector.broadcast %mul3A_2611 : f32 to vector<8x1024xf32>
      %mul3A_2613 = arith.mulf %mul3A_2612, %sub3A_2610 : vector<8x1024xf32>
      %exp23A_2614 = math.exp2 %mul3A_2613 : vector<8x1024xf32>
      %add3A_2615 = arith.addf %add3A_2606, %exp23A_2614 : vector<8x1024xf32>
      %get3A_2616 = arith.constant 1400 : index
      %get3A_2617 = arith.constant 0 : index
      %get3A_2618 = vector.load %arg1[%get3A_2616, %get3A_2617] : memref<2048x1024xf32, #tpu.memory_space<vmem>>, vector<8x1024xf32>
      %sub3A_2619 = arith.subf %get3A_2618, %max3A_1035 : vector<8x1024xf32>
      %mul3A_2620 = arith.constant 43.2808495 : f32
      %mul3A_2621 = vector.broadcast %mul3A_2620 : f32 to vector<8x1024xf32>
      %mul3A_2622 = arith.mulf %mul3A_2621, %sub3A_2619 : vector<8x1024xf32>
      %exp23A_2623 = math.exp2 %mul3A_2622 : vector<8x1024xf32>
      %add3A_2624 = arith.addf %add3A_2615, %exp23A_2623 : vector<8x1024xf32>
      %get3A_2625 = arith.constant 1408 : index
      %get3A_2626 = arith.constant 0 : index
      %get3A_2627 = vector.load %arg1[%get3A_2625, %get3A_2626] : memref<2048x1024xf32, #tpu.memory_space<vmem>>, vector<8x1024xf32>
      %sub3A_2628 = arith.subf %get3A_2627, %max3A_1035 : vector<8x1024xf32>
      %mul3A_2629 = arith.constant 43.2808495 : f32
      %mul3A_2630 = vector.broadcast %mul3A_2629 : f32 to vector<8x1024xf32>
      %mul3A_2631 = arith.mulf %mul3A_2630, %sub3A_2628 : vector<8x1024xf32>
      %exp23A_2632 = math.exp2 %mul3A_2631 : vector<8x1024xf32>
      %add3A_2633 = arith.addf %add3A_2624, %exp23A_2632 : vector<8x1024xf32>
      %get3A_2634 = arith.constant 1416 : index
      %get3A_2635 = arith.constant 0 : index
      %get3A_2636 = vector.load %arg1[%get3A_2634, %get3A_2635] : memref<2048x1024xf32, #tpu.memory_space<vmem>>, vector<8x1024xf32>
      %sub3A_2637 = arith.subf %get3A_2636, %max3A_1035 : vector<8x1024xf32>
      %mul3A_2638 = arith.constant 43.2808495 : f32
      %mul3A_2639 = vector.broadcast %mul3A_2638 : f32 to vector<8x1024xf32>
      %mul3A_2640 = arith.mulf %mul3A_2639, %sub3A_2637 : vector<8x1024xf32>
      %exp23A_2641 = math.exp2 %mul3A_2640 : vector<8x1024xf32>
      %add3A_2642 = arith.addf %add3A_2633, %exp23A_2641 : vector<8x1024xf32>
      %get3A_2643 = arith.constant 1424 : index
      %get3A_2644 = arith.constant 0 : index
      %get3A_2645 = vector.load %arg1[%get3A_2643, %get3A_2644] : memref<2048x1024xf32, #tpu.memory_space<vmem>>, vector<8x1024xf32>
      %sub3A_2646 = arith.subf %get3A_2645, %max3A_1035 : vector<8x1024xf32>
      %mul3A_2647 = arith.constant 43.2808495 : f32
      %mul3A_2648 = vector.broadcast %mul3A_2647 : f32 to vector<8x1024xf32>
      %mul3A_2649 = arith.mulf %mul3A_2648, %sub3A_2646 : vector<8x1024xf32>
      %exp23A_2650 = math.exp2 %mul3A_2649 : vector<8x1024xf32>
      %add3A_2651 = arith.addf %add3A_2642, %exp23A_2650 : vector<8x1024xf32>
      %get3A_2652 = arith.constant 1432 : index
      %get3A_2653 = arith.constant 0 : index
      %get3A_2654 = vector.load %arg1[%get3A_2652, %get3A_2653] : memref<2048x1024xf32, #tpu.memory_space<vmem>>, vector<8x1024xf32>
      %sub3A_2655 = arith.subf %get3A_2654, %max3A_1035 : vector<8x1024xf32>
      %mul3A_2656 = arith.constant 43.2808495 : f32
      %mul3A_2657 = vector.broadcast %mul3A_2656 : f32 to vector<8x1024xf32>
      %mul3A_2658 = arith.mulf %mul3A_2657, %sub3A_2655 : vector<8x1024xf32>
      %exp23A_2659 = math.exp2 %mul3A_2658 : vector<8x1024xf32>
      %add3A_2660 = arith.addf %add3A_2651, %exp23A_2659 : vector<8x1024xf32>
      %get3A_2661 = arith.constant 1440 : index
      %get3A_2662 = arith.constant 0 : index
      %get3A_2663 = vector.load %arg1[%get3A_2661, %get3A_2662] : memref<2048x1024xf32, #tpu.memory_space<vmem>>, vector<8x1024xf32>
      %sub3A_2664 = arith.subf %get3A_2663, %max3A_1035 : vector<8x1024xf32>
      %mul3A_2665 = arith.constant 43.2808495 : f32
      %mul3A_2666 = vector.broadcast %mul3A_2665 : f32 to vector<8x1024xf32>
      %mul3A_2667 = arith.mulf %mul3A_2666, %sub3A_2664 : vector<8x1024xf32>
      %exp23A_2668 = math.exp2 %mul3A_2667 : vector<8x1024xf32>
      %add3A_2669 = arith.addf %add3A_2660, %exp23A_2668 : vector<8x1024xf32>
      %get3A_2670 = arith.constant 1448 : index
      %get3A_2671 = arith.constant 0 : index
      %get3A_2672 = vector.load %arg1[%get3A_2670, %get3A_2671] : memref<2048x1024xf32, #tpu.memory_space<vmem>>, vector<8x1024xf32>
      %sub3A_2673 = arith.subf %get3A_2672, %max3A_1035 : vector<8x1024xf32>
      %mul3A_2674 = arith.constant 43.2808495 : f32
      %mul3A_2675 = vector.broadcast %mul3A_2674 : f32 to vector<8x1024xf32>
      %mul3A_2676 = arith.mulf %mul3A_2675, %sub3A_2673 : vector<8x1024xf32>
      %exp23A_2677 = math.exp2 %mul3A_2676 : vector<8x1024xf32>
      %add3A_2678 = arith.addf %add3A_2669, %exp23A_2677 : vector<8x1024xf32>
      %get3A_2679 = arith.constant 1456 : index
      %get3A_2680 = arith.constant 0 : index
      %get3A_2681 = vector.load %arg1[%get3A_2679, %get3A_2680] : memref<2048x1024xf32, #tpu.memory_space<vmem>>, vector<8x1024xf32>
      %sub3A_2682 = arith.subf %get3A_2681, %max3A_1035 : vector<8x1024xf32>
      %mul3A_2683 = arith.constant 43.2808495 : f32
      %mul3A_2684 = vector.broadcast %mul3A_2683 : f32 to vector<8x1024xf32>
      %mul3A_2685 = arith.mulf %mul3A_2684, %sub3A_2682 : vector<8x1024xf32>
      %exp23A_2686 = math.exp2 %mul3A_2685 : vector<8x1024xf32>
      %add3A_2687 = arith.addf %add3A_2678, %exp23A_2686 : vector<8x1024xf32>
      %get3A_2688 = arith.constant 1464 : index
      %get3A_2689 = arith.constant 0 : index
      %get3A_2690 = vector.load %arg1[%get3A_2688, %get3A_2689] : memref<2048x1024xf32, #tpu.memory_space<vmem>>, vector<8x1024xf32>
      %sub3A_2691 = arith.subf %get3A_2690, %max3A_1035 : vector<8x1024xf32>
      %mul3A_2692 = arith.constant 43.2808495 : f32
      %mul3A_2693 = vector.broadcast %mul3A_2692 : f32 to vector<8x1024xf32>
      %mul3A_2694 = arith.mulf %mul3A_2693, %sub3A_2691 : vector<8x1024xf32>
      %exp23A_2695 = math.exp2 %mul3A_2694 : vector<8x1024xf32>
      %add3A_2696 = arith.addf %add3A_2687, %exp23A_2695 : vector<8x1024xf32>
      %get3A_2697 = arith.constant 1472 : index
      %get3A_2698 = arith.constant 0 : index
      %get3A_2699 = vector.load %arg1[%get3A_2697, %get3A_2698] : memref<2048x1024xf32, #tpu.memory_space<vmem>>, vector<8x1024xf32>
      %sub3A_2700 = arith.subf %get3A_2699, %max3A_1035 : vector<8x1024xf32>
      %mul3A_2701 = arith.constant 43.2808495 : f32
      %mul3A_2702 = vector.broadcast %mul3A_2701 : f32 to vector<8x1024xf32>
      %mul3A_2703 = arith.mulf %mul3A_2702, %sub3A_2700 : vector<8x1024xf32>
      %exp23A_2704 = math.exp2 %mul3A_2703 : vector<8x1024xf32>
      %add3A_2705 = arith.addf %add3A_2696, %exp23A_2704 : vector<8x1024xf32>
      %get3A_2706 = arith.constant 1480 : index
      %get3A_2707 = arith.constant 0 : index
      %get3A_2708 = vector.load %arg1[%get3A_2706, %get3A_2707] : memref<2048x1024xf32, #tpu.memory_space<vmem>>, vector<8x1024xf32>
      %sub3A_2709 = arith.subf %get3A_2708, %max3A_1035 : vector<8x1024xf32>
      %mul3A_2710 = arith.constant 43.2808495 : f32
      %mul3A_2711 = vector.broadcast %mul3A_2710 : f32 to vector<8x1024xf32>
      %mul3A_2712 = arith.mulf %mul3A_2711, %sub3A_2709 : vector<8x1024xf32>
      %exp23A_2713 = math.exp2 %mul3A_2712 : vector<8x1024xf32>
      %add3A_2714 = arith.addf %add3A_2705, %exp23A_2713 : vector<8x1024xf32>
      %get3A_2715 = arith.constant 1488 : index
      %get3A_2716 = arith.constant 0 : index
      %get3A_2717 = vector.load %arg1[%get3A_2715, %get3A_2716] : memref<2048x1024xf32, #tpu.memory_space<vmem>>, vector<8x1024xf32>
      %sub3A_2718 = arith.subf %get3A_2717, %max3A_1035 : vector<8x1024xf32>
      %mul3A_2719 = arith.constant 43.2808495 : f32
      %mul3A_2720 = vector.broadcast %mul3A_2719 : f32 to vector<8x1024xf32>
      %mul3A_2721 = arith.mulf %mul3A_2720, %sub3A_2718 : vector<8x1024xf32>
      %exp23A_2722 = math.exp2 %mul3A_2721 : vector<8x1024xf32>
      %add3A_2723 = arith.addf %add3A_2714, %exp23A_2722 : vector<8x1024xf32>
      %get3A_2724 = arith.constant 1496 : index
      %get3A_2725 = arith.constant 0 : index
      %get3A_2726 = vector.load %arg1[%get3A_2724, %get3A_2725] : memref<2048x1024xf32, #tpu.memory_space<vmem>>, vector<8x1024xf32>
      %sub3A_2727 = arith.subf %get3A_2726, %max3A_1035 : vector<8x1024xf32>
      %mul3A_2728 = arith.constant 43.2808495 : f32
      %mul3A_2729 = vector.broadcast %mul3A_2728 : f32 to vector<8x1024xf32>
      %mul3A_2730 = arith.mulf %mul3A_2729, %sub3A_2727 : vector<8x1024xf32>
      %exp23A_2731 = math.exp2 %mul3A_2730 : vector<8x1024xf32>
      %add3A_2732 = arith.addf %add3A_2723, %exp23A_2731 : vector<8x1024xf32>
      %get3A_2733 = arith.constant 1504 : index
      %get3A_2734 = arith.constant 0 : index
      %get3A_2735 = vector.load %arg1[%get3A_2733, %get3A_2734] : memref<2048x1024xf32, #tpu.memory_space<vmem>>, vector<8x1024xf32>
      %sub3A_2736 = arith.subf %get3A_2735, %max3A_1035 : vector<8x1024xf32>
      %mul3A_2737 = arith.constant 43.2808495 : f32
      %mul3A_2738 = vector.broadcast %mul3A_2737 : f32 to vector<8x1024xf32>
      %mul3A_2739 = arith.mulf %mul3A_2738, %sub3A_2736 : vector<8x1024xf32>
      %exp23A_2740 = math.exp2 %mul3A_2739 : vector<8x1024xf32>
      %add3A_2741 = arith.addf %add3A_2732, %exp23A_2740 : vector<8x1024xf32>
      %get3A_2742 = arith.constant 1512 : index
      %get3A_2743 = arith.constant 0 : index
      %get3A_2744 = vector.load %arg1[%get3A_2742, %get3A_2743] : memref<2048x1024xf32, #tpu.memory_space<vmem>>, vector<8x1024xf32>
      %sub3A_2745 = arith.subf %get3A_2744, %max3A_1035 : vector<8x1024xf32>
      %mul3A_2746 = arith.constant 43.2808495 : f32
      %mul3A_2747 = vector.broadcast %mul3A_2746 : f32 to vector<8x1024xf32>
      %mul3A_2748 = arith.mulf %mul3A_2747, %sub3A_2745 : vector<8x1024xf32>
      %exp23A_2749 = math.exp2 %mul3A_2748 : vector<8x1024xf32>
      %add3A_2750 = arith.addf %add3A_2741, %exp23A_2749 : vector<8x1024xf32>
      %get3A_2751 = arith.constant 1520 : index
      %get3A_2752 = arith.constant 0 : index
      %get3A_2753 = vector.load %arg1[%get3A_2751, %get3A_2752] : memref<2048x1024xf32, #tpu.memory_space<vmem>>, vector<8x1024xf32>
      %sub3A_2754 = arith.subf %get3A_2753, %max3A_1035 : vector<8x1024xf32>
      %mul3A_2755 = arith.constant 43.2808495 : f32
      %mul3A_2756 = vector.broadcast %mul3A_2755 : f32 to vector<8x1024xf32>
      %mul3A_2757 = arith.mulf %mul3A_2756, %sub3A_2754 : vector<8x1024xf32>
      %exp23A_2758 = math.exp2 %mul3A_2757 : vector<8x1024xf32>
      %add3A_2759 = arith.addf %add3A_2750, %exp23A_2758 : vector<8x1024xf32>
      %get3A_2760 = arith.constant 1528 : index
      %get3A_2761 = arith.constant 0 : index
      %get3A_2762 = vector.load %arg1[%get3A_2760, %get3A_2761] : memref<2048x1024xf32, #tpu.memory_space<vmem>>, vector<8x1024xf32>
      %sub3A_2763 = arith.subf %get3A_2762, %max3A_1035 : vector<8x1024xf32>
      %mul3A_2764 = arith.constant 43.2808495 : f32
      %mul3A_2765 = vector.broadcast %mul3A_2764 : f32 to vector<8x1024xf32>
      %mul3A_2766 = arith.mulf %mul3A_2765, %sub3A_2763 : vector<8x1024xf32>
      %exp23A_2767 = math.exp2 %mul3A_2766 : vector<8x1024xf32>
      %add3A_2768 = arith.addf %add3A_2759, %exp23A_2767 : vector<8x1024xf32>
      %get3A_2769 = arith.constant 1536 : index
      %get3A_2770 = arith.constant 0 : index
      %get3A_2771 = vector.load %arg1[%get3A_2769, %get3A_2770] : memref<2048x1024xf32, #tpu.memory_space<vmem>>, vector<8x1024xf32>
      %sub3A_2772 = arith.subf %get3A_2771, %max3A_1035 : vector<8x1024xf32>
      %mul3A_2773 = arith.constant 43.2808495 : f32
      %mul3A_2774 = vector.broadcast %mul3A_2773 : f32 to vector<8x1024xf32>
      %mul3A_2775 = arith.mulf %mul3A_2774, %sub3A_2772 : vector<8x1024xf32>
      %exp23A_2776 = math.exp2 %mul3A_2775 : vector<8x1024xf32>
      %add3A_2777 = arith.addf %add3A_2768, %exp23A_2776 : vector<8x1024xf32>
      %get3A_2778 = arith.constant 1544 : index
      %get3A_2779 = arith.constant 0 : index
      %get3A_2780 = vector.load %arg1[%get3A_2778, %get3A_2779] : memref<2048x1024xf32, #tpu.memory_space<vmem>>, vector<8x1024xf32>
      %sub3A_2781 = arith.subf %get3A_2780, %max3A_1035 : vector<8x1024xf32>
      %mul3A_2782 = arith.constant 43.2808495 : f32
      %mul3A_2783 = vector.broadcast %mul3A_2782 : f32 to vector<8x1024xf32>
      %mul3A_2784 = arith.mulf %mul3A_2783, %sub3A_2781 : vector<8x1024xf32>
      %exp23A_2785 = math.exp2 %mul3A_2784 : vector<8x1024xf32>
      %add3A_2786 = arith.addf %add3A_2777, %exp23A_2785 : vector<8x1024xf32>
      %get3A_2787 = arith.constant 1552 : index
      %get3A_2788 = arith.constant 0 : index
      %get3A_2789 = vector.load %arg1[%get3A_2787, %get3A_2788] : memref<2048x1024xf32, #tpu.memory_space<vmem>>, vector<8x1024xf32>
      %sub3A_2790 = arith.subf %get3A_2789, %max3A_1035 : vector<8x1024xf32>
      %mul3A_2791 = arith.constant 43.2808495 : f32
      %mul3A_2792 = vector.broadcast %mul3A_2791 : f32 to vector<8x1024xf32>
      %mul3A_2793 = arith.mulf %mul3A_2792, %sub3A_2790 : vector<8x1024xf32>
      %exp23A_2794 = math.exp2 %mul3A_2793 : vector<8x1024xf32>
      %add3A_2795 = arith.addf %add3A_2786, %exp23A_2794 : vector<8x1024xf32>
      %get3A_2796 = arith.constant 1560 : index
      %get3A_2797 = arith.constant 0 : index
      %get3A_2798 = vector.load %arg1[%get3A_2796, %get3A_2797] : memref<2048x1024xf32, #tpu.memory_space<vmem>>, vector<8x1024xf32>
      %sub3A_2799 = arith.subf %get3A_2798, %max3A_1035 : vector<8x1024xf32>
      %mul3A_2800 = arith.constant 43.2808495 : f32
      %mul3A_2801 = vector.broadcast %mul3A_2800 : f32 to vector<8x1024xf32>
      %mul3A_2802 = arith.mulf %mul3A_2801, %sub3A_2799 : vector<8x1024xf32>
      %exp23A_2803 = math.exp2 %mul3A_2802 : vector<8x1024xf32>
      %add3A_2804 = arith.addf %add3A_2795, %exp23A_2803 : vector<8x1024xf32>
      %get3A_2805 = arith.constant 1568 : index
      %get3A_2806 = arith.constant 0 : index
      %get3A_2807 = vector.load %arg1[%get3A_2805, %get3A_2806] : memref<2048x1024xf32, #tpu.memory_space<vmem>>, vector<8x1024xf32>
      %sub3A_2808 = arith.subf %get3A_2807, %max3A_1035 : vector<8x1024xf32>
      %mul3A_2809 = arith.constant 43.2808495 : f32
      %mul3A_2810 = vector.broadcast %mul3A_2809 : f32 to vector<8x1024xf32>
      %mul3A_2811 = arith.mulf %mul3A_2810, %sub3A_2808 : vector<8x1024xf32>
      %exp23A_2812 = math.exp2 %mul3A_2811 : vector<8x1024xf32>
      %add3A_2813 = arith.addf %add3A_2804, %exp23A_2812 : vector<8x1024xf32>
      %get3A_2814 = arith.constant 1576 : index
      %get3A_2815 = arith.constant 0 : index
      %get3A_2816 = vector.load %arg1[%get3A_2814, %get3A_2815] : memref<2048x1024xf32, #tpu.memory_space<vmem>>, vector<8x1024xf32>
      %sub3A_2817 = arith.subf %get3A_2816, %max3A_1035 : vector<8x1024xf32>
      %mul3A_2818 = arith.constant 43.2808495 : f32
      %mul3A_2819 = vector.broadcast %mul3A_2818 : f32 to vector<8x1024xf32>
      %mul3A_2820 = arith.mulf %mul3A_2819, %sub3A_2817 : vector<8x1024xf32>
      %exp23A_2821 = math.exp2 %mul3A_2820 : vector<8x1024xf32>
      %add3A_2822 = arith.addf %add3A_2813, %exp23A_2821 : vector<8x1024xf32>
      %get3A_2823 = arith.constant 1584 : index
      %get3A_2824 = arith.constant 0 : index
      %get3A_2825 = vector.load %arg1[%get3A_2823, %get3A_2824] : memref<2048x1024xf32, #tpu.memory_space<vmem>>, vector<8x1024xf32>
      %sub3A_2826 = arith.subf %get3A_2825, %max3A_1035 : vector<8x1024xf32>
      %mul3A_2827 = arith.constant 43.2808495 : f32
      %mul3A_2828 = vector.broadcast %mul3A_2827 : f32 to vector<8x1024xf32>
      %mul3A_2829 = arith.mulf %mul3A_2828, %sub3A_2826 : vector<8x1024xf32>
      %exp23A_2830 = math.exp2 %mul3A_2829 : vector<8x1024xf32>
      %add3A_2831 = arith.addf %add3A_2822, %exp23A_2830 : vector<8x1024xf32>
      %get3A_2832 = arith.constant 1592 : index
      %get3A_2833 = arith.constant 0 : index
      %get3A_2834 = vector.load %arg1[%get3A_2832, %get3A_2833] : memref<2048x1024xf32, #tpu.memory_space<vmem>>, vector<8x1024xf32>
      %sub3A_2835 = arith.subf %get3A_2834, %max3A_1035 : vector<8x1024xf32>
      %mul3A_2836 = arith.constant 43.2808495 : f32
      %mul3A_2837 = vector.broadcast %mul3A_2836 : f32 to vector<8x1024xf32>
      %mul3A_2838 = arith.mulf %mul3A_2837, %sub3A_2835 : vector<8x1024xf32>
      %exp23A_2839 = math.exp2 %mul3A_2838 : vector<8x1024xf32>
      %add3A_2840 = arith.addf %add3A_2831, %exp23A_2839 : vector<8x1024xf32>
      %get3A_2841 = arith.constant 1600 : index
      %get3A_2842 = arith.constant 0 : index
      %get3A_2843 = vector.load %arg1[%get3A_2841, %get3A_2842] : memref<2048x1024xf32, #tpu.memory_space<vmem>>, vector<8x1024xf32>
      %sub3A_2844 = arith.subf %get3A_2843, %max3A_1035 : vector<8x1024xf32>
      %mul3A_2845 = arith.constant 43.2808495 : f32
      %mul3A_2846 = vector.broadcast %mul3A_2845 : f32 to vector<8x1024xf32>
      %mul3A_2847 = arith.mulf %mul3A_2846, %sub3A_2844 : vector<8x1024xf32>
      %exp23A_2848 = math.exp2 %mul3A_2847 : vector<8x1024xf32>
      %add3A_2849 = arith.addf %add3A_2840, %exp23A_2848 : vector<8x1024xf32>
      %get3A_2850 = arith.constant 1608 : index
      %get3A_2851 = arith.constant 0 : index
      %get3A_2852 = vector.load %arg1[%get3A_2850, %get3A_2851] : memref<2048x1024xf32, #tpu.memory_space<vmem>>, vector<8x1024xf32>
      %sub3A_2853 = arith.subf %get3A_2852, %max3A_1035 : vector<8x1024xf32>
      %mul3A_2854 = arith.constant 43.2808495 : f32
      %mul3A_2855 = vector.broadcast %mul3A_2854 : f32 to vector<8x1024xf32>
      %mul3A_2856 = arith.mulf %mul3A_2855, %sub3A_2853 : vector<8x1024xf32>
      %exp23A_2857 = math.exp2 %mul3A_2856 : vector<8x1024xf32>
      %add3A_2858 = arith.addf %add3A_2849, %exp23A_2857 : vector<8x1024xf32>
      %get3A_2859 = arith.constant 1616 : index
      %get3A_2860 = arith.constant 0 : index
      %get3A_2861 = vector.load %arg1[%get3A_2859, %get3A_2860] : memref<2048x1024xf32, #tpu.memory_space<vmem>>, vector<8x1024xf32>
      %sub3A_2862 = arith.subf %get3A_2861, %max3A_1035 : vector<8x1024xf32>
      %mul3A_2863 = arith.constant 43.2808495 : f32
      %mul3A_2864 = vector.broadcast %mul3A_2863 : f32 to vector<8x1024xf32>
      %mul3A_2865 = arith.mulf %mul3A_2864, %sub3A_2862 : vector<8x1024xf32>
      %exp23A_2866 = math.exp2 %mul3A_2865 : vector<8x1024xf32>
      %add3A_2867 = arith.addf %add3A_2858, %exp23A_2866 : vector<8x1024xf32>
      %get3A_2868 = arith.constant 1624 : index
      %get3A_2869 = arith.constant 0 : index
      %get3A_2870 = vector.load %arg1[%get3A_2868, %get3A_2869] : memref<2048x1024xf32, #tpu.memory_space<vmem>>, vector<8x1024xf32>
      %sub3A_2871 = arith.subf %get3A_2870, %max3A_1035 : vector<8x1024xf32>
      %mul3A_2872 = arith.constant 43.2808495 : f32
      %mul3A_2873 = vector.broadcast %mul3A_2872 : f32 to vector<8x1024xf32>
      %mul3A_2874 = arith.mulf %mul3A_2873, %sub3A_2871 : vector<8x1024xf32>
      %exp23A_2875 = math.exp2 %mul3A_2874 : vector<8x1024xf32>
      %add3A_2876 = arith.addf %add3A_2867, %exp23A_2875 : vector<8x1024xf32>
      %get3A_2877 = arith.constant 1632 : index
      %get3A_2878 = arith.constant 0 : index
      %get3A_2879 = vector.load %arg1[%get3A_2877, %get3A_2878] : memref<2048x1024xf32, #tpu.memory_space<vmem>>, vector<8x1024xf32>
      %sub3A_2880 = arith.subf %get3A_2879, %max3A_1035 : vector<8x1024xf32>
      %mul3A_2881 = arith.constant 43.2808495 : f32
      %mul3A_2882 = vector.broadcast %mul3A_2881 : f32 to vector<8x1024xf32>
      %mul3A_2883 = arith.mulf %mul3A_2882, %sub3A_2880 : vector<8x1024xf32>
      %exp23A_2884 = math.exp2 %mul3A_2883 : vector<8x1024xf32>
      %add3A_2885 = arith.addf %add3A_2876, %exp23A_2884 : vector<8x1024xf32>
      %get3A_2886 = arith.constant 1640 : index
      %get3A_2887 = arith.constant 0 : index
      %get3A_2888 = vector.load %arg1[%get3A_2886, %get3A_2887] : memref<2048x1024xf32, #tpu.memory_space<vmem>>, vector<8x1024xf32>
      %sub3A_2889 = arith.subf %get3A_2888, %max3A_1035 : vector<8x1024xf32>
      %mul3A_2890 = arith.constant 43.2808495 : f32
      %mul3A_2891 = vector.broadcast %mul3A_2890 : f32 to vector<8x1024xf32>
      %mul3A_2892 = arith.mulf %mul3A_2891, %sub3A_2889 : vector<8x1024xf32>
      %exp23A_2893 = math.exp2 %mul3A_2892 : vector<8x1024xf32>
      %add3A_2894 = arith.addf %add3A_2885, %exp23A_2893 : vector<8x1024xf32>
      %get3A_2895 = arith.constant 1648 : index
      %get3A_2896 = arith.constant 0 : index
      %get3A_2897 = vector.load %arg1[%get3A_2895, %get3A_2896] : memref<2048x1024xf32, #tpu.memory_space<vmem>>, vector<8x1024xf32>
      %sub3A_2898 = arith.subf %get3A_2897, %max3A_1035 : vector<8x1024xf32>
      %mul3A_2899 = arith.constant 43.2808495 : f32
      %mul3A_2900 = vector.broadcast %mul3A_2899 : f32 to vector<8x1024xf32>
      %mul3A_2901 = arith.mulf %mul3A_2900, %sub3A_2898 : vector<8x1024xf32>
      %exp23A_2902 = math.exp2 %mul3A_2901 : vector<8x1024xf32>
      %add3A_2903 = arith.addf %add3A_2894, %exp23A_2902 : vector<8x1024xf32>
      %get3A_2904 = arith.constant 1656 : index
      %get3A_2905 = arith.constant 0 : index
      %get3A_2906 = vector.load %arg1[%get3A_2904, %get3A_2905] : memref<2048x1024xf32, #tpu.memory_space<vmem>>, vector<8x1024xf32>
      %sub3A_2907 = arith.subf %get3A_2906, %max3A_1035 : vector<8x1024xf32>
      %mul3A_2908 = arith.constant 43.2808495 : f32
      %mul3A_2909 = vector.broadcast %mul3A_2908 : f32 to vector<8x1024xf32>
      %mul3A_2910 = arith.mulf %mul3A_2909, %sub3A_2907 : vector<8x1024xf32>
      %exp23A_2911 = math.exp2 %mul3A_2910 : vector<8x1024xf32>
      %add3A_2912 = arith.addf %add3A_2903, %exp23A_2911 : vector<8x1024xf32>
      %get3A_2913 = arith.constant 1664 : index
      %get3A_2914 = arith.constant 0 : index
      %get3A_2915 = vector.load %arg1[%get3A_2913, %get3A_2914] : memref<2048x1024xf32, #tpu.memory_space<vmem>>, vector<8x1024xf32>
      %sub3A_2916 = arith.subf %get3A_2915, %max3A_1035 : vector<8x1024xf32>
      %mul3A_2917 = arith.constant 43.2808495 : f32
      %mul3A_2918 = vector.broadcast %mul3A_2917 : f32 to vector<8x1024xf32>
      %mul3A_2919 = arith.mulf %mul3A_2918, %sub3A_2916 : vector<8x1024xf32>
      %exp23A_2920 = math.exp2 %mul3A_2919 : vector<8x1024xf32>
      %add3A_2921 = arith.addf %add3A_2912, %exp23A_2920 : vector<8x1024xf32>
      %get3A_2922 = arith.constant 1672 : index
      %get3A_2923 = arith.constant 0 : index
      %get3A_2924 = vector.load %arg1[%get3A_2922, %get3A_2923] : memref<2048x1024xf32, #tpu.memory_space<vmem>>, vector<8x1024xf32>
      %sub3A_2925 = arith.subf %get3A_2924, %max3A_1035 : vector<8x1024xf32>
      %mul3A_2926 = arith.constant 43.2808495 : f32
      %mul3A_2927 = vector.broadcast %mul3A_2926 : f32 to vector<8x1024xf32>
      %mul3A_2928 = arith.mulf %mul3A_2927, %sub3A_2925 : vector<8x1024xf32>
      %exp23A_2929 = math.exp2 %mul3A_2928 : vector<8x1024xf32>
      %add3A_2930 = arith.addf %add3A_2921, %exp23A_2929 : vector<8x1024xf32>
      %get3A_2931 = arith.constant 1680 : index
      %get3A_2932 = arith.constant 0 : index
      %get3A_2933 = vector.load %arg1[%get3A_2931, %get3A_2932] : memref<2048x1024xf32, #tpu.memory_space<vmem>>, vector<8x1024xf32>
      %sub3A_2934 = arith.subf %get3A_2933, %max3A_1035 : vector<8x1024xf32>
      %mul3A_2935 = arith.constant 43.2808495 : f32
      %mul3A_2936 = vector.broadcast %mul3A_2935 : f32 to vector<8x1024xf32>
      %mul3A_2937 = arith.mulf %mul3A_2936, %sub3A_2934 : vector<8x1024xf32>
      %exp23A_2938 = math.exp2 %mul3A_2937 : vector<8x1024xf32>
      %add3A_2939 = arith.addf %add3A_2930, %exp23A_2938 : vector<8x1024xf32>
      %get3A_2940 = arith.constant 1688 : index
      %get3A_2941 = arith.constant 0 : index
      %get3A_2942 = vector.load %arg1[%get3A_2940, %get3A_2941] : memref<2048x1024xf32, #tpu.memory_space<vmem>>, vector<8x1024xf32>
      %sub3A_2943 = arith.subf %get3A_2942, %max3A_1035 : vector<8x1024xf32>
      %mul3A_2944 = arith.constant 43.2808495 : f32
      %mul3A_2945 = vector.broadcast %mul3A_2944 : f32 to vector<8x1024xf32>
      %mul3A_2946 = arith.mulf %mul3A_2945, %sub3A_2943 : vector<8x1024xf32>
      %exp23A_2947 = math.exp2 %mul3A_2946 : vector<8x1024xf32>
      %add3A_2948 = arith.addf %add3A_2939, %exp23A_2947 : vector<8x1024xf32>
      %get3A_2949 = arith.constant 1696 : index
      %get3A_2950 = arith.constant 0 : index
      %get3A_2951 = vector.load %arg1[%get3A_2949, %get3A_2950] : memref<2048x1024xf32, #tpu.memory_space<vmem>>, vector<8x1024xf32>
      %sub3A_2952 = arith.subf %get3A_2951, %max3A_1035 : vector<8x1024xf32>
      %mul3A_2953 = arith.constant 43.2808495 : f32
      %mul3A_2954 = vector.broadcast %mul3A_2953 : f32 to vector<8x1024xf32>
      %mul3A_2955 = arith.mulf %mul3A_2954, %sub3A_2952 : vector<8x1024xf32>
      %exp23A_2956 = math.exp2 %mul3A_2955 : vector<8x1024xf32>
      %add3A_2957 = arith.addf %add3A_2948, %exp23A_2956 : vector<8x1024xf32>
      %get3A_2958 = arith.constant 1704 : index
      %get3A_2959 = arith.constant 0 : index
      %get3A_2960 = vector.load %arg1[%get3A_2958, %get3A_2959] : memref<2048x1024xf32, #tpu.memory_space<vmem>>, vector<8x1024xf32>
      %sub3A_2961 = arith.subf %get3A_2960, %max3A_1035 : vector<8x1024xf32>
      %mul3A_2962 = arith.constant 43.2808495 : f32
      %mul3A_2963 = vector.broadcast %mul3A_2962 : f32 to vector<8x1024xf32>
      %mul3A_2964 = arith.mulf %mul3A_2963, %sub3A_2961 : vector<8x1024xf32>
      %exp23A_2965 = math.exp2 %mul3A_2964 : vector<8x1024xf32>
      %add3A_2966 = arith.addf %add3A_2957, %exp23A_2965 : vector<8x1024xf32>
      %get3A_2967 = arith.constant 1712 : index
      %get3A_2968 = arith.constant 0 : index
      %get3A_2969 = vector.load %arg1[%get3A_2967, %get3A_2968] : memref<2048x1024xf32, #tpu.memory_space<vmem>>, vector<8x1024xf32>
      %sub3A_2970 = arith.subf %get3A_2969, %max3A_1035 : vector<8x1024xf32>
      %mul3A_2971 = arith.constant 43.2808495 : f32
      %mul3A_2972 = vector.broadcast %mul3A_2971 : f32 to vector<8x1024xf32>
      %mul3A_2973 = arith.mulf %mul3A_2972, %sub3A_2970 : vector<8x1024xf32>
      %exp23A_2974 = math.exp2 %mul3A_2973 : vector<8x1024xf32>
      %add3A_2975 = arith.addf %add3A_2966, %exp23A_2974 : vector<8x1024xf32>
      %get3A_2976 = arith.constant 1720 : index
      %get3A_2977 = arith.constant 0 : index
      %get3A_2978 = vector.load %arg1[%get3A_2976, %get3A_2977] : memref<2048x1024xf32, #tpu.memory_space<vmem>>, vector<8x1024xf32>
      %sub3A_2979 = arith.subf %get3A_2978, %max3A_1035 : vector<8x1024xf32>
      %mul3A_2980 = arith.constant 43.2808495 : f32
      %mul3A_2981 = vector.broadcast %mul3A_2980 : f32 to vector<8x1024xf32>
      %mul3A_2982 = arith.mulf %mul3A_2981, %sub3A_2979 : vector<8x1024xf32>
      %exp23A_2983 = math.exp2 %mul3A_2982 : vector<8x1024xf32>
      %add3A_2984 = arith.addf %add3A_2975, %exp23A_2983 : vector<8x1024xf32>
      %get3A_2985 = arith.constant 1728 : index
      %get3A_2986 = arith.constant 0 : index
      %get3A_2987 = vector.load %arg1[%get3A_2985, %get3A_2986] : memref<2048x1024xf32, #tpu.memory_space<vmem>>, vector<8x1024xf32>
      %sub3A_2988 = arith.subf %get3A_2987, %max3A_1035 : vector<8x1024xf32>
      %mul3A_2989 = arith.constant 43.2808495 : f32
      %mul3A_2990 = vector.broadcast %mul3A_2989 : f32 to vector<8x1024xf32>
      %mul3A_2991 = arith.mulf %mul3A_2990, %sub3A_2988 : vector<8x1024xf32>
      %exp23A_2992 = math.exp2 %mul3A_2991 : vector<8x1024xf32>
      %add3A_2993 = arith.addf %add3A_2984, %exp23A_2992 : vector<8x1024xf32>
      %get3A_2994 = arith.constant 1736 : index
      %get3A_2995 = arith.constant 0 : index
      %get3A_2996 = vector.load %arg1[%get3A_2994, %get3A_2995] : memref<2048x1024xf32, #tpu.memory_space<vmem>>, vector<8x1024xf32>
      %sub3A_2997 = arith.subf %get3A_2996, %max3A_1035 : vector<8x1024xf32>
      %mul3A_2998 = arith.constant 43.2808495 : f32
      %mul3A_2999 = vector.broadcast %mul3A_2998 : f32 to vector<8x1024xf32>
      %mul3A_3000 = arith.mulf %mul3A_2999, %sub3A_2997 : vector<8x1024xf32>
      %exp23A_3001 = math.exp2 %mul3A_3000 : vector<8x1024xf32>
      %add3A_3002 = arith.addf %add3A_2993, %exp23A_3001 : vector<8x1024xf32>
      %get3A_3003 = arith.constant 1744 : index
      %get3A_3004 = arith.constant 0 : index
      %get3A_3005 = vector.load %arg1[%get3A_3003, %get3A_3004] : memref<2048x1024xf32, #tpu.memory_space<vmem>>, vector<8x1024xf32>
      %sub3A_3006 = arith.subf %get3A_3005, %max3A_1035 : vector<8x1024xf32>
      %mul3A_3007 = arith.constant 43.2808495 : f32
      %mul3A_3008 = vector.broadcast %mul3A_3007 : f32 to vector<8x1024xf32>
      %mul3A_3009 = arith.mulf %mul3A_3008, %sub3A_3006 : vector<8x1024xf32>
      %exp23A_3010 = math.exp2 %mul3A_3009 : vector<8x1024xf32>
      %add3A_3011 = arith.addf %add3A_3002, %exp23A_3010 : vector<8x1024xf32>
      %get3A_3012 = arith.constant 1752 : index
      %get3A_3013 = arith.constant 0 : index
      %get3A_3014 = vector.load %arg1[%get3A_3012, %get3A_3013] : memref<2048x1024xf32, #tpu.memory_space<vmem>>, vector<8x1024xf32>
      %sub3A_3015 = arith.subf %get3A_3014, %max3A_1035 : vector<8x1024xf32>
      %mul3A_3016 = arith.constant 43.2808495 : f32
      %mul3A_3017 = vector.broadcast %mul3A_3016 : f32 to vector<8x1024xf32>
      %mul3A_3018 = arith.mulf %mul3A_3017, %sub3A_3015 : vector<8x1024xf32>
      %exp23A_3019 = math.exp2 %mul3A_3018 : vector<8x1024xf32>
      %add3A_3020 = arith.addf %add3A_3011, %exp23A_3019 : vector<8x1024xf32>
      %get3A_3021 = arith.constant 1760 : index
      %get3A_3022 = arith.constant 0 : index
      %get3A_3023 = vector.load %arg1[%get3A_3021, %get3A_3022] : memref<2048x1024xf32, #tpu.memory_space<vmem>>, vector<8x1024xf32>
      %sub3A_3024 = arith.subf %get3A_3023, %max3A_1035 : vector<8x1024xf32>
      %mul3A_3025 = arith.constant 43.2808495 : f32
      %mul3A_3026 = vector.broadcast %mul3A_3025 : f32 to vector<8x1024xf32>
      %mul3A_3027 = arith.mulf %mul3A_3026, %sub3A_3024 : vector<8x1024xf32>
      %exp23A_3028 = math.exp2 %mul3A_3027 : vector<8x1024xf32>
      %add3A_3029 = arith.addf %add3A_3020, %exp23A_3028 : vector<8x1024xf32>
      %get3A_3030 = arith.constant 1768 : index
      %get3A_3031 = arith.constant 0 : index
      %get3A_3032 = vector.load %arg1[%get3A_3030, %get3A_3031] : memref<2048x1024xf32, #tpu.memory_space<vmem>>, vector<8x1024xf32>
      %sub3A_3033 = arith.subf %get3A_3032, %max3A_1035 : vector<8x1024xf32>
      %mul3A_3034 = arith.constant 43.2808495 : f32
      %mul3A_3035 = vector.broadcast %mul3A_3034 : f32 to vector<8x1024xf32>
      %mul3A_3036 = arith.mulf %mul3A_3035, %sub3A_3033 : vector<8x1024xf32>
      %exp23A_3037 = math.exp2 %mul3A_3036 : vector<8x1024xf32>
      %add3A_3038 = arith.addf %add3A_3029, %exp23A_3037 : vector<8x1024xf32>
      %get3A_3039 = arith.constant 1776 : index
      %get3A_3040 = arith.constant 0 : index
      %get3A_3041 = vector.load %arg1[%get3A_3039, %get3A_3040] : memref<2048x1024xf32, #tpu.memory_space<vmem>>, vector<8x1024xf32>
      %sub3A_3042 = arith.subf %get3A_3041, %max3A_1035 : vector<8x1024xf32>
      %mul3A_3043 = arith.constant 43.2808495 : f32
      %mul3A_3044 = vector.broadcast %mul3A_3043 : f32 to vector<8x1024xf32>
      %mul3A_3045 = arith.mulf %mul3A_3044, %sub3A_3042 : vector<8x1024xf32>
      %exp23A_3046 = math.exp2 %mul3A_3045 : vector<8x1024xf32>
      %add3A_3047 = arith.addf %add3A_3038, %exp23A_3046 : vector<8x1024xf32>
      %get3A_3048 = arith.constant 1784 : index
      %get3A_3049 = arith.constant 0 : index
      %get3A_3050 = vector.load %arg1[%get3A_3048, %get3A_3049] : memref<2048x1024xf32, #tpu.memory_space<vmem>>, vector<8x1024xf32>
      %sub3A_3051 = arith.subf %get3A_3050, %max3A_1035 : vector<8x1024xf32>
      %mul3A_3052 = arith.constant 43.2808495 : f32
      %mul3A_3053 = vector.broadcast %mul3A_3052 : f32 to vector<8x1024xf32>
      %mul3A_3054 = arith.mulf %mul3A_3053, %sub3A_3051 : vector<8x1024xf32>
      %exp23A_3055 = math.exp2 %mul3A_3054 : vector<8x1024xf32>
      %add3A_3056 = arith.addf %add3A_3047, %exp23A_3055 : vector<8x1024xf32>
      %get3A_3057 = arith.constant 1792 : index
      %get3A_3058 = arith.constant 0 : index
      %get3A_3059 = vector.load %arg1[%get3A_3057, %get3A_3058] : memref<2048x1024xf32, #tpu.memory_space<vmem>>, vector<8x1024xf32>
      %sub3A_3060 = arith.subf %get3A_3059, %max3A_1035 : vector<8x1024xf32>
      %mul3A_3061 = arith.constant 43.2808495 : f32
      %mul3A_3062 = vector.broadcast %mul3A_3061 : f32 to vector<8x1024xf32>
      %mul3A_3063 = arith.mulf %mul3A_3062, %sub3A_3060 : vector<8x1024xf32>
      %exp23A_3064 = math.exp2 %mul3A_3063 : vector<8x1024xf32>
      %add3A_3065 = arith.addf %add3A_3056, %exp23A_3064 : vector<8x1024xf32>
      %get3A_3066 = arith.constant 1800 : index
      %get3A_3067 = arith.constant 0 : index
      %get3A_3068 = vector.load %arg1[%get3A_3066, %get3A_3067] : memref<2048x1024xf32, #tpu.memory_space<vmem>>, vector<8x1024xf32>
      %sub3A_3069 = arith.subf %get3A_3068, %max3A_1035 : vector<8x1024xf32>
      %mul3A_3070 = arith.constant 43.2808495 : f32
      %mul3A_3071 = vector.broadcast %mul3A_3070 : f32 to vector<8x1024xf32>
      %mul3A_3072 = arith.mulf %mul3A_3071, %sub3A_3069 : vector<8x1024xf32>
      %exp23A_3073 = math.exp2 %mul3A_3072 : vector<8x1024xf32>
      %add3A_3074 = arith.addf %add3A_3065, %exp23A_3073 : vector<8x1024xf32>
      %get3A_3075 = arith.constant 1808 : index
      %get3A_3076 = arith.constant 0 : index
      %get3A_3077 = vector.load %arg1[%get3A_3075, %get3A_3076] : memref<2048x1024xf32, #tpu.memory_space<vmem>>, vector<8x1024xf32>
      %sub3A_3078 = arith.subf %get3A_3077, %max3A_1035 : vector<8x1024xf32>
      %mul3A_3079 = arith.constant 43.2808495 : f32
      %mul3A_3080 = vector.broadcast %mul3A_3079 : f32 to vector<8x1024xf32>
      %mul3A_3081 = arith.mulf %mul3A_3080, %sub3A_3078 : vector<8x1024xf32>
      %exp23A_3082 = math.exp2 %mul3A_3081 : vector<8x1024xf32>
      %add3A_3083 = arith.addf %add3A_3074, %exp23A_3082 : vector<8x1024xf32>
      %get3A_3084 = arith.constant 1816 : index
      %get3A_3085 = arith.constant 0 : index
      %get3A_3086 = vector.load %arg1[%get3A_3084, %get3A_3085] : memref<2048x1024xf32, #tpu.memory_space<vmem>>, vector<8x1024xf32>
      %sub3A_3087 = arith.subf %get3A_3086, %max3A_1035 : vector<8x1024xf32>
      %mul3A_3088 = arith.constant 43.2808495 : f32
      %mul3A_3089 = vector.broadcast %mul3A_3088 : f32 to vector<8x1024xf32>
      %mul3A_3090 = arith.mulf %mul3A_3089, %sub3A_3087 : vector<8x1024xf32>
      %exp23A_3091 = math.exp2 %mul3A_3090 : vector<8x1024xf32>
      %add3A_3092 = arith.addf %add3A_3083, %exp23A_3091 : vector<8x1024xf32>
      %get3A_3093 = arith.constant 1824 : index
      %get3A_3094 = arith.constant 0 : index
      %get3A_3095 = vector.load %arg1[%get3A_3093, %get3A_3094] : memref<2048x1024xf32, #tpu.memory_space<vmem>>, vector<8x1024xf32>
      %sub3A_3096 = arith.subf %get3A_3095, %max3A_1035 : vector<8x1024xf32>
      %mul3A_3097 = arith.constant 43.2808495 : f32
      %mul3A_3098 = vector.broadcast %mul3A_3097 : f32 to vector<8x1024xf32>
      %mul3A_3099 = arith.mulf %mul3A_3098, %sub3A_3096 : vector<8x1024xf32>
      %exp23A_3100 = math.exp2 %mul3A_3099 : vector<8x1024xf32>
      %add3A_3101 = arith.addf %add3A_3092, %exp23A_3100 : vector<8x1024xf32>
      %get3A_3102 = arith.constant 1832 : index
      %get3A_3103 = arith.constant 0 : index
      %get3A_3104 = vector.load %arg1[%get3A_3102, %get3A_3103] : memref<2048x1024xf32, #tpu.memory_space<vmem>>, vector<8x1024xf32>
      %sub3A_3105 = arith.subf %get3A_3104, %max3A_1035 : vector<8x1024xf32>
      %mul3A_3106 = arith.constant 43.2808495 : f32
      %mul3A_3107 = vector.broadcast %mul3A_3106 : f32 to vector<8x1024xf32>
      %mul3A_3108 = arith.mulf %mul3A_3107, %sub3A_3105 : vector<8x1024xf32>
      %exp23A_3109 = math.exp2 %mul3A_3108 : vector<8x1024xf32>
      %add3A_3110 = arith.addf %add3A_3101, %exp23A_3109 : vector<8x1024xf32>
      %get3A_3111 = arith.constant 1840 : index
      %get3A_3112 = arith.constant 0 : index
      %get3A_3113 = vector.load %arg1[%get3A_3111, %get3A_3112] : memref<2048x1024xf32, #tpu.memory_space<vmem>>, vector<8x1024xf32>
      %sub3A_3114 = arith.subf %get3A_3113, %max3A_1035 : vector<8x1024xf32>
      %mul3A_3115 = arith.constant 43.2808495 : f32
      %mul3A_3116 = vector.broadcast %mul3A_3115 : f32 to vector<8x1024xf32>
      %mul3A_3117 = arith.mulf %mul3A_3116, %sub3A_3114 : vector<8x1024xf32>
      %exp23A_3118 = math.exp2 %mul3A_3117 : vector<8x1024xf32>
      %add3A_3119 = arith.addf %add3A_3110, %exp23A_3118 : vector<8x1024xf32>
      %get3A_3120 = arith.constant 1848 : index
      %get3A_3121 = arith.constant 0 : index
      %get3A_3122 = vector.load %arg1[%get3A_3120, %get3A_3121] : memref<2048x1024xf32, #tpu.memory_space<vmem>>, vector<8x1024xf32>
      %sub3A_3123 = arith.subf %get3A_3122, %max3A_1035 : vector<8x1024xf32>
      %mul3A_3124 = arith.constant 43.2808495 : f32
      %mul3A_3125 = vector.broadcast %mul3A_3124 : f32 to vector<8x1024xf32>
      %mul3A_3126 = arith.mulf %mul3A_3125, %sub3A_3123 : vector<8x1024xf32>
      %exp23A_3127 = math.exp2 %mul3A_3126 : vector<8x1024xf32>
      %add3A_3128 = arith.addf %add3A_3119, %exp23A_3127 : vector<8x1024xf32>
      %get3A_3129 = arith.constant 1856 : index
      %get3A_3130 = arith.constant 0 : index
      %get3A_3131 = vector.load %arg1[%get3A_3129, %get3A_3130] : memref<2048x1024xf32, #tpu.memory_space<vmem>>, vector<8x1024xf32>
      %sub3A_3132 = arith.subf %get3A_3131, %max3A_1035 : vector<8x1024xf32>
      %mul3A_3133 = arith.constant 43.2808495 : f32
      %mul3A_3134 = vector.broadcast %mul3A_3133 : f32 to vector<8x1024xf32>
      %mul3A_3135 = arith.mulf %mul3A_3134, %sub3A_3132 : vector<8x1024xf32>
      %exp23A_3136 = math.exp2 %mul3A_3135 : vector<8x1024xf32>
      %add3A_3137 = arith.addf %add3A_3128, %exp23A_3136 : vector<8x1024xf32>
      %get3A_3138 = arith.constant 1864 : index
      %get3A_3139 = arith.constant 0 : index
      %get3A_3140 = vector.load %arg1[%get3A_3138, %get3A_3139] : memref<2048x1024xf32, #tpu.memory_space<vmem>>, vector<8x1024xf32>
      %sub3A_3141 = arith.subf %get3A_3140, %max3A_1035 : vector<8x1024xf32>
      %mul3A_3142 = arith.constant 43.2808495 : f32
      %mul3A_3143 = vector.broadcast %mul3A_3142 : f32 to vector<8x1024xf32>
      %mul3A_3144 = arith.mulf %mul3A_3143, %sub3A_3141 : vector<8x1024xf32>
      %exp23A_3145 = math.exp2 %mul3A_3144 : vector<8x1024xf32>
      %add3A_3146 = arith.addf %add3A_3137, %exp23A_3145 : vector<8x1024xf32>
      %get3A_3147 = arith.constant 1872 : index
      %get3A_3148 = arith.constant 0 : index
      %get3A_3149 = vector.load %arg1[%get3A_3147, %get3A_3148] : memref<2048x1024xf32, #tpu.memory_space<vmem>>, vector<8x1024xf32>
      %sub3A_3150 = arith.subf %get3A_3149, %max3A_1035 : vector<8x1024xf32>
      %mul3A_3151 = arith.constant 43.2808495 : f32
      %mul3A_3152 = vector.broadcast %mul3A_3151 : f32 to vector<8x1024xf32>
      %mul3A_3153 = arith.mulf %mul3A_3152, %sub3A_3150 : vector<8x1024xf32>
      %exp23A_3154 = math.exp2 %mul3A_3153 : vector<8x1024xf32>
      %add3A_3155 = arith.addf %add3A_3146, %exp23A_3154 : vector<8x1024xf32>
      %get3A_3156 = arith.constant 1880 : index
      %get3A_3157 = arith.constant 0 : index
      %get3A_3158 = vector.load %arg1[%get3A_3156, %get3A_3157] : memref<2048x1024xf32, #tpu.memory_space<vmem>>, vector<8x1024xf32>
      %sub3A_3159 = arith.subf %get3A_3158, %max3A_1035 : vector<8x1024xf32>
      %mul3A_3160 = arith.constant 43.2808495 : f32
      %mul3A_3161 = vector.broadcast %mul3A_3160 : f32 to vector<8x1024xf32>
      %mul3A_3162 = arith.mulf %mul3A_3161, %sub3A_3159 : vector<8x1024xf32>
      %exp23A_3163 = math.exp2 %mul3A_3162 : vector<8x1024xf32>
      %add3A_3164 = arith.addf %add3A_3155, %exp23A_3163 : vector<8x1024xf32>
      %get3A_3165 = arith.constant 1888 : index
      %get3A_3166 = arith.constant 0 : index
      %get3A_3167 = vector.load %arg1[%get3A_3165, %get3A_3166] : memref<2048x1024xf32, #tpu.memory_space<vmem>>, vector<8x1024xf32>
      %sub3A_3168 = arith.subf %get3A_3167, %max3A_1035 : vector<8x1024xf32>
      %mul3A_3169 = arith.constant 43.2808495 : f32
      %mul3A_3170 = vector.broadcast %mul3A_3169 : f32 to vector<8x1024xf32>
      %mul3A_3171 = arith.mulf %mul3A_3170, %sub3A_3168 : vector<8x1024xf32>
      %exp23A_3172 = math.exp2 %mul3A_3171 : vector<8x1024xf32>
      %add3A_3173 = arith.addf %add3A_3164, %exp23A_3172 : vector<8x1024xf32>
      %get3A_3174 = arith.constant 1896 : index
      %get3A_3175 = arith.constant 0 : index
      %get3A_3176 = vector.load %arg1[%get3A_3174, %get3A_3175] : memref<2048x1024xf32, #tpu.memory_space<vmem>>, vector<8x1024xf32>
      %sub3A_3177 = arith.subf %get3A_3176, %max3A_1035 : vector<8x1024xf32>
      %mul3A_3178 = arith.constant 43.2808495 : f32
      %mul3A_3179 = vector.broadcast %mul3A_3178 : f32 to vector<8x1024xf32>
      %mul3A_3180 = arith.mulf %mul3A_3179, %sub3A_3177 : vector<8x1024xf32>
      %exp23A_3181 = math.exp2 %mul3A_3180 : vector<8x1024xf32>
      %add3A_3182 = arith.addf %add3A_3173, %exp23A_3181 : vector<8x1024xf32>
      %get3A_3183 = arith.constant 1904 : index
      %get3A_3184 = arith.constant 0 : index
      %get3A_3185 = vector.load %arg1[%get3A_3183, %get3A_3184] : memref<2048x1024xf32, #tpu.memory_space<vmem>>, vector<8x1024xf32>
      %sub3A_3186 = arith.subf %get3A_3185, %max3A_1035 : vector<8x1024xf32>
      %mul3A_3187 = arith.constant 43.2808495 : f32
      %mul3A_3188 = vector.broadcast %mul3A_3187 : f32 to vector<8x1024xf32>
      %mul3A_3189 = arith.mulf %mul3A_3188, %sub3A_3186 : vector<8x1024xf32>
      %exp23A_3190 = math.exp2 %mul3A_3189 : vector<8x1024xf32>
      %add3A_3191 = arith.addf %add3A_3182, %exp23A_3190 : vector<8x1024xf32>
      %get3A_3192 = arith.constant 1912 : index
      %get3A_3193 = arith.constant 0 : index
      %get3A_3194 = vector.load %arg1[%get3A_3192, %get3A_3193] : memref<2048x1024xf32, #tpu.memory_space<vmem>>, vector<8x1024xf32>
      %sub3A_3195 = arith.subf %get3A_3194, %max3A_1035 : vector<8x1024xf32>
      %mul3A_3196 = arith.constant 43.2808495 : f32
      %mul3A_3197 = vector.broadcast %mul3A_3196 : f32 to vector<8x1024xf32>
      %mul3A_3198 = arith.mulf %mul3A_3197, %sub3A_3195 : vector<8x1024xf32>
      %exp23A_3199 = math.exp2 %mul3A_3198 : vector<8x1024xf32>
      %add3A_3200 = arith.addf %add3A_3191, %exp23A_3199 : vector<8x1024xf32>
      %get3A_3201 = arith.constant 1920 : index
      %get3A_3202 = arith.constant 0 : index
      %get3A_3203 = vector.load %arg1[%get3A_3201, %get3A_3202] : memref<2048x1024xf32, #tpu.memory_space<vmem>>, vector<8x1024xf32>
      %sub3A_3204 = arith.subf %get3A_3203, %max3A_1035 : vector<8x1024xf32>
      %mul3A_3205 = arith.constant 43.2808495 : f32
      %mul3A_3206 = vector.broadcast %mul3A_3205 : f32 to vector<8x1024xf32>
      %mul3A_3207 = arith.mulf %mul3A_3206, %sub3A_3204 : vector<8x1024xf32>
      %exp23A_3208 = math.exp2 %mul3A_3207 : vector<8x1024xf32>
      %add3A_3209 = arith.addf %add3A_3200, %exp23A_3208 : vector<8x1024xf32>
      %get3A_3210 = arith.constant 1928 : index
      %get3A_3211 = arith.constant 0 : index
      %get3A_3212 = vector.load %arg1[%get3A_3210, %get3A_3211] : memref<2048x1024xf32, #tpu.memory_space<vmem>>, vector<8x1024xf32>
      %sub3A_3213 = arith.subf %get3A_3212, %max3A_1035 : vector<8x1024xf32>
      %mul3A_3214 = arith.constant 43.2808495 : f32
      %mul3A_3215 = vector.broadcast %mul3A_3214 : f32 to vector<8x1024xf32>
      %mul3A_3216 = arith.mulf %mul3A_3215, %sub3A_3213 : vector<8x1024xf32>
      %exp23A_3217 = math.exp2 %mul3A_3216 : vector<8x1024xf32>
      %add3A_3218 = arith.addf %add3A_3209, %exp23A_3217 : vector<8x1024xf32>
      %get3A_3219 = arith.constant 1936 : index
      %get3A_3220 = arith.constant 0 : index
      %get3A_3221 = vector.load %arg1[%get3A_3219, %get3A_3220] : memref<2048x1024xf32, #tpu.memory_space<vmem>>, vector<8x1024xf32>
      %sub3A_3222 = arith.subf %get3A_3221, %max3A_1035 : vector<8x1024xf32>
      %mul3A_3223 = arith.constant 43.2808495 : f32
      %mul3A_3224 = vector.broadcast %mul3A_3223 : f32 to vector<8x1024xf32>
      %mul3A_3225 = arith.mulf %mul3A_3224, %sub3A_3222 : vector<8x1024xf32>
      %exp23A_3226 = math.exp2 %mul3A_3225 : vector<8x1024xf32>
      %add3A_3227 = arith.addf %add3A_3218, %exp23A_3226 : vector<8x1024xf32>
      %get3A_3228 = arith.constant 1944 : index
      %get3A_3229 = arith.constant 0 : index
      %get3A_3230 = vector.load %arg1[%get3A_3228, %get3A_3229] : memref<2048x1024xf32, #tpu.memory_space<vmem>>, vector<8x1024xf32>
      %sub3A_3231 = arith.subf %get3A_3230, %max3A_1035 : vector<8x1024xf32>
      %mul3A_3232 = arith.constant 43.2808495 : f32
      %mul3A_3233 = vector.broadcast %mul3A_3232 : f32 to vector<8x1024xf32>
      %mul3A_3234 = arith.mulf %mul3A_3233, %sub3A_3231 : vector<8x1024xf32>
      %exp23A_3235 = math.exp2 %mul3A_3234 : vector<8x1024xf32>
      %add3A_3236 = arith.addf %add3A_3227, %exp23A_3235 : vector<8x1024xf32>
      %get3A_3237 = arith.constant 1952 : index
      %get3A_3238 = arith.constant 0 : index
      %get3A_3239 = vector.load %arg1[%get3A_3237, %get3A_3238] : memref<2048x1024xf32, #tpu.memory_space<vmem>>, vector<8x1024xf32>
      %sub3A_3240 = arith.subf %get3A_3239, %max3A_1035 : vector<8x1024xf32>
      %mul3A_3241 = arith.constant 43.2808495 : f32
      %mul3A_3242 = vector.broadcast %mul3A_3241 : f32 to vector<8x1024xf32>
      %mul3A_3243 = arith.mulf %mul3A_3242, %sub3A_3240 : vector<8x1024xf32>
      %exp23A_3244 = math.exp2 %mul3A_3243 : vector<8x1024xf32>
      %add3A_3245 = arith.addf %add3A_3236, %exp23A_3244 : vector<8x1024xf32>
      %get3A_3246 = arith.constant 1960 : index
      %get3A_3247 = arith.constant 0 : index
      %get3A_3248 = vector.load %arg1[%get3A_3246, %get3A_3247] : memref<2048x1024xf32, #tpu.memory_space<vmem>>, vector<8x1024xf32>
      %sub3A_3249 = arith.subf %get3A_3248, %max3A_1035 : vector<8x1024xf32>
      %mul3A_3250 = arith.constant 43.2808495 : f32
      %mul3A_3251 = vector.broadcast %mul3A_3250 : f32 to vector<8x1024xf32>
      %mul3A_3252 = arith.mulf %mul3A_3251, %sub3A_3249 : vector<8x1024xf32>
      %exp23A_3253 = math.exp2 %mul3A_3252 : vector<8x1024xf32>
      %add3A_3254 = arith.addf %add3A_3245, %exp23A_3253 : vector<8x1024xf32>
      %get3A_3255 = arith.constant 1968 : index
      %get3A_3256 = arith.constant 0 : index
      %get3A_3257 = vector.load %arg1[%get3A_3255, %get3A_3256] : memref<2048x1024xf32, #tpu.memory_space<vmem>>, vector<8x1024xf32>
      %sub3A_3258 = arith.subf %get3A_3257, %max3A_1035 : vector<8x1024xf32>
      %mul3A_3259 = arith.constant 43.2808495 : f32
      %mul3A_3260 = vector.broadcast %mul3A_3259 : f32 to vector<8x1024xf32>
      %mul3A_3261 = arith.mulf %mul3A_3260, %sub3A_3258 : vector<8x1024xf32>
      %exp23A_3262 = math.exp2 %mul3A_3261 : vector<8x1024xf32>
      %add3A_3263 = arith.addf %add3A_3254, %exp23A_3262 : vector<8x1024xf32>
      %get3A_3264 = arith.constant 1976 : index
      %get3A_3265 = arith.constant 0 : index
      %get3A_3266 = vector.load %arg1[%get3A_3264, %get3A_3265] : memref<2048x1024xf32, #tpu.memory_space<vmem>>, vector<8x1024xf32>
      %sub3A_3267 = arith.subf %get3A_3266, %max3A_1035 : vector<8x1024xf32>
      %mul3A_3268 = arith.constant 43.2808495 : f32
      %mul3A_3269 = vector.broadcast %mul3A_3268 : f32 to vector<8x1024xf32>
      %mul3A_3270 = arith.mulf %mul3A_3269, %sub3A_3267 : vector<8x1024xf32>
      %exp23A_3271 = math.exp2 %mul3A_3270 : vector<8x1024xf32>
      %add3A_3272 = arith.addf %add3A_3263, %exp23A_3271 : vector<8x1024xf32>
      %get3A_3273 = arith.constant 1984 : index
      %get3A_3274 = arith.constant 0 : index
      %get3A_3275 = vector.load %arg1[%get3A_3273, %get3A_3274] : memref<2048x1024xf32, #tpu.memory_space<vmem>>, vector<8x1024xf32>
      %sub3A_3276 = arith.subf %get3A_3275, %max3A_1035 : vector<8x1024xf32>
      %mul3A_3277 = arith.constant 43.2808495 : f32
      %mul3A_3278 = vector.broadcast %mul3A_3277 : f32 to vector<8x1024xf32>
      %mul3A_3279 = arith.mulf %mul3A_3278, %sub3A_3276 : vector<8x1024xf32>
      %exp23A_3280 = math.exp2 %mul3A_3279 : vector<8x1024xf32>
      %add3A_3281 = arith.addf %add3A_3272, %exp23A_3280 : vector<8x1024xf32>
      %get3A_3282 = arith.constant 1992 : index
      %get3A_3283 = arith.constant 0 : index
      %get3A_3284 = vector.load %arg1[%get3A_3282, %get3A_3283] : memref<2048x1024xf32, #tpu.memory_space<vmem>>, vector<8x1024xf32>
      %sub3A_3285 = arith.subf %get3A_3284, %max3A_1035 : vector<8x1024xf32>
      %mul3A_3286 = arith.constant 43.2808495 : f32
      %mul3A_3287 = vector.broadcast %mul3A_3286 : f32 to vector<8x1024xf32>
      %mul3A_3288 = arith.mulf %mul3A_3287, %sub3A_3285 : vector<8x1024xf32>
      %exp23A_3289 = math.exp2 %mul3A_3288 : vector<8x1024xf32>
      %add3A_3290 = arith.addf %add3A_3281, %exp23A_3289 : vector<8x1024xf32>
      %get3A_3291 = arith.constant 2000 : index
      %get3A_3292 = arith.constant 0 : index
      %get3A_3293 = vector.load %arg1[%get3A_3291, %get3A_3292] : memref<2048x1024xf32, #tpu.memory_space<vmem>>, vector<8x1024xf32>
      %sub3A_3294 = arith.subf %get3A_3293, %max3A_1035 : vector<8x1024xf32>
      %mul3A_3295 = arith.constant 43.2808495 : f32
      %mul3A_3296 = vector.broadcast %mul3A_3295 : f32 to vector<8x1024xf32>
      %mul3A_3297 = arith.mulf %mul3A_3296, %sub3A_3294 : vector<8x1024xf32>
      %exp23A_3298 = math.exp2 %mul3A_3297 : vector<8x1024xf32>
      %add3A_3299 = arith.addf %add3A_3290, %exp23A_3298 : vector<8x1024xf32>
      %get3A_3300 = arith.constant 2008 : index
      %get3A_3301 = arith.constant 0 : index
      %get3A_3302 = vector.load %arg1[%get3A_3300, %get3A_3301] : memref<2048x1024xf32, #tpu.memory_space<vmem>>, vector<8x1024xf32>
      %sub3A_3303 = arith.subf %get3A_3302, %max3A_1035 : vector<8x1024xf32>
      %mul3A_3304 = arith.constant 43.2808495 : f32
      %mul3A_3305 = vector.broadcast %mul3A_3304 : f32 to vector<8x1024xf32>
      %mul3A_3306 = arith.mulf %mul3A_3305, %sub3A_3303 : vector<8x1024xf32>
      %exp23A_3307 = math.exp2 %mul3A_3306 : vector<8x1024xf32>
      %add3A_3308 = arith.addf %add3A_3299, %exp23A_3307 : vector<8x1024xf32>
      %get3A_3309 = arith.constant 2016 : index
      %get3A_3310 = arith.constant 0 : index
      %get3A_3311 = vector.load %arg1[%get3A_3309, %get3A_3310] : memref<2048x1024xf32, #tpu.memory_space<vmem>>, vector<8x1024xf32>
      %sub3A_3312 = arith.subf %get3A_3311, %max3A_1035 : vector<8x1024xf32>
      %mul3A_3313 = arith.constant 43.2808495 : f32
      %mul3A_3314 = vector.broadcast %mul3A_3313 : f32 to vector<8x1024xf32>
      %mul3A_3315 = arith.mulf %mul3A_3314, %sub3A_3312 : vector<8x1024xf32>
      %exp23A_3316 = math.exp2 %mul3A_3315 : vector<8x1024xf32>
      %add3A_3317 = arith.addf %add3A_3308, %exp23A_3316 : vector<8x1024xf32>
      %get3A_3318 = arith.constant 2024 : index
      %get3A_3319 = arith.constant 0 : index
      %get3A_3320 = vector.load %arg1[%get3A_3318, %get3A_3319] : memref<2048x1024xf32, #tpu.memory_space<vmem>>, vector<8x1024xf32>
      %sub3A_3321 = arith.subf %get3A_3320, %max3A_1035 : vector<8x1024xf32>
      %mul3A_3322 = arith.constant 43.2808495 : f32
      %mul3A_3323 = vector.broadcast %mul3A_3322 : f32 to vector<8x1024xf32>
      %mul3A_3324 = arith.mulf %mul3A_3323, %sub3A_3321 : vector<8x1024xf32>
      %exp23A_3325 = math.exp2 %mul3A_3324 : vector<8x1024xf32>
      %add3A_3326 = arith.addf %add3A_3317, %exp23A_3325 : vector<8x1024xf32>
      %get3A_3327 = arith.constant 2032 : index
      %get3A_3328 = arith.constant 0 : index
      %get3A_3329 = vector.load %arg1[%get3A_3327, %get3A_3328] : memref<2048x1024xf32, #tpu.memory_space<vmem>>, vector<8x1024xf32>
      %sub3A_3330 = arith.subf %get3A_3329, %max3A_1035 : vector<8x1024xf32>
      %mul3A_3331 = arith.constant 43.2808495 : f32
      %mul3A_3332 = vector.broadcast %mul3A_3331 : f32 to vector<8x1024xf32>
      %mul3A_3333 = arith.mulf %mul3A_3332, %sub3A_3330 : vector<8x1024xf32>
      %exp23A_3334 = math.exp2 %mul3A_3333 : vector<8x1024xf32>
      %add3A_3335 = arith.addf %add3A_3326, %exp23A_3334 : vector<8x1024xf32>
      %get3A_3336 = arith.constant 2040 : index
      %get3A_3337 = arith.constant 0 : index
      %get3A_3338 = vector.load %arg1[%get3A_3336, %get3A_3337] : memref<2048x1024xf32, #tpu.memory_space<vmem>>, vector<8x1024xf32>
      %sub3A_3339 = arith.subf %get3A_3338, %max3A_1035 : vector<8x1024xf32>
      %mul3A_3340 = arith.constant 43.2808495 : f32
      %mul3A_3341 = vector.broadcast %mul3A_3340 : f32 to vector<8x1024xf32>
      %mul3A_3342 = arith.mulf %mul3A_3341, %sub3A_3339 : vector<8x1024xf32>
      %exp23A_3343 = math.exp2 %mul3A_3342 : vector<8x1024xf32>
      %add3A_3344 = arith.addf %add3A_3335, %exp23A_3343 : vector<8x1024xf32>
      %swap3A = arith.constant 0 : index
      %swap3A_3345 = arith.constant 0 : index
      %swap3A_3346 = vector.load %arg3[%swap3A, %swap3A_3345] : memref<8x1024xf32, #tpu.memory_space<vmem>>, vector<8x1024xf32>
      tpu.vector_store %arg3[%swap3A, %swap3A_3345], %add3A_3344 {strides = array<i32>} : memref<8x1024xf32, #tpu.memory_space<vmem>>, vector<8x1024xf32>,
      %swap3A_3347 = arith.constant 0 : index
      %swap3A_3348 = arith.constant 0 : index
      %swap3A_3349 = vector.load %arg2[%swap3A_3347, %swap3A_3348] : memref<8x1024xf32, #tpu.memory_space<vmem>>, vector<8x1024xf32>
      tpu.vector_store %arg2[%swap3A_3347, %swap3A_3348], %max3A_1035 {strides = array<i32>} : memref<8x1024xf32, #tpu.memory_space<vmem>>, vector<8x1024xf32>,
    } else {
    }
    %eq3A_6 = arith.constant 48 : i32
    %eq3A_7 = arith.cmpi eq, %arg0, %eq3A_6 : i32
    %convert_element_type3A_8 = arith.extui %eq3A_7 : i1 to i32
    %cond3A_9 = arith.constant 0 : i32
    %cond3A_10 = arith.cmpi ne, %convert_element_type3A_8, %cond3A_9 : i32
    scf.if %cond3A_10 {
      %get3A = arith.constant 0 : index
      %get3A_11 = arith.constant 0 : index
      %get3A_12 = vector.load %arg2[%get3A, %get3A_11] : memref<8x1024xf32, #tpu.memory_space<vmem>>, vector<8x1024xf32>
      %get3A_13 = arith.constant 0 : index
      %get3A_14 = arith.constant 0 : index
      %get3A_15 = vector.load %arg1[%get3A_13, %get3A_14] : memref<2048x1024xf32, #tpu.memory_space<vmem>>, vector<8x1024xf32>
      %max3A = arith.maximumf %get3A_12, %get3A_15 : vector<8x1024xf32>
      %get3A_16 = arith.constant 8 : index
      %get3A_17 = arith.constant 0 : index
      %get3A_18 = vector.load %arg1[%get3A_16, %get3A_17] : memref<2048x1024xf32, #tpu.memory_space<vmem>>, vector<8x1024xf32>
      %max3A_19 = arith.maximumf %max3A, %get3A_18 : vector<8x1024xf32>
      %get3A_20 = arith.constant 16 : index
      %get3A_21 = arith.constant 0 : index
      %get3A_22 = vector.load %arg1[%get3A_20, %get3A_21] : memref<2048x1024xf32, #tpu.memory_space<vmem>>, vector<8x1024xf32>
      %max3A_23 = arith.maximumf %max3A_19, %get3A_22 : vector<8x1024xf32>
      %get3A_24 = arith.constant 24 : index
      %get3A_25 = arith.constant 0 : index
      %get3A_26 = vector.load %arg1[%get3A_24, %get3A_25] : memref<2048x1024xf32, #tpu.memory_space<vmem>>, vector<8x1024xf32>
      %max3A_27 = arith.maximumf %max3A_23, %get3A_26 : vector<8x1024xf32>
      %get3A_28 = arith.constant 32 : index
      %get3A_29 = arith.constant 0 : index
      %get3A_30 = vector.load %arg1[%get3A_28, %get3A_29] : memref<2048x1024xf32, #tpu.memory_space<vmem>>, vector<8x1024xf32>
      %max3A_31 = arith.maximumf %max3A_27, %get3A_30 : vector<8x1024xf32>
      %get3A_32 = arith.constant 40 : index
      %get3A_33 = arith.constant 0 : index
      %get3A_34 = vector.load %arg1[%get3A_32, %get3A_33] : memref<2048x1024xf32, #tpu.memory_space<vmem>>, vector<8x1024xf32>
      %max3A_35 = arith.maximumf %max3A_31, %get3A_34 : vector<8x1024xf32>
      %get3A_36 = arith.constant 48 : index
      %get3A_37 = arith.constant 0 : index
      %get3A_38 = vector.load %arg1[%get3A_36, %get3A_37] : memref<2048x1024xf32, #tpu.memory_space<vmem>>, vector<8x1024xf32>
      %max3A_39 = arith.maximumf %max3A_35, %get3A_38 : vector<8x1024xf32>
      %get3A_40 = arith.constant 56 : index
      %get3A_41 = arith.constant 0 : index
      %get3A_42 = vector.load %arg1[%get3A_40, %get3A_41] : memref<2048x1024xf32, #tpu.memory_space<vmem>>, vector<8x1024xf32>
      %max3A_43 = arith.maximumf %max3A_39, %get3A_42 : vector<8x1024xf32>
      %get3A_44 = arith.constant 64 : index
      %get3A_45 = arith.constant 0 : index
      %get3A_46 = vector.load %arg1[%get3A_44, %get3A_45] : memref<2048x1024xf32, #tpu.memory_space<vmem>>, vector<8x1024xf32>
      %max3A_47 = arith.maximumf %max3A_43, %get3A_46 : vector<8x1024xf32>
      %get3A_48 = arith.constant 72 : index
      %get3A_49 = arith.constant 0 : index
      %get3A_50 = vector.load %arg1[%get3A_48, %get3A_49] : memref<2048x1024xf32, #tpu.memory_space<vmem>>, vector<8x1024xf32>
      %max3A_51 = arith.maximumf %max3A_47, %get3A_50 : vector<8x1024xf32>
      %get3A_52 = arith.constant 80 : index
      %get3A_53 = arith.constant 0 : index
      %get3A_54 = vector.load %arg1[%get3A_52, %get3A_53] : memref<2048x1024xf32, #tpu.memory_space<vmem>>, vector<8x1024xf32>
      %max3A_55 = arith.maximumf %max3A_51, %get3A_54 : vector<8x1024xf32>
      %get3A_56 = arith.constant 88 : index
      %get3A_57 = arith.constant 0 : index
      %get3A_58 = vector.load %arg1[%get3A_56, %get3A_57] : memref<2048x1024xf32, #tpu.memory_space<vmem>>, vector<8x1024xf32>
      %max3A_59 = arith.maximumf %max3A_55, %get3A_58 : vector<8x1024xf32>
      %get3A_60 = arith.constant 96 : index
      %get3A_61 = arith.constant 0 : index
      %get3A_62 = vector.load %arg1[%get3A_60, %get3A_61] : memref<2048x1024xf32, #tpu.memory_space<vmem>>, vector<8x1024xf32>
      %max3A_63 = arith.maximumf %max3A_59, %get3A_62 : vector<8x1024xf32>
      %get3A_64 = arith.constant 104 : index
      %get3A_65 = arith.constant 0 : index
      %get3A_66 = vector.load %arg1[%get3A_64, %get3A_65] : memref<2048x1024xf32, #tpu.memory_space<vmem>>, vector<8x1024xf32>
      %max3A_67 = arith.maximumf %max3A_63, %get3A_66 : vector<8x1024xf32>
      %get3A_68 = arith.constant 112 : index
      %get3A_69 = arith.constant 0 : index
      %get3A_70 = vector.load %arg1[%get3A_68, %get3A_69] : memref<2048x1024xf32, #tpu.memory_space<vmem>>, vector<8x1024xf32>
      %max3A_71 = arith.maximumf %max3A_67, %get3A_70 : vector<8x1024xf32>
      %get3A_72 = arith.constant 120 : index
      %get3A_73 = arith.constant 0 : index
      %get3A_74 = vector.load %arg1[%get3A_72, %get3A_73] : memref<2048x1024xf32, #tpu.memory_space<vmem>>, vector<8x1024xf32>
      %max3A_75 = arith.maximumf %max3A_71, %get3A_74 : vector<8x1024xf32>
      %get3A_76 = arith.constant 128 : index
      %get3A_77 = arith.constant 0 : index
      %get3A_78 = vector.load %arg1[%get3A_76, %get3A_77] : memref<2048x1024xf32, #tpu.memory_space<vmem>>, vector<8x1024xf32>
      %max3A_79 = arith.maximumf %max3A_75, %get3A_78 : vector<8x1024xf32>
      %get3A_80 = arith.constant 136 : index
      %get3A_81 = arith.constant 0 : index
      %get3A_82 = vector.load %arg1[%get3A_80, %get3A_81] : memref<2048x1024xf32, #tpu.memory_space<vmem>>, vector<8x1024xf32>
      %max3A_83 = arith.maximumf %max3A_79, %get3A_82 : vector<8x1024xf32>
      %get3A_84 = arith.constant 144 : index
      %get3A_85 = arith.constant 0 : index
      %get3A_86 = vector.load %arg1[%get3A_84, %get3A_85] : memref<2048x1024xf32, #tpu.memory_space<vmem>>, vector<8x1024xf32>
      %max3A_87 = arith.maximumf %max3A_83, %get3A_86 : vector<8x1024xf32>
      %get3A_88 = arith.constant 152 : index
      %get3A_89 = arith.constant 0 : index
      %get3A_90 = vector.load %arg1[%get3A_88, %get3A_89] : memref<2048x1024xf32, #tpu.memory_space<vmem>>, vector<8x1024xf32>
      %max3A_91 = arith.maximumf %max3A_87, %get3A_90 : vector<8x1024xf32>
      %get3A_92 = arith.constant 160 : index
      %get3A_93 = arith.constant 0 : index
      %get3A_94 = vector.load %arg1[%get3A_92, %get3A_93] : memref<2048x1024xf32, #tpu.memory_space<vmem>>, vector<8x1024xf32>
      %max3A_95 = arith.maximumf %max3A_91, %get3A_94 : vector<8x1024xf32>
      %get3A_96 = arith.constant 168 : index
      %get3A_97 = arith.constant 0 : index
      %get3A_98 = vector.load %arg1[%get3A_96, %get3A_97] : memref<2048x1024xf32, #tpu.memory_space<vmem>>, vector<8x1024xf32>
      %max3A_99 = arith.maximumf %max3A_95, %get3A_98 : vector<8x1024xf32>
      %get3A_100 = arith.constant 176 : index
      %get3A_101 = arith.constant 0 : index
      %get3A_102 = vector.load %arg1[%get3A_100, %get3A_101] : memref<2048x1024xf32, #tpu.memory_space<vmem>>, vector<8x1024xf32>
      %max3A_103 = arith.maximumf %max3A_99, %get3A_102 : vector<8x1024xf32>
      %get3A_104 = arith.constant 184 : index
      %get3A_105 = arith.constant 0 : index
      %get3A_106 = vector.load %arg1[%get3A_104, %get3A_105] : memref<2048x1024xf32, #tpu.memory_space<vmem>>, vector<8x1024xf32>
      %max3A_107 = arith.maximumf %max3A_103, %get3A_106 : vector<8x1024xf32>
      %get3A_108 = arith.constant 192 : index
      %get3A_109 = arith.constant 0 : index
      %get3A_110 = vector.load %arg1[%get3A_108, %get3A_109] : memref<2048x1024xf32, #tpu.memory_space<vmem>>, vector<8x1024xf32>
      %max3A_111 = arith.maximumf %max3A_107, %get3A_110 : vector<8x1024xf32>
      %get3A_112 = arith.constant 200 : index
      %get3A_113 = arith.constant 0 : index
      %get3A_114 = vector.load %arg1[%get3A_112, %get3A_113] : memref<2048x1024xf32, #tpu.memory_space<vmem>>, vector<8x1024xf32>
      %max3A_115 = arith.maximumf %max3A_111, %get3A_114 : vector<8x1024xf32>
      %get3A_116 = arith.constant 208 : index
      %get3A_117 = arith.constant 0 : index
      %get3A_118 = vector.load %arg1[%get3A_116, %get3A_117] : memref<2048x1024xf32, #tpu.memory_space<vmem>>, vector<8x1024xf32>
      %max3A_119 = arith.maximumf %max3A_115, %get3A_118 : vector<8x1024xf32>
      %get3A_120 = arith.constant 216 : index
      %get3A_121 = arith.constant 0 : index
      %get3A_122 = vector.load %arg1[%get3A_120, %get3A_121] : memref<2048x1024xf32, #tpu.memory_space<vmem>>, vector<8x1024xf32>
      %max3A_123 = arith.maximumf %max3A_119, %get3A_122 : vector<8x1024xf32>
      %get3A_124 = arith.constant 224 : index
      %get3A_125 = arith.constant 0 : index
      %get3A_126 = vector.load %arg1[%get3A_124, %get3A_125] : memref<2048x1024xf32, #tpu.memory_space<vmem>>, vector<8x1024xf32>
      %max3A_127 = arith.maximumf %max3A_123, %get3A_126 : vector<8x1024xf32>
      %get3A_128 = arith.constant 232 : index
      %get3A_129 = arith.constant 0 : index
      %get3A_130 = vector.load %arg1[%get3A_128, %get3A_129] : memref<2048x1024xf32, #tpu.memory_space<vmem>>, vector<8x1024xf32>
      %max3A_131 = arith.maximumf %max3A_127, %get3A_130 : vector<8x1024xf32>
      %get3A_132 = arith.constant 240 : index
      %get3A_133 = arith.constant 0 : index
      %get3A_134 = vector.load %arg1[%get3A_132, %get3A_133] : memref<2048x1024xf32, #tpu.memory_space<vmem>>, vector<8x1024xf32>
      %max3A_135 = arith.maximumf %max3A_131, %get3A_134 : vector<8x1024xf32>
      %get3A_136 = arith.constant 248 : index
      %get3A_137 = arith.constant 0 : index
      %get3A_138 = vector.load %arg1[%get3A_136, %get3A_137] : memref<2048x1024xf32, #tpu.memory_space<vmem>>, vector<8x1024xf32>
      %max3A_139 = arith.maximumf %max3A_135, %get3A_138 : vector<8x1024xf32>
      %get3A_140 = arith.constant 256 : index
      %get3A_141 = arith.constant 0 : index
      %get3A_142 = vector.load %arg1[%get3A_140, %get3A_141] : memref<2048x1024xf32, #tpu.memory_space<vmem>>, vector<8x1024xf32>
      %max3A_143 = arith.maximumf %max3A_139, %get3A_142 : vector<8x1024xf32>
      %get3A_144 = arith.constant 264 : index
      %get3A_145 = arith.constant 0 : index
      %get3A_146 = vector.load %arg1[%get3A_144, %get3A_145] : memref<2048x1024xf32, #tpu.memory_space<vmem>>, vector<8x1024xf32>
      %max3A_147 = arith.maximumf %max3A_143, %get3A_146 : vector<8x1024xf32>
      %get3A_148 = arith.constant 272 : index
      %get3A_149 = arith.constant 0 : index
      %get3A_150 = vector.load %arg1[%get3A_148, %get3A_149] : memref<2048x1024xf32, #tpu.memory_space<vmem>>, vector<8x1024xf32>
      %max3A_151 = arith.maximumf %max3A_147, %get3A_150 : vector<8x1024xf32>
      %get3A_152 = arith.constant 280 : index
      %get3A_153 = arith.constant 0 : index
      %get3A_154 = vector.load %arg1[%get3A_152, %get3A_153] : memref<2048x1024xf32, #tpu.memory_space<vmem>>, vector<8x1024xf32>
      %max3A_155 = arith.maximumf %max3A_151, %get3A_154 : vector<8x1024xf32>
      %get3A_156 = arith.constant 288 : index
      %get3A_157 = arith.constant 0 : index
      %get3A_158 = vector.load %arg1[%get3A_156, %get3A_157] : memref<2048x1024xf32, #tpu.memory_space<vmem>>, vector<8x1024xf32>
      %max3A_159 = arith.maximumf %max3A_155, %get3A_158 : vector<8x1024xf32>
      %get3A_160 = arith.constant 296 : index
      %get3A_161 = arith.constant 0 : index
      %get3A_162 = vector.load %arg1[%get3A_160, %get3A_161] : memref<2048x1024xf32, #tpu.memory_space<vmem>>, vector<8x1024xf32>
      %max3A_163 = arith.maximumf %max3A_159, %get3A_162 : vector<8x1024xf32>
      %get3A_164 = arith.constant 304 : index
      %get3A_165 = arith.constant 0 : index
      %get3A_166 = vector.load %arg1[%get3A_164, %get3A_165] : memref<2048x1024xf32, #tpu.memory_space<vmem>>, vector<8x1024xf32>
      %max3A_167 = arith.maximumf %max3A_163, %get3A_166 : vector<8x1024xf32>
      %get3A_168 = arith.constant 312 : index
      %get3A_169 = arith.constant 0 : index
      %get3A_170 = vector.load %arg1[%get3A_168, %get3A_169] : memref<2048x1024xf32, #tpu.memory_space<vmem>>, vector<8x1024xf32>
      %max3A_171 = arith.maximumf %max3A_167, %get3A_170 : vector<8x1024xf32>
      %get3A_172 = arith.constant 320 : index
      %get3A_173 = arith.constant 0 : index
      %get3A_174 = vector.load %arg1[%get3A_172, %get3A_173] : memref<2048x1024xf32, #tpu.memory_space<vmem>>, vector<8x1024xf32>
      %max3A_175 = arith.maximumf %max3A_171, %get3A_174 : vector<8x1024xf32>
      %get3A_176 = arith.constant 328 : index
      %get3A_177 = arith.constant 0 : index
      %get3A_178 = vector.load %arg1[%get3A_176, %get3A_177] : memref<2048x1024xf32, #tpu.memory_space<vmem>>, vector<8x1024xf32>
      %max3A_179 = arith.maximumf %max3A_175, %get3A_178 : vector<8x1024xf32>
      %get3A_180 = arith.constant 336 : index
      %get3A_181 = arith.constant 0 : index
      %get3A_182 = vector.load %arg1[%get3A_180, %get3A_181] : memref<2048x1024xf32, #tpu.memory_space<vmem>>, vector<8x1024xf32>
      %max3A_183 = arith.maximumf %max3A_179, %get3A_182 : vector<8x1024xf32>
      %get3A_184 = arith.constant 344 : index
      %get3A_185 = arith.constant 0 : index
      %get3A_186 = vector.load %arg1[%get3A_184, %get3A_185] : memref<2048x1024xf32, #tpu.memory_space<vmem>>, vector<8x1024xf32>
      %max3A_187 = arith.maximumf %max3A_183, %get3A_186 : vector<8x1024xf32>
      %get3A_188 = arith.constant 352 : index
      %get3A_189 = arith.constant 0 : index
      %get3A_190 = vector.load %arg1[%get3A_188, %get3A_189] : memref<2048x1024xf32, #tpu.memory_space<vmem>>, vector<8x1024xf32>
      %max3A_191 = arith.maximumf %max3A_187, %get3A_190 : vector<8x1024xf32>
      %get3A_192 = arith.constant 360 : index
      %get3A_193 = arith.constant 0 : index
      %get3A_194 = vector.load %arg1[%get3A_192, %get3A_193] : memref<2048x1024xf32, #tpu.memory_space<vmem>>, vector<8x1024xf32>
      %max3A_195 = arith.maximumf %max3A_191, %get3A_194 : vector<8x1024xf32>
      %get3A_196 = arith.constant 368 : index
      %get3A_197 = arith.constant 0 : index
      %get3A_198 = vector.load %arg1[%get3A_196, %get3A_197] : memref<2048x1024xf32, #tpu.memory_space<vmem>>, vector<8x1024xf32>
      %max3A_199 = arith.maximumf %max3A_195, %get3A_198 : vector<8x1024xf32>
      %get3A_200 = arith.constant 376 : index
      %get3A_201 = arith.constant 0 : index
      %get3A_202 = vector.load %arg1[%get3A_200, %get3A_201] : memref<2048x1024xf32, #tpu.memory_space<vmem>>, vector<8x1024xf32>
      %max3A_203 = arith.maximumf %max3A_199, %get3A_202 : vector<8x1024xf32>
      %get3A_204 = arith.constant 384 : index
      %get3A_205 = arith.constant 0 : index
      %get3A_206 = vector.load %arg1[%get3A_204, %get3A_205] : memref<2048x1024xf32, #tpu.memory_space<vmem>>, vector<8x1024xf32>
      %max3A_207 = arith.maximumf %max3A_203, %get3A_206 : vector<8x1024xf32>
      %get3A_208 = arith.constant 392 : index
      %get3A_209 = arith.constant 0 : index
      %get3A_210 = vector.load %arg1[%get3A_208, %get3A_209] : memref<2048x1024xf32, #tpu.memory_space<vmem>>, vector<8x1024xf32>
      %max3A_211 = arith.maximumf %max3A_207, %get3A_210 : vector<8x1024xf32>
      %get3A_212 = arith.constant 400 : index
      %get3A_213 = arith.constant 0 : index
      %get3A_214 = vector.load %arg1[%get3A_212, %get3A_213] : memref<2048x1024xf32, #tpu.memory_space<vmem>>, vector<8x1024xf32>
      %max3A_215 = arith.maximumf %max3A_211, %get3A_214 : vector<8x1024xf32>
      %get3A_216 = arith.constant 408 : index
      %get3A_217 = arith.constant 0 : index
      %get3A_218 = vector.load %arg1[%get3A_216, %get3A_217] : memref<2048x1024xf32, #tpu.memory_space<vmem>>, vector<8x1024xf32>
      %max3A_219 = arith.maximumf %max3A_215, %get3A_218 : vector<8x1024xf32>
      %get3A_220 = arith.constant 416 : index
      %get3A_221 = arith.constant 0 : index
      %get3A_222 = vector.load %arg1[%get3A_220, %get3A_221] : memref<2048x1024xf32, #tpu.memory_space<vmem>>, vector<8x1024xf32>
      %max3A_223 = arith.maximumf %max3A_219, %get3A_222 : vector<8x1024xf32>
      %get3A_224 = arith.constant 424 : index
      %get3A_225 = arith.constant 0 : index
      %get3A_226 = vector.load %arg1[%get3A_224, %get3A_225] : memref<2048x1024xf32, #tpu.memory_space<vmem>>, vector<8x1024xf32>
      %max3A_227 = arith.maximumf %max3A_223, %get3A_226 : vector<8x1024xf32>
      %get3A_228 = arith.constant 432 : index
      %get3A_229 = arith.constant 0 : index
      %get3A_230 = vector.load %arg1[%get3A_228, %get3A_229] : memref<2048x1024xf32, #tpu.memory_space<vmem>>, vector<8x1024xf32>
      %max3A_231 = arith.maximumf %max3A_227, %get3A_230 : vector<8x1024xf32>
      %get3A_232 = arith.constant 440 : index
      %get3A_233 = arith.constant 0 : index
      %get3A_234 = vector.load %arg1[%get3A_232, %get3A_233] : memref<2048x1024xf32, #tpu.memory_space<vmem>>, vector<8x1024xf32>
      %max3A_235 = arith.maximumf %max3A_231, %get3A_234 : vector<8x1024xf32>
      %get3A_236 = arith.constant 448 : index
      %get3A_237 = arith.constant 0 : index
      %get3A_238 = vector.load %arg1[%get3A_236, %get3A_237] : memref<2048x1024xf32, #tpu.memory_space<vmem>>, vector<8x1024xf32>
      %max3A_239 = arith.maximumf %max3A_235, %get3A_238 : vector<8x1024xf32>
      %get3A_240 = arith.constant 456 : index
      %get3A_241 = arith.constant 0 : index
      %get3A_242 = vector.load %arg1[%get3A_240, %get3A_241] : memref<2048x1024xf32, #tpu.memory_space<vmem>>, vector<8x1024xf32>
      %max3A_243 = arith.maximumf %max3A_239, %get3A_242 : vector<8x1024xf32>
      %get3A_244 = arith.constant 464 : index
      %get3A_245 = arith.constant 0 : index
      %get3A_246 = vector.load %arg1[%get3A_244, %get3A_245] : memref<2048x1024xf32, #tpu.memory_space<vmem>>, vector<8x1024xf32>
      %max3A_247 = arith.maximumf %max3A_243, %get3A_246 : vector<8x1024xf32>
      %get3A_248 = arith.constant 472 : index
      %get3A_249 = arith.constant 0 : index
      %get3A_250 = vector.load %arg1[%get3A_248, %get3A_249] : memref<2048x1024xf32, #tpu.memory_space<vmem>>, vector<8x1024xf32>
      %max3A_251 = arith.maximumf %max3A_247, %get3A_250 : vector<8x1024xf32>
      %get3A_252 = arith.constant 480 : index
      %get3A_253 = arith.constant 0 : index
      %get3A_254 = vector.load %arg1[%get3A_252, %get3A_253] : memref<2048x1024xf32, #tpu.memory_space<vmem>>, vector<8x1024xf32>
      %max3A_255 = arith.maximumf %max3A_251, %get3A_254 : vector<8x1024xf32>
      %get3A_256 = arith.constant 488 : index
      %get3A_257 = arith.constant 0 : index
      %get3A_258 = vector.load %arg1[%get3A_256, %get3A_257] : memref<2048x1024xf32, #tpu.memory_space<vmem>>, vector<8x1024xf32>
      %max3A_259 = arith.maximumf %max3A_255, %get3A_258 : vector<8x1024xf32>
      %get3A_260 = arith.constant 496 : index
      %get3A_261 = arith.constant 0 : index
      %get3A_262 = vector.load %arg1[%get3A_260, %get3A_261] : memref<2048x1024xf32, #tpu.memory_space<vmem>>, vector<8x1024xf32>
      %max3A_263 = arith.maximumf %max3A_259, %get3A_262 : vector<8x1024xf32>
      %get3A_264 = arith.constant 504 : index
      %get3A_265 = arith.constant 0 : index
      %get3A_266 = vector.load %arg1[%get3A_264, %get3A_265] : memref<2048x1024xf32, #tpu.memory_space<vmem>>, vector<8x1024xf32>
      %max3A_267 = arith.maximumf %max3A_263, %get3A_266 : vector<8x1024xf32>
      %get3A_268 = arith.constant 512 : index
      %get3A_269 = arith.constant 0 : index
      %get3A_270 = vector.load %arg1[%get3A_268, %get3A_269] : memref<2048x1024xf32, #tpu.memory_space<vmem>>, vector<8x1024xf32>
      %max3A_271 = arith.maximumf %max3A_267, %get3A_270 : vector<8x1024xf32>
      %get3A_272 = arith.constant 520 : index
      %get3A_273 = arith.constant 0 : index
      %get3A_274 = vector.load %arg1[%get3A_272, %get3A_273] : memref<2048x1024xf32, #tpu.memory_space<vmem>>, vector<8x1024xf32>
      %max3A_275 = arith.maximumf %max3A_271, %get3A_274 : vector<8x1024xf32>
      %get3A_276 = arith.constant 528 : index
      %get3A_277 = arith.constant 0 : index
      %get3A_278 = vector.load %arg1[%get3A_276, %get3A_277] : memref<2048x1024xf32, #tpu.memory_space<vmem>>, vector<8x1024xf32>
      %max3A_279 = arith.maximumf %max3A_275, %get3A_278 : vector<8x1024xf32>
      %get3A_280 = arith.constant 536 : index
      %get3A_281 = arith.constant 0 : index
      %get3A_282 = vector.load %arg1[%get3A_280, %get3A_281] : memref<2048x1024xf32, #tpu.memory_space<vmem>>, vector<8x1024xf32>
      %max3A_283 = arith.maximumf %max3A_279, %get3A_282 : vector<8x1024xf32>
      %get3A_284 = arith.constant 544 : index
      %get3A_285 = arith.constant 0 : index
      %get3A_286 = vector.load %arg1[%get3A_284, %get3A_285] : memref<2048x1024xf32, #tpu.memory_space<vmem>>, vector<8x1024xf32>
      %max3A_287 = arith.maximumf %max3A_283, %get3A_286 : vector<8x1024xf32>
      %get3A_288 = arith.constant 552 : index
      %get3A_289 = arith.constant 0 : index
      %get3A_290 = vector.load %arg1[%get3A_288, %get3A_289] : memref<2048x1024xf32, #tpu.memory_space<vmem>>, vector<8x1024xf32>
      %max3A_291 = arith.maximumf %max3A_287, %get3A_290 : vector<8x1024xf32>
      %get3A_292 = arith.constant 560 : index
      %get3A_293 = arith.constant 0 : index
      %get3A_294 = vector.load %arg1[%get3A_292, %get3A_293] : memref<2048x1024xf32, #tpu.memory_space<vmem>>, vector<8x1024xf32>
      %max3A_295 = arith.maximumf %max3A_291, %get3A_294 : vector<8x1024xf32>
      %get3A_296 = arith.constant 568 : index
      %get3A_297 = arith.constant 0 : index
      %get3A_298 = vector.load %arg1[%get3A_296, %get3A_297] : memref<2048x1024xf32, #tpu.memory_space<vmem>>, vector<8x1024xf32>
      %max3A_299 = arith.maximumf %max3A_295, %get3A_298 : vector<8x1024xf32>
      %get3A_300 = arith.constant 576 : index
      %get3A_301 = arith.constant 0 : index
      %get3A_302 = vector.load %arg1[%get3A_300, %get3A_301] : memref<2048x1024xf32, #tpu.memory_space<vmem>>, vector<8x1024xf32>
      %max3A_303 = arith.maximumf %max3A_299, %get3A_302 : vector<8x1024xf32>
      %get3A_304 = arith.constant 584 : index
      %get3A_305 = arith.constant 0 : index
      %get3A_306 = vector.load %arg1[%get3A_304, %get3A_305] : memref<2048x1024xf32, #tpu.memory_space<vmem>>, vector<8x1024xf32>
      %max3A_307 = arith.maximumf %max3A_303, %get3A_306 : vector<8x1024xf32>
      %get3A_308 = arith.constant 592 : index
      %get3A_309 = arith.constant 0 : index
      %get3A_310 = vector.load %arg1[%get3A_308, %get3A_309] : memref<2048x1024xf32, #tpu.memory_space<vmem>>, vector<8x1024xf32>
      %max3A_311 = arith.maximumf %max3A_307, %get3A_310 : vector<8x1024xf32>
      %get3A_312 = arith.constant 600 : index
      %get3A_313 = arith.constant 0 : index
      %get3A_314 = vector.load %arg1[%get3A_312, %get3A_313] : memref<2048x1024xf32, #tpu.memory_space<vmem>>, vector<8x1024xf32>
      %max3A_315 = arith.maximumf %max3A_311, %get3A_314 : vector<8x1024xf32>
      %get3A_316 = arith.constant 608 : index
      %get3A_317 = arith.constant 0 : index
      %get3A_318 = vector.load %arg1[%get3A_316, %get3A_317] : memref<2048x1024xf32, #tpu.memory_space<vmem>>, vector<8x1024xf32>
      %max3A_319 = arith.maximumf %max3A_315, %get3A_318 : vector<8x1024xf32>
      %get3A_320 = arith.constant 616 : index
      %get3A_321 = arith.constant 0 : index
      %get3A_322 = vector.load %arg1[%get3A_320, %get3A_321] : memref<2048x1024xf32, #tpu.memory_space<vmem>>, vector<8x1024xf32>
      %max3A_323 = arith.maximumf %max3A_319, %get3A_322 : vector<8x1024xf32>
      %get3A_324 = arith.constant 624 : index
      %get3A_325 = arith.constant 0 : index
      %get3A_326 = vector.load %arg1[%get3A_324, %get3A_325] : memref<2048x1024xf32, #tpu.memory_space<vmem>>, vector<8x1024xf32>
      %max3A_327 = arith.maximumf %max3A_323, %get3A_326 : vector<8x1024xf32>
      %get3A_328 = arith.constant 632 : index
      %get3A_329 = arith.constant 0 : index
      %get3A_330 = vector.load %arg1[%get3A_328, %get3A_329] : memref<2048x1024xf32, #tpu.memory_space<vmem>>, vector<8x1024xf32>
      %max3A_331 = arith.maximumf %max3A_327, %get3A_330 : vector<8x1024xf32>
      %get3A_332 = arith.constant 640 : index
      %get3A_333 = arith.constant 0 : index
      %get3A_334 = vector.load %arg1[%get3A_332, %get3A_333] : memref<2048x1024xf32, #tpu.memory_space<vmem>>, vector<8x1024xf32>
      %max3A_335 = arith.maximumf %max3A_331, %get3A_334 : vector<8x1024xf32>
      %get3A_336 = arith.constant 648 : index
      %get3A_337 = arith.constant 0 : index
      %get3A_338 = vector.load %arg1[%get3A_336, %get3A_337] : memref<2048x1024xf32, #tpu.memory_space<vmem>>, vector<8x1024xf32>
      %max3A_339 = arith.maximumf %max3A_335, %get3A_338 : vector<8x1024xf32>
      %get3A_340 = arith.constant 656 : index
      %get3A_341 = arith.constant 0 : index
      %get3A_342 = vector.load %arg1[%get3A_340, %get3A_341] : memref<2048x1024xf32, #tpu.memory_space<vmem>>, vector<8x1024xf32>
      %max3A_343 = arith.maximumf %max3A_339, %get3A_342 : vector<8x1024xf32>
      %get3A_344 = arith.constant 664 : index
      %get3A_345 = arith.constant 0 : index
      %get3A_346 = vector.load %arg1[%get3A_344, %get3A_345] : memref<2048x1024xf32, #tpu.memory_space<vmem>>, vector<8x1024xf32>
      %max3A_347 = arith.maximumf %max3A_343, %get3A_346 : vector<8x1024xf32>
      %get3A_348 = arith.constant 672 : index
      %get3A_349 = arith.constant 0 : index
      %get3A_350 = vector.load %arg1[%get3A_348, %get3A_349] : memref<2048x1024xf32, #tpu.memory_space<vmem>>, vector<8x1024xf32>
      %max3A_351 = arith.maximumf %max3A_347, %get3A_350 : vector<8x1024xf32>
      %get3A_352 = arith.constant 680 : index
      %get3A_353 = arith.constant 0 : index
      %get3A_354 = vector.load %arg1[%get3A_352, %get3A_353] : memref<2048x1024xf32, #tpu.memory_space<vmem>>, vector<8x1024xf32>
      %max3A_355 = arith.maximumf %max3A_351, %get3A_354 : vector<8x1024xf32>
      %get3A_356 = arith.constant 688 : index
      %get3A_357 = arith.constant 0 : index
      %get3A_358 = vector.load %arg1[%get3A_356, %get3A_357] : memref<2048x1024xf32, #tpu.memory_space<vmem>>, vector<8x1024xf32>
      %max3A_359 = arith.maximumf %max3A_355, %get3A_358 : vector<8x1024xf32>
      %get3A_360 = arith.constant 696 : index
      %get3A_361 = arith.constant 0 : index
      %get3A_362 = vector.load %arg1[%get3A_360, %get3A_361] : memref<2048x1024xf32, #tpu.memory_space<vmem>>, vector<8x1024xf32>
      %max3A_363 = arith.maximumf %max3A_359, %get3A_362 : vector<8x1024xf32>
      %get3A_364 = arith.constant 704 : index
      %get3A_365 = arith.constant 0 : index
      %get3A_366 = vector.load %arg1[%get3A_364, %get3A_365] : memref<2048x1024xf32, #tpu.memory_space<vmem>>, vector<8x1024xf32>
      %max3A_367 = arith.maximumf %max3A_363, %get3A_366 : vector<8x1024xf32>
      %get3A_368 = arith.constant 712 : index
      %get3A_369 = arith.constant 0 : index
      %get3A_370 = vector.load %arg1[%get3A_368, %get3A_369] : memref<2048x1024xf32, #tpu.memory_space<vmem>>, vector<8x1024xf32>
      %max3A_371 = arith.maximumf %max3A_367, %get3A_370 : vector<8x1024xf32>
      %get3A_372 = arith.constant 720 : index
      %get3A_373 = arith.constant 0 : index
      %get3A_374 = vector.load %arg1[%get3A_372, %get3A_373] : memref<2048x1024xf32, #tpu.memory_space<vmem>>, vector<8x1024xf32>
      %max3A_375 = arith.maximumf %max3A_371, %get3A_374 : vector<8x1024xf32>
      %get3A_376 = arith.constant 728 : index
      %get3A_377 = arith.constant 0 : index
      %get3A_378 = vector.load %arg1[%get3A_376, %get3A_377] : memref<2048x1024xf32, #tpu.memory_space<vmem>>, vector<8x1024xf32>
      %max3A_379 = arith.maximumf %max3A_375, %get3A_378 : vector<8x1024xf32>
      %get3A_380 = arith.constant 736 : index
      %get3A_381 = arith.constant 0 : index
      %get3A_382 = vector.load %arg1[%get3A_380, %get3A_381] : memref<2048x1024xf32, #tpu.memory_space<vmem>>, vector<8x1024xf32>
      %max3A_383 = arith.maximumf %max3A_379, %get3A_382 : vector<8x1024xf32>
      %get3A_384 = arith.constant 744 : index
      %get3A_385 = arith.constant 0 : index
      %get3A_386 = vector.load %arg1[%get3A_384, %get3A_385] : memref<2048x1024xf32, #tpu.memory_space<vmem>>, vector<8x1024xf32>
      %max3A_387 = arith.maximumf %max3A_383, %get3A_386 : vector<8x1024xf32>
      %get3A_388 = arith.constant 752 : index
      %get3A_389 = arith.constant 0 : index
      %get3A_390 = vector.load %arg1[%get3A_388, %get3A_389] : memref<2048x1024xf32, #tpu.memory_space<vmem>>, vector<8x1024xf32>
      %max3A_391 = arith.maximumf %max3A_387, %get3A_390 : vector<8x1024xf32>
      %get3A_392 = arith.constant 760 : index
      %get3A_393 = arith.constant 0 : index
      %get3A_394 = vector.load %arg1[%get3A_392, %get3A_393] : memref<2048x1024xf32, #tpu.memory_space<vmem>>, vector<8x1024xf32>
      %max3A_395 = arith.maximumf %max3A_391, %get3A_394 : vector<8x1024xf32>
      %get3A_396 = arith.constant 768 : index
      %get3A_397 = arith.constant 0 : index
      %get3A_398 = vector.load %arg1[%get3A_396, %get3A_397] : memref<2048x1024xf32, #tpu.memory_space<vmem>>, vector<8x1024xf32>
      %max3A_399 = arith.maximumf %max3A_395, %get3A_398 : vector<8x1024xf32>
      %get3A_400 = arith.constant 776 : index
      %get3A_401 = arith.constant 0 : index
      %get3A_402 = vector.load %arg1[%get3A_400, %get3A_401] : memref<2048x1024xf32, #tpu.memory_space<vmem>>, vector<8x1024xf32>
      %max3A_403 = arith.maximumf %max3A_399, %get3A_402 : vector<8x1024xf32>
      %get3A_404 = arith.constant 784 : index
      %get3A_405 = arith.constant 0 : index
      %get3A_406 = vector.load %arg1[%get3A_404, %get3A_405] : memref<2048x1024xf32, #tpu.memory_space<vmem>>, vector<8x1024xf32>
      %max3A_407 = arith.maximumf %max3A_403, %get3A_406 : vector<8x1024xf32>
      %get3A_408 = arith.constant 792 : index
      %get3A_409 = arith.constant 0 : index
      %get3A_410 = vector.load %arg1[%get3A_408, %get3A_409] : memref<2048x1024xf32, #tpu.memory_space<vmem>>, vector<8x1024xf32>
      %max3A_411 = arith.maximumf %max3A_407, %get3A_410 : vector<8x1024xf32>
      %get3A_412 = arith.constant 800 : index
      %get3A_413 = arith.constant 0 : index
      %get3A_414 = vector.load %arg1[%get3A_412, %get3A_413] : memref<2048x1024xf32, #tpu.memory_space<vmem>>, vector<8x1024xf32>
      %max3A_415 = arith.maximumf %max3A_411, %get3A_414 : vector<8x1024xf32>
      %get3A_416 = arith.constant 808 : index
      %get3A_417 = arith.constant 0 : index
      %get3A_418 = vector.load %arg1[%get3A_416, %get3A_417] : memref<2048x1024xf32, #tpu.memory_space<vmem>>, vector<8x1024xf32>
      %max3A_419 = arith.maximumf %max3A_415, %get3A_418 : vector<8x1024xf32>
      %get3A_420 = arith.constant 816 : index
      %get3A_421 = arith.constant 0 : index
      %get3A_422 = vector.load %arg1[%get3A_420, %get3A_421] : memref<2048x1024xf32, #tpu.memory_space<vmem>>, vector<8x1024xf32>
      %max3A_423 = arith.maximumf %max3A_419, %get3A_422 : vector<8x1024xf32>
      %get3A_424 = arith.constant 824 : index
      %get3A_425 = arith.constant 0 : index
      %get3A_426 = vector.load %arg1[%get3A_424, %get3A_425] : memref<2048x1024xf32, #tpu.memory_space<vmem>>, vector<8x1024xf32>
      %max3A_427 = arith.maximumf %max3A_423, %get3A_426 : vector<8x1024xf32>
      %get3A_428 = arith.constant 832 : index
      %get3A_429 = arith.constant 0 : index
      %get3A_430 = vector.load %arg1[%get3A_428, %get3A_429] : memref<2048x1024xf32, #tpu.memory_space<vmem>>, vector<8x1024xf32>
      %max3A_431 = arith.maximumf %max3A_427, %get3A_430 : vector<8x1024xf32>
      %get3A_432 = arith.constant 840 : index
      %get3A_433 = arith.constant 0 : index
      %get3A_434 = vector.load %arg1[%get3A_432, %get3A_433] : memref<2048x1024xf32, #tpu.memory_space<vmem>>, vector<8x1024xf32>
      %max3A_435 = arith.maximumf %max3A_431, %get3A_434 : vector<8x1024xf32>
      %get3A_436 = arith.constant 848 : index
      %get3A_437 = arith.constant 0 : index
      %get3A_438 = vector.load %arg1[%get3A_436, %get3A_437] : memref<2048x1024xf32, #tpu.memory_space<vmem>>, vector<8x1024xf32>
      %max3A_439 = arith.maximumf %max3A_435, %get3A_438 : vector<8x1024xf32>
      %get3A_440 = arith.constant 856 : index
      %get3A_441 = arith.constant 0 : index
      %get3A_442 = vector.load %arg1[%get3A_440, %get3A_441] : memref<2048x1024xf32, #tpu.memory_space<vmem>>, vector<8x1024xf32>
      %max3A_443 = arith.maximumf %max3A_439, %get3A_442 : vector<8x1024xf32>
      %get3A_444 = arith.constant 864 : index
      %get3A_445 = arith.constant 0 : index
      %get3A_446 = vector.load %arg1[%get3A_444, %get3A_445] : memref<2048x1024xf32, #tpu.memory_space<vmem>>, vector<8x1024xf32>
      %max3A_447 = arith.maximumf %max3A_443, %get3A_446 : vector<8x1024xf32>
      %get3A_448 = arith.constant 872 : index
      %get3A_449 = arith.constant 0 : index
      %get3A_450 = vector.load %arg1[%get3A_448, %get3A_449] : memref<2048x1024xf32, #tpu.memory_space<vmem>>, vector<8x1024xf32>
      %max3A_451 = arith.maximumf %max3A_447, %get3A_450 : vector<8x1024xf32>
      %get3A_452 = arith.constant 880 : index
      %get3A_453 = arith.constant 0 : index
      %get3A_454 = vector.load %arg1[%get3A_452, %get3A_453] : memref<2048x1024xf32, #tpu.memory_space<vmem>>, vector<8x1024xf32>
      %max3A_455 = arith.maximumf %max3A_451, %get3A_454 : vector<8x1024xf32>
      %get3A_456 = arith.constant 888 : index
      %get3A_457 = arith.constant 0 : index
      %get3A_458 = vector.load %arg1[%get3A_456, %get3A_457] : memref<2048x1024xf32, #tpu.memory_space<vmem>>, vector<8x1024xf32>
      %max3A_459 = arith.maximumf %max3A_455, %get3A_458 : vector<8x1024xf32>
      %get3A_460 = arith.constant 896 : index
      %get3A_461 = arith.constant 0 : index
      %get3A_462 = vector.load %arg1[%get3A_460, %get3A_461] : memref<2048x1024xf32, #tpu.memory_space<vmem>>, vector<8x1024xf32>
      %max3A_463 = arith.maximumf %max3A_459, %get3A_462 : vector<8x1024xf32>
      %get3A_464 = arith.constant 904 : index
      %get3A_465 = arith.constant 0 : index
      %get3A_466 = vector.load %arg1[%get3A_464, %get3A_465] : memref<2048x1024xf32, #tpu.memory_space<vmem>>, vector<8x1024xf32>
      %max3A_467 = arith.maximumf %max3A_463, %get3A_466 : vector<8x1024xf32>
      %get3A_468 = arith.constant 912 : index
      %get3A_469 = arith.constant 0 : index
      %get3A_470 = vector.load %arg1[%get3A_468, %get3A_469] : memref<2048x1024xf32, #tpu.memory_space<vmem>>, vector<8x1024xf32>
      %max3A_471 = arith.maximumf %max3A_467, %get3A_470 : vector<8x1024xf32>
      %get3A_472 = arith.constant 920 : index
      %get3A_473 = arith.constant 0 : index
      %get3A_474 = vector.load %arg1[%get3A_472, %get3A_473] : memref<2048x1024xf32, #tpu.memory_space<vmem>>, vector<8x1024xf32>
      %max3A_475 = arith.maximumf %max3A_471, %get3A_474 : vector<8x1024xf32>
      %get3A_476 = arith.constant 928 : index
      %get3A_477 = arith.constant 0 : index
      %get3A_478 = vector.load %arg1[%get3A_476, %get3A_477] : memref<2048x1024xf32, #tpu.memory_space<vmem>>, vector<8x1024xf32>
      %max3A_479 = arith.maximumf %max3A_475, %get3A_478 : vector<8x1024xf32>
      %get3A_480 = arith.constant 936 : index
      %get3A_481 = arith.constant 0 : index
      %get3A_482 = vector.load %arg1[%get3A_480, %get3A_481] : memref<2048x1024xf32, #tpu.memory_space<vmem>>, vector<8x1024xf32>
      %max3A_483 = arith.maximumf %max3A_479, %get3A_482 : vector<8x1024xf32>
      %get3A_484 = arith.constant 944 : index
      %get3A_485 = arith.constant 0 : index
      %get3A_486 = vector.load %arg1[%get3A_484, %get3A_485] : memref<2048x1024xf32, #tpu.memory_space<vmem>>, vector<8x1024xf32>
      %max3A_487 = arith.maximumf %max3A_483, %get3A_486 : vector<8x1024xf32>
      %get3A_488 = arith.constant 952 : index
      %get3A_489 = arith.constant 0 : index
      %get3A_490 = vector.load %arg1[%get3A_488, %get3A_489] : memref<2048x1024xf32, #tpu.memory_space<vmem>>, vector<8x1024xf32>
      %max3A_491 = arith.maximumf %max3A_487, %get3A_490 : vector<8x1024xf32>
      %get3A_492 = arith.constant 960 : index
      %get3A_493 = arith.constant 0 : index
      %get3A_494 = vector.load %arg1[%get3A_492, %get3A_493] : memref<2048x1024xf32, #tpu.memory_space<vmem>>, vector<8x1024xf32>
      %max3A_495 = arith.maximumf %max3A_491, %get3A_494 : vector<8x1024xf32>
      %get3A_496 = arith.constant 968 : index
      %get3A_497 = arith.constant 0 : index
      %get3A_498 = vector.load %arg1[%get3A_496, %get3A_497] : memref<2048x1024xf32, #tpu.memory_space<vmem>>, vector<8x1024xf32>
      %max3A_499 = arith.maximumf %max3A_495, %get3A_498 : vector<8x1024xf32>
      %get3A_500 = arith.constant 976 : index
      %get3A_501 = arith.constant 0 : index
      %get3A_502 = vector.load %arg1[%get3A_500, %get3A_501] : memref<2048x1024xf32, #tpu.memory_space<vmem>>, vector<8x1024xf32>
      %max3A_503 = arith.maximumf %max3A_499, %get3A_502 : vector<8x1024xf32>
      %get3A_504 = arith.constant 984 : index
      %get3A_505 = arith.constant 0 : index
      %get3A_506 = vector.load %arg1[%get3A_504, %get3A_505] : memref<2048x1024xf32, #tpu.memory_space<vmem>>, vector<8x1024xf32>
      %max3A_507 = arith.maximumf %max3A_503, %get3A_506 : vector<8x1024xf32>
      %get3A_508 = arith.constant 992 : index
      %get3A_509 = arith.constant 0 : index
      %get3A_510 = vector.load %arg1[%get3A_508, %get3A_509] : memref<2048x1024xf32, #tpu.memory_space<vmem>>, vector<8x1024xf32>
      %max3A_511 = arith.maximumf %max3A_507, %get3A_510 : vector<8x1024xf32>
      %get3A_512 = arith.constant 1000 : index
      %get3A_513 = arith.constant 0 : index
      %get3A_514 = vector.load %arg1[%get3A_512, %get3A_513] : memref<2048x1024xf32, #tpu.memory_space<vmem>>, vector<8x1024xf32>
      %max3A_515 = arith.maximumf %max3A_511, %get3A_514 : vector<8x1024xf32>
      %get3A_516 = arith.constant 1008 : index
      %get3A_517 = arith.constant 0 : index
      %get3A_518 = vector.load %arg1[%get3A_516, %get3A_517] : memref<2048x1024xf32, #tpu.memory_space<vmem>>, vector<8x1024xf32>
      %max3A_519 = arith.maximumf %max3A_515, %get3A_518 : vector<8x1024xf32>
      %get3A_520 = arith.constant 1016 : index
      %get3A_521 = arith.constant 0 : index
      %get3A_522 = vector.load %arg1[%get3A_520, %get3A_521] : memref<2048x1024xf32, #tpu.memory_space<vmem>>, vector<8x1024xf32>
      %max3A_523 = arith.maximumf %max3A_519, %get3A_522 : vector<8x1024xf32>
      %get3A_524 = arith.constant 1024 : index
      %get3A_525 = arith.constant 0 : index
      %get3A_526 = vector.load %arg1[%get3A_524, %get3A_525] : memref<2048x1024xf32, #tpu.memory_space<vmem>>, vector<8x1024xf32>
      %max3A_527 = arith.maximumf %max3A_523, %get3A_526 : vector<8x1024xf32>
      %get3A_528 = arith.constant 1032 : index
      %get3A_529 = arith.constant 0 : index
      %get3A_530 = vector.load %arg1[%get3A_528, %get3A_529] : memref<2048x1024xf32, #tpu.memory_space<vmem>>, vector<8x1024xf32>
      %max3A_531 = arith.maximumf %max3A_527, %get3A_530 : vector<8x1024xf32>
      %get3A_532 = arith.constant 1040 : index
      %get3A_533 = arith.constant 0 : index
      %get3A_534 = vector.load %arg1[%get3A_532, %get3A_533] : memref<2048x1024xf32, #tpu.memory_space<vmem>>, vector<8x1024xf32>
      %max3A_535 = arith.maximumf %max3A_531, %get3A_534 : vector<8x1024xf32>
      %get3A_536 = arith.constant 1048 : index
      %get3A_537 = arith.constant 0 : index
      %get3A_538 = vector.load %arg1[%get3A_536, %get3A_537] : memref<2048x1024xf32, #tpu.memory_space<vmem>>, vector<8x1024xf32>
      %max3A_539 = arith.maximumf %max3A_535, %get3A_538 : vector<8x1024xf32>
      %get3A_540 = arith.constant 1056 : index
      %get3A_541 = arith.constant 0 : index
      %get3A_542 = vector.load %arg1[%get3A_540, %get3A_541] : memref<2048x1024xf32, #tpu.memory_space<vmem>>, vector<8x1024xf32>
      %max3A_543 = arith.maximumf %max3A_539, %get3A_542 : vector<8x1024xf32>
      %get3A_544 = arith.constant 1064 : index
      %get3A_545 = arith.constant 0 : index
      %get3A_546 = vector.load %arg1[%get3A_544, %get3A_545] : memref<2048x1024xf32, #tpu.memory_space<vmem>>, vector<8x1024xf32>
      %max3A_547 = arith.maximumf %max3A_543, %get3A_546 : vector<8x1024xf32>
      %get3A_548 = arith.constant 1072 : index
      %get3A_549 = arith.constant 0 : index
      %get3A_550 = vector.load %arg1[%get3A_548, %get3A_549] : memref<2048x1024xf32, #tpu.memory_space<vmem>>, vector<8x1024xf32>
      %max3A_551 = arith.maximumf %max3A_547, %get3A_550 : vector<8x1024xf32>
      %get3A_552 = arith.constant 1080 : index
      %get3A_553 = arith.constant 0 : index
      %get3A_554 = vector.load %arg1[%get3A_552, %get3A_553] : memref<2048x1024xf32, #tpu.memory_space<vmem>>, vector<8x1024xf32>
      %max3A_555 = arith.maximumf %max3A_551, %get3A_554 : vector<8x1024xf32>
      %get3A_556 = arith.constant 1088 : index
      %get3A_557 = arith.constant 0 : index
      %get3A_558 = vector.load %arg1[%get3A_556, %get3A_557] : memref<2048x1024xf32, #tpu.memory_space<vmem>>, vector<8x1024xf32>
      %max3A_559 = arith.maximumf %max3A_555, %get3A_558 : vector<8x1024xf32>
      %get3A_560 = arith.constant 1096 : index
      %get3A_561 = arith.constant 0 : index
      %get3A_562 = vector.load %arg1[%get3A_560, %get3A_561] : memref<2048x1024xf32, #tpu.memory_space<vmem>>, vector<8x1024xf32>
      %max3A_563 = arith.maximumf %max3A_559, %get3A_562 : vector<8x1024xf32>
      %get3A_564 = arith.constant 1104 : index
      %get3A_565 = arith.constant 0 : index
      %get3A_566 = vector.load %arg1[%get3A_564, %get3A_565] : memref<2048x1024xf32, #tpu.memory_space<vmem>>, vector<8x1024xf32>
      %max3A_567 = arith.maximumf %max3A_563, %get3A_566 : vector<8x1024xf32>
      %get3A_568 = arith.constant 1112 : index
      %get3A_569 = arith.constant 0 : index
      %get3A_570 = vector.load %arg1[%get3A_568, %get3A_569] : memref<2048x1024xf32, #tpu.memory_space<vmem>>, vector<8x1024xf32>
      %max3A_571 = arith.maximumf %max3A_567, %get3A_570 : vector<8x1024xf32>
      %get3A_572 = arith.constant 1120 : index
      %get3A_573 = arith.constant 0 : index
      %get3A_574 = vector.load %arg1[%get3A_572, %get3A_573] : memref<2048x1024xf32, #tpu.memory_space<vmem>>, vector<8x1024xf32>
      %max3A_575 = arith.maximumf %max3A_571, %get3A_574 : vector<8x1024xf32>
      %get3A_576 = arith.constant 1128 : index
      %get3A_577 = arith.constant 0 : index
      %get3A_578 = vector.load %arg1[%get3A_576, %get3A_577] : memref<2048x1024xf32, #tpu.memory_space<vmem>>, vector<8x1024xf32>
      %max3A_579 = arith.maximumf %max3A_575, %get3A_578 : vector<8x1024xf32>
      %get3A_580 = arith.constant 1136 : index
      %get3A_581 = arith.constant 0 : index
      %get3A_582 = vector.load %arg1[%get3A_580, %get3A_581] : memref<2048x1024xf32, #tpu.memory_space<vmem>>, vector<8x1024xf32>
      %max3A_583 = arith.maximumf %max3A_579, %get3A_582 : vector<8x1024xf32>
      %get3A_584 = arith.constant 1144 : index
      %get3A_585 = arith.constant 0 : index
      %get3A_586 = vector.load %arg1[%get3A_584, %get3A_585] : memref<2048x1024xf32, #tpu.memory_space<vmem>>, vector<8x1024xf32>
      %max3A_587 = arith.maximumf %max3A_583, %get3A_586 : vector<8x1024xf32>
      %get3A_588 = arith.constant 1152 : index
      %get3A_589 = arith.constant 0 : index
      %get3A_590 = vector.load %arg1[%get3A_588, %get3A_589] : memref<2048x1024xf32, #tpu.memory_space<vmem>>, vector<8x1024xf32>
      %max3A_591 = arith.maximumf %max3A_587, %get3A_590 : vector<8x1024xf32>
      %get3A_592 = arith.constant 1160 : index
      %get3A_593 = arith.constant 0 : index
      %get3A_594 = vector.load %arg1[%get3A_592, %get3A_593] : memref<2048x1024xf32, #tpu.memory_space<vmem>>, vector<8x1024xf32>
      %max3A_595 = arith.maximumf %max3A_591, %get3A_594 : vector<8x1024xf32>
      %get3A_596 = arith.constant 1168 : index
      %get3A_597 = arith.constant 0 : index
      %get3A_598 = vector.load %arg1[%get3A_596, %get3A_597] : memref<2048x1024xf32, #tpu.memory_space<vmem>>, vector<8x1024xf32>
      %max3A_599 = arith.maximumf %max3A_595, %get3A_598 : vector<8x1024xf32>
      %get3A_600 = arith.constant 1176 : index
      %get3A_601 = arith.constant 0 : index
      %get3A_602 = vector.load %arg1[%get3A_600, %get3A_601] : memref<2048x1024xf32, #tpu.memory_space<vmem>>, vector<8x1024xf32>
      %max3A_603 = arith.maximumf %max3A_599, %get3A_602 : vector<8x1024xf32>
      %get3A_604 = arith.constant 1184 : index
      %get3A_605 = arith.constant 0 : index
      %get3A_606 = vector.load %arg1[%get3A_604, %get3A_605] : memref<2048x1024xf32, #tpu.memory_space<vmem>>, vector<8x1024xf32>
      %max3A_607 = arith.maximumf %max3A_603, %get3A_606 : vector<8x1024xf32>
      %get3A_608 = arith.constant 1192 : index
      %get3A_609 = arith.constant 0 : index
      %get3A_610 = vector.load %arg1[%get3A_608, %get3A_609] : memref<2048x1024xf32, #tpu.memory_space<vmem>>, vector<8x1024xf32>
      %max3A_611 = arith.maximumf %max3A_607, %get3A_610 : vector<8x1024xf32>
      %get3A_612 = arith.constant 1200 : index
      %get3A_613 = arith.constant 0 : index
      %get3A_614 = vector.load %arg1[%get3A_612, %get3A_613] : memref<2048x1024xf32, #tpu.memory_space<vmem>>, vector<8x1024xf32>
      %max3A_615 = arith.maximumf %max3A_611, %get3A_614 : vector<8x1024xf32>
      %get3A_616 = arith.constant 1208 : index
      %get3A_617 = arith.constant 0 : index
      %get3A_618 = vector.load %arg1[%get3A_616, %get3A_617] : memref<2048x1024xf32, #tpu.memory_space<vmem>>, vector<8x1024xf32>
      %max3A_619 = arith.maximumf %max3A_615, %get3A_618 : vector<8x1024xf32>
      %get3A_620 = arith.constant 1216 : index
      %get3A_621 = arith.constant 0 : index
      %get3A_622 = vector.load %arg1[%get3A_620, %get3A_621] : memref<2048x1024xf32, #tpu.memory_space<vmem>>, vector<8x1024xf32>
      %max3A_623 = arith.maximumf %max3A_619, %get3A_622 : vector<8x1024xf32>
      %get3A_624 = arith.constant 1224 : index
      %get3A_625 = arith.constant 0 : index
      %get3A_626 = vector.load %arg1[%get3A_624, %get3A_625] : memref<2048x1024xf32, #tpu.memory_space<vmem>>, vector<8x1024xf32>
      %max3A_627 = arith.maximumf %max3A_623, %get3A_626 : vector<8x1024xf32>
      %get3A_628 = arith.constant 1232 : index
      %get3A_629 = arith.constant 0 : index
      %get3A_630 = vector.load %arg1[%get3A_628, %get3A_629] : memref<2048x1024xf32, #tpu.memory_space<vmem>>, vector<8x1024xf32>
      %max3A_631 = arith.maximumf %max3A_627, %get3A_630 : vector<8x1024xf32>
      %get3A_632 = arith.constant 1240 : index
      %get3A_633 = arith.constant 0 : index
      %get3A_634 = vector.load %arg1[%get3A_632, %get3A_633] : memref<2048x1024xf32, #tpu.memory_space<vmem>>, vector<8x1024xf32>
      %max3A_635 = arith.maximumf %max3A_631, %get3A_634 : vector<8x1024xf32>
      %get3A_636 = arith.constant 1248 : index
      %get3A_637 = arith.constant 0 : index
      %get3A_638 = vector.load %arg1[%get3A_636, %get3A_637] : memref<2048x1024xf32, #tpu.memory_space<vmem>>, vector<8x1024xf32>
      %max3A_639 = arith.maximumf %max3A_635, %get3A_638 : vector<8x1024xf32>
      %get3A_640 = arith.constant 1256 : index
      %get3A_641 = arith.constant 0 : index
      %get3A_642 = vector.load %arg1[%get3A_640, %get3A_641] : memref<2048x1024xf32, #tpu.memory_space<vmem>>, vector<8x1024xf32>
      %max3A_643 = arith.maximumf %max3A_639, %get3A_642 : vector<8x1024xf32>
      %get3A_644 = arith.constant 1264 : index
      %get3A_645 = arith.constant 0 : index
      %get3A_646 = vector.load %arg1[%get3A_644, %get3A_645] : memref<2048x1024xf32, #tpu.memory_space<vmem>>, vector<8x1024xf32>
      %max3A_647 = arith.maximumf %max3A_643, %get3A_646 : vector<8x1024xf32>
      %get3A_648 = arith.constant 1272 : index
      %get3A_649 = arith.constant 0 : index
      %get3A_650 = vector.load %arg1[%get3A_648, %get3A_649] : memref<2048x1024xf32, #tpu.memory_space<vmem>>, vector<8x1024xf32>
      %max3A_651 = arith.maximumf %max3A_647, %get3A_650 : vector<8x1024xf32>
      %get3A_652 = arith.constant 1280 : index
      %get3A_653 = arith.constant 0 : index
      %get3A_654 = vector.load %arg1[%get3A_652, %get3A_653] : memref<2048x1024xf32, #tpu.memory_space<vmem>>, vector<8x1024xf32>
      %max3A_655 = arith.maximumf %max3A_651, %get3A_654 : vector<8x1024xf32>
      %get3A_656 = arith.constant 1288 : index
      %get3A_657 = arith.constant 0 : index
      %get3A_658 = vector.load %arg1[%get3A_656, %get3A_657] : memref<2048x1024xf32, #tpu.memory_space<vmem>>, vector<8x1024xf32>
      %max3A_659 = arith.maximumf %max3A_655, %get3A_658 : vector<8x1024xf32>
      %get3A_660 = arith.constant 1296 : index
      %get3A_661 = arith.constant 0 : index
      %get3A_662 = vector.load %arg1[%get3A_660, %get3A_661] : memref<2048x1024xf32, #tpu.memory_space<vmem>>, vector<8x1024xf32>
      %max3A_663 = arith.maximumf %max3A_659, %get3A_662 : vector<8x1024xf32>
      %get3A_664 = arith.constant 1304 : index
      %get3A_665 = arith.constant 0 : index
      %get3A_666 = vector.load %arg1[%get3A_664, %get3A_665] : memref<2048x1024xf32, #tpu.memory_space<vmem>>, vector<8x1024xf32>
      %max3A_667 = arith.maximumf %max3A_663, %get3A_666 : vector<8x1024xf32>
      %get3A_668 = arith.constant 1312 : index
      %get3A_669 = arith.constant 0 : index
      %get3A_670 = vector.load %arg1[%get3A_668, %get3A_669] : memref<2048x1024xf32, #tpu.memory_space<vmem>>, vector<8x1024xf32>
      %max3A_671 = arith.maximumf %max3A_667, %get3A_670 : vector<8x1024xf32>
      %get3A_672 = arith.constant 1320 : index
      %get3A_673 = arith.constant 0 : index
      %get3A_674 = vector.load %arg1[%get3A_672, %get3A_673] : memref<2048x1024xf32, #tpu.memory_space<vmem>>, vector<8x1024xf32>
      %max3A_675 = arith.maximumf %max3A_671, %get3A_674 : vector<8x1024xf32>
      %get3A_676 = arith.constant 1328 : index
      %get3A_677 = arith.constant 0 : index
      %get3A_678 = vector.load %arg1[%get3A_676, %get3A_677] : memref<2048x1024xf32, #tpu.memory_space<vmem>>, vector<8x1024xf32>
      %max3A_679 = arith.maximumf %max3A_675, %get3A_678 : vector<8x1024xf32>
      %get3A_680 = arith.constant 1336 : index
      %get3A_681 = arith.constant 0 : index
      %get3A_682 = vector.load %arg1[%get3A_680, %get3A_681] : memref<2048x1024xf32, #tpu.memory_space<vmem>>, vector<8x1024xf32>
      %max3A_683 = arith.maximumf %max3A_679, %get3A_682 : vector<8x1024xf32>
      %get3A_684 = arith.constant 1344 : index
      %get3A_685 = arith.constant 0 : index
      %get3A_686 = vector.load %arg1[%get3A_684, %get3A_685] : memref<2048x1024xf32, #tpu.memory_space<vmem>>, vector<8x1024xf32>
      %max3A_687 = arith.maximumf %max3A_683, %get3A_686 : vector<8x1024xf32>
      %get3A_688 = arith.constant 1352 : index
      %get3A_689 = arith.constant 0 : index
      %get3A_690 = vector.load %arg1[%get3A_688, %get3A_689] : memref<2048x1024xf32, #tpu.memory_space<vmem>>, vector<8x1024xf32>
      %max3A_691 = arith.maximumf %max3A_687, %get3A_690 : vector<8x1024xf32>
      %get3A_692 = arith.constant 1360 : index
      %get3A_693 = arith.constant 0 : index
      %get3A_694 = vector.load %arg1[%get3A_692, %get3A_693] : memref<2048x1024xf32, #tpu.memory_space<vmem>>, vector<8x1024xf32>
      %max3A_695 = arith.maximumf %max3A_691, %get3A_694 : vector<8x1024xf32>
      %get3A_696 = arith.constant 1368 : index
      %get3A_697 = arith.constant 0 : index
      %get3A_698 = vector.load %arg1[%get3A_696, %get3A_697] : memref<2048x1024xf32, #tpu.memory_space<vmem>>, vector<8x1024xf32>
      %max3A_699 = arith.maximumf %max3A_695, %get3A_698 : vector<8x1024xf32>
      %get3A_700 = arith.constant 1376 : index
      %get3A_701 = arith.constant 0 : index
      %get3A_702 = vector.load %arg1[%get3A_700, %get3A_701] : memref<2048x1024xf32, #tpu.memory_space<vmem>>, vector<8x1024xf32>
      %max3A_703 = arith.maximumf %max3A_699, %get3A_702 : vector<8x1024xf32>
      %get3A_704 = arith.constant 1384 : index
      %get3A_705 = arith.constant 0 : index
      %get3A_706 = vector.load %arg1[%get3A_704, %get3A_705] : memref<2048x1024xf32, #tpu.memory_space<vmem>>, vector<8x1024xf32>
      %max3A_707 = arith.maximumf %max3A_703, %get3A_706 : vector<8x1024xf32>
      %get3A_708 = arith.constant 1392 : index
      %get3A_709 = arith.constant 0 : index
      %get3A_710 = vector.load %arg1[%get3A_708, %get3A_709] : memref<2048x1024xf32, #tpu.memory_space<vmem>>, vector<8x1024xf32>
      %max3A_711 = arith.maximumf %max3A_707, %get3A_710 : vector<8x1024xf32>
      %get3A_712 = arith.constant 1400 : index
      %get3A_713 = arith.constant 0 : index
      %get3A_714 = vector.load %arg1[%get3A_712, %get3A_713] : memref<2048x1024xf32, #tpu.memory_space<vmem>>, vector<8x1024xf32>
      %max3A_715 = arith.maximumf %max3A_711, %get3A_714 : vector<8x1024xf32>
      %get3A_716 = arith.constant 1408 : index
      %get3A_717 = arith.constant 0 : index
      %get3A_718 = vector.load %arg1[%get3A_716, %get3A_717] : memref<2048x1024xf32, #tpu.memory_space<vmem>>, vector<8x1024xf32>
      %max3A_719 = arith.maximumf %max3A_715, %get3A_718 : vector<8x1024xf32>
      %get3A_720 = arith.constant 1416 : index
      %get3A_721 = arith.constant 0 : index
      %get3A_722 = vector.load %arg1[%get3A_720, %get3A_721] : memref<2048x1024xf32, #tpu.memory_space<vmem>>, vector<8x1024xf32>
      %max3A_723 = arith.maximumf %max3A_719, %get3A_722 : vector<8x1024xf32>
      %get3A_724 = arith.constant 1424 : index
      %get3A_725 = arith.constant 0 : index
      %get3A_726 = vector.load %arg1[%get3A_724, %get3A_725] : memref<2048x1024xf32, #tpu.memory_space<vmem>>, vector<8x1024xf32>
      %max3A_727 = arith.maximumf %max3A_723, %get3A_726 : vector<8x1024xf32>
      %get3A_728 = arith.constant 1432 : index
      %get3A_729 = arith.constant 0 : index
      %get3A_730 = vector.load %arg1[%get3A_728, %get3A_729] : memref<2048x1024xf32, #tpu.memory_space<vmem>>, vector<8x1024xf32>
      %max3A_731 = arith.maximumf %max3A_727, %get3A_730 : vector<8x1024xf32>
      %get3A_732 = arith.constant 1440 : index
      %get3A_733 = arith.constant 0 : index
      %get3A_734 = vector.load %arg1[%get3A_732, %get3A_733] : memref<2048x1024xf32, #tpu.memory_space<vmem>>, vector<8x1024xf32>
      %max3A_735 = arith.maximumf %max3A_731, %get3A_734 : vector<8x1024xf32>
      %get3A_736 = arith.constant 1448 : index
      %get3A_737 = arith.constant 0 : index
      %get3A_738 = vector.load %arg1[%get3A_736, %get3A_737] : memref<2048x1024xf32, #tpu.memory_space<vmem>>, vector<8x1024xf32>
      %max3A_739 = arith.maximumf %max3A_735, %get3A_738 : vector<8x1024xf32>
      %get3A_740 = arith.constant 1456 : index
      %get3A_741 = arith.constant 0 : index
      %get3A_742 = vector.load %arg1[%get3A_740, %get3A_741] : memref<2048x1024xf32, #tpu.memory_space<vmem>>, vector<8x1024xf32>
      %max3A_743 = arith.maximumf %max3A_739, %get3A_742 : vector<8x1024xf32>
      %get3A_744 = arith.constant 1464 : index
      %get3A_745 = arith.constant 0 : index
      %get3A_746 = vector.load %arg1[%get3A_744, %get3A_745] : memref<2048x1024xf32, #tpu.memory_space<vmem>>, vector<8x1024xf32>
      %max3A_747 = arith.maximumf %max3A_743, %get3A_746 : vector<8x1024xf32>
      %get3A_748 = arith.constant 1472 : index
      %get3A_749 = arith.constant 0 : index
      %get3A_750 = vector.load %arg1[%get3A_748, %get3A_749] : memref<2048x1024xf32, #tpu.memory_space<vmem>>, vector<8x1024xf32>
      %max3A_751 = arith.maximumf %max3A_747, %get3A_750 : vector<8x1024xf32>
      %get3A_752 = arith.constant 1480 : index
      %get3A_753 = arith.constant 0 : index
      %get3A_754 = vector.load %arg1[%get3A_752, %get3A_753] : memref<2048x1024xf32, #tpu.memory_space<vmem>>, vector<8x1024xf32>
      %max3A_755 = arith.maximumf %max3A_751, %get3A_754 : vector<8x1024xf32>
      %get3A_756 = arith.constant 1488 : index
      %get3A_757 = arith.constant 0 : index
      %get3A_758 = vector.load %arg1[%get3A_756, %get3A_757] : memref<2048x1024xf32, #tpu.memory_space<vmem>>, vector<8x1024xf32>
      %max3A_759 = arith.maximumf %max3A_755, %get3A_758 : vector<8x1024xf32>
      %get3A_760 = arith.constant 1496 : index
      %get3A_761 = arith.constant 0 : index
      %get3A_762 = vector.load %arg1[%get3A_760, %get3A_761] : memref<2048x1024xf32, #tpu.memory_space<vmem>>, vector<8x1024xf32>
      %max3A_763 = arith.maximumf %max3A_759, %get3A_762 : vector<8x1024xf32>
      %get3A_764 = arith.constant 1504 : index
      %get3A_765 = arith.constant 0 : index
      %get3A_766 = vector.load %arg1[%get3A_764, %get3A_765] : memref<2048x1024xf32, #tpu.memory_space<vmem>>, vector<8x1024xf32>
      %max3A_767 = arith.maximumf %max3A_763, %get3A_766 : vector<8x1024xf32>
      %get3A_768 = arith.constant 1512 : index
      %get3A_769 = arith.constant 0 : index
      %get3A_770 = vector.load %arg1[%get3A_768, %get3A_769] : memref<2048x1024xf32, #tpu.memory_space<vmem>>, vector<8x1024xf32>
      %max3A_771 = arith.maximumf %max3A_767, %get3A_770 : vector<8x1024xf32>
      %get3A_772 = arith.constant 1520 : index
      %get3A_773 = arith.constant 0 : index
      %get3A_774 = vector.load %arg1[%get3A_772, %get3A_773] : memref<2048x1024xf32, #tpu.memory_space<vmem>>, vector<8x1024xf32>
      %max3A_775 = arith.maximumf %max3A_771, %get3A_774 : vector<8x1024xf32>
      %get3A_776 = arith.constant 1528 : index
      %get3A_777 = arith.constant 0 : index
      %get3A_778 = vector.load %arg1[%get3A_776, %get3A_777] : memref<2048x1024xf32, #tpu.memory_space<vmem>>, vector<8x1024xf32>
      %max3A_779 = arith.maximumf %max3A_775, %get3A_778 : vector<8x1024xf32>
      %get3A_780 = arith.constant 1536 : index
      %get3A_781 = arith.constant 0 : index
      %get3A_782 = vector.load %arg1[%get3A_780, %get3A_781] : memref<2048x1024xf32, #tpu.memory_space<vmem>>, vector<8x1024xf32>
      %max3A_783 = arith.maximumf %max3A_779, %get3A_782 : vector<8x1024xf32>
      %get3A_784 = arith.constant 1544 : index
      %get3A_785 = arith.constant 0 : index
      %get3A_786 = vector.load %arg1[%get3A_784, %get3A_785] : memref<2048x1024xf32, #tpu.memory_space<vmem>>, vector<8x1024xf32>
      %max3A_787 = arith.maximumf %max3A_783, %get3A_786 : vector<8x1024xf32>
      %get3A_788 = arith.constant 1552 : index
      %get3A_789 = arith.constant 0 : index
      %get3A_790 = vector.load %arg1[%get3A_788, %get3A_789] : memref<2048x1024xf32, #tpu.memory_space<vmem>>, vector<8x1024xf32>
      %max3A_791 = arith.maximumf %max3A_787, %get3A_790 : vector<8x1024xf32>
      %get3A_792 = arith.constant 1560 : index
      %get3A_793 = arith.constant 0 : index
      %get3A_794 = vector.load %arg1[%get3A_792, %get3A_793] : memref<2048x1024xf32, #tpu.memory_space<vmem>>, vector<8x1024xf32>
      %max3A_795 = arith.maximumf %max3A_791, %get3A_794 : vector<8x1024xf32>
      %get3A_796 = arith.constant 1568 : index
      %get3A_797 = arith.constant 0 : index
      %get3A_798 = vector.load %arg1[%get3A_796, %get3A_797] : memref<2048x1024xf32, #tpu.memory_space<vmem>>, vector<8x1024xf32>
      %max3A_799 = arith.maximumf %max3A_795, %get3A_798 : vector<8x1024xf32>
      %get3A_800 = arith.constant 1576 : index
      %get3A_801 = arith.constant 0 : index
      %get3A_802 = vector.load %arg1[%get3A_800, %get3A_801] : memref<2048x1024xf32, #tpu.memory_space<vmem>>, vector<8x1024xf32>
      %max3A_803 = arith.maximumf %max3A_799, %get3A_802 : vector<8x1024xf32>
      %get3A_804 = arith.constant 1584 : index
      %get3A_805 = arith.constant 0 : index
      %get3A_806 = vector.load %arg1[%get3A_804, %get3A_805] : memref<2048x1024xf32, #tpu.memory_space<vmem>>, vector<8x1024xf32>
      %max3A_807 = arith.maximumf %max3A_803, %get3A_806 : vector<8x1024xf32>
      %get3A_808 = arith.constant 1592 : index
      %get3A_809 = arith.constant 0 : index
      %get3A_810 = vector.load %arg1[%get3A_808, %get3A_809] : memref<2048x1024xf32, #tpu.memory_space<vmem>>, vector<8x1024xf32>
      %max3A_811 = arith.maximumf %max3A_807, %get3A_810 : vector<8x1024xf32>
      %get3A_812 = arith.constant 1600 : index
      %get3A_813 = arith.constant 0 : index
      %get3A_814 = vector.load %arg1[%get3A_812, %get3A_813] : memref<2048x1024xf32, #tpu.memory_space<vmem>>, vector<8x1024xf32>
      %max3A_815 = arith.maximumf %max3A_811, %get3A_814 : vector<8x1024xf32>
      %get3A_816 = arith.constant 1608 : index
      %get3A_817 = arith.constant 0 : index
      %get3A_818 = vector.load %arg1[%get3A_816, %get3A_817] : memref<2048x1024xf32, #tpu.memory_space<vmem>>, vector<8x1024xf32>
      %max3A_819 = arith.maximumf %max3A_815, %get3A_818 : vector<8x1024xf32>
      %get3A_820 = arith.constant 1616 : index
      %get3A_821 = arith.constant 0 : index
      %get3A_822 = vector.load %arg1[%get3A_820, %get3A_821] : memref<2048x1024xf32, #tpu.memory_space<vmem>>, vector<8x1024xf32>
      %max3A_823 = arith.maximumf %max3A_819, %get3A_822 : vector<8x1024xf32>
      %get3A_824 = arith.constant 1624 : index
      %get3A_825 = arith.constant 0 : index
      %get3A_826 = vector.load %arg1[%get3A_824, %get3A_825] : memref<2048x1024xf32, #tpu.memory_space<vmem>>, vector<8x1024xf32>
      %max3A_827 = arith.maximumf %max3A_823, %get3A_826 : vector<8x1024xf32>
      %get3A_828 = arith.constant 1632 : index
      %get3A_829 = arith.constant 0 : index
      %get3A_830 = vector.load %arg1[%get3A_828, %get3A_829] : memref<2048x1024xf32, #tpu.memory_space<vmem>>, vector<8x1024xf32>
      %max3A_831 = arith.maximumf %max3A_827, %get3A_830 : vector<8x1024xf32>
      %get3A_832 = arith.constant 1640 : index
      %get3A_833 = arith.constant 0 : index
      %get3A_834 = vector.load %arg1[%get3A_832, %get3A_833] : memref<2048x1024xf32, #tpu.memory_space<vmem>>, vector<8x1024xf32>
      %max3A_835 = arith.maximumf %max3A_831, %get3A_834 : vector<8x1024xf32>
      %get3A_836 = arith.constant 1648 : index
      %get3A_837 = arith.constant 0 : index
      %get3A_838 = vector.load %arg1[%get3A_836, %get3A_837] : memref<2048x1024xf32, #tpu.memory_space<vmem>>, vector<8x1024xf32>
      %max3A_839 = arith.maximumf %max3A_835, %get3A_838 : vector<8x1024xf32>
      %get3A_840 = arith.constant 1656 : index
      %get3A_841 = arith.constant 0 : index
      %get3A_842 = vector.load %arg1[%get3A_840, %get3A_841] : memref<2048x1024xf32, #tpu.memory_space<vmem>>, vector<8x1024xf32>
      %max3A_843 = arith.maximumf %max3A_839, %get3A_842 : vector<8x1024xf32>
      %get3A_844 = arith.constant 1664 : index
      %get3A_845 = arith.constant 0 : index
      %get3A_846 = vector.load %arg1[%get3A_844, %get3A_845] : memref<2048x1024xf32, #tpu.memory_space<vmem>>, vector<8x1024xf32>
      %max3A_847 = arith.maximumf %max3A_843, %get3A_846 : vector<8x1024xf32>
      %get3A_848 = arith.constant 1672 : index
      %get3A_849 = arith.constant 0 : index
      %get3A_850 = vector.load %arg1[%get3A_848, %get3A_849] : memref<2048x1024xf32, #tpu.memory_space<vmem>>, vector<8x1024xf32>
      %max3A_851 = arith.maximumf %max3A_847, %get3A_850 : vector<8x1024xf32>
      %get3A_852 = arith.constant 1680 : index
      %get3A_853 = arith.constant 0 : index
      %get3A_854 = vector.load %arg1[%get3A_852, %get3A_853] : memref<2048x1024xf32, #tpu.memory_space<vmem>>, vector<8x1024xf32>
      %max3A_855 = arith.maximumf %max3A_851, %get3A_854 : vector<8x1024xf32>
      %get3A_856 = arith.constant 1688 : index
      %get3A_857 = arith.constant 0 : index
      %get3A_858 = vector.load %arg1[%get3A_856, %get3A_857] : memref<2048x1024xf32, #tpu.memory_space<vmem>>, vector<8x1024xf32>
      %max3A_859 = arith.maximumf %max3A_855, %get3A_858 : vector<8x1024xf32>
      %get3A_860 = arith.constant 0 : index
      %get3A_861 = arith.constant 0 : index
      %get3A_862 = vector.load %arg3[%get3A_860, %get3A_861] : memref<8x1024xf32, #tpu.memory_space<vmem>>, vector<8x1024xf32>
      %sub3A = arith.subf %get3A_12, %max3A_859 : vector<8x1024xf32>
      %mul3A = arith.constant 43.2808495 : f32
      %mul3A_863 = vector.broadcast %mul3A : f32 to vector<8x1024xf32>
      %mul3A_864 = arith.mulf %mul3A_863, %sub3A : vector<8x1024xf32>
      %exp23A = math.exp2 %mul3A_864 : vector<8x1024xf32>
      %mul3A_865 = arith.mulf %get3A_862, %exp23A : vector<8x1024xf32>
      %get3A_866 = arith.constant 0 : index
      %get3A_867 = arith.constant 0 : index
      %get3A_868 = vector.load %arg1[%get3A_866, %get3A_867] : memref<2048x1024xf32, #tpu.memory_space<vmem>>, vector<8x1024xf32>
      %sub3A_869 = arith.subf %get3A_868, %max3A_859 : vector<8x1024xf32>
      %mul3A_870 = arith.constant 43.2808495 : f32
      %mul3A_871 = vector.broadcast %mul3A_870 : f32 to vector<8x1024xf32>
      %mul3A_872 = arith.mulf %mul3A_871, %sub3A_869 : vector<8x1024xf32>
      %exp23A_873 = math.exp2 %mul3A_872 : vector<8x1024xf32>
      %add3A = arith.addf %mul3A_865, %exp23A_873 : vector<8x1024xf32>
      %get3A_874 = arith.constant 8 : index
      %get3A_875 = arith.constant 0 : index
      %get3A_876 = vector.load %arg1[%get3A_874, %get3A_875] : memref<2048x1024xf32, #tpu.memory_space<vmem>>, vector<8x1024xf32>
      %sub3A_877 = arith.subf %get3A_876, %max3A_859 : vector<8x1024xf32>
      %mul3A_878 = arith.constant 43.2808495 : f32
      %mul3A_879 = vector.broadcast %mul3A_878 : f32 to vector<8x1024xf32>
      %mul3A_880 = arith.mulf %mul3A_879, %sub3A_877 : vector<8x1024xf32>
      %exp23A_881 = math.exp2 %mul3A_880 : vector<8x1024xf32>
      %add3A_882 = arith.addf %add3A, %exp23A_881 : vector<8x1024xf32>
      %get3A_883 = arith.constant 16 : index
      %get3A_884 = arith.constant 0 : index
      %get3A_885 = vector.load %arg1[%get3A_883, %get3A_884] : memref<2048x1024xf32, #tpu.memory_space<vmem>>, vector<8x1024xf32>
      %sub3A_886 = arith.subf %get3A_885, %max3A_859 : vector<8x1024xf32>
      %mul3A_887 = arith.constant 43.2808495 : f32
      %mul3A_888 = vector.broadcast %mul3A_887 : f32 to vector<8x1024xf32>
      %mul3A_889 = arith.mulf %mul3A_888, %sub3A_886 : vector<8x1024xf32>
      %exp23A_890 = math.exp2 %mul3A_889 : vector<8x1024xf32>
      %add3A_891 = arith.addf %add3A_882, %exp23A_890 : vector<8x1024xf32>
      %get3A_892 = arith.constant 24 : index
      %get3A_893 = arith.constant 0 : index
      %get3A_894 = vector.load %arg1[%get3A_892, %get3A_893] : memref<2048x1024xf32, #tpu.memory_space<vmem>>, vector<8x1024xf32>
      %sub3A_895 = arith.subf %get3A_894, %max3A_859 : vector<8x1024xf32>
      %mul3A_896 = arith.constant 43.2808495 : f32
      %mul3A_897 = vector.broadcast %mul3A_896 : f32 to vector<8x1024xf32>
      %mul3A_898 = arith.mulf %mul3A_897, %sub3A_895 : vector<8x1024xf32>
      %exp23A_899 = math.exp2 %mul3A_898 : vector<8x1024xf32>
      %add3A_900 = arith.addf %add3A_891, %exp23A_899 : vector<8x1024xf32>
      %get3A_901 = arith.constant 32 : index
      %get3A_902 = arith.constant 0 : index
      %get3A_903 = vector.load %arg1[%get3A_901, %get3A_902] : memref<2048x1024xf32, #tpu.memory_space<vmem>>, vector<8x1024xf32>
      %sub3A_904 = arith.subf %get3A_903, %max3A_859 : vector<8x1024xf32>
      %mul3A_905 = arith.constant 43.2808495 : f32
      %mul3A_906 = vector.broadcast %mul3A_905 : f32 to vector<8x1024xf32>
      %mul3A_907 = arith.mulf %mul3A_906, %sub3A_904 : vector<8x1024xf32>
      %exp23A_908 = math.exp2 %mul3A_907 : vector<8x1024xf32>
      %add3A_909 = arith.addf %add3A_900, %exp23A_908 : vector<8x1024xf32>
      %get3A_910 = arith.constant 40 : index
      %get3A_911 = arith.constant 0 : index
      %get3A_912 = vector.load %arg1[%get3A_910, %get3A_911] : memref<2048x1024xf32, #tpu.memory_space<vmem>>, vector<8x1024xf32>
      %sub3A_913 = arith.subf %get3A_912, %max3A_859 : vector<8x1024xf32>
      %mul3A_914 = arith.constant 43.2808495 : f32
      %mul3A_915 = vector.broadcast %mul3A_914 : f32 to vector<8x1024xf32>
      %mul3A_916 = arith.mulf %mul3A_915, %sub3A_913 : vector<8x1024xf32>
      %exp23A_917 = math.exp2 %mul3A_916 : vector<8x1024xf32>
      %add3A_918 = arith.addf %add3A_909, %exp23A_917 : vector<8x1024xf32>
      %get3A_919 = arith.constant 48 : index
      %get3A_920 = arith.constant 0 : index
      %get3A_921 = vector.load %arg1[%get3A_919, %get3A_920] : memref<2048x1024xf32, #tpu.memory_space<vmem>>, vector<8x1024xf32>
      %sub3A_922 = arith.subf %get3A_921, %max3A_859 : vector<8x1024xf32>
      %mul3A_923 = arith.constant 43.2808495 : f32
      %mul3A_924 = vector.broadcast %mul3A_923 : f32 to vector<8x1024xf32>
      %mul3A_925 = arith.mulf %mul3A_924, %sub3A_922 : vector<8x1024xf32>
      %exp23A_926 = math.exp2 %mul3A_925 : vector<8x1024xf32>
      %add3A_927 = arith.addf %add3A_918, %exp23A_926 : vector<8x1024xf32>
      %get3A_928 = arith.constant 56 : index
      %get3A_929 = arith.constant 0 : index
      %get3A_930 = vector.load %arg1[%get3A_928, %get3A_929] : memref<2048x1024xf32, #tpu.memory_space<vmem>>, vector<8x1024xf32>
      %sub3A_931 = arith.subf %get3A_930, %max3A_859 : vector<8x1024xf32>
      %mul3A_932 = arith.constant 43.2808495 : f32
      %mul3A_933 = vector.broadcast %mul3A_932 : f32 to vector<8x1024xf32>
      %mul3A_934 = arith.mulf %mul3A_933, %sub3A_931 : vector<8x1024xf32>
      %exp23A_935 = math.exp2 %mul3A_934 : vector<8x1024xf32>
      %add3A_936 = arith.addf %add3A_927, %exp23A_935 : vector<8x1024xf32>
      %get3A_937 = arith.constant 64 : index
      %get3A_938 = arith.constant 0 : index
      %get3A_939 = vector.load %arg1[%get3A_937, %get3A_938] : memref<2048x1024xf32, #tpu.memory_space<vmem>>, vector<8x1024xf32>
      %sub3A_940 = arith.subf %get3A_939, %max3A_859 : vector<8x1024xf32>
      %mul3A_941 = arith.constant 43.2808495 : f32
      %mul3A_942 = vector.broadcast %mul3A_941 : f32 to vector<8x1024xf32>
      %mul3A_943 = arith.mulf %mul3A_942, %sub3A_940 : vector<8x1024xf32>
      %exp23A_944 = math.exp2 %mul3A_943 : vector<8x1024xf32>
      %add3A_945 = arith.addf %add3A_936, %exp23A_944 : vector<8x1024xf32>
      %get3A_946 = arith.constant 72 : index
      %get3A_947 = arith.constant 0 : index
      %get3A_948 = vector.load %arg1[%get3A_946, %get3A_947] : memref<2048x1024xf32, #tpu.memory_space<vmem>>, vector<8x1024xf32>
      %sub3A_949 = arith.subf %get3A_948, %max3A_859 : vector<8x1024xf32>
      %mul3A_950 = arith.constant 43.2808495 : f32
      %mul3A_951 = vector.broadcast %mul3A_950 : f32 to vector<8x1024xf32>
      %mul3A_952 = arith.mulf %mul3A_951, %sub3A_949 : vector<8x1024xf32>
      %exp23A_953 = math.exp2 %mul3A_952 : vector<8x1024xf32>
      %add3A_954 = arith.addf %add3A_945, %exp23A_953 : vector<8x1024xf32>
      %get3A_955 = arith.constant 80 : index
      %get3A_956 = arith.constant 0 : index
      %get3A_957 = vector.load %arg1[%get3A_955, %get3A_956] : memref<2048x1024xf32, #tpu.memory_space<vmem>>, vector<8x1024xf32>
      %sub3A_958 = arith.subf %get3A_957, %max3A_859 : vector<8x1024xf32>
      %mul3A_959 = arith.constant 43.2808495 : f32
      %mul3A_960 = vector.broadcast %mul3A_959 : f32 to vector<8x1024xf32>
      %mul3A_961 = arith.mulf %mul3A_960, %sub3A_958 : vector<8x1024xf32>
      %exp23A_962 = math.exp2 %mul3A_961 : vector<8x1024xf32>
      %add3A_963 = arith.addf %add3A_954, %exp23A_962 : vector<8x1024xf32>
      %get3A_964 = arith.constant 88 : index
      %get3A_965 = arith.constant 0 : index
      %get3A_966 = vector.load %arg1[%get3A_964, %get3A_965] : memref<2048x1024xf32, #tpu.memory_space<vmem>>, vector<8x1024xf32>
      %sub3A_967 = arith.subf %get3A_966, %max3A_859 : vector<8x1024xf32>
      %mul3A_968 = arith.constant 43.2808495 : f32
      %mul3A_969 = vector.broadcast %mul3A_968 : f32 to vector<8x1024xf32>
      %mul3A_970 = arith.mulf %mul3A_969, %sub3A_967 : vector<8x1024xf32>
      %exp23A_971 = math.exp2 %mul3A_970 : vector<8x1024xf32>
      %add3A_972 = arith.addf %add3A_963, %exp23A_971 : vector<8x1024xf32>
      %get3A_973 = arith.constant 96 : index
      %get3A_974 = arith.constant 0 : index
      %get3A_975 = vector.load %arg1[%get3A_973, %get3A_974] : memref<2048x1024xf32, #tpu.memory_space<vmem>>, vector<8x1024xf32>
      %sub3A_976 = arith.subf %get3A_975, %max3A_859 : vector<8x1024xf32>
      %mul3A_977 = arith.constant 43.2808495 : f32
      %mul3A_978 = vector.broadcast %mul3A_977 : f32 to vector<8x1024xf32>
      %mul3A_979 = arith.mulf %mul3A_978, %sub3A_976 : vector<8x1024xf32>
      %exp23A_980 = math.exp2 %mul3A_979 : vector<8x1024xf32>
      %add3A_981 = arith.addf %add3A_972, %exp23A_980 : vector<8x1024xf32>
      %get3A_982 = arith.constant 104 : index
      %get3A_983 = arith.constant 0 : index
      %get3A_984 = vector.load %arg1[%get3A_982, %get3A_983] : memref<2048x1024xf32, #tpu.memory_space<vmem>>, vector<8x1024xf32>
      %sub3A_985 = arith.subf %get3A_984, %max3A_859 : vector<8x1024xf32>
      %mul3A_986 = arith.constant 43.2808495 : f32
      %mul3A_987 = vector.broadcast %mul3A_986 : f32 to vector<8x1024xf32>
      %mul3A_988 = arith.mulf %mul3A_987, %sub3A_985 : vector<8x1024xf32>
      %exp23A_989 = math.exp2 %mul3A_988 : vector<8x1024xf32>
      %add3A_990 = arith.addf %add3A_981, %exp23A_989 : vector<8x1024xf32>
      %get3A_991 = arith.constant 112 : index
      %get3A_992 = arith.constant 0 : index
      %get3A_993 = vector.load %arg1[%get3A_991, %get3A_992] : memref<2048x1024xf32, #tpu.memory_space<vmem>>, vector<8x1024xf32>
      %sub3A_994 = arith.subf %get3A_993, %max3A_859 : vector<8x1024xf32>
      %mul3A_995 = arith.constant 43.2808495 : f32
      %mul3A_996 = vector.broadcast %mul3A_995 : f32 to vector<8x1024xf32>
      %mul3A_997 = arith.mulf %mul3A_996, %sub3A_994 : vector<8x1024xf32>
      %exp23A_998 = math.exp2 %mul3A_997 : vector<8x1024xf32>
      %add3A_999 = arith.addf %add3A_990, %exp23A_998 : vector<8x1024xf32>
      %get3A_1000 = arith.constant 120 : index
      %get3A_1001 = arith.constant 0 : index
      %get3A_1002 = vector.load %arg1[%get3A_1000, %get3A_1001] : memref<2048x1024xf32, #tpu.memory_space<vmem>>, vector<8x1024xf32>
      %sub3A_1003 = arith.subf %get3A_1002, %max3A_859 : vector<8x1024xf32>
      %mul3A_1004 = arith.constant 43.2808495 : f32
      %mul3A_1005 = vector.broadcast %mul3A_1004 : f32 to vector<8x1024xf32>
      %mul3A_1006 = arith.mulf %mul3A_1005, %sub3A_1003 : vector<8x1024xf32>
      %exp23A_1007 = math.exp2 %mul3A_1006 : vector<8x1024xf32>
      %add3A_1008 = arith.addf %add3A_999, %exp23A_1007 : vector<8x1024xf32>
      %get3A_1009 = arith.constant 128 : index
      %get3A_1010 = arith.constant 0 : index
      %get3A_1011 = vector.load %arg1[%get3A_1009, %get3A_1010] : memref<2048x1024xf32, #tpu.memory_space<vmem>>, vector<8x1024xf32>
      %sub3A_1012 = arith.subf %get3A_1011, %max3A_859 : vector<8x1024xf32>
      %mul3A_1013 = arith.constant 43.2808495 : f32
      %mul3A_1014 = vector.broadcast %mul3A_1013 : f32 to vector<8x1024xf32>
      %mul3A_1015 = arith.mulf %mul3A_1014, %sub3A_1012 : vector<8x1024xf32>
      %exp23A_1016 = math.exp2 %mul3A_1015 : vector<8x1024xf32>
      %add3A_1017 = arith.addf %add3A_1008, %exp23A_1016 : vector<8x1024xf32>
      %get3A_1018 = arith.constant 136 : index
      %get3A_1019 = arith.constant 0 : index
      %get3A_1020 = vector.load %arg1[%get3A_1018, %get3A_1019] : memref<2048x1024xf32, #tpu.memory_space<vmem>>, vector<8x1024xf32>
      %sub3A_1021 = arith.subf %get3A_1020, %max3A_859 : vector<8x1024xf32>
      %mul3A_1022 = arith.constant 43.2808495 : f32
      %mul3A_1023 = vector.broadcast %mul3A_1022 : f32 to vector<8x1024xf32>
      %mul3A_1024 = arith.mulf %mul3A_1023, %sub3A_1021 : vector<8x1024xf32>
      %exp23A_1025 = math.exp2 %mul3A_1024 : vector<8x1024xf32>
      %add3A_1026 = arith.addf %add3A_1017, %exp23A_1025 : vector<8x1024xf32>
      %get3A_1027 = arith.constant 144 : index
      %get3A_1028 = arith.constant 0 : index
      %get3A_1029 = vector.load %arg1[%get3A_1027, %get3A_1028] : memref<2048x1024xf32, #tpu.memory_space<vmem>>, vector<8x1024xf32>
      %sub3A_1030 = arith.subf %get3A_1029, %max3A_859 : vector<8x1024xf32>
      %mul3A_1031 = arith.constant 43.2808495 : f32
      %mul3A_1032 = vector.broadcast %mul3A_1031 : f32 to vector<8x1024xf32>
      %mul3A_1033 = arith.mulf %mul3A_1032, %sub3A_1030 : vector<8x1024xf32>
      %exp23A_1034 = math.exp2 %mul3A_1033 : vector<8x1024xf32>
      %add3A_1035 = arith.addf %add3A_1026, %exp23A_1034 : vector<8x1024xf32>
      %get3A_1036 = arith.constant 152 : index
      %get3A_1037 = arith.constant 0 : index
      %get3A_1038 = vector.load %arg1[%get3A_1036, %get3A_1037] : memref<2048x1024xf32, #tpu.memory_space<vmem>>, vector<8x1024xf32>
      %sub3A_1039 = arith.subf %get3A_1038, %max3A_859 : vector<8x1024xf32>
      %mul3A_1040 = arith.constant 43.2808495 : f32
      %mul3A_1041 = vector.broadcast %mul3A_1040 : f32 to vector<8x1024xf32>
      %mul3A_1042 = arith.mulf %mul3A_1041, %sub3A_1039 : vector<8x1024xf32>
      %exp23A_1043 = math.exp2 %mul3A_1042 : vector<8x1024xf32>
      %add3A_1044 = arith.addf %add3A_1035, %exp23A_1043 : vector<8x1024xf32>
      %get3A_1045 = arith.constant 160 : index
      %get3A_1046 = arith.constant 0 : index
      %get3A_1047 = vector.load %arg1[%get3A_1045, %get3A_1046] : memref<2048x1024xf32, #tpu.memory_space<vmem>>, vector<8x1024xf32>
      %sub3A_1048 = arith.subf %get3A_1047, %max3A_859 : vector<8x1024xf32>
      %mul3A_1049 = arith.constant 43.2808495 : f32
      %mul3A_1050 = vector.broadcast %mul3A_1049 : f32 to vector<8x1024xf32>
      %mul3A_1051 = arith.mulf %mul3A_1050, %sub3A_1048 : vector<8x1024xf32>
      %exp23A_1052 = math.exp2 %mul3A_1051 : vector<8x1024xf32>
      %add3A_1053 = arith.addf %add3A_1044, %exp23A_1052 : vector<8x1024xf32>
      %get3A_1054 = arith.constant 168 : index
      %get3A_1055 = arith.constant 0 : index
      %get3A_1056 = vector.load %arg1[%get3A_1054, %get3A_1055] : memref<2048x1024xf32, #tpu.memory_space<vmem>>, vector<8x1024xf32>
      %sub3A_1057 = arith.subf %get3A_1056, %max3A_859 : vector<8x1024xf32>
      %mul3A_1058 = arith.constant 43.2808495 : f32
      %mul3A_1059 = vector.broadcast %mul3A_1058 : f32 to vector<8x1024xf32>
      %mul3A_1060 = arith.mulf %mul3A_1059, %sub3A_1057 : vector<8x1024xf32>
      %exp23A_1061 = math.exp2 %mul3A_1060 : vector<8x1024xf32>
      %add3A_1062 = arith.addf %add3A_1053, %exp23A_1061 : vector<8x1024xf32>
      %get3A_1063 = arith.constant 176 : index
      %get3A_1064 = arith.constant 0 : index
      %get3A_1065 = vector.load %arg1[%get3A_1063, %get3A_1064] : memref<2048x1024xf32, #tpu.memory_space<vmem>>, vector<8x1024xf32>
      %sub3A_1066 = arith.subf %get3A_1065, %max3A_859 : vector<8x1024xf32>
      %mul3A_1067 = arith.constant 43.2808495 : f32
      %mul3A_1068 = vector.broadcast %mul3A_1067 : f32 to vector<8x1024xf32>
      %mul3A_1069 = arith.mulf %mul3A_1068, %sub3A_1066 : vector<8x1024xf32>
      %exp23A_1070 = math.exp2 %mul3A_1069 : vector<8x1024xf32>
      %add3A_1071 = arith.addf %add3A_1062, %exp23A_1070 : vector<8x1024xf32>
      %get3A_1072 = arith.constant 184 : index
      %get3A_1073 = arith.constant 0 : index
      %get3A_1074 = vector.load %arg1[%get3A_1072, %get3A_1073] : memref<2048x1024xf32, #tpu.memory_space<vmem>>, vector<8x1024xf32>
      %sub3A_1075 = arith.subf %get3A_1074, %max3A_859 : vector<8x1024xf32>
      %mul3A_1076 = arith.constant 43.2808495 : f32
      %mul3A_1077 = vector.broadcast %mul3A_1076 : f32 to vector<8x1024xf32>
      %mul3A_1078 = arith.mulf %mul3A_1077, %sub3A_1075 : vector<8x1024xf32>
      %exp23A_1079 = math.exp2 %mul3A_1078 : vector<8x1024xf32>
      %add3A_1080 = arith.addf %add3A_1071, %exp23A_1079 : vector<8x1024xf32>
      %get3A_1081 = arith.constant 192 : index
      %get3A_1082 = arith.constant 0 : index
      %get3A_1083 = vector.load %arg1[%get3A_1081, %get3A_1082] : memref<2048x1024xf32, #tpu.memory_space<vmem>>, vector<8x1024xf32>
      %sub3A_1084 = arith.subf %get3A_1083, %max3A_859 : vector<8x1024xf32>
      %mul3A_1085 = arith.constant 43.2808495 : f32
      %mul3A_1086 = vector.broadcast %mul3A_1085 : f32 to vector<8x1024xf32>
      %mul3A_1087 = arith.mulf %mul3A_1086, %sub3A_1084 : vector<8x1024xf32>
      %exp23A_1088 = math.exp2 %mul3A_1087 : vector<8x1024xf32>
      %add3A_1089 = arith.addf %add3A_1080, %exp23A_1088 : vector<8x1024xf32>
      %get3A_1090 = arith.constant 200 : index
      %get3A_1091 = arith.constant 0 : index
      %get3A_1092 = vector.load %arg1[%get3A_1090, %get3A_1091] : memref<2048x1024xf32, #tpu.memory_space<vmem>>, vector<8x1024xf32>
      %sub3A_1093 = arith.subf %get3A_1092, %max3A_859 : vector<8x1024xf32>
      %mul3A_1094 = arith.constant 43.2808495 : f32
      %mul3A_1095 = vector.broadcast %mul3A_1094 : f32 to vector<8x1024xf32>
      %mul3A_1096 = arith.mulf %mul3A_1095, %sub3A_1093 : vector<8x1024xf32>
      %exp23A_1097 = math.exp2 %mul3A_1096 : vector<8x1024xf32>
      %add3A_1098 = arith.addf %add3A_1089, %exp23A_1097 : vector<8x1024xf32>
      %get3A_1099 = arith.constant 208 : index
      %get3A_1100 = arith.constant 0 : index
      %get3A_1101 = vector.load %arg1[%get3A_1099, %get3A_1100] : memref<2048x1024xf32, #tpu.memory_space<vmem>>, vector<8x1024xf32>
      %sub3A_1102 = arith.subf %get3A_1101, %max3A_859 : vector<8x1024xf32>
      %mul3A_1103 = arith.constant 43.2808495 : f32
      %mul3A_1104 = vector.broadcast %mul3A_1103 : f32 to vector<8x1024xf32>
      %mul3A_1105 = arith.mulf %mul3A_1104, %sub3A_1102 : vector<8x1024xf32>
      %exp23A_1106 = math.exp2 %mul3A_1105 : vector<8x1024xf32>
      %add3A_1107 = arith.addf %add3A_1098, %exp23A_1106 : vector<8x1024xf32>
      %get3A_1108 = arith.constant 216 : index
      %get3A_1109 = arith.constant 0 : index
      %get3A_1110 = vector.load %arg1[%get3A_1108, %get3A_1109] : memref<2048x1024xf32, #tpu.memory_space<vmem>>, vector<8x1024xf32>
      %sub3A_1111 = arith.subf %get3A_1110, %max3A_859 : vector<8x1024xf32>
      %mul3A_1112 = arith.constant 43.2808495 : f32
      %mul3A_1113 = vector.broadcast %mul3A_1112 : f32 to vector<8x1024xf32>
      %mul3A_1114 = arith.mulf %mul3A_1113, %sub3A_1111 : vector<8x1024xf32>
      %exp23A_1115 = math.exp2 %mul3A_1114 : vector<8x1024xf32>
      %add3A_1116 = arith.addf %add3A_1107, %exp23A_1115 : vector<8x1024xf32>
      %get3A_1117 = arith.constant 224 : index
      %get3A_1118 = arith.constant 0 : index
      %get3A_1119 = vector.load %arg1[%get3A_1117, %get3A_1118] : memref<2048x1024xf32, #tpu.memory_space<vmem>>, vector<8x1024xf32>
      %sub3A_1120 = arith.subf %get3A_1119, %max3A_859 : vector<8x1024xf32>
      %mul3A_1121 = arith.constant 43.2808495 : f32
      %mul3A_1122 = vector.broadcast %mul3A_1121 : f32 to vector<8x1024xf32>
      %mul3A_1123 = arith.mulf %mul3A_1122, %sub3A_1120 : vector<8x1024xf32>
      %exp23A_1124 = math.exp2 %mul3A_1123 : vector<8x1024xf32>
      %add3A_1125 = arith.addf %add3A_1116, %exp23A_1124 : vector<8x1024xf32>
      %get3A_1126 = arith.constant 232 : index
      %get3A_1127 = arith.constant 0 : index
      %get3A_1128 = vector.load %arg1[%get3A_1126, %get3A_1127] : memref<2048x1024xf32, #tpu.memory_space<vmem>>, vector<8x1024xf32>
      %sub3A_1129 = arith.subf %get3A_1128, %max3A_859 : vector<8x1024xf32>
      %mul3A_1130 = arith.constant 43.2808495 : f32
      %mul3A_1131 = vector.broadcast %mul3A_1130 : f32 to vector<8x1024xf32>
      %mul3A_1132 = arith.mulf %mul3A_1131, %sub3A_1129 : vector<8x1024xf32>
      %exp23A_1133 = math.exp2 %mul3A_1132 : vector<8x1024xf32>
      %add3A_1134 = arith.addf %add3A_1125, %exp23A_1133 : vector<8x1024xf32>
      %get3A_1135 = arith.constant 240 : index
      %get3A_1136 = arith.constant 0 : index
      %get3A_1137 = vector.load %arg1[%get3A_1135, %get3A_1136] : memref<2048x1024xf32, #tpu.memory_space<vmem>>, vector<8x1024xf32>
      %sub3A_1138 = arith.subf %get3A_1137, %max3A_859 : vector<8x1024xf32>
      %mul3A_1139 = arith.constant 43.2808495 : f32
      %mul3A_1140 = vector.broadcast %mul3A_1139 : f32 to vector<8x1024xf32>
      %mul3A_1141 = arith.mulf %mul3A_1140, %sub3A_1138 : vector<8x1024xf32>
      %exp23A_1142 = math.exp2 %mul3A_1141 : vector<8x1024xf32>
      %add3A_1143 = arith.addf %add3A_1134, %exp23A_1142 : vector<8x1024xf32>
      %get3A_1144 = arith.constant 248 : index
      %get3A_1145 = arith.constant 0 : index
      %get3A_1146 = vector.load %arg1[%get3A_1144, %get3A_1145] : memref<2048x1024xf32, #tpu.memory_space<vmem>>, vector<8x1024xf32>
      %sub3A_1147 = arith.subf %get3A_1146, %max3A_859 : vector<8x1024xf32>
      %mul3A_1148 = arith.constant 43.2808495 : f32
      %mul3A_1149 = vector.broadcast %mul3A_1148 : f32 to vector<8x1024xf32>
      %mul3A_1150 = arith.mulf %mul3A_1149, %sub3A_1147 : vector<8x1024xf32>
      %exp23A_1151 = math.exp2 %mul3A_1150 : vector<8x1024xf32>
      %add3A_1152 = arith.addf %add3A_1143, %exp23A_1151 : vector<8x1024xf32>
      %get3A_1153 = arith.constant 256 : index
      %get3A_1154 = arith.constant 0 : index
      %get3A_1155 = vector.load %arg1[%get3A_1153, %get3A_1154] : memref<2048x1024xf32, #tpu.memory_space<vmem>>, vector<8x1024xf32>
      %sub3A_1156 = arith.subf %get3A_1155, %max3A_859 : vector<8x1024xf32>
      %mul3A_1157 = arith.constant 43.2808495 : f32
      %mul3A_1158 = vector.broadcast %mul3A_1157 : f32 to vector<8x1024xf32>
      %mul3A_1159 = arith.mulf %mul3A_1158, %sub3A_1156 : vector<8x1024xf32>
      %exp23A_1160 = math.exp2 %mul3A_1159 : vector<8x1024xf32>
      %add3A_1161 = arith.addf %add3A_1152, %exp23A_1160 : vector<8x1024xf32>
      %get3A_1162 = arith.constant 264 : index
      %get3A_1163 = arith.constant 0 : index
      %get3A_1164 = vector.load %arg1[%get3A_1162, %get3A_1163] : memref<2048x1024xf32, #tpu.memory_space<vmem>>, vector<8x1024xf32>
      %sub3A_1165 = arith.subf %get3A_1164, %max3A_859 : vector<8x1024xf32>
      %mul3A_1166 = arith.constant 43.2808495 : f32
      %mul3A_1167 = vector.broadcast %mul3A_1166 : f32 to vector<8x1024xf32>
      %mul3A_1168 = arith.mulf %mul3A_1167, %sub3A_1165 : vector<8x1024xf32>
      %exp23A_1169 = math.exp2 %mul3A_1168 : vector<8x1024xf32>
      %add3A_1170 = arith.addf %add3A_1161, %exp23A_1169 : vector<8x1024xf32>
      %get3A_1171 = arith.constant 272 : index
      %get3A_1172 = arith.constant 0 : index
      %get3A_1173 = vector.load %arg1[%get3A_1171, %get3A_1172] : memref<2048x1024xf32, #tpu.memory_space<vmem>>, vector<8x1024xf32>
      %sub3A_1174 = arith.subf %get3A_1173, %max3A_859 : vector<8x1024xf32>
      %mul3A_1175 = arith.constant 43.2808495 : f32
      %mul3A_1176 = vector.broadcast %mul3A_1175 : f32 to vector<8x1024xf32>
      %mul3A_1177 = arith.mulf %mul3A_1176, %sub3A_1174 : vector<8x1024xf32>
      %exp23A_1178 = math.exp2 %mul3A_1177 : vector<8x1024xf32>
      %add3A_1179 = arith.addf %add3A_1170, %exp23A_1178 : vector<8x1024xf32>
      %get3A_1180 = arith.constant 280 : index
      %get3A_1181 = arith.constant 0 : index
      %get3A_1182 = vector.load %arg1[%get3A_1180, %get3A_1181] : memref<2048x1024xf32, #tpu.memory_space<vmem>>, vector<8x1024xf32>
      %sub3A_1183 = arith.subf %get3A_1182, %max3A_859 : vector<8x1024xf32>
      %mul3A_1184 = arith.constant 43.2808495 : f32
      %mul3A_1185 = vector.broadcast %mul3A_1184 : f32 to vector<8x1024xf32>
      %mul3A_1186 = arith.mulf %mul3A_1185, %sub3A_1183 : vector<8x1024xf32>
      %exp23A_1187 = math.exp2 %mul3A_1186 : vector<8x1024xf32>
      %add3A_1188 = arith.addf %add3A_1179, %exp23A_1187 : vector<8x1024xf32>
      %get3A_1189 = arith.constant 288 : index
      %get3A_1190 = arith.constant 0 : index
      %get3A_1191 = vector.load %arg1[%get3A_1189, %get3A_1190] : memref<2048x1024xf32, #tpu.memory_space<vmem>>, vector<8x1024xf32>
      %sub3A_1192 = arith.subf %get3A_1191, %max3A_859 : vector<8x1024xf32>
      %mul3A_1193 = arith.constant 43.2808495 : f32
      %mul3A_1194 = vector.broadcast %mul3A_1193 : f32 to vector<8x1024xf32>
      %mul3A_1195 = arith.mulf %mul3A_1194, %sub3A_1192 : vector<8x1024xf32>
      %exp23A_1196 = math.exp2 %mul3A_1195 : vector<8x1024xf32>
      %add3A_1197 = arith.addf %add3A_1188, %exp23A_1196 : vector<8x1024xf32>
      %get3A_1198 = arith.constant 296 : index
      %get3A_1199 = arith.constant 0 : index
      %get3A_1200 = vector.load %arg1[%get3A_1198, %get3A_1199] : memref<2048x1024xf32, #tpu.memory_space<vmem>>, vector<8x1024xf32>
      %sub3A_1201 = arith.subf %get3A_1200, %max3A_859 : vector<8x1024xf32>
      %mul3A_1202 = arith.constant 43.2808495 : f32
      %mul3A_1203 = vector.broadcast %mul3A_1202 : f32 to vector<8x1024xf32>
      %mul3A_1204 = arith.mulf %mul3A_1203, %sub3A_1201 : vector<8x1024xf32>
      %exp23A_1205 = math.exp2 %mul3A_1204 : vector<8x1024xf32>
      %add3A_1206 = arith.addf %add3A_1197, %exp23A_1205 : vector<8x1024xf32>
      %get3A_1207 = arith.constant 304 : index
      %get3A_1208 = arith.constant 0 : index
      %get3A_1209 = vector.load %arg1[%get3A_1207, %get3A_1208] : memref<2048x1024xf32, #tpu.memory_space<vmem>>, vector<8x1024xf32>
      %sub3A_1210 = arith.subf %get3A_1209, %max3A_859 : vector<8x1024xf32>
      %mul3A_1211 = arith.constant 43.2808495 : f32
      %mul3A_1212 = vector.broadcast %mul3A_1211 : f32 to vector<8x1024xf32>
      %mul3A_1213 = arith.mulf %mul3A_1212, %sub3A_1210 : vector<8x1024xf32>
      %exp23A_1214 = math.exp2 %mul3A_1213 : vector<8x1024xf32>
      %add3A_1215 = arith.addf %add3A_1206, %exp23A_1214 : vector<8x1024xf32>
      %get3A_1216 = arith.constant 312 : index
      %get3A_1217 = arith.constant 0 : index
      %get3A_1218 = vector.load %arg1[%get3A_1216, %get3A_1217] : memref<2048x1024xf32, #tpu.memory_space<vmem>>, vector<8x1024xf32>
      %sub3A_1219 = arith.subf %get3A_1218, %max3A_859 : vector<8x1024xf32>
      %mul3A_1220 = arith.constant 43.2808495 : f32
      %mul3A_1221 = vector.broadcast %mul3A_1220 : f32 to vector<8x1024xf32>
      %mul3A_1222 = arith.mulf %mul3A_1221, %sub3A_1219 : vector<8x1024xf32>
      %exp23A_1223 = math.exp2 %mul3A_1222 : vector<8x1024xf32>
      %add3A_1224 = arith.addf %add3A_1215, %exp23A_1223 : vector<8x1024xf32>
      %get3A_1225 = arith.constant 320 : index
      %get3A_1226 = arith.constant 0 : index
      %get3A_1227 = vector.load %arg1[%get3A_1225, %get3A_1226] : memref<2048x1024xf32, #tpu.memory_space<vmem>>, vector<8x1024xf32>
      %sub3A_1228 = arith.subf %get3A_1227, %max3A_859 : vector<8x1024xf32>
      %mul3A_1229 = arith.constant 43.2808495 : f32
      %mul3A_1230 = vector.broadcast %mul3A_1229 : f32 to vector<8x1024xf32>
      %mul3A_1231 = arith.mulf %mul3A_1230, %sub3A_1228 : vector<8x1024xf32>
      %exp23A_1232 = math.exp2 %mul3A_1231 : vector<8x1024xf32>
      %add3A_1233 = arith.addf %add3A_1224, %exp23A_1232 : vector<8x1024xf32>
      %get3A_1234 = arith.constant 328 : index
      %get3A_1235 = arith.constant 0 : index
      %get3A_1236 = vector.load %arg1[%get3A_1234, %get3A_1235] : memref<2048x1024xf32, #tpu.memory_space<vmem>>, vector<8x1024xf32>
      %sub3A_1237 = arith.subf %get3A_1236, %max3A_859 : vector<8x1024xf32>
      %mul3A_1238 = arith.constant 43.2808495 : f32
      %mul3A_1239 = vector.broadcast %mul3A_1238 : f32 to vector<8x1024xf32>
      %mul3A_1240 = arith.mulf %mul3A_1239, %sub3A_1237 : vector<8x1024xf32>
      %exp23A_1241 = math.exp2 %mul3A_1240 : vector<8x1024xf32>
      %add3A_1242 = arith.addf %add3A_1233, %exp23A_1241 : vector<8x1024xf32>
      %get3A_1243 = arith.constant 336 : index
      %get3A_1244 = arith.constant 0 : index
      %get3A_1245 = vector.load %arg1[%get3A_1243, %get3A_1244] : memref<2048x1024xf32, #tpu.memory_space<vmem>>, vector<8x1024xf32>
      %sub3A_1246 = arith.subf %get3A_1245, %max3A_859 : vector<8x1024xf32>
      %mul3A_1247 = arith.constant 43.2808495 : f32
      %mul3A_1248 = vector.broadcast %mul3A_1247 : f32 to vector<8x1024xf32>
      %mul3A_1249 = arith.mulf %mul3A_1248, %sub3A_1246 : vector<8x1024xf32>
      %exp23A_1250 = math.exp2 %mul3A_1249 : vector<8x1024xf32>
      %add3A_1251 = arith.addf %add3A_1242, %exp23A_1250 : vector<8x1024xf32>
      %get3A_1252 = arith.constant 344 : index
      %get3A_1253 = arith.constant 0 : index
      %get3A_1254 = vector.load %arg1[%get3A_1252, %get3A_1253] : memref<2048x1024xf32, #tpu.memory_space<vmem>>, vector<8x1024xf32>
      %sub3A_1255 = arith.subf %get3A_1254, %max3A_859 : vector<8x1024xf32>
      %mul3A_1256 = arith.constant 43.2808495 : f32
      %mul3A_1257 = vector.broadcast %mul3A_1256 : f32 to vector<8x1024xf32>
      %mul3A_1258 = arith.mulf %mul3A_1257, %sub3A_1255 : vector<8x1024xf32>
      %exp23A_1259 = math.exp2 %mul3A_1258 : vector<8x1024xf32>
      %add3A_1260 = arith.addf %add3A_1251, %exp23A_1259 : vector<8x1024xf32>
      %get3A_1261 = arith.constant 352 : index
      %get3A_1262 = arith.constant 0 : index
      %get3A_1263 = vector.load %arg1[%get3A_1261, %get3A_1262] : memref<2048x1024xf32, #tpu.memory_space<vmem>>, vector<8x1024xf32>
      %sub3A_1264 = arith.subf %get3A_1263, %max3A_859 : vector<8x1024xf32>
      %mul3A_1265 = arith.constant 43.2808495 : f32
      %mul3A_1266 = vector.broadcast %mul3A_1265 : f32 to vector<8x1024xf32>
      %mul3A_1267 = arith.mulf %mul3A_1266, %sub3A_1264 : vector<8x1024xf32>
      %exp23A_1268 = math.exp2 %mul3A_1267 : vector<8x1024xf32>
      %add3A_1269 = arith.addf %add3A_1260, %exp23A_1268 : vector<8x1024xf32>
      %get3A_1270 = arith.constant 360 : index
      %get3A_1271 = arith.constant 0 : index
      %get3A_1272 = vector.load %arg1[%get3A_1270, %get3A_1271] : memref<2048x1024xf32, #tpu.memory_space<vmem>>, vector<8x1024xf32>
      %sub3A_1273 = arith.subf %get3A_1272, %max3A_859 : vector<8x1024xf32>
      %mul3A_1274 = arith.constant 43.2808495 : f32
      %mul3A_1275 = vector.broadcast %mul3A_1274 : f32 to vector<8x1024xf32>
      %mul3A_1276 = arith.mulf %mul3A_1275, %sub3A_1273 : vector<8x1024xf32>
      %exp23A_1277 = math.exp2 %mul3A_1276 : vector<8x1024xf32>
      %add3A_1278 = arith.addf %add3A_1269, %exp23A_1277 : vector<8x1024xf32>
      %get3A_1279 = arith.constant 368 : index
      %get3A_1280 = arith.constant 0 : index
      %get3A_1281 = vector.load %arg1[%get3A_1279, %get3A_1280] : memref<2048x1024xf32, #tpu.memory_space<vmem>>, vector<8x1024xf32>
      %sub3A_1282 = arith.subf %get3A_1281, %max3A_859 : vector<8x1024xf32>
      %mul3A_1283 = arith.constant 43.2808495 : f32
      %mul3A_1284 = vector.broadcast %mul3A_1283 : f32 to vector<8x1024xf32>
      %mul3A_1285 = arith.mulf %mul3A_1284, %sub3A_1282 : vector<8x1024xf32>
      %exp23A_1286 = math.exp2 %mul3A_1285 : vector<8x1024xf32>
      %add3A_1287 = arith.addf %add3A_1278, %exp23A_1286 : vector<8x1024xf32>
      %get3A_1288 = arith.constant 376 : index
      %get3A_1289 = arith.constant 0 : index
      %get3A_1290 = vector.load %arg1[%get3A_1288, %get3A_1289] : memref<2048x1024xf32, #tpu.memory_space<vmem>>, vector<8x1024xf32>
      %sub3A_1291 = arith.subf %get3A_1290, %max3A_859 : vector<8x1024xf32>
      %mul3A_1292 = arith.constant 43.2808495 : f32
      %mul3A_1293 = vector.broadcast %mul3A_1292 : f32 to vector<8x1024xf32>
      %mul3A_1294 = arith.mulf %mul3A_1293, %sub3A_1291 : vector<8x1024xf32>
      %exp23A_1295 = math.exp2 %mul3A_1294 : vector<8x1024xf32>
      %add3A_1296 = arith.addf %add3A_1287, %exp23A_1295 : vector<8x1024xf32>
      %get3A_1297 = arith.constant 384 : index
      %get3A_1298 = arith.constant 0 : index
      %get3A_1299 = vector.load %arg1[%get3A_1297, %get3A_1298] : memref<2048x1024xf32, #tpu.memory_space<vmem>>, vector<8x1024xf32>
      %sub3A_1300 = arith.subf %get3A_1299, %max3A_859 : vector<8x1024xf32>
      %mul3A_1301 = arith.constant 43.2808495 : f32
      %mul3A_1302 = vector.broadcast %mul3A_1301 : f32 to vector<8x1024xf32>
      %mul3A_1303 = arith.mulf %mul3A_1302, %sub3A_1300 : vector<8x1024xf32>
      %exp23A_1304 = math.exp2 %mul3A_1303 : vector<8x1024xf32>
      %add3A_1305 = arith.addf %add3A_1296, %exp23A_1304 : vector<8x1024xf32>
      %get3A_1306 = arith.constant 392 : index
      %get3A_1307 = arith.constant 0 : index
      %get3A_1308 = vector.load %arg1[%get3A_1306, %get3A_1307] : memref<2048x1024xf32, #tpu.memory_space<vmem>>, vector<8x1024xf32>
      %sub3A_1309 = arith.subf %get3A_1308, %max3A_859 : vector<8x1024xf32>
      %mul3A_1310 = arith.constant 43.2808495 : f32
      %mul3A_1311 = vector.broadcast %mul3A_1310 : f32 to vector<8x1024xf32>
      %mul3A_1312 = arith.mulf %mul3A_1311, %sub3A_1309 : vector<8x1024xf32>
      %exp23A_1313 = math.exp2 %mul3A_1312 : vector<8x1024xf32>
      %add3A_1314 = arith.addf %add3A_1305, %exp23A_1313 : vector<8x1024xf32>
      %get3A_1315 = arith.constant 400 : index
      %get3A_1316 = arith.constant 0 : index
      %get3A_1317 = vector.load %arg1[%get3A_1315, %get3A_1316] : memref<2048x1024xf32, #tpu.memory_space<vmem>>, vector<8x1024xf32>
      %sub3A_1318 = arith.subf %get3A_1317, %max3A_859 : vector<8x1024xf32>
      %mul3A_1319 = arith.constant 43.2808495 : f32
      %mul3A_1320 = vector.broadcast %mul3A_1319 : f32 to vector<8x1024xf32>
      %mul3A_1321 = arith.mulf %mul3A_1320, %sub3A_1318 : vector<8x1024xf32>
      %exp23A_1322 = math.exp2 %mul3A_1321 : vector<8x1024xf32>
      %add3A_1323 = arith.addf %add3A_1314, %exp23A_1322 : vector<8x1024xf32>
      %get3A_1324 = arith.constant 408 : index
      %get3A_1325 = arith.constant 0 : index
      %get3A_1326 = vector.load %arg1[%get3A_1324, %get3A_1325] : memref<2048x1024xf32, #tpu.memory_space<vmem>>, vector<8x1024xf32>
      %sub3A_1327 = arith.subf %get3A_1326, %max3A_859 : vector<8x1024xf32>
      %mul3A_1328 = arith.constant 43.2808495 : f32
      %mul3A_1329 = vector.broadcast %mul3A_1328 : f32 to vector<8x1024xf32>
      %mul3A_1330 = arith.mulf %mul3A_1329, %sub3A_1327 : vector<8x1024xf32>
      %exp23A_1331 = math.exp2 %mul3A_1330 : vector<8x1024xf32>
      %add3A_1332 = arith.addf %add3A_1323, %exp23A_1331 : vector<8x1024xf32>
      %get3A_1333 = arith.constant 416 : index
      %get3A_1334 = arith.constant 0 : index
      %get3A_1335 = vector.load %arg1[%get3A_1333, %get3A_1334] : memref<2048x1024xf32, #tpu.memory_space<vmem>>, vector<8x1024xf32>
      %sub3A_1336 = arith.subf %get3A_1335, %max3A_859 : vector<8x1024xf32>
      %mul3A_1337 = arith.constant 43.2808495 : f32
      %mul3A_1338 = vector.broadcast %mul3A_1337 : f32 to vector<8x1024xf32>
      %mul3A_1339 = arith.mulf %mul3A_1338, %sub3A_1336 : vector<8x1024xf32>
      %exp23A_1340 = math.exp2 %mul3A_1339 : vector<8x1024xf32>
      %add3A_1341 = arith.addf %add3A_1332, %exp23A_1340 : vector<8x1024xf32>
      %get3A_1342 = arith.constant 424 : index
      %get3A_1343 = arith.constant 0 : index
      %get3A_1344 = vector.load %arg1[%get3A_1342, %get3A_1343] : memref<2048x1024xf32, #tpu.memory_space<vmem>>, vector<8x1024xf32>
      %sub3A_1345 = arith.subf %get3A_1344, %max3A_859 : vector<8x1024xf32>
      %mul3A_1346 = arith.constant 43.2808495 : f32
      %mul3A_1347 = vector.broadcast %mul3A_1346 : f32 to vector<8x1024xf32>
      %mul3A_1348 = arith.mulf %mul3A_1347, %sub3A_1345 : vector<8x1024xf32>
      %exp23A_1349 = math.exp2 %mul3A_1348 : vector<8x1024xf32>
      %add3A_1350 = arith.addf %add3A_1341, %exp23A_1349 : vector<8x1024xf32>
      %get3A_1351 = arith.constant 432 : index
      %get3A_1352 = arith.constant 0 : index
      %get3A_1353 = vector.load %arg1[%get3A_1351, %get3A_1352] : memref<2048x1024xf32, #tpu.memory_space<vmem>>, vector<8x1024xf32>
      %sub3A_1354 = arith.subf %get3A_1353, %max3A_859 : vector<8x1024xf32>
      %mul3A_1355 = arith.constant 43.2808495 : f32
      %mul3A_1356 = vector.broadcast %mul3A_1355 : f32 to vector<8x1024xf32>
      %mul3A_1357 = arith.mulf %mul3A_1356, %sub3A_1354 : vector<8x1024xf32>
      %exp23A_1358 = math.exp2 %mul3A_1357 : vector<8x1024xf32>
      %add3A_1359 = arith.addf %add3A_1350, %exp23A_1358 : vector<8x1024xf32>
      %get3A_1360 = arith.constant 440 : index
      %get3A_1361 = arith.constant 0 : index
      %get3A_1362 = vector.load %arg1[%get3A_1360, %get3A_1361] : memref<2048x1024xf32, #tpu.memory_space<vmem>>, vector<8x1024xf32>
      %sub3A_1363 = arith.subf %get3A_1362, %max3A_859 : vector<8x1024xf32>
      %mul3A_1364 = arith.constant 43.2808495 : f32
      %mul3A_1365 = vector.broadcast %mul3A_1364 : f32 to vector<8x1024xf32>
      %mul3A_1366 = arith.mulf %mul3A_1365, %sub3A_1363 : vector<8x1024xf32>
      %exp23A_1367 = math.exp2 %mul3A_1366 : vector<8x1024xf32>
      %add3A_1368 = arith.addf %add3A_1359, %exp23A_1367 : vector<8x1024xf32>
      %get3A_1369 = arith.constant 448 : index
      %get3A_1370 = arith.constant 0 : index
      %get3A_1371 = vector.load %arg1[%get3A_1369, %get3A_1370] : memref<2048x1024xf32, #tpu.memory_space<vmem>>, vector<8x1024xf32>
      %sub3A_1372 = arith.subf %get3A_1371, %max3A_859 : vector<8x1024xf32>
      %mul3A_1373 = arith.constant 43.2808495 : f32
      %mul3A_1374 = vector.broadcast %mul3A_1373 : f32 to vector<8x1024xf32>
      %mul3A_1375 = arith.mulf %mul3A_1374, %sub3A_1372 : vector<8x1024xf32>
      %exp23A_1376 = math.exp2 %mul3A_1375 : vector<8x1024xf32>
      %add3A_1377 = arith.addf %add3A_1368, %exp23A_1376 : vector<8x1024xf32>
      %get3A_1378 = arith.constant 456 : index
      %get3A_1379 = arith.constant 0 : index
      %get3A_1380 = vector.load %arg1[%get3A_1378, %get3A_1379] : memref<2048x1024xf32, #tpu.memory_space<vmem>>, vector<8x1024xf32>
      %sub3A_1381 = arith.subf %get3A_1380, %max3A_859 : vector<8x1024xf32>
      %mul3A_1382 = arith.constant 43.2808495 : f32
      %mul3A_1383 = vector.broadcast %mul3A_1382 : f32 to vector<8x1024xf32>
      %mul3A_1384 = arith.mulf %mul3A_1383, %sub3A_1381 : vector<8x1024xf32>
      %exp23A_1385 = math.exp2 %mul3A_1384 : vector<8x1024xf32>
      %add3A_1386 = arith.addf %add3A_1377, %exp23A_1385 : vector<8x1024xf32>
      %get3A_1387 = arith.constant 464 : index
      %get3A_1388 = arith.constant 0 : index
      %get3A_1389 = vector.load %arg1[%get3A_1387, %get3A_1388] : memref<2048x1024xf32, #tpu.memory_space<vmem>>, vector<8x1024xf32>
      %sub3A_1390 = arith.subf %get3A_1389, %max3A_859 : vector<8x1024xf32>
      %mul3A_1391 = arith.constant 43.2808495 : f32
      %mul3A_1392 = vector.broadcast %mul3A_1391 : f32 to vector<8x1024xf32>
      %mul3A_1393 = arith.mulf %mul3A_1392, %sub3A_1390 : vector<8x1024xf32>
      %exp23A_1394 = math.exp2 %mul3A_1393 : vector<8x1024xf32>
      %add3A_1395 = arith.addf %add3A_1386, %exp23A_1394 : vector<8x1024xf32>
      %get3A_1396 = arith.constant 472 : index
      %get3A_1397 = arith.constant 0 : index
      %get3A_1398 = vector.load %arg1[%get3A_1396, %get3A_1397] : memref<2048x1024xf32, #tpu.memory_space<vmem>>, vector<8x1024xf32>
      %sub3A_1399 = arith.subf %get3A_1398, %max3A_859 : vector<8x1024xf32>
      %mul3A_1400 = arith.constant 43.2808495 : f32
      %mul3A_1401 = vector.broadcast %mul3A_1400 : f32 to vector<8x1024xf32>
      %mul3A_1402 = arith.mulf %mul3A_1401, %sub3A_1399 : vector<8x1024xf32>
      %exp23A_1403 = math.exp2 %mul3A_1402 : vector<8x1024xf32>
      %add3A_1404 = arith.addf %add3A_1395, %exp23A_1403 : vector<8x1024xf32>
      %get3A_1405 = arith.constant 480 : index
      %get3A_1406 = arith.constant 0 : index
      %get3A_1407 = vector.load %arg1[%get3A_1405, %get3A_1406] : memref<2048x1024xf32, #tpu.memory_space<vmem>>, vector<8x1024xf32>
      %sub3A_1408 = arith.subf %get3A_1407, %max3A_859 : vector<8x1024xf32>
      %mul3A_1409 = arith.constant 43.2808495 : f32
      %mul3A_1410 = vector.broadcast %mul3A_1409 : f32 to vector<8x1024xf32>
      %mul3A_1411 = arith.mulf %mul3A_1410, %sub3A_1408 : vector<8x1024xf32>
      %exp23A_1412 = math.exp2 %mul3A_1411 : vector<8x1024xf32>
      %add3A_1413 = arith.addf %add3A_1404, %exp23A_1412 : vector<8x1024xf32>
      %get3A_1414 = arith.constant 488 : index
      %get3A_1415 = arith.constant 0 : index
      %get3A_1416 = vector.load %arg1[%get3A_1414, %get3A_1415] : memref<2048x1024xf32, #tpu.memory_space<vmem>>, vector<8x1024xf32>
      %sub3A_1417 = arith.subf %get3A_1416, %max3A_859 : vector<8x1024xf32>
      %mul3A_1418 = arith.constant 43.2808495 : f32
      %mul3A_1419 = vector.broadcast %mul3A_1418 : f32 to vector<8x1024xf32>
      %mul3A_1420 = arith.mulf %mul3A_1419, %sub3A_1417 : vector<8x1024xf32>
      %exp23A_1421 = math.exp2 %mul3A_1420 : vector<8x1024xf32>
      %add3A_1422 = arith.addf %add3A_1413, %exp23A_1421 : vector<8x1024xf32>
      %get3A_1423 = arith.constant 496 : index
      %get3A_1424 = arith.constant 0 : index
      %get3A_1425 = vector.load %arg1[%get3A_1423, %get3A_1424] : memref<2048x1024xf32, #tpu.memory_space<vmem>>, vector<8x1024xf32>
      %sub3A_1426 = arith.subf %get3A_1425, %max3A_859 : vector<8x1024xf32>
      %mul3A_1427 = arith.constant 43.2808495 : f32
      %mul3A_1428 = vector.broadcast %mul3A_1427 : f32 to vector<8x1024xf32>
      %mul3A_1429 = arith.mulf %mul3A_1428, %sub3A_1426 : vector<8x1024xf32>
      %exp23A_1430 = math.exp2 %mul3A_1429 : vector<8x1024xf32>
      %add3A_1431 = arith.addf %add3A_1422, %exp23A_1430 : vector<8x1024xf32>
      %get3A_1432 = arith.constant 504 : index
      %get3A_1433 = arith.constant 0 : index
      %get3A_1434 = vector.load %arg1[%get3A_1432, %get3A_1433] : memref<2048x1024xf32, #tpu.memory_space<vmem>>, vector<8x1024xf32>
      %sub3A_1435 = arith.subf %get3A_1434, %max3A_859 : vector<8x1024xf32>
      %mul3A_1436 = arith.constant 43.2808495 : f32
      %mul3A_1437 = vector.broadcast %mul3A_1436 : f32 to vector<8x1024xf32>
      %mul3A_1438 = arith.mulf %mul3A_1437, %sub3A_1435 : vector<8x1024xf32>
      %exp23A_1439 = math.exp2 %mul3A_1438 : vector<8x1024xf32>
      %add3A_1440 = arith.addf %add3A_1431, %exp23A_1439 : vector<8x1024xf32>
      %get3A_1441 = arith.constant 512 : index
      %get3A_1442 = arith.constant 0 : index
      %get3A_1443 = vector.load %arg1[%get3A_1441, %get3A_1442] : memref<2048x1024xf32, #tpu.memory_space<vmem>>, vector<8x1024xf32>
      %sub3A_1444 = arith.subf %get3A_1443, %max3A_859 : vector<8x1024xf32>
      %mul3A_1445 = arith.constant 43.2808495 : f32
      %mul3A_1446 = vector.broadcast %mul3A_1445 : f32 to vector<8x1024xf32>
      %mul3A_1447 = arith.mulf %mul3A_1446, %sub3A_1444 : vector<8x1024xf32>
      %exp23A_1448 = math.exp2 %mul3A_1447 : vector<8x1024xf32>
      %add3A_1449 = arith.addf %add3A_1440, %exp23A_1448 : vector<8x1024xf32>
      %get3A_1450 = arith.constant 520 : index
      %get3A_1451 = arith.constant 0 : index
      %get3A_1452 = vector.load %arg1[%get3A_1450, %get3A_1451] : memref<2048x1024xf32, #tpu.memory_space<vmem>>, vector<8x1024xf32>
      %sub3A_1453 = arith.subf %get3A_1452, %max3A_859 : vector<8x1024xf32>
      %mul3A_1454 = arith.constant 43.2808495 : f32
      %mul3A_1455 = vector.broadcast %mul3A_1454 : f32 to vector<8x1024xf32>
      %mul3A_1456 = arith.mulf %mul3A_1455, %sub3A_1453 : vector<8x1024xf32>
      %exp23A_1457 = math.exp2 %mul3A_1456 : vector<8x1024xf32>
      %add3A_1458 = arith.addf %add3A_1449, %exp23A_1457 : vector<8x1024xf32>
      %get3A_1459 = arith.constant 528 : index
      %get3A_1460 = arith.constant 0 : index
      %get3A_1461 = vector.load %arg1[%get3A_1459, %get3A_1460] : memref<2048x1024xf32, #tpu.memory_space<vmem>>, vector<8x1024xf32>
      %sub3A_1462 = arith.subf %get3A_1461, %max3A_859 : vector<8x1024xf32>
      %mul3A_1463 = arith.constant 43.2808495 : f32
      %mul3A_1464 = vector.broadcast %mul3A_1463 : f32 to vector<8x1024xf32>
      %mul3A_1465 = arith.mulf %mul3A_1464, %sub3A_1462 : vector<8x1024xf32>
      %exp23A_1466 = math.exp2 %mul3A_1465 : vector<8x1024xf32>
      %add3A_1467 = arith.addf %add3A_1458, %exp23A_1466 : vector<8x1024xf32>
      %get3A_1468 = arith.constant 536 : index
      %get3A_1469 = arith.constant 0 : index
      %get3A_1470 = vector.load %arg1[%get3A_1468, %get3A_1469] : memref<2048x1024xf32, #tpu.memory_space<vmem>>, vector<8x1024xf32>
      %sub3A_1471 = arith.subf %get3A_1470, %max3A_859 : vector<8x1024xf32>
      %mul3A_1472 = arith.constant 43.2808495 : f32
      %mul3A_1473 = vector.broadcast %mul3A_1472 : f32 to vector<8x1024xf32>
      %mul3A_1474 = arith.mulf %mul3A_1473, %sub3A_1471 : vector<8x1024xf32>
      %exp23A_1475 = math.exp2 %mul3A_1474 : vector<8x1024xf32>
      %add3A_1476 = arith.addf %add3A_1467, %exp23A_1475 : vector<8x1024xf32>
      %get3A_1477 = arith.constant 544 : index
      %get3A_1478 = arith.constant 0 : index
      %get3A_1479 = vector.load %arg1[%get3A_1477, %get3A_1478] : memref<2048x1024xf32, #tpu.memory_space<vmem>>, vector<8x1024xf32>
      %sub3A_1480 = arith.subf %get3A_1479, %max3A_859 : vector<8x1024xf32>
      %mul3A_1481 = arith.constant 43.2808495 : f32
      %mul3A_1482 = vector.broadcast %mul3A_1481 : f32 to vector<8x1024xf32>
      %mul3A_1483 = arith.mulf %mul3A_1482, %sub3A_1480 : vector<8x1024xf32>
      %exp23A_1484 = math.exp2 %mul3A_1483 : vector<8x1024xf32>
      %add3A_1485 = arith.addf %add3A_1476, %exp23A_1484 : vector<8x1024xf32>
      %get3A_1486 = arith.constant 552 : index
      %get3A_1487 = arith.constant 0 : index
      %get3A_1488 = vector.load %arg1[%get3A_1486, %get3A_1487] : memref<2048x1024xf32, #tpu.memory_space<vmem>>, vector<8x1024xf32>
      %sub3A_1489 = arith.subf %get3A_1488, %max3A_859 : vector<8x1024xf32>
      %mul3A_1490 = arith.constant 43.2808495 : f32
      %mul3A_1491 = vector.broadcast %mul3A_1490 : f32 to vector<8x1024xf32>
      %mul3A_1492 = arith.mulf %mul3A_1491, %sub3A_1489 : vector<8x1024xf32>
      %exp23A_1493 = math.exp2 %mul3A_1492 : vector<8x1024xf32>
      %add3A_1494 = arith.addf %add3A_1485, %exp23A_1493 : vector<8x1024xf32>
      %get3A_1495 = arith.constant 560 : index
      %get3A_1496 = arith.constant 0 : index
      %get3A_1497 = vector.load %arg1[%get3A_1495, %get3A_1496] : memref<2048x1024xf32, #tpu.memory_space<vmem>>, vector<8x1024xf32>
      %sub3A_1498 = arith.subf %get3A_1497, %max3A_859 : vector<8x1024xf32>
      %mul3A_1499 = arith.constant 43.2808495 : f32
      %mul3A_1500 = vector.broadcast %mul3A_1499 : f32 to vector<8x1024xf32>
      %mul3A_1501 = arith.mulf %mul3A_1500, %sub3A_1498 : vector<8x1024xf32>
      %exp23A_1502 = math.exp2 %mul3A_1501 : vector<8x1024xf32>
      %add3A_1503 = arith.addf %add3A_1494, %exp23A_1502 : vector<8x1024xf32>
      %get3A_1504 = arith.constant 568 : index
      %get3A_1505 = arith.constant 0 : index
      %get3A_1506 = vector.load %arg1[%get3A_1504, %get3A_1505] : memref<2048x1024xf32, #tpu.memory_space<vmem>>, vector<8x1024xf32>
      %sub3A_1507 = arith.subf %get3A_1506, %max3A_859 : vector<8x1024xf32>
      %mul3A_1508 = arith.constant 43.2808495 : f32
      %mul3A_1509 = vector.broadcast %mul3A_1508 : f32 to vector<8x1024xf32>
      %mul3A_1510 = arith.mulf %mul3A_1509, %sub3A_1507 : vector<8x1024xf32>
      %exp23A_1511 = math.exp2 %mul3A_1510 : vector<8x1024xf32>
      %add3A_1512 = arith.addf %add3A_1503, %exp23A_1511 : vector<8x1024xf32>
      %get3A_1513 = arith.constant 576 : index
      %get3A_1514 = arith.constant 0 : index
      %get3A_1515 = vector.load %arg1[%get3A_1513, %get3A_1514] : memref<2048x1024xf32, #tpu.memory_space<vmem>>, vector<8x1024xf32>
      %sub3A_1516 = arith.subf %get3A_1515, %max3A_859 : vector<8x1024xf32>
      %mul3A_1517 = arith.constant 43.2808495 : f32
      %mul3A_1518 = vector.broadcast %mul3A_1517 : f32 to vector<8x1024xf32>
      %mul3A_1519 = arith.mulf %mul3A_1518, %sub3A_1516 : vector<8x1024xf32>
      %exp23A_1520 = math.exp2 %mul3A_1519 : vector<8x1024xf32>
      %add3A_1521 = arith.addf %add3A_1512, %exp23A_1520 : vector<8x1024xf32>
      %get3A_1522 = arith.constant 584 : index
      %get3A_1523 = arith.constant 0 : index
      %get3A_1524 = vector.load %arg1[%get3A_1522, %get3A_1523] : memref<2048x1024xf32, #tpu.memory_space<vmem>>, vector<8x1024xf32>
      %sub3A_1525 = arith.subf %get3A_1524, %max3A_859 : vector<8x1024xf32>
      %mul3A_1526 = arith.constant 43.2808495 : f32
      %mul3A_1527 = vector.broadcast %mul3A_1526 : f32 to vector<8x1024xf32>
      %mul3A_1528 = arith.mulf %mul3A_1527, %sub3A_1525 : vector<8x1024xf32>
      %exp23A_1529 = math.exp2 %mul3A_1528 : vector<8x1024xf32>
      %add3A_1530 = arith.addf %add3A_1521, %exp23A_1529 : vector<8x1024xf32>
      %get3A_1531 = arith.constant 592 : index
      %get3A_1532 = arith.constant 0 : index
      %get3A_1533 = vector.load %arg1[%get3A_1531, %get3A_1532] : memref<2048x1024xf32, #tpu.memory_space<vmem>>, vector<8x1024xf32>
      %sub3A_1534 = arith.subf %get3A_1533, %max3A_859 : vector<8x1024xf32>
      %mul3A_1535 = arith.constant 43.2808495 : f32
      %mul3A_1536 = vector.broadcast %mul3A_1535 : f32 to vector<8x1024xf32>
      %mul3A_1537 = arith.mulf %mul3A_1536, %sub3A_1534 : vector<8x1024xf32>
      %exp23A_1538 = math.exp2 %mul3A_1537 : vector<8x1024xf32>
      %add3A_1539 = arith.addf %add3A_1530, %exp23A_1538 : vector<8x1024xf32>
      %get3A_1540 = arith.constant 600 : index
      %get3A_1541 = arith.constant 0 : index
      %get3A_1542 = vector.load %arg1[%get3A_1540, %get3A_1541] : memref<2048x1024xf32, #tpu.memory_space<vmem>>, vector<8x1024xf32>
      %sub3A_1543 = arith.subf %get3A_1542, %max3A_859 : vector<8x1024xf32>
      %mul3A_1544 = arith.constant 43.2808495 : f32
      %mul3A_1545 = vector.broadcast %mul3A_1544 : f32 to vector<8x1024xf32>
      %mul3A_1546 = arith.mulf %mul3A_1545, %sub3A_1543 : vector<8x1024xf32>
      %exp23A_1547 = math.exp2 %mul3A_1546 : vector<8x1024xf32>
      %add3A_1548 = arith.addf %add3A_1539, %exp23A_1547 : vector<8x1024xf32>
      %get3A_1549 = arith.constant 608 : index
      %get3A_1550 = arith.constant 0 : index
      %get3A_1551 = vector.load %arg1[%get3A_1549, %get3A_1550] : memref<2048x1024xf32, #tpu.memory_space<vmem>>, vector<8x1024xf32>
      %sub3A_1552 = arith.subf %get3A_1551, %max3A_859 : vector<8x1024xf32>
      %mul3A_1553 = arith.constant 43.2808495 : f32
      %mul3A_1554 = vector.broadcast %mul3A_1553 : f32 to vector<8x1024xf32>
      %mul3A_1555 = arith.mulf %mul3A_1554, %sub3A_1552 : vector<8x1024xf32>
      %exp23A_1556 = math.exp2 %mul3A_1555 : vector<8x1024xf32>
      %add3A_1557 = arith.addf %add3A_1548, %exp23A_1556 : vector<8x1024xf32>
      %get3A_1558 = arith.constant 616 : index
      %get3A_1559 = arith.constant 0 : index
      %get3A_1560 = vector.load %arg1[%get3A_1558, %get3A_1559] : memref<2048x1024xf32, #tpu.memory_space<vmem>>, vector<8x1024xf32>
      %sub3A_1561 = arith.subf %get3A_1560, %max3A_859 : vector<8x1024xf32>
      %mul3A_1562 = arith.constant 43.2808495 : f32
      %mul3A_1563 = vector.broadcast %mul3A_1562 : f32 to vector<8x1024xf32>
      %mul3A_1564 = arith.mulf %mul3A_1563, %sub3A_1561 : vector<8x1024xf32>
      %exp23A_1565 = math.exp2 %mul3A_1564 : vector<8x1024xf32>
      %add3A_1566 = arith.addf %add3A_1557, %exp23A_1565 : vector<8x1024xf32>
      %get3A_1567 = arith.constant 624 : index
      %get3A_1568 = arith.constant 0 : index
      %get3A_1569 = vector.load %arg1[%get3A_1567, %get3A_1568] : memref<2048x1024xf32, #tpu.memory_space<vmem>>, vector<8x1024xf32>
      %sub3A_1570 = arith.subf %get3A_1569, %max3A_859 : vector<8x1024xf32>
      %mul3A_1571 = arith.constant 43.2808495 : f32
      %mul3A_1572 = vector.broadcast %mul3A_1571 : f32 to vector<8x1024xf32>
      %mul3A_1573 = arith.mulf %mul3A_1572, %sub3A_1570 : vector<8x1024xf32>
      %exp23A_1574 = math.exp2 %mul3A_1573 : vector<8x1024xf32>
      %add3A_1575 = arith.addf %add3A_1566, %exp23A_1574 : vector<8x1024xf32>
      %get3A_1576 = arith.constant 632 : index
      %get3A_1577 = arith.constant 0 : index
      %get3A_1578 = vector.load %arg1[%get3A_1576, %get3A_1577] : memref<2048x1024xf32, #tpu.memory_space<vmem>>, vector<8x1024xf32>
      %sub3A_1579 = arith.subf %get3A_1578, %max3A_859 : vector<8x1024xf32>
      %mul3A_1580 = arith.constant 43.2808495 : f32
      %mul3A_1581 = vector.broadcast %mul3A_1580 : f32 to vector<8x1024xf32>
      %mul3A_1582 = arith.mulf %mul3A_1581, %sub3A_1579 : vector<8x1024xf32>
      %exp23A_1583 = math.exp2 %mul3A_1582 : vector<8x1024xf32>
      %add3A_1584 = arith.addf %add3A_1575, %exp23A_1583 : vector<8x1024xf32>
      %get3A_1585 = arith.constant 640 : index
      %get3A_1586 = arith.constant 0 : index
      %get3A_1587 = vector.load %arg1[%get3A_1585, %get3A_1586] : memref<2048x1024xf32, #tpu.memory_space<vmem>>, vector<8x1024xf32>
      %sub3A_1588 = arith.subf %get3A_1587, %max3A_859 : vector<8x1024xf32>
      %mul3A_1589 = arith.constant 43.2808495 : f32
      %mul3A_1590 = vector.broadcast %mul3A_1589 : f32 to vector<8x1024xf32>
      %mul3A_1591 = arith.mulf %mul3A_1590, %sub3A_1588 : vector<8x1024xf32>
      %exp23A_1592 = math.exp2 %mul3A_1591 : vector<8x1024xf32>
      %add3A_1593 = arith.addf %add3A_1584, %exp23A_1592 : vector<8x1024xf32>
      %get3A_1594 = arith.constant 648 : index
      %get3A_1595 = arith.constant 0 : index
      %get3A_1596 = vector.load %arg1[%get3A_1594, %get3A_1595] : memref<2048x1024xf32, #tpu.memory_space<vmem>>, vector<8x1024xf32>
      %sub3A_1597 = arith.subf %get3A_1596, %max3A_859 : vector<8x1024xf32>
      %mul3A_1598 = arith.constant 43.2808495 : f32
      %mul3A_1599 = vector.broadcast %mul3A_1598 : f32 to vector<8x1024xf32>
      %mul3A_1600 = arith.mulf %mul3A_1599, %sub3A_1597 : vector<8x1024xf32>
      %exp23A_1601 = math.exp2 %mul3A_1600 : vector<8x1024xf32>
      %add3A_1602 = arith.addf %add3A_1593, %exp23A_1601 : vector<8x1024xf32>
      %get3A_1603 = arith.constant 656 : index
      %get3A_1604 = arith.constant 0 : index
      %get3A_1605 = vector.load %arg1[%get3A_1603, %get3A_1604] : memref<2048x1024xf32, #tpu.memory_space<vmem>>, vector<8x1024xf32>
      %sub3A_1606 = arith.subf %get3A_1605, %max3A_859 : vector<8x1024xf32>
      %mul3A_1607 = arith.constant 43.2808495 : f32
      %mul3A_1608 = vector.broadcast %mul3A_1607 : f32 to vector<8x1024xf32>
      %mul3A_1609 = arith.mulf %mul3A_1608, %sub3A_1606 : vector<8x1024xf32>
      %exp23A_1610 = math.exp2 %mul3A_1609 : vector<8x1024xf32>
      %add3A_1611 = arith.addf %add3A_1602, %exp23A_1610 : vector<8x1024xf32>
      %get3A_1612 = arith.constant 664 : index
      %get3A_1613 = arith.constant 0 : index
      %get3A_1614 = vector.load %arg1[%get3A_1612, %get3A_1613] : memref<2048x1024xf32, #tpu.memory_space<vmem>>, vector<8x1024xf32>
      %sub3A_1615 = arith.subf %get3A_1614, %max3A_859 : vector<8x1024xf32>
      %mul3A_1616 = arith.constant 43.2808495 : f32
      %mul3A_1617 = vector.broadcast %mul3A_1616 : f32 to vector<8x1024xf32>
      %mul3A_1618 = arith.mulf %mul3A_1617, %sub3A_1615 : vector<8x1024xf32>
      %exp23A_1619 = math.exp2 %mul3A_1618 : vector<8x1024xf32>
      %add3A_1620 = arith.addf %add3A_1611, %exp23A_1619 : vector<8x1024xf32>
      %get3A_1621 = arith.constant 672 : index
      %get3A_1622 = arith.constant 0 : index
      %get3A_1623 = vector.load %arg1[%get3A_1621, %get3A_1622] : memref<2048x1024xf32, #tpu.memory_space<vmem>>, vector<8x1024xf32>
      %sub3A_1624 = arith.subf %get3A_1623, %max3A_859 : vector<8x1024xf32>
      %mul3A_1625 = arith.constant 43.2808495 : f32
      %mul3A_1626 = vector.broadcast %mul3A_1625 : f32 to vector<8x1024xf32>
      %mul3A_1627 = arith.mulf %mul3A_1626, %sub3A_1624 : vector<8x1024xf32>
      %exp23A_1628 = math.exp2 %mul3A_1627 : vector<8x1024xf32>
      %add3A_1629 = arith.addf %add3A_1620, %exp23A_1628 : vector<8x1024xf32>
      %get3A_1630 = arith.constant 680 : index
      %get3A_1631 = arith.constant 0 : index
      %get3A_1632 = vector.load %arg1[%get3A_1630, %get3A_1631] : memref<2048x1024xf32, #tpu.memory_space<vmem>>, vector<8x1024xf32>
      %sub3A_1633 = arith.subf %get3A_1632, %max3A_859 : vector<8x1024xf32>
      %mul3A_1634 = arith.constant 43.2808495 : f32
      %mul3A_1635 = vector.broadcast %mul3A_1634 : f32 to vector<8x1024xf32>
      %mul3A_1636 = arith.mulf %mul3A_1635, %sub3A_1633 : vector<8x1024xf32>
      %exp23A_1637 = math.exp2 %mul3A_1636 : vector<8x1024xf32>
      %add3A_1638 = arith.addf %add3A_1629, %exp23A_1637 : vector<8x1024xf32>
      %get3A_1639 = arith.constant 688 : index
      %get3A_1640 = arith.constant 0 : index
      %get3A_1641 = vector.load %arg1[%get3A_1639, %get3A_1640] : memref<2048x1024xf32, #tpu.memory_space<vmem>>, vector<8x1024xf32>
      %sub3A_1642 = arith.subf %get3A_1641, %max3A_859 : vector<8x1024xf32>
      %mul3A_1643 = arith.constant 43.2808495 : f32
      %mul3A_1644 = vector.broadcast %mul3A_1643 : f32 to vector<8x1024xf32>
      %mul3A_1645 = arith.mulf %mul3A_1644, %sub3A_1642 : vector<8x1024xf32>
      %exp23A_1646 = math.exp2 %mul3A_1645 : vector<8x1024xf32>
      %add3A_1647 = arith.addf %add3A_1638, %exp23A_1646 : vector<8x1024xf32>
      %get3A_1648 = arith.constant 696 : index
      %get3A_1649 = arith.constant 0 : index
      %get3A_1650 = vector.load %arg1[%get3A_1648, %get3A_1649] : memref<2048x1024xf32, #tpu.memory_space<vmem>>, vector<8x1024xf32>
      %sub3A_1651 = arith.subf %get3A_1650, %max3A_859 : vector<8x1024xf32>
      %mul3A_1652 = arith.constant 43.2808495 : f32
      %mul3A_1653 = vector.broadcast %mul3A_1652 : f32 to vector<8x1024xf32>
      %mul3A_1654 = arith.mulf %mul3A_1653, %sub3A_1651 : vector<8x1024xf32>
      %exp23A_1655 = math.exp2 %mul3A_1654 : vector<8x1024xf32>
      %add3A_1656 = arith.addf %add3A_1647, %exp23A_1655 : vector<8x1024xf32>
      %get3A_1657 = arith.constant 704 : index
      %get3A_1658 = arith.constant 0 : index
      %get3A_1659 = vector.load %arg1[%get3A_1657, %get3A_1658] : memref<2048x1024xf32, #tpu.memory_space<vmem>>, vector<8x1024xf32>
      %sub3A_1660 = arith.subf %get3A_1659, %max3A_859 : vector<8x1024xf32>
      %mul3A_1661 = arith.constant 43.2808495 : f32
      %mul3A_1662 = vector.broadcast %mul3A_1661 : f32 to vector<8x1024xf32>
      %mul3A_1663 = arith.mulf %mul3A_1662, %sub3A_1660 : vector<8x1024xf32>
      %exp23A_1664 = math.exp2 %mul3A_1663 : vector<8x1024xf32>
      %add3A_1665 = arith.addf %add3A_1656, %exp23A_1664 : vector<8x1024xf32>
      %get3A_1666 = arith.constant 712 : index
      %get3A_1667 = arith.constant 0 : index
      %get3A_1668 = vector.load %arg1[%get3A_1666, %get3A_1667] : memref<2048x1024xf32, #tpu.memory_space<vmem>>, vector<8x1024xf32>
      %sub3A_1669 = arith.subf %get3A_1668, %max3A_859 : vector<8x1024xf32>
      %mul3A_1670 = arith.constant 43.2808495 : f32
      %mul3A_1671 = vector.broadcast %mul3A_1670 : f32 to vector<8x1024xf32>
      %mul3A_1672 = arith.mulf %mul3A_1671, %sub3A_1669 : vector<8x1024xf32>
      %exp23A_1673 = math.exp2 %mul3A_1672 : vector<8x1024xf32>
      %add3A_1674 = arith.addf %add3A_1665, %exp23A_1673 : vector<8x1024xf32>
      %get3A_1675 = arith.constant 720 : index
      %get3A_1676 = arith.constant 0 : index
      %get3A_1677 = vector.load %arg1[%get3A_1675, %get3A_1676] : memref<2048x1024xf32, #tpu.memory_space<vmem>>, vector<8x1024xf32>
      %sub3A_1678 = arith.subf %get3A_1677, %max3A_859 : vector<8x1024xf32>
      %mul3A_1679 = arith.constant 43.2808495 : f32
      %mul3A_1680 = vector.broadcast %mul3A_1679 : f32 to vector<8x1024xf32>
      %mul3A_1681 = arith.mulf %mul3A_1680, %sub3A_1678 : vector<8x1024xf32>
      %exp23A_1682 = math.exp2 %mul3A_1681 : vector<8x1024xf32>
      %add3A_1683 = arith.addf %add3A_1674, %exp23A_1682 : vector<8x1024xf32>
      %get3A_1684 = arith.constant 728 : index
      %get3A_1685 = arith.constant 0 : index
      %get3A_1686 = vector.load %arg1[%get3A_1684, %get3A_1685] : memref<2048x1024xf32, #tpu.memory_space<vmem>>, vector<8x1024xf32>
      %sub3A_1687 = arith.subf %get3A_1686, %max3A_859 : vector<8x1024xf32>
      %mul3A_1688 = arith.constant 43.2808495 : f32
      %mul3A_1689 = vector.broadcast %mul3A_1688 : f32 to vector<8x1024xf32>
      %mul3A_1690 = arith.mulf %mul3A_1689, %sub3A_1687 : vector<8x1024xf32>
      %exp23A_1691 = math.exp2 %mul3A_1690 : vector<8x1024xf32>
      %add3A_1692 = arith.addf %add3A_1683, %exp23A_1691 : vector<8x1024xf32>
      %get3A_1693 = arith.constant 736 : index
      %get3A_1694 = arith.constant 0 : index
      %get3A_1695 = vector.load %arg1[%get3A_1693, %get3A_1694] : memref<2048x1024xf32, #tpu.memory_space<vmem>>, vector<8x1024xf32>
      %sub3A_1696 = arith.subf %get3A_1695, %max3A_859 : vector<8x1024xf32>
      %mul3A_1697 = arith.constant 43.2808495 : f32
      %mul3A_1698 = vector.broadcast %mul3A_1697 : f32 to vector<8x1024xf32>
      %mul3A_1699 = arith.mulf %mul3A_1698, %sub3A_1696 : vector<8x1024xf32>
      %exp23A_1700 = math.exp2 %mul3A_1699 : vector<8x1024xf32>
      %add3A_1701 = arith.addf %add3A_1692, %exp23A_1700 : vector<8x1024xf32>
      %get3A_1702 = arith.constant 744 : index
      %get3A_1703 = arith.constant 0 : index
      %get3A_1704 = vector.load %arg1[%get3A_1702, %get3A_1703] : memref<2048x1024xf32, #tpu.memory_space<vmem>>, vector<8x1024xf32>
      %sub3A_1705 = arith.subf %get3A_1704, %max3A_859 : vector<8x1024xf32>
      %mul3A_1706 = arith.constant 43.2808495 : f32
      %mul3A_1707 = vector.broadcast %mul3A_1706 : f32 to vector<8x1024xf32>
      %mul3A_1708 = arith.mulf %mul3A_1707, %sub3A_1705 : vector<8x1024xf32>
      %exp23A_1709 = math.exp2 %mul3A_1708 : vector<8x1024xf32>
      %add3A_1710 = arith.addf %add3A_1701, %exp23A_1709 : vector<8x1024xf32>
      %get3A_1711 = arith.constant 752 : index
      %get3A_1712 = arith.constant 0 : index
      %get3A_1713 = vector.load %arg1[%get3A_1711, %get3A_1712] : memref<2048x1024xf32, #tpu.memory_space<vmem>>, vector<8x1024xf32>
      %sub3A_1714 = arith.subf %get3A_1713, %max3A_859 : vector<8x1024xf32>
      %mul3A_1715 = arith.constant 43.2808495 : f32
      %mul3A_1716 = vector.broadcast %mul3A_1715 : f32 to vector<8x1024xf32>
      %mul3A_1717 = arith.mulf %mul3A_1716, %sub3A_1714 : vector<8x1024xf32>
      %exp23A_1718 = math.exp2 %mul3A_1717 : vector<8x1024xf32>
      %add3A_1719 = arith.addf %add3A_1710, %exp23A_1718 : vector<8x1024xf32>
      %get3A_1720 = arith.constant 760 : index
      %get3A_1721 = arith.constant 0 : index
      %get3A_1722 = vector.load %arg1[%get3A_1720, %get3A_1721] : memref<2048x1024xf32, #tpu.memory_space<vmem>>, vector<8x1024xf32>
      %sub3A_1723 = arith.subf %get3A_1722, %max3A_859 : vector<8x1024xf32>
      %mul3A_1724 = arith.constant 43.2808495 : f32
      %mul3A_1725 = vector.broadcast %mul3A_1724 : f32 to vector<8x1024xf32>
      %mul3A_1726 = arith.mulf %mul3A_1725, %sub3A_1723 : vector<8x1024xf32>
      %exp23A_1727 = math.exp2 %mul3A_1726 : vector<8x1024xf32>
      %add3A_1728 = arith.addf %add3A_1719, %exp23A_1727 : vector<8x1024xf32>
      %get3A_1729 = arith.constant 768 : index
      %get3A_1730 = arith.constant 0 : index
      %get3A_1731 = vector.load %arg1[%get3A_1729, %get3A_1730] : memref<2048x1024xf32, #tpu.memory_space<vmem>>, vector<8x1024xf32>
      %sub3A_1732 = arith.subf %get3A_1731, %max3A_859 : vector<8x1024xf32>
      %mul3A_1733 = arith.constant 43.2808495 : f32
      %mul3A_1734 = vector.broadcast %mul3A_1733 : f32 to vector<8x1024xf32>
      %mul3A_1735 = arith.mulf %mul3A_1734, %sub3A_1732 : vector<8x1024xf32>
      %exp23A_1736 = math.exp2 %mul3A_1735 : vector<8x1024xf32>
      %add3A_1737 = arith.addf %add3A_1728, %exp23A_1736 : vector<8x1024xf32>
      %get3A_1738 = arith.constant 776 : index
      %get3A_1739 = arith.constant 0 : index
      %get3A_1740 = vector.load %arg1[%get3A_1738, %get3A_1739] : memref<2048x1024xf32, #tpu.memory_space<vmem>>, vector<8x1024xf32>
      %sub3A_1741 = arith.subf %get3A_1740, %max3A_859 : vector<8x1024xf32>
      %mul3A_1742 = arith.constant 43.2808495 : f32
      %mul3A_1743 = vector.broadcast %mul3A_1742 : f32 to vector<8x1024xf32>
      %mul3A_1744 = arith.mulf %mul3A_1743, %sub3A_1741 : vector<8x1024xf32>
      %exp23A_1745 = math.exp2 %mul3A_1744 : vector<8x1024xf32>
      %add3A_1746 = arith.addf %add3A_1737, %exp23A_1745 : vector<8x1024xf32>
      %get3A_1747 = arith.constant 784 : index
      %get3A_1748 = arith.constant 0 : index
      %get3A_1749 = vector.load %arg1[%get3A_1747, %get3A_1748] : memref<2048x1024xf32, #tpu.memory_space<vmem>>, vector<8x1024xf32>
      %sub3A_1750 = arith.subf %get3A_1749, %max3A_859 : vector<8x1024xf32>
      %mul3A_1751 = arith.constant 43.2808495 : f32
      %mul3A_1752 = vector.broadcast %mul3A_1751 : f32 to vector<8x1024xf32>
      %mul3A_1753 = arith.mulf %mul3A_1752, %sub3A_1750 : vector<8x1024xf32>
      %exp23A_1754 = math.exp2 %mul3A_1753 : vector<8x1024xf32>
      %add3A_1755 = arith.addf %add3A_1746, %exp23A_1754 : vector<8x1024xf32>
      %get3A_1756 = arith.constant 792 : index
      %get3A_1757 = arith.constant 0 : index
      %get3A_1758 = vector.load %arg1[%get3A_1756, %get3A_1757] : memref<2048x1024xf32, #tpu.memory_space<vmem>>, vector<8x1024xf32>
      %sub3A_1759 = arith.subf %get3A_1758, %max3A_859 : vector<8x1024xf32>
      %mul3A_1760 = arith.constant 43.2808495 : f32
      %mul3A_1761 = vector.broadcast %mul3A_1760 : f32 to vector<8x1024xf32>
      %mul3A_1762 = arith.mulf %mul3A_1761, %sub3A_1759 : vector<8x1024xf32>
      %exp23A_1763 = math.exp2 %mul3A_1762 : vector<8x1024xf32>
      %add3A_1764 = arith.addf %add3A_1755, %exp23A_1763 : vector<8x1024xf32>
      %get3A_1765 = arith.constant 800 : index
      %get3A_1766 = arith.constant 0 : index
      %get3A_1767 = vector.load %arg1[%get3A_1765, %get3A_1766] : memref<2048x1024xf32, #tpu.memory_space<vmem>>, vector<8x1024xf32>
      %sub3A_1768 = arith.subf %get3A_1767, %max3A_859 : vector<8x1024xf32>
      %mul3A_1769 = arith.constant 43.2808495 : f32
      %mul3A_1770 = vector.broadcast %mul3A_1769 : f32 to vector<8x1024xf32>
      %mul3A_1771 = arith.mulf %mul3A_1770, %sub3A_1768 : vector<8x1024xf32>
      %exp23A_1772 = math.exp2 %mul3A_1771 : vector<8x1024xf32>
      %add3A_1773 = arith.addf %add3A_1764, %exp23A_1772 : vector<8x1024xf32>
      %get3A_1774 = arith.constant 808 : index
      %get3A_1775 = arith.constant 0 : index
      %get3A_1776 = vector.load %arg1[%get3A_1774, %get3A_1775] : memref<2048x1024xf32, #tpu.memory_space<vmem>>, vector<8x1024xf32>
      %sub3A_1777 = arith.subf %get3A_1776, %max3A_859 : vector<8x1024xf32>
      %mul3A_1778 = arith.constant 43.2808495 : f32
      %mul3A_1779 = vector.broadcast %mul3A_1778 : f32 to vector<8x1024xf32>
      %mul3A_1780 = arith.mulf %mul3A_1779, %sub3A_1777 : vector<8x1024xf32>
      %exp23A_1781 = math.exp2 %mul3A_1780 : vector<8x1024xf32>
      %add3A_1782 = arith.addf %add3A_1773, %exp23A_1781 : vector<8x1024xf32>
      %get3A_1783 = arith.constant 816 : index
      %get3A_1784 = arith.constant 0 : index
      %get3A_1785 = vector.load %arg1[%get3A_1783, %get3A_1784] : memref<2048x1024xf32, #tpu.memory_space<vmem>>, vector<8x1024xf32>
      %sub3A_1786 = arith.subf %get3A_1785, %max3A_859 : vector<8x1024xf32>
      %mul3A_1787 = arith.constant 43.2808495 : f32
      %mul3A_1788 = vector.broadcast %mul3A_1787 : f32 to vector<8x1024xf32>
      %mul3A_1789 = arith.mulf %mul3A_1788, %sub3A_1786 : vector<8x1024xf32>
      %exp23A_1790 = math.exp2 %mul3A_1789 : vector<8x1024xf32>
      %add3A_1791 = arith.addf %add3A_1782, %exp23A_1790 : vector<8x1024xf32>
      %get3A_1792 = arith.constant 824 : index
      %get3A_1793 = arith.constant 0 : index
      %get3A_1794 = vector.load %arg1[%get3A_1792, %get3A_1793] : memref<2048x1024xf32, #tpu.memory_space<vmem>>, vector<8x1024xf32>
      %sub3A_1795 = arith.subf %get3A_1794, %max3A_859 : vector<8x1024xf32>
      %mul3A_1796 = arith.constant 43.2808495 : f32
      %mul3A_1797 = vector.broadcast %mul3A_1796 : f32 to vector<8x1024xf32>
      %mul3A_1798 = arith.mulf %mul3A_1797, %sub3A_1795 : vector<8x1024xf32>
      %exp23A_1799 = math.exp2 %mul3A_1798 : vector<8x1024xf32>
      %add3A_1800 = arith.addf %add3A_1791, %exp23A_1799 : vector<8x1024xf32>
      %get3A_1801 = arith.constant 832 : index
      %get3A_1802 = arith.constant 0 : index
      %get3A_1803 = vector.load %arg1[%get3A_1801, %get3A_1802] : memref<2048x1024xf32, #tpu.memory_space<vmem>>, vector<8x1024xf32>
      %sub3A_1804 = arith.subf %get3A_1803, %max3A_859 : vector<8x1024xf32>
      %mul3A_1805 = arith.constant 43.2808495 : f32
      %mul3A_1806 = vector.broadcast %mul3A_1805 : f32 to vector<8x1024xf32>
      %mul3A_1807 = arith.mulf %mul3A_1806, %sub3A_1804 : vector<8x1024xf32>
      %exp23A_1808 = math.exp2 %mul3A_1807 : vector<8x1024xf32>
      %add3A_1809 = arith.addf %add3A_1800, %exp23A_1808 : vector<8x1024xf32>
      %get3A_1810 = arith.constant 840 : index
      %get3A_1811 = arith.constant 0 : index
      %get3A_1812 = vector.load %arg1[%get3A_1810, %get3A_1811] : memref<2048x1024xf32, #tpu.memory_space<vmem>>, vector<8x1024xf32>
      %sub3A_1813 = arith.subf %get3A_1812, %max3A_859 : vector<8x1024xf32>
      %mul3A_1814 = arith.constant 43.2808495 : f32
      %mul3A_1815 = vector.broadcast %mul3A_1814 : f32 to vector<8x1024xf32>
      %mul3A_1816 = arith.mulf %mul3A_1815, %sub3A_1813 : vector<8x1024xf32>
      %exp23A_1817 = math.exp2 %mul3A_1816 : vector<8x1024xf32>
      %add3A_1818 = arith.addf %add3A_1809, %exp23A_1817 : vector<8x1024xf32>
      %get3A_1819 = arith.constant 848 : index
      %get3A_1820 = arith.constant 0 : index
      %get3A_1821 = vector.load %arg1[%get3A_1819, %get3A_1820] : memref<2048x1024xf32, #tpu.memory_space<vmem>>, vector<8x1024xf32>
      %sub3A_1822 = arith.subf %get3A_1821, %max3A_859 : vector<8x1024xf32>
      %mul3A_1823 = arith.constant 43.2808495 : f32
      %mul3A_1824 = vector.broadcast %mul3A_1823 : f32 to vector<8x1024xf32>
      %mul3A_1825 = arith.mulf %mul3A_1824, %sub3A_1822 : vector<8x1024xf32>
      %exp23A_1826 = math.exp2 %mul3A_1825 : vector<8x1024xf32>
      %add3A_1827 = arith.addf %add3A_1818, %exp23A_1826 : vector<8x1024xf32>
      %get3A_1828 = arith.constant 856 : index
      %get3A_1829 = arith.constant 0 : index
      %get3A_1830 = vector.load %arg1[%get3A_1828, %get3A_1829] : memref<2048x1024xf32, #tpu.memory_space<vmem>>, vector<8x1024xf32>
      %sub3A_1831 = arith.subf %get3A_1830, %max3A_859 : vector<8x1024xf32>
      %mul3A_1832 = arith.constant 43.2808495 : f32
      %mul3A_1833 = vector.broadcast %mul3A_1832 : f32 to vector<8x1024xf32>
      %mul3A_1834 = arith.mulf %mul3A_1833, %sub3A_1831 : vector<8x1024xf32>
      %exp23A_1835 = math.exp2 %mul3A_1834 : vector<8x1024xf32>
      %add3A_1836 = arith.addf %add3A_1827, %exp23A_1835 : vector<8x1024xf32>
      %get3A_1837 = arith.constant 864 : index
      %get3A_1838 = arith.constant 0 : index
      %get3A_1839 = vector.load %arg1[%get3A_1837, %get3A_1838] : memref<2048x1024xf32, #tpu.memory_space<vmem>>, vector<8x1024xf32>
      %sub3A_1840 = arith.subf %get3A_1839, %max3A_859 : vector<8x1024xf32>
      %mul3A_1841 = arith.constant 43.2808495 : f32
      %mul3A_1842 = vector.broadcast %mul3A_1841 : f32 to vector<8x1024xf32>
      %mul3A_1843 = arith.mulf %mul3A_1842, %sub3A_1840 : vector<8x1024xf32>
      %exp23A_1844 = math.exp2 %mul3A_1843 : vector<8x1024xf32>
      %add3A_1845 = arith.addf %add3A_1836, %exp23A_1844 : vector<8x1024xf32>
      %get3A_1846 = arith.constant 872 : index
      %get3A_1847 = arith.constant 0 : index
      %get3A_1848 = vector.load %arg1[%get3A_1846, %get3A_1847] : memref<2048x1024xf32, #tpu.memory_space<vmem>>, vector<8x1024xf32>
      %sub3A_1849 = arith.subf %get3A_1848, %max3A_859 : vector<8x1024xf32>
      %mul3A_1850 = arith.constant 43.2808495 : f32
      %mul3A_1851 = vector.broadcast %mul3A_1850 : f32 to vector<8x1024xf32>
      %mul3A_1852 = arith.mulf %mul3A_1851, %sub3A_1849 : vector<8x1024xf32>
      %exp23A_1853 = math.exp2 %mul3A_1852 : vector<8x1024xf32>
      %add3A_1854 = arith.addf %add3A_1845, %exp23A_1853 : vector<8x1024xf32>
      %get3A_1855 = arith.constant 880 : index
      %get3A_1856 = arith.constant 0 : index
      %get3A_1857 = vector.load %arg1[%get3A_1855, %get3A_1856] : memref<2048x1024xf32, #tpu.memory_space<vmem>>, vector<8x1024xf32>
      %sub3A_1858 = arith.subf %get3A_1857, %max3A_859 : vector<8x1024xf32>
      %mul3A_1859 = arith.constant 43.2808495 : f32
      %mul3A_1860 = vector.broadcast %mul3A_1859 : f32 to vector<8x1024xf32>
      %mul3A_1861 = arith.mulf %mul3A_1860, %sub3A_1858 : vector<8x1024xf32>
      %exp23A_1862 = math.exp2 %mul3A_1861 : vector<8x1024xf32>
      %add3A_1863 = arith.addf %add3A_1854, %exp23A_1862 : vector<8x1024xf32>
      %get3A_1864 = arith.constant 888 : index
      %get3A_1865 = arith.constant 0 : index
      %get3A_1866 = vector.load %arg1[%get3A_1864, %get3A_1865] : memref<2048x1024xf32, #tpu.memory_space<vmem>>, vector<8x1024xf32>
      %sub3A_1867 = arith.subf %get3A_1866, %max3A_859 : vector<8x1024xf32>
      %mul3A_1868 = arith.constant 43.2808495 : f32
      %mul3A_1869 = vector.broadcast %mul3A_1868 : f32 to vector<8x1024xf32>
      %mul3A_1870 = arith.mulf %mul3A_1869, %sub3A_1867 : vector<8x1024xf32>
      %exp23A_1871 = math.exp2 %mul3A_1870 : vector<8x1024xf32>
      %add3A_1872 = arith.addf %add3A_1863, %exp23A_1871 : vector<8x1024xf32>
      %get3A_1873 = arith.constant 896 : index
      %get3A_1874 = arith.constant 0 : index
      %get3A_1875 = vector.load %arg1[%get3A_1873, %get3A_1874] : memref<2048x1024xf32, #tpu.memory_space<vmem>>, vector<8x1024xf32>
      %sub3A_1876 = arith.subf %get3A_1875, %max3A_859 : vector<8x1024xf32>
      %mul3A_1877 = arith.constant 43.2808495 : f32
      %mul3A_1878 = vector.broadcast %mul3A_1877 : f32 to vector<8x1024xf32>
      %mul3A_1879 = arith.mulf %mul3A_1878, %sub3A_1876 : vector<8x1024xf32>
      %exp23A_1880 = math.exp2 %mul3A_1879 : vector<8x1024xf32>
      %add3A_1881 = arith.addf %add3A_1872, %exp23A_1880 : vector<8x1024xf32>
      %get3A_1882 = arith.constant 904 : index
      %get3A_1883 = arith.constant 0 : index
      %get3A_1884 = vector.load %arg1[%get3A_1882, %get3A_1883] : memref<2048x1024xf32, #tpu.memory_space<vmem>>, vector<8x1024xf32>
      %sub3A_1885 = arith.subf %get3A_1884, %max3A_859 : vector<8x1024xf32>
      %mul3A_1886 = arith.constant 43.2808495 : f32
      %mul3A_1887 = vector.broadcast %mul3A_1886 : f32 to vector<8x1024xf32>
      %mul3A_1888 = arith.mulf %mul3A_1887, %sub3A_1885 : vector<8x1024xf32>
      %exp23A_1889 = math.exp2 %mul3A_1888 : vector<8x1024xf32>
      %add3A_1890 = arith.addf %add3A_1881, %exp23A_1889 : vector<8x1024xf32>
      %get3A_1891 = arith.constant 912 : index
      %get3A_1892 = arith.constant 0 : index
      %get3A_1893 = vector.load %arg1[%get3A_1891, %get3A_1892] : memref<2048x1024xf32, #tpu.memory_space<vmem>>, vector<8x1024xf32>
      %sub3A_1894 = arith.subf %get3A_1893, %max3A_859 : vector<8x1024xf32>
      %mul3A_1895 = arith.constant 43.2808495 : f32
      %mul3A_1896 = vector.broadcast %mul3A_1895 : f32 to vector<8x1024xf32>
      %mul3A_1897 = arith.mulf %mul3A_1896, %sub3A_1894 : vector<8x1024xf32>
      %exp23A_1898 = math.exp2 %mul3A_1897 : vector<8x1024xf32>
      %add3A_1899 = arith.addf %add3A_1890, %exp23A_1898 : vector<8x1024xf32>
      %get3A_1900 = arith.constant 920 : index
      %get3A_1901 = arith.constant 0 : index
      %get3A_1902 = vector.load %arg1[%get3A_1900, %get3A_1901] : memref<2048x1024xf32, #tpu.memory_space<vmem>>, vector<8x1024xf32>
      %sub3A_1903 = arith.subf %get3A_1902, %max3A_859 : vector<8x1024xf32>
      %mul3A_1904 = arith.constant 43.2808495 : f32
      %mul3A_1905 = vector.broadcast %mul3A_1904 : f32 to vector<8x1024xf32>
      %mul3A_1906 = arith.mulf %mul3A_1905, %sub3A_1903 : vector<8x1024xf32>
      %exp23A_1907 = math.exp2 %mul3A_1906 : vector<8x1024xf32>
      %add3A_1908 = arith.addf %add3A_1899, %exp23A_1907 : vector<8x1024xf32>
      %get3A_1909 = arith.constant 928 : index
      %get3A_1910 = arith.constant 0 : index
      %get3A_1911 = vector.load %arg1[%get3A_1909, %get3A_1910] : memref<2048x1024xf32, #tpu.memory_space<vmem>>, vector<8x1024xf32>
      %sub3A_1912 = arith.subf %get3A_1911, %max3A_859 : vector<8x1024xf32>
      %mul3A_1913 = arith.constant 43.2808495 : f32
      %mul3A_1914 = vector.broadcast %mul3A_1913 : f32 to vector<8x1024xf32>
      %mul3A_1915 = arith.mulf %mul3A_1914, %sub3A_1912 : vector<8x1024xf32>
      %exp23A_1916 = math.exp2 %mul3A_1915 : vector<8x1024xf32>
      %add3A_1917 = arith.addf %add3A_1908, %exp23A_1916 : vector<8x1024xf32>
      %get3A_1918 = arith.constant 936 : index
      %get3A_1919 = arith.constant 0 : index
      %get3A_1920 = vector.load %arg1[%get3A_1918, %get3A_1919] : memref<2048x1024xf32, #tpu.memory_space<vmem>>, vector<8x1024xf32>
      %sub3A_1921 = arith.subf %get3A_1920, %max3A_859 : vector<8x1024xf32>
      %mul3A_1922 = arith.constant 43.2808495 : f32
      %mul3A_1923 = vector.broadcast %mul3A_1922 : f32 to vector<8x1024xf32>
      %mul3A_1924 = arith.mulf %mul3A_1923, %sub3A_1921 : vector<8x1024xf32>
      %exp23A_1925 = math.exp2 %mul3A_1924 : vector<8x1024xf32>
      %add3A_1926 = arith.addf %add3A_1917, %exp23A_1925 : vector<8x1024xf32>
      %get3A_1927 = arith.constant 944 : index
      %get3A_1928 = arith.constant 0 : index
      %get3A_1929 = vector.load %arg1[%get3A_1927, %get3A_1928] : memref<2048x1024xf32, #tpu.memory_space<vmem>>, vector<8x1024xf32>
      %sub3A_1930 = arith.subf %get3A_1929, %max3A_859 : vector<8x1024xf32>
      %mul3A_1931 = arith.constant 43.2808495 : f32
      %mul3A_1932 = vector.broadcast %mul3A_1931 : f32 to vector<8x1024xf32>
      %mul3A_1933 = arith.mulf %mul3A_1932, %sub3A_1930 : vector<8x1024xf32>
      %exp23A_1934 = math.exp2 %mul3A_1933 : vector<8x1024xf32>
      %add3A_1935 = arith.addf %add3A_1926, %exp23A_1934 : vector<8x1024xf32>
      %get3A_1936 = arith.constant 952 : index
      %get3A_1937 = arith.constant 0 : index
      %get3A_1938 = vector.load %arg1[%get3A_1936, %get3A_1937] : memref<2048x1024xf32, #tpu.memory_space<vmem>>, vector<8x1024xf32>
      %sub3A_1939 = arith.subf %get3A_1938, %max3A_859 : vector<8x1024xf32>
      %mul3A_1940 = arith.constant 43.2808495 : f32
      %mul3A_1941 = vector.broadcast %mul3A_1940 : f32 to vector<8x1024xf32>
      %mul3A_1942 = arith.mulf %mul3A_1941, %sub3A_1939 : vector<8x1024xf32>
      %exp23A_1943 = math.exp2 %mul3A_1942 : vector<8x1024xf32>
      %add3A_1944 = arith.addf %add3A_1935, %exp23A_1943 : vector<8x1024xf32>
      %get3A_1945 = arith.constant 960 : index
      %get3A_1946 = arith.constant 0 : index
      %get3A_1947 = vector.load %arg1[%get3A_1945, %get3A_1946] : memref<2048x1024xf32, #tpu.memory_space<vmem>>, vector<8x1024xf32>
      %sub3A_1948 = arith.subf %get3A_1947, %max3A_859 : vector<8x1024xf32>
      %mul3A_1949 = arith.constant 43.2808495 : f32
      %mul3A_1950 = vector.broadcast %mul3A_1949 : f32 to vector<8x1024xf32>
      %mul3A_1951 = arith.mulf %mul3A_1950, %sub3A_1948 : vector<8x1024xf32>
      %exp23A_1952 = math.exp2 %mul3A_1951 : vector<8x1024xf32>
      %add3A_1953 = arith.addf %add3A_1944, %exp23A_1952 : vector<8x1024xf32>
      %get3A_1954 = arith.constant 968 : index
      %get3A_1955 = arith.constant 0 : index
      %get3A_1956 = vector.load %arg1[%get3A_1954, %get3A_1955] : memref<2048x1024xf32, #tpu.memory_space<vmem>>, vector<8x1024xf32>
      %sub3A_1957 = arith.subf %get3A_1956, %max3A_859 : vector<8x1024xf32>
      %mul3A_1958 = arith.constant 43.2808495 : f32
      %mul3A_1959 = vector.broadcast %mul3A_1958 : f32 to vector<8x1024xf32>
      %mul3A_1960 = arith.mulf %mul3A_1959, %sub3A_1957 : vector<8x1024xf32>
      %exp23A_1961 = math.exp2 %mul3A_1960 : vector<8x1024xf32>
      %add3A_1962 = arith.addf %add3A_1953, %exp23A_1961 : vector<8x1024xf32>
      %get3A_1963 = arith.constant 976 : index
      %get3A_1964 = arith.constant 0 : index
      %get3A_1965 = vector.load %arg1[%get3A_1963, %get3A_1964] : memref<2048x1024xf32, #tpu.memory_space<vmem>>, vector<8x1024xf32>
      %sub3A_1966 = arith.subf %get3A_1965, %max3A_859 : vector<8x1024xf32>
      %mul3A_1967 = arith.constant 43.2808495 : f32
      %mul3A_1968 = vector.broadcast %mul3A_1967 : f32 to vector<8x1024xf32>
      %mul3A_1969 = arith.mulf %mul3A_1968, %sub3A_1966 : vector<8x1024xf32>
      %exp23A_1970 = math.exp2 %mul3A_1969 : vector<8x1024xf32>
      %add3A_1971 = arith.addf %add3A_1962, %exp23A_1970 : vector<8x1024xf32>
      %get3A_1972 = arith.constant 984 : index
      %get3A_1973 = arith.constant 0 : index
      %get3A_1974 = vector.load %arg1[%get3A_1972, %get3A_1973] : memref<2048x1024xf32, #tpu.memory_space<vmem>>, vector<8x1024xf32>
      %sub3A_1975 = arith.subf %get3A_1974, %max3A_859 : vector<8x1024xf32>
      %mul3A_1976 = arith.constant 43.2808495 : f32
      %mul3A_1977 = vector.broadcast %mul3A_1976 : f32 to vector<8x1024xf32>
      %mul3A_1978 = arith.mulf %mul3A_1977, %sub3A_1975 : vector<8x1024xf32>
      %exp23A_1979 = math.exp2 %mul3A_1978 : vector<8x1024xf32>
      %add3A_1980 = arith.addf %add3A_1971, %exp23A_1979 : vector<8x1024xf32>
      %get3A_1981 = arith.constant 992 : index
      %get3A_1982 = arith.constant 0 : index
      %get3A_1983 = vector.load %arg1[%get3A_1981, %get3A_1982] : memref<2048x1024xf32, #tpu.memory_space<vmem>>, vector<8x1024xf32>
      %sub3A_1984 = arith.subf %get3A_1983, %max3A_859 : vector<8x1024xf32>
      %mul3A_1985 = arith.constant 43.2808495 : f32
      %mul3A_1986 = vector.broadcast %mul3A_1985 : f32 to vector<8x1024xf32>
      %mul3A_1987 = arith.mulf %mul3A_1986, %sub3A_1984 : vector<8x1024xf32>
      %exp23A_1988 = math.exp2 %mul3A_1987 : vector<8x1024xf32>
      %add3A_1989 = arith.addf %add3A_1980, %exp23A_1988 : vector<8x1024xf32>
      %get3A_1990 = arith.constant 1000 : index
      %get3A_1991 = arith.constant 0 : index
      %get3A_1992 = vector.load %arg1[%get3A_1990, %get3A_1991] : memref<2048x1024xf32, #tpu.memory_space<vmem>>, vector<8x1024xf32>
      %sub3A_1993 = arith.subf %get3A_1992, %max3A_859 : vector<8x1024xf32>
      %mul3A_1994 = arith.constant 43.2808495 : f32
      %mul3A_1995 = vector.broadcast %mul3A_1994 : f32 to vector<8x1024xf32>
      %mul3A_1996 = arith.mulf %mul3A_1995, %sub3A_1993 : vector<8x1024xf32>
      %exp23A_1997 = math.exp2 %mul3A_1996 : vector<8x1024xf32>
      %add3A_1998 = arith.addf %add3A_1989, %exp23A_1997 : vector<8x1024xf32>
      %get3A_1999 = arith.constant 1008 : index
      %get3A_2000 = arith.constant 0 : index
      %get3A_2001 = vector.load %arg1[%get3A_1999, %get3A_2000] : memref<2048x1024xf32, #tpu.memory_space<vmem>>, vector<8x1024xf32>
      %sub3A_2002 = arith.subf %get3A_2001, %max3A_859 : vector<8x1024xf32>
      %mul3A_2003 = arith.constant 43.2808495 : f32
      %mul3A_2004 = vector.broadcast %mul3A_2003 : f32 to vector<8x1024xf32>
      %mul3A_2005 = arith.mulf %mul3A_2004, %sub3A_2002 : vector<8x1024xf32>
      %exp23A_2006 = math.exp2 %mul3A_2005 : vector<8x1024xf32>
      %add3A_2007 = arith.addf %add3A_1998, %exp23A_2006 : vector<8x1024xf32>
      %get3A_2008 = arith.constant 1016 : index
      %get3A_2009 = arith.constant 0 : index
      %get3A_2010 = vector.load %arg1[%get3A_2008, %get3A_2009] : memref<2048x1024xf32, #tpu.memory_space<vmem>>, vector<8x1024xf32>
      %sub3A_2011 = arith.subf %get3A_2010, %max3A_859 : vector<8x1024xf32>
      %mul3A_2012 = arith.constant 43.2808495 : f32
      %mul3A_2013 = vector.broadcast %mul3A_2012 : f32 to vector<8x1024xf32>
      %mul3A_2014 = arith.mulf %mul3A_2013, %sub3A_2011 : vector<8x1024xf32>
      %exp23A_2015 = math.exp2 %mul3A_2014 : vector<8x1024xf32>
      %add3A_2016 = arith.addf %add3A_2007, %exp23A_2015 : vector<8x1024xf32>
      %get3A_2017 = arith.constant 1024 : index
      %get3A_2018 = arith.constant 0 : index
      %get3A_2019 = vector.load %arg1[%get3A_2017, %get3A_2018] : memref<2048x1024xf32, #tpu.memory_space<vmem>>, vector<8x1024xf32>
      %sub3A_2020 = arith.subf %get3A_2019, %max3A_859 : vector<8x1024xf32>
      %mul3A_2021 = arith.constant 43.2808495 : f32
      %mul3A_2022 = vector.broadcast %mul3A_2021 : f32 to vector<8x1024xf32>
      %mul3A_2023 = arith.mulf %mul3A_2022, %sub3A_2020 : vector<8x1024xf32>
      %exp23A_2024 = math.exp2 %mul3A_2023 : vector<8x1024xf32>
      %add3A_2025 = arith.addf %add3A_2016, %exp23A_2024 : vector<8x1024xf32>
      %get3A_2026 = arith.constant 1032 : index
      %get3A_2027 = arith.constant 0 : index
      %get3A_2028 = vector.load %arg1[%get3A_2026, %get3A_2027] : memref<2048x1024xf32, #tpu.memory_space<vmem>>, vector<8x1024xf32>
      %sub3A_2029 = arith.subf %get3A_2028, %max3A_859 : vector<8x1024xf32>
      %mul3A_2030 = arith.constant 43.2808495 : f32
      %mul3A_2031 = vector.broadcast %mul3A_2030 : f32 to vector<8x1024xf32>
      %mul3A_2032 = arith.mulf %mul3A_2031, %sub3A_2029 : vector<8x1024xf32>
      %exp23A_2033 = math.exp2 %mul3A_2032 : vector<8x1024xf32>
      %add3A_2034 = arith.addf %add3A_2025, %exp23A_2033 : vector<8x1024xf32>
      %get3A_2035 = arith.constant 1040 : index
      %get3A_2036 = arith.constant 0 : index
      %get3A_2037 = vector.load %arg1[%get3A_2035, %get3A_2036] : memref<2048x1024xf32, #tpu.memory_space<vmem>>, vector<8x1024xf32>
      %sub3A_2038 = arith.subf %get3A_2037, %max3A_859 : vector<8x1024xf32>
      %mul3A_2039 = arith.constant 43.2808495 : f32
      %mul3A_2040 = vector.broadcast %mul3A_2039 : f32 to vector<8x1024xf32>
      %mul3A_2041 = arith.mulf %mul3A_2040, %sub3A_2038 : vector<8x1024xf32>
      %exp23A_2042 = math.exp2 %mul3A_2041 : vector<8x1024xf32>
      %add3A_2043 = arith.addf %add3A_2034, %exp23A_2042 : vector<8x1024xf32>
      %get3A_2044 = arith.constant 1048 : index
      %get3A_2045 = arith.constant 0 : index
      %get3A_2046 = vector.load %arg1[%get3A_2044, %get3A_2045] : memref<2048x1024xf32, #tpu.memory_space<vmem>>, vector<8x1024xf32>
      %sub3A_2047 = arith.subf %get3A_2046, %max3A_859 : vector<8x1024xf32>
      %mul3A_2048 = arith.constant 43.2808495 : f32
      %mul3A_2049 = vector.broadcast %mul3A_2048 : f32 to vector<8x1024xf32>
      %mul3A_2050 = arith.mulf %mul3A_2049, %sub3A_2047 : vector<8x1024xf32>
      %exp23A_2051 = math.exp2 %mul3A_2050 : vector<8x1024xf32>
      %add3A_2052 = arith.addf %add3A_2043, %exp23A_2051 : vector<8x1024xf32>
      %get3A_2053 = arith.constant 1056 : index
      %get3A_2054 = arith.constant 0 : index
      %get3A_2055 = vector.load %arg1[%get3A_2053, %get3A_2054] : memref<2048x1024xf32, #tpu.memory_space<vmem>>, vector<8x1024xf32>
      %sub3A_2056 = arith.subf %get3A_2055, %max3A_859 : vector<8x1024xf32>
      %mul3A_2057 = arith.constant 43.2808495 : f32
      %mul3A_2058 = vector.broadcast %mul3A_2057 : f32 to vector<8x1024xf32>
      %mul3A_2059 = arith.mulf %mul3A_2058, %sub3A_2056 : vector<8x1024xf32>
      %exp23A_2060 = math.exp2 %mul3A_2059 : vector<8x1024xf32>
      %add3A_2061 = arith.addf %add3A_2052, %exp23A_2060 : vector<8x1024xf32>
      %get3A_2062 = arith.constant 1064 : index
      %get3A_2063 = arith.constant 0 : index
      %get3A_2064 = vector.load %arg1[%get3A_2062, %get3A_2063] : memref<2048x1024xf32, #tpu.memory_space<vmem>>, vector<8x1024xf32>
      %sub3A_2065 = arith.subf %get3A_2064, %max3A_859 : vector<8x1024xf32>
      %mul3A_2066 = arith.constant 43.2808495 : f32
      %mul3A_2067 = vector.broadcast %mul3A_2066 : f32 to vector<8x1024xf32>
      %mul3A_2068 = arith.mulf %mul3A_2067, %sub3A_2065 : vector<8x1024xf32>
      %exp23A_2069 = math.exp2 %mul3A_2068 : vector<8x1024xf32>
      %add3A_2070 = arith.addf %add3A_2061, %exp23A_2069 : vector<8x1024xf32>
      %get3A_2071 = arith.constant 1072 : index
      %get3A_2072 = arith.constant 0 : index
      %get3A_2073 = vector.load %arg1[%get3A_2071, %get3A_2072] : memref<2048x1024xf32, #tpu.memory_space<vmem>>, vector<8x1024xf32>
      %sub3A_2074 = arith.subf %get3A_2073, %max3A_859 : vector<8x1024xf32>
      %mul3A_2075 = arith.constant 43.2808495 : f32
      %mul3A_2076 = vector.broadcast %mul3A_2075 : f32 to vector<8x1024xf32>
      %mul3A_2077 = arith.mulf %mul3A_2076, %sub3A_2074 : vector<8x1024xf32>
      %exp23A_2078 = math.exp2 %mul3A_2077 : vector<8x1024xf32>
      %add3A_2079 = arith.addf %add3A_2070, %exp23A_2078 : vector<8x1024xf32>
      %get3A_2080 = arith.constant 1080 : index
      %get3A_2081 = arith.constant 0 : index
      %get3A_2082 = vector.load %arg1[%get3A_2080, %get3A_2081] : memref<2048x1024xf32, #tpu.memory_space<vmem>>, vector<8x1024xf32>
      %sub3A_2083 = arith.subf %get3A_2082, %max3A_859 : vector<8x1024xf32>
      %mul3A_2084 = arith.constant 43.2808495 : f32
      %mul3A_2085 = vector.broadcast %mul3A_2084 : f32 to vector<8x1024xf32>
      %mul3A_2086 = arith.mulf %mul3A_2085, %sub3A_2083 : vector<8x1024xf32>
      %exp23A_2087 = math.exp2 %mul3A_2086 : vector<8x1024xf32>
      %add3A_2088 = arith.addf %add3A_2079, %exp23A_2087 : vector<8x1024xf32>
      %get3A_2089 = arith.constant 1088 : index
      %get3A_2090 = arith.constant 0 : index
      %get3A_2091 = vector.load %arg1[%get3A_2089, %get3A_2090] : memref<2048x1024xf32, #tpu.memory_space<vmem>>, vector<8x1024xf32>
      %sub3A_2092 = arith.subf %get3A_2091, %max3A_859 : vector<8x1024xf32>
      %mul3A_2093 = arith.constant 43.2808495 : f32
      %mul3A_2094 = vector.broadcast %mul3A_2093 : f32 to vector<8x1024xf32>
      %mul3A_2095 = arith.mulf %mul3A_2094, %sub3A_2092 : vector<8x1024xf32>
      %exp23A_2096 = math.exp2 %mul3A_2095 : vector<8x1024xf32>
      %add3A_2097 = arith.addf %add3A_2088, %exp23A_2096 : vector<8x1024xf32>
      %get3A_2098 = arith.constant 1096 : index
      %get3A_2099 = arith.constant 0 : index
      %get3A_2100 = vector.load %arg1[%get3A_2098, %get3A_2099] : memref<2048x1024xf32, #tpu.memory_space<vmem>>, vector<8x1024xf32>
      %sub3A_2101 = arith.subf %get3A_2100, %max3A_859 : vector<8x1024xf32>
      %mul3A_2102 = arith.constant 43.2808495 : f32
      %mul3A_2103 = vector.broadcast %mul3A_2102 : f32 to vector<8x1024xf32>
      %mul3A_2104 = arith.mulf %mul3A_2103, %sub3A_2101 : vector<8x1024xf32>
      %exp23A_2105 = math.exp2 %mul3A_2104 : vector<8x1024xf32>
      %add3A_2106 = arith.addf %add3A_2097, %exp23A_2105 : vector<8x1024xf32>
      %get3A_2107 = arith.constant 1104 : index
      %get3A_2108 = arith.constant 0 : index
      %get3A_2109 = vector.load %arg1[%get3A_2107, %get3A_2108] : memref<2048x1024xf32, #tpu.memory_space<vmem>>, vector<8x1024xf32>
      %sub3A_2110 = arith.subf %get3A_2109, %max3A_859 : vector<8x1024xf32>
      %mul3A_2111 = arith.constant 43.2808495 : f32
      %mul3A_2112 = vector.broadcast %mul3A_2111 : f32 to vector<8x1024xf32>
      %mul3A_2113 = arith.mulf %mul3A_2112, %sub3A_2110 : vector<8x1024xf32>
      %exp23A_2114 = math.exp2 %mul3A_2113 : vector<8x1024xf32>
      %add3A_2115 = arith.addf %add3A_2106, %exp23A_2114 : vector<8x1024xf32>
      %get3A_2116 = arith.constant 1112 : index
      %get3A_2117 = arith.constant 0 : index
      %get3A_2118 = vector.load %arg1[%get3A_2116, %get3A_2117] : memref<2048x1024xf32, #tpu.memory_space<vmem>>, vector<8x1024xf32>
      %sub3A_2119 = arith.subf %get3A_2118, %max3A_859 : vector<8x1024xf32>
      %mul3A_2120 = arith.constant 43.2808495 : f32
      %mul3A_2121 = vector.broadcast %mul3A_2120 : f32 to vector<8x1024xf32>
      %mul3A_2122 = arith.mulf %mul3A_2121, %sub3A_2119 : vector<8x1024xf32>
      %exp23A_2123 = math.exp2 %mul3A_2122 : vector<8x1024xf32>
      %add3A_2124 = arith.addf %add3A_2115, %exp23A_2123 : vector<8x1024xf32>
      %get3A_2125 = arith.constant 1120 : index
      %get3A_2126 = arith.constant 0 : index
      %get3A_2127 = vector.load %arg1[%get3A_2125, %get3A_2126] : memref<2048x1024xf32, #tpu.memory_space<vmem>>, vector<8x1024xf32>
      %sub3A_2128 = arith.subf %get3A_2127, %max3A_859 : vector<8x1024xf32>
      %mul3A_2129 = arith.constant 43.2808495 : f32
      %mul3A_2130 = vector.broadcast %mul3A_2129 : f32 to vector<8x1024xf32>
      %mul3A_2131 = arith.mulf %mul3A_2130, %sub3A_2128 : vector<8x1024xf32>
      %exp23A_2132 = math.exp2 %mul3A_2131 : vector<8x1024xf32>
      %add3A_2133 = arith.addf %add3A_2124, %exp23A_2132 : vector<8x1024xf32>
      %get3A_2134 = arith.constant 1128 : index
      %get3A_2135 = arith.constant 0 : index
      %get3A_2136 = vector.load %arg1[%get3A_2134, %get3A_2135] : memref<2048x1024xf32, #tpu.memory_space<vmem>>, vector<8x1024xf32>
      %sub3A_2137 = arith.subf %get3A_2136, %max3A_859 : vector<8x1024xf32>
      %mul3A_2138 = arith.constant 43.2808495 : f32
      %mul3A_2139 = vector.broadcast %mul3A_2138 : f32 to vector<8x1024xf32>
      %mul3A_2140 = arith.mulf %mul3A_2139, %sub3A_2137 : vector<8x1024xf32>
      %exp23A_2141 = math.exp2 %mul3A_2140 : vector<8x1024xf32>
      %add3A_2142 = arith.addf %add3A_2133, %exp23A_2141 : vector<8x1024xf32>
      %get3A_2143 = arith.constant 1136 : index
      %get3A_2144 = arith.constant 0 : index
      %get3A_2145 = vector.load %arg1[%get3A_2143, %get3A_2144] : memref<2048x1024xf32, #tpu.memory_space<vmem>>, vector<8x1024xf32>
      %sub3A_2146 = arith.subf %get3A_2145, %max3A_859 : vector<8x1024xf32>
      %mul3A_2147 = arith.constant 43.2808495 : f32
      %mul3A_2148 = vector.broadcast %mul3A_2147 : f32 to vector<8x1024xf32>
      %mul3A_2149 = arith.mulf %mul3A_2148, %sub3A_2146 : vector<8x1024xf32>
      %exp23A_2150 = math.exp2 %mul3A_2149 : vector<8x1024xf32>
      %add3A_2151 = arith.addf %add3A_2142, %exp23A_2150 : vector<8x1024xf32>
      %get3A_2152 = arith.constant 1144 : index
      %get3A_2153 = arith.constant 0 : index
      %get3A_2154 = vector.load %arg1[%get3A_2152, %get3A_2153] : memref<2048x1024xf32, #tpu.memory_space<vmem>>, vector<8x1024xf32>
      %sub3A_2155 = arith.subf %get3A_2154, %max3A_859 : vector<8x1024xf32>
      %mul3A_2156 = arith.constant 43.2808495 : f32
      %mul3A_2157 = vector.broadcast %mul3A_2156 : f32 to vector<8x1024xf32>
      %mul3A_2158 = arith.mulf %mul3A_2157, %sub3A_2155 : vector<8x1024xf32>
      %exp23A_2159 = math.exp2 %mul3A_2158 : vector<8x1024xf32>
      %add3A_2160 = arith.addf %add3A_2151, %exp23A_2159 : vector<8x1024xf32>
      %get3A_2161 = arith.constant 1152 : index
      %get3A_2162 = arith.constant 0 : index
      %get3A_2163 = vector.load %arg1[%get3A_2161, %get3A_2162] : memref<2048x1024xf32, #tpu.memory_space<vmem>>, vector<8x1024xf32>
      %sub3A_2164 = arith.subf %get3A_2163, %max3A_859 : vector<8x1024xf32>
      %mul3A_2165 = arith.constant 43.2808495 : f32
      %mul3A_2166 = vector.broadcast %mul3A_2165 : f32 to vector<8x1024xf32>
      %mul3A_2167 = arith.mulf %mul3A_2166, %sub3A_2164 : vector<8x1024xf32>
      %exp23A_2168 = math.exp2 %mul3A_2167 : vector<8x1024xf32>
      %add3A_2169 = arith.addf %add3A_2160, %exp23A_2168 : vector<8x1024xf32>
      %get3A_2170 = arith.constant 1160 : index
      %get3A_2171 = arith.constant 0 : index
      %get3A_2172 = vector.load %arg1[%get3A_2170, %get3A_2171] : memref<2048x1024xf32, #tpu.memory_space<vmem>>, vector<8x1024xf32>
      %sub3A_2173 = arith.subf %get3A_2172, %max3A_859 : vector<8x1024xf32>
      %mul3A_2174 = arith.constant 43.2808495 : f32
      %mul3A_2175 = vector.broadcast %mul3A_2174 : f32 to vector<8x1024xf32>
      %mul3A_2176 = arith.mulf %mul3A_2175, %sub3A_2173 : vector<8x1024xf32>
      %exp23A_2177 = math.exp2 %mul3A_2176 : vector<8x1024xf32>
      %add3A_2178 = arith.addf %add3A_2169, %exp23A_2177 : vector<8x1024xf32>
      %get3A_2179 = arith.constant 1168 : index
      %get3A_2180 = arith.constant 0 : index
      %get3A_2181 = vector.load %arg1[%get3A_2179, %get3A_2180] : memref<2048x1024xf32, #tpu.memory_space<vmem>>, vector<8x1024xf32>
      %sub3A_2182 = arith.subf %get3A_2181, %max3A_859 : vector<8x1024xf32>
      %mul3A_2183 = arith.constant 43.2808495 : f32
      %mul3A_2184 = vector.broadcast %mul3A_2183 : f32 to vector<8x1024xf32>
      %mul3A_2185 = arith.mulf %mul3A_2184, %sub3A_2182 : vector<8x1024xf32>
      %exp23A_2186 = math.exp2 %mul3A_2185 : vector<8x1024xf32>
      %add3A_2187 = arith.addf %add3A_2178, %exp23A_2186 : vector<8x1024xf32>
      %get3A_2188 = arith.constant 1176 : index
      %get3A_2189 = arith.constant 0 : index
      %get3A_2190 = vector.load %arg1[%get3A_2188, %get3A_2189] : memref<2048x1024xf32, #tpu.memory_space<vmem>>, vector<8x1024xf32>
      %sub3A_2191 = arith.subf %get3A_2190, %max3A_859 : vector<8x1024xf32>
      %mul3A_2192 = arith.constant 43.2808495 : f32
      %mul3A_2193 = vector.broadcast %mul3A_2192 : f32 to vector<8x1024xf32>
      %mul3A_2194 = arith.mulf %mul3A_2193, %sub3A_2191 : vector<8x1024xf32>
      %exp23A_2195 = math.exp2 %mul3A_2194 : vector<8x1024xf32>
      %add3A_2196 = arith.addf %add3A_2187, %exp23A_2195 : vector<8x1024xf32>
      %get3A_2197 = arith.constant 1184 : index
      %get3A_2198 = arith.constant 0 : index
      %get3A_2199 = vector.load %arg1[%get3A_2197, %get3A_2198] : memref<2048x1024xf32, #tpu.memory_space<vmem>>, vector<8x1024xf32>
      %sub3A_2200 = arith.subf %get3A_2199, %max3A_859 : vector<8x1024xf32>
      %mul3A_2201 = arith.constant 43.2808495 : f32
      %mul3A_2202 = vector.broadcast %mul3A_2201 : f32 to vector<8x1024xf32>
      %mul3A_2203 = arith.mulf %mul3A_2202, %sub3A_2200 : vector<8x1024xf32>
      %exp23A_2204 = math.exp2 %mul3A_2203 : vector<8x1024xf32>
      %add3A_2205 = arith.addf %add3A_2196, %exp23A_2204 : vector<8x1024xf32>
      %get3A_2206 = arith.constant 1192 : index
      %get3A_2207 = arith.constant 0 : index
      %get3A_2208 = vector.load %arg1[%get3A_2206, %get3A_2207] : memref<2048x1024xf32, #tpu.memory_space<vmem>>, vector<8x1024xf32>
      %sub3A_2209 = arith.subf %get3A_2208, %max3A_859 : vector<8x1024xf32>
      %mul3A_2210 = arith.constant 43.2808495 : f32
      %mul3A_2211 = vector.broadcast %mul3A_2210 : f32 to vector<8x1024xf32>
      %mul3A_2212 = arith.mulf %mul3A_2211, %sub3A_2209 : vector<8x1024xf32>
      %exp23A_2213 = math.exp2 %mul3A_2212 : vector<8x1024xf32>
      %add3A_2214 = arith.addf %add3A_2205, %exp23A_2213 : vector<8x1024xf32>
      %get3A_2215 = arith.constant 1200 : index
      %get3A_2216 = arith.constant 0 : index
      %get3A_2217 = vector.load %arg1[%get3A_2215, %get3A_2216] : memref<2048x1024xf32, #tpu.memory_space<vmem>>, vector<8x1024xf32>
      %sub3A_2218 = arith.subf %get3A_2217, %max3A_859 : vector<8x1024xf32>
      %mul3A_2219 = arith.constant 43.2808495 : f32
      %mul3A_2220 = vector.broadcast %mul3A_2219 : f32 to vector<8x1024xf32>
      %mul3A_2221 = arith.mulf %mul3A_2220, %sub3A_2218 : vector<8x1024xf32>
      %exp23A_2222 = math.exp2 %mul3A_2221 : vector<8x1024xf32>
      %add3A_2223 = arith.addf %add3A_2214, %exp23A_2222 : vector<8x1024xf32>
      %get3A_2224 = arith.constant 1208 : index
      %get3A_2225 = arith.constant 0 : index
      %get3A_2226 = vector.load %arg1[%get3A_2224, %get3A_2225] : memref<2048x1024xf32, #tpu.memory_space<vmem>>, vector<8x1024xf32>
      %sub3A_2227 = arith.subf %get3A_2226, %max3A_859 : vector<8x1024xf32>
      %mul3A_2228 = arith.constant 43.2808495 : f32
      %mul3A_2229 = vector.broadcast %mul3A_2228 : f32 to vector<8x1024xf32>
      %mul3A_2230 = arith.mulf %mul3A_2229, %sub3A_2227 : vector<8x1024xf32>
      %exp23A_2231 = math.exp2 %mul3A_2230 : vector<8x1024xf32>
      %add3A_2232 = arith.addf %add3A_2223, %exp23A_2231 : vector<8x1024xf32>
      %get3A_2233 = arith.constant 1216 : index
      %get3A_2234 = arith.constant 0 : index
      %get3A_2235 = vector.load %arg1[%get3A_2233, %get3A_2234] : memref<2048x1024xf32, #tpu.memory_space<vmem>>, vector<8x1024xf32>
      %sub3A_2236 = arith.subf %get3A_2235, %max3A_859 : vector<8x1024xf32>
      %mul3A_2237 = arith.constant 43.2808495 : f32
      %mul3A_2238 = vector.broadcast %mul3A_2237 : f32 to vector<8x1024xf32>
      %mul3A_2239 = arith.mulf %mul3A_2238, %sub3A_2236 : vector<8x1024xf32>
      %exp23A_2240 = math.exp2 %mul3A_2239 : vector<8x1024xf32>
      %add3A_2241 = arith.addf %add3A_2232, %exp23A_2240 : vector<8x1024xf32>
      %get3A_2242 = arith.constant 1224 : index
      %get3A_2243 = arith.constant 0 : index
      %get3A_2244 = vector.load %arg1[%get3A_2242, %get3A_2243] : memref<2048x1024xf32, #tpu.memory_space<vmem>>, vector<8x1024xf32>
      %sub3A_2245 = arith.subf %get3A_2244, %max3A_859 : vector<8x1024xf32>
      %mul3A_2246 = arith.constant 43.2808495 : f32
      %mul3A_2247 = vector.broadcast %mul3A_2246 : f32 to vector<8x1024xf32>
      %mul3A_2248 = arith.mulf %mul3A_2247, %sub3A_2245 : vector<8x1024xf32>
      %exp23A_2249 = math.exp2 %mul3A_2248 : vector<8x1024xf32>
      %add3A_2250 = arith.addf %add3A_2241, %exp23A_2249 : vector<8x1024xf32>
      %get3A_2251 = arith.constant 1232 : index
      %get3A_2252 = arith.constant 0 : index
      %get3A_2253 = vector.load %arg1[%get3A_2251, %get3A_2252] : memref<2048x1024xf32, #tpu.memory_space<vmem>>, vector<8x1024xf32>
      %sub3A_2254 = arith.subf %get3A_2253, %max3A_859 : vector<8x1024xf32>
      %mul3A_2255 = arith.constant 43.2808495 : f32
      %mul3A_2256 = vector.broadcast %mul3A_2255 : f32 to vector<8x1024xf32>
      %mul3A_2257 = arith.mulf %mul3A_2256, %sub3A_2254 : vector<8x1024xf32>
      %exp23A_2258 = math.exp2 %mul3A_2257 : vector<8x1024xf32>
      %add3A_2259 = arith.addf %add3A_2250, %exp23A_2258 : vector<8x1024xf32>
      %get3A_2260 = arith.constant 1240 : index
      %get3A_2261 = arith.constant 0 : index
      %get3A_2262 = vector.load %arg1[%get3A_2260, %get3A_2261] : memref<2048x1024xf32, #tpu.memory_space<vmem>>, vector<8x1024xf32>
      %sub3A_2263 = arith.subf %get3A_2262, %max3A_859 : vector<8x1024xf32>
      %mul3A_2264 = arith.constant 43.2808495 : f32
      %mul3A_2265 = vector.broadcast %mul3A_2264 : f32 to vector<8x1024xf32>
      %mul3A_2266 = arith.mulf %mul3A_2265, %sub3A_2263 : vector<8x1024xf32>
      %exp23A_2267 = math.exp2 %mul3A_2266 : vector<8x1024xf32>
      %add3A_2268 = arith.addf %add3A_2259, %exp23A_2267 : vector<8x1024xf32>
      %get3A_2269 = arith.constant 1248 : index
      %get3A_2270 = arith.constant 0 : index
      %get3A_2271 = vector.load %arg1[%get3A_2269, %get3A_2270] : memref<2048x1024xf32, #tpu.memory_space<vmem>>, vector<8x1024xf32>
      %sub3A_2272 = arith.subf %get3A_2271, %max3A_859 : vector<8x1024xf32>
      %mul3A_2273 = arith.constant 43.2808495 : f32
      %mul3A_2274 = vector.broadcast %mul3A_2273 : f32 to vector<8x1024xf32>
      %mul3A_2275 = arith.mulf %mul3A_2274, %sub3A_2272 : vector<8x1024xf32>
      %exp23A_2276 = math.exp2 %mul3A_2275 : vector<8x1024xf32>
      %add3A_2277 = arith.addf %add3A_2268, %exp23A_2276 : vector<8x1024xf32>
      %get3A_2278 = arith.constant 1256 : index
      %get3A_2279 = arith.constant 0 : index
      %get3A_2280 = vector.load %arg1[%get3A_2278, %get3A_2279] : memref<2048x1024xf32, #tpu.memory_space<vmem>>, vector<8x1024xf32>
      %sub3A_2281 = arith.subf %get3A_2280, %max3A_859 : vector<8x1024xf32>
      %mul3A_2282 = arith.constant 43.2808495 : f32
      %mul3A_2283 = vector.broadcast %mul3A_2282 : f32 to vector<8x1024xf32>
      %mul3A_2284 = arith.mulf %mul3A_2283, %sub3A_2281 : vector<8x1024xf32>
      %exp23A_2285 = math.exp2 %mul3A_2284 : vector<8x1024xf32>
      %add3A_2286 = arith.addf %add3A_2277, %exp23A_2285 : vector<8x1024xf32>
      %get3A_2287 = arith.constant 1264 : index
      %get3A_2288 = arith.constant 0 : index
      %get3A_2289 = vector.load %arg1[%get3A_2287, %get3A_2288] : memref<2048x1024xf32, #tpu.memory_space<vmem>>, vector<8x1024xf32>
      %sub3A_2290 = arith.subf %get3A_2289, %max3A_859 : vector<8x1024xf32>
      %mul3A_2291 = arith.constant 43.2808495 : f32
      %mul3A_2292 = vector.broadcast %mul3A_2291 : f32 to vector<8x1024xf32>
      %mul3A_2293 = arith.mulf %mul3A_2292, %sub3A_2290 : vector<8x1024xf32>
      %exp23A_2294 = math.exp2 %mul3A_2293 : vector<8x1024xf32>
      %add3A_2295 = arith.addf %add3A_2286, %exp23A_2294 : vector<8x1024xf32>
      %get3A_2296 = arith.constant 1272 : index
      %get3A_2297 = arith.constant 0 : index
      %get3A_2298 = vector.load %arg1[%get3A_2296, %get3A_2297] : memref<2048x1024xf32, #tpu.memory_space<vmem>>, vector<8x1024xf32>
      %sub3A_2299 = arith.subf %get3A_2298, %max3A_859 : vector<8x1024xf32>
      %mul3A_2300 = arith.constant 43.2808495 : f32
      %mul3A_2301 = vector.broadcast %mul3A_2300 : f32 to vector<8x1024xf32>
      %mul3A_2302 = arith.mulf %mul3A_2301, %sub3A_2299 : vector<8x1024xf32>
      %exp23A_2303 = math.exp2 %mul3A_2302 : vector<8x1024xf32>
      %add3A_2304 = arith.addf %add3A_2295, %exp23A_2303 : vector<8x1024xf32>
      %get3A_2305 = arith.constant 1280 : index
      %get3A_2306 = arith.constant 0 : index
      %get3A_2307 = vector.load %arg1[%get3A_2305, %get3A_2306] : memref<2048x1024xf32, #tpu.memory_space<vmem>>, vector<8x1024xf32>
      %sub3A_2308 = arith.subf %get3A_2307, %max3A_859 : vector<8x1024xf32>
      %mul3A_2309 = arith.constant 43.2808495 : f32
      %mul3A_2310 = vector.broadcast %mul3A_2309 : f32 to vector<8x1024xf32>
      %mul3A_2311 = arith.mulf %mul3A_2310, %sub3A_2308 : vector<8x1024xf32>
      %exp23A_2312 = math.exp2 %mul3A_2311 : vector<8x1024xf32>
      %add3A_2313 = arith.addf %add3A_2304, %exp23A_2312 : vector<8x1024xf32>
      %get3A_2314 = arith.constant 1288 : index
      %get3A_2315 = arith.constant 0 : index
      %get3A_2316 = vector.load %arg1[%get3A_2314, %get3A_2315] : memref<2048x1024xf32, #tpu.memory_space<vmem>>, vector<8x1024xf32>
      %sub3A_2317 = arith.subf %get3A_2316, %max3A_859 : vector<8x1024xf32>
      %mul3A_2318 = arith.constant 43.2808495 : f32
      %mul3A_2319 = vector.broadcast %mul3A_2318 : f32 to vector<8x1024xf32>
      %mul3A_2320 = arith.mulf %mul3A_2319, %sub3A_2317 : vector<8x1024xf32>
      %exp23A_2321 = math.exp2 %mul3A_2320 : vector<8x1024xf32>
      %add3A_2322 = arith.addf %add3A_2313, %exp23A_2321 : vector<8x1024xf32>
      %get3A_2323 = arith.constant 1296 : index
      %get3A_2324 = arith.constant 0 : index
      %get3A_2325 = vector.load %arg1[%get3A_2323, %get3A_2324] : memref<2048x1024xf32, #tpu.memory_space<vmem>>, vector<8x1024xf32>
      %sub3A_2326 = arith.subf %get3A_2325, %max3A_859 : vector<8x1024xf32>
      %mul3A_2327 = arith.constant 43.2808495 : f32
      %mul3A_2328 = vector.broadcast %mul3A_2327 : f32 to vector<8x1024xf32>
      %mul3A_2329 = arith.mulf %mul3A_2328, %sub3A_2326 : vector<8x1024xf32>
      %exp23A_2330 = math.exp2 %mul3A_2329 : vector<8x1024xf32>
      %add3A_2331 = arith.addf %add3A_2322, %exp23A_2330 : vector<8x1024xf32>
      %get3A_2332 = arith.constant 1304 : index
      %get3A_2333 = arith.constant 0 : index
      %get3A_2334 = vector.load %arg1[%get3A_2332, %get3A_2333] : memref<2048x1024xf32, #tpu.memory_space<vmem>>, vector<8x1024xf32>
      %sub3A_2335 = arith.subf %get3A_2334, %max3A_859 : vector<8x1024xf32>
      %mul3A_2336 = arith.constant 43.2808495 : f32
      %mul3A_2337 = vector.broadcast %mul3A_2336 : f32 to vector<8x1024xf32>
      %mul3A_2338 = arith.mulf %mul3A_2337, %sub3A_2335 : vector<8x1024xf32>
      %exp23A_2339 = math.exp2 %mul3A_2338 : vector<8x1024xf32>
      %add3A_2340 = arith.addf %add3A_2331, %exp23A_2339 : vector<8x1024xf32>
      %get3A_2341 = arith.constant 1312 : index
      %get3A_2342 = arith.constant 0 : index
      %get3A_2343 = vector.load %arg1[%get3A_2341, %get3A_2342] : memref<2048x1024xf32, #tpu.memory_space<vmem>>, vector<8x1024xf32>
      %sub3A_2344 = arith.subf %get3A_2343, %max3A_859 : vector<8x1024xf32>
      %mul3A_2345 = arith.constant 43.2808495 : f32
      %mul3A_2346 = vector.broadcast %mul3A_2345 : f32 to vector<8x1024xf32>
      %mul3A_2347 = arith.mulf %mul3A_2346, %sub3A_2344 : vector<8x1024xf32>
      %exp23A_2348 = math.exp2 %mul3A_2347 : vector<8x1024xf32>
      %add3A_2349 = arith.addf %add3A_2340, %exp23A_2348 : vector<8x1024xf32>
      %get3A_2350 = arith.constant 1320 : index
      %get3A_2351 = arith.constant 0 : index
      %get3A_2352 = vector.load %arg1[%get3A_2350, %get3A_2351] : memref<2048x1024xf32, #tpu.memory_space<vmem>>, vector<8x1024xf32>
      %sub3A_2353 = arith.subf %get3A_2352, %max3A_859 : vector<8x1024xf32>
      %mul3A_2354 = arith.constant 43.2808495 : f32
      %mul3A_2355 = vector.broadcast %mul3A_2354 : f32 to vector<8x1024xf32>
      %mul3A_2356 = arith.mulf %mul3A_2355, %sub3A_2353 : vector<8x1024xf32>
      %exp23A_2357 = math.exp2 %mul3A_2356 : vector<8x1024xf32>
      %add3A_2358 = arith.addf %add3A_2349, %exp23A_2357 : vector<8x1024xf32>
      %get3A_2359 = arith.constant 1328 : index
      %get3A_2360 = arith.constant 0 : index
      %get3A_2361 = vector.load %arg1[%get3A_2359, %get3A_2360] : memref<2048x1024xf32, #tpu.memory_space<vmem>>, vector<8x1024xf32>
      %sub3A_2362 = arith.subf %get3A_2361, %max3A_859 : vector<8x1024xf32>
      %mul3A_2363 = arith.constant 43.2808495 : f32
      %mul3A_2364 = vector.broadcast %mul3A_2363 : f32 to vector<8x1024xf32>
      %mul3A_2365 = arith.mulf %mul3A_2364, %sub3A_2362 : vector<8x1024xf32>
      %exp23A_2366 = math.exp2 %mul3A_2365 : vector<8x1024xf32>
      %add3A_2367 = arith.addf %add3A_2358, %exp23A_2366 : vector<8x1024xf32>
      %get3A_2368 = arith.constant 1336 : index
      %get3A_2369 = arith.constant 0 : index
      %get3A_2370 = vector.load %arg1[%get3A_2368, %get3A_2369] : memref<2048x1024xf32, #tpu.memory_space<vmem>>, vector<8x1024xf32>
      %sub3A_2371 = arith.subf %get3A_2370, %max3A_859 : vector<8x1024xf32>
      %mul3A_2372 = arith.constant 43.2808495 : f32
      %mul3A_2373 = vector.broadcast %mul3A_2372 : f32 to vector<8x1024xf32>
      %mul3A_2374 = arith.mulf %mul3A_2373, %sub3A_2371 : vector<8x1024xf32>
      %exp23A_2375 = math.exp2 %mul3A_2374 : vector<8x1024xf32>
      %add3A_2376 = arith.addf %add3A_2367, %exp23A_2375 : vector<8x1024xf32>
      %get3A_2377 = arith.constant 1344 : index
      %get3A_2378 = arith.constant 0 : index
      %get3A_2379 = vector.load %arg1[%get3A_2377, %get3A_2378] : memref<2048x1024xf32, #tpu.memory_space<vmem>>, vector<8x1024xf32>
      %sub3A_2380 = arith.subf %get3A_2379, %max3A_859 : vector<8x1024xf32>
      %mul3A_2381 = arith.constant 43.2808495 : f32
      %mul3A_2382 = vector.broadcast %mul3A_2381 : f32 to vector<8x1024xf32>
      %mul3A_2383 = arith.mulf %mul3A_2382, %sub3A_2380 : vector<8x1024xf32>
      %exp23A_2384 = math.exp2 %mul3A_2383 : vector<8x1024xf32>
      %add3A_2385 = arith.addf %add3A_2376, %exp23A_2384 : vector<8x1024xf32>
      %get3A_2386 = arith.constant 1352 : index
      %get3A_2387 = arith.constant 0 : index
      %get3A_2388 = vector.load %arg1[%get3A_2386, %get3A_2387] : memref<2048x1024xf32, #tpu.memory_space<vmem>>, vector<8x1024xf32>
      %sub3A_2389 = arith.subf %get3A_2388, %max3A_859 : vector<8x1024xf32>
      %mul3A_2390 = arith.constant 43.2808495 : f32
      %mul3A_2391 = vector.broadcast %mul3A_2390 : f32 to vector<8x1024xf32>
      %mul3A_2392 = arith.mulf %mul3A_2391, %sub3A_2389 : vector<8x1024xf32>
      %exp23A_2393 = math.exp2 %mul3A_2392 : vector<8x1024xf32>
      %add3A_2394 = arith.addf %add3A_2385, %exp23A_2393 : vector<8x1024xf32>
      %get3A_2395 = arith.constant 1360 : index
      %get3A_2396 = arith.constant 0 : index
      %get3A_2397 = vector.load %arg1[%get3A_2395, %get3A_2396] : memref<2048x1024xf32, #tpu.memory_space<vmem>>, vector<8x1024xf32>
      %sub3A_2398 = arith.subf %get3A_2397, %max3A_859 : vector<8x1024xf32>
      %mul3A_2399 = arith.constant 43.2808495 : f32
      %mul3A_2400 = vector.broadcast %mul3A_2399 : f32 to vector<8x1024xf32>
      %mul3A_2401 = arith.mulf %mul3A_2400, %sub3A_2398 : vector<8x1024xf32>
      %exp23A_2402 = math.exp2 %mul3A_2401 : vector<8x1024xf32>
      %add3A_2403 = arith.addf %add3A_2394, %exp23A_2402 : vector<8x1024xf32>
      %get3A_2404 = arith.constant 1368 : index
      %get3A_2405 = arith.constant 0 : index
      %get3A_2406 = vector.load %arg1[%get3A_2404, %get3A_2405] : memref<2048x1024xf32, #tpu.memory_space<vmem>>, vector<8x1024xf32>
      %sub3A_2407 = arith.subf %get3A_2406, %max3A_859 : vector<8x1024xf32>
      %mul3A_2408 = arith.constant 43.2808495 : f32
      %mul3A_2409 = vector.broadcast %mul3A_2408 : f32 to vector<8x1024xf32>
      %mul3A_2410 = arith.mulf %mul3A_2409, %sub3A_2407 : vector<8x1024xf32>
      %exp23A_2411 = math.exp2 %mul3A_2410 : vector<8x1024xf32>
      %add3A_2412 = arith.addf %add3A_2403, %exp23A_2411 : vector<8x1024xf32>
      %get3A_2413 = arith.constant 1376 : index
      %get3A_2414 = arith.constant 0 : index
      %get3A_2415 = vector.load %arg1[%get3A_2413, %get3A_2414] : memref<2048x1024xf32, #tpu.memory_space<vmem>>, vector<8x1024xf32>
      %sub3A_2416 = arith.subf %get3A_2415, %max3A_859 : vector<8x1024xf32>
      %mul3A_2417 = arith.constant 43.2808495 : f32
      %mul3A_2418 = vector.broadcast %mul3A_2417 : f32 to vector<8x1024xf32>
      %mul3A_2419 = arith.mulf %mul3A_2418, %sub3A_2416 : vector<8x1024xf32>
      %exp23A_2420 = math.exp2 %mul3A_2419 : vector<8x1024xf32>
      %add3A_2421 = arith.addf %add3A_2412, %exp23A_2420 : vector<8x1024xf32>
      %get3A_2422 = arith.constant 1384 : index
      %get3A_2423 = arith.constant 0 : index
      %get3A_2424 = vector.load %arg1[%get3A_2422, %get3A_2423] : memref<2048x1024xf32, #tpu.memory_space<vmem>>, vector<8x1024xf32>
      %sub3A_2425 = arith.subf %get3A_2424, %max3A_859 : vector<8x1024xf32>
      %mul3A_2426 = arith.constant 43.2808495 : f32
      %mul3A_2427 = vector.broadcast %mul3A_2426 : f32 to vector<8x1024xf32>
      %mul3A_2428 = arith.mulf %mul3A_2427, %sub3A_2425 : vector<8x1024xf32>
      %exp23A_2429 = math.exp2 %mul3A_2428 : vector<8x1024xf32>
      %add3A_2430 = arith.addf %add3A_2421, %exp23A_2429 : vector<8x1024xf32>
      %get3A_2431 = arith.constant 1392 : index
      %get3A_2432 = arith.constant 0 : index
      %get3A_2433 = vector.load %arg1[%get3A_2431, %get3A_2432] : memref<2048x1024xf32, #tpu.memory_space<vmem>>, vector<8x1024xf32>
      %sub3A_2434 = arith.subf %get3A_2433, %max3A_859 : vector<8x1024xf32>
      %mul3A_2435 = arith.constant 43.2808495 : f32
      %mul3A_2436 = vector.broadcast %mul3A_2435 : f32 to vector<8x1024xf32>
      %mul3A_2437 = arith.mulf %mul3A_2436, %sub3A_2434 : vector<8x1024xf32>
      %exp23A_2438 = math.exp2 %mul3A_2437 : vector<8x1024xf32>
      %add3A_2439 = arith.addf %add3A_2430, %exp23A_2438 : vector<8x1024xf32>
      %get3A_2440 = arith.constant 1400 : index
      %get3A_2441 = arith.constant 0 : index
      %get3A_2442 = vector.load %arg1[%get3A_2440, %get3A_2441] : memref<2048x1024xf32, #tpu.memory_space<vmem>>, vector<8x1024xf32>
      %sub3A_2443 = arith.subf %get3A_2442, %max3A_859 : vector<8x1024xf32>
      %mul3A_2444 = arith.constant 43.2808495 : f32
      %mul3A_2445 = vector.broadcast %mul3A_2444 : f32 to vector<8x1024xf32>
      %mul3A_2446 = arith.mulf %mul3A_2445, %sub3A_2443 : vector<8x1024xf32>
      %exp23A_2447 = math.exp2 %mul3A_2446 : vector<8x1024xf32>
      %add3A_2448 = arith.addf %add3A_2439, %exp23A_2447 : vector<8x1024xf32>
      %get3A_2449 = arith.constant 1408 : index
      %get3A_2450 = arith.constant 0 : index
      %get3A_2451 = vector.load %arg1[%get3A_2449, %get3A_2450] : memref<2048x1024xf32, #tpu.memory_space<vmem>>, vector<8x1024xf32>
      %sub3A_2452 = arith.subf %get3A_2451, %max3A_859 : vector<8x1024xf32>
      %mul3A_2453 = arith.constant 43.2808495 : f32
      %mul3A_2454 = vector.broadcast %mul3A_2453 : f32 to vector<8x1024xf32>
      %mul3A_2455 = arith.mulf %mul3A_2454, %sub3A_2452 : vector<8x1024xf32>
      %exp23A_2456 = math.exp2 %mul3A_2455 : vector<8x1024xf32>
      %add3A_2457 = arith.addf %add3A_2448, %exp23A_2456 : vector<8x1024xf32>
      %get3A_2458 = arith.constant 1416 : index
      %get3A_2459 = arith.constant 0 : index
      %get3A_2460 = vector.load %arg1[%get3A_2458, %get3A_2459] : memref<2048x1024xf32, #tpu.memory_space<vmem>>, vector<8x1024xf32>
      %sub3A_2461 = arith.subf %get3A_2460, %max3A_859 : vector<8x1024xf32>
      %mul3A_2462 = arith.constant 43.2808495 : f32
      %mul3A_2463 = vector.broadcast %mul3A_2462 : f32 to vector<8x1024xf32>
      %mul3A_2464 = arith.mulf %mul3A_2463, %sub3A_2461 : vector<8x1024xf32>
      %exp23A_2465 = math.exp2 %mul3A_2464 : vector<8x1024xf32>
      %add3A_2466 = arith.addf %add3A_2457, %exp23A_2465 : vector<8x1024xf32>
      %get3A_2467 = arith.constant 1424 : index
      %get3A_2468 = arith.constant 0 : index
      %get3A_2469 = vector.load %arg1[%get3A_2467, %get3A_2468] : memref<2048x1024xf32, #tpu.memory_space<vmem>>, vector<8x1024xf32>
      %sub3A_2470 = arith.subf %get3A_2469, %max3A_859 : vector<8x1024xf32>
      %mul3A_2471 = arith.constant 43.2808495 : f32
      %mul3A_2472 = vector.broadcast %mul3A_2471 : f32 to vector<8x1024xf32>
      %mul3A_2473 = arith.mulf %mul3A_2472, %sub3A_2470 : vector<8x1024xf32>
      %exp23A_2474 = math.exp2 %mul3A_2473 : vector<8x1024xf32>
      %add3A_2475 = arith.addf %add3A_2466, %exp23A_2474 : vector<8x1024xf32>
      %get3A_2476 = arith.constant 1432 : index
      %get3A_2477 = arith.constant 0 : index
      %get3A_2478 = vector.load %arg1[%get3A_2476, %get3A_2477] : memref<2048x1024xf32, #tpu.memory_space<vmem>>, vector<8x1024xf32>
      %sub3A_2479 = arith.subf %get3A_2478, %max3A_859 : vector<8x1024xf32>
      %mul3A_2480 = arith.constant 43.2808495 : f32
      %mul3A_2481 = vector.broadcast %mul3A_2480 : f32 to vector<8x1024xf32>
      %mul3A_2482 = arith.mulf %mul3A_2481, %sub3A_2479 : vector<8x1024xf32>
      %exp23A_2483 = math.exp2 %mul3A_2482 : vector<8x1024xf32>
      %add3A_2484 = arith.addf %add3A_2475, %exp23A_2483 : vector<8x1024xf32>
      %get3A_2485 = arith.constant 1440 : index
      %get3A_2486 = arith.constant 0 : index
      %get3A_2487 = vector.load %arg1[%get3A_2485, %get3A_2486] : memref<2048x1024xf32, #tpu.memory_space<vmem>>, vector<8x1024xf32>
      %sub3A_2488 = arith.subf %get3A_2487, %max3A_859 : vector<8x1024xf32>
      %mul3A_2489 = arith.constant 43.2808495 : f32
      %mul3A_2490 = vector.broadcast %mul3A_2489 : f32 to vector<8x1024xf32>
      %mul3A_2491 = arith.mulf %mul3A_2490, %sub3A_2488 : vector<8x1024xf32>
      %exp23A_2492 = math.exp2 %mul3A_2491 : vector<8x1024xf32>
      %add3A_2493 = arith.addf %add3A_2484, %exp23A_2492 : vector<8x1024xf32>
      %get3A_2494 = arith.constant 1448 : index
      %get3A_2495 = arith.constant 0 : index
      %get3A_2496 = vector.load %arg1[%get3A_2494, %get3A_2495] : memref<2048x1024xf32, #tpu.memory_space<vmem>>, vector<8x1024xf32>
      %sub3A_2497 = arith.subf %get3A_2496, %max3A_859 : vector<8x1024xf32>
      %mul3A_2498 = arith.constant 43.2808495 : f32
      %mul3A_2499 = vector.broadcast %mul3A_2498 : f32 to vector<8x1024xf32>
      %mul3A_2500 = arith.mulf %mul3A_2499, %sub3A_2497 : vector<8x1024xf32>
      %exp23A_2501 = math.exp2 %mul3A_2500 : vector<8x1024xf32>
      %add3A_2502 = arith.addf %add3A_2493, %exp23A_2501 : vector<8x1024xf32>
      %get3A_2503 = arith.constant 1456 : index
      %get3A_2504 = arith.constant 0 : index
      %get3A_2505 = vector.load %arg1[%get3A_2503, %get3A_2504] : memref<2048x1024xf32, #tpu.memory_space<vmem>>, vector<8x1024xf32>
      %sub3A_2506 = arith.subf %get3A_2505, %max3A_859 : vector<8x1024xf32>
      %mul3A_2507 = arith.constant 43.2808495 : f32
      %mul3A_2508 = vector.broadcast %mul3A_2507 : f32 to vector<8x1024xf32>
      %mul3A_2509 = arith.mulf %mul3A_2508, %sub3A_2506 : vector<8x1024xf32>
      %exp23A_2510 = math.exp2 %mul3A_2509 : vector<8x1024xf32>
      %add3A_2511 = arith.addf %add3A_2502, %exp23A_2510 : vector<8x1024xf32>
      %get3A_2512 = arith.constant 1464 : index
      %get3A_2513 = arith.constant 0 : index
      %get3A_2514 = vector.load %arg1[%get3A_2512, %get3A_2513] : memref<2048x1024xf32, #tpu.memory_space<vmem>>, vector<8x1024xf32>
      %sub3A_2515 = arith.subf %get3A_2514, %max3A_859 : vector<8x1024xf32>
      %mul3A_2516 = arith.constant 43.2808495 : f32
      %mul3A_2517 = vector.broadcast %mul3A_2516 : f32 to vector<8x1024xf32>
      %mul3A_2518 = arith.mulf %mul3A_2517, %sub3A_2515 : vector<8x1024xf32>
      %exp23A_2519 = math.exp2 %mul3A_2518 : vector<8x1024xf32>
      %add3A_2520 = arith.addf %add3A_2511, %exp23A_2519 : vector<8x1024xf32>
      %get3A_2521 = arith.constant 1472 : index
      %get3A_2522 = arith.constant 0 : index
      %get3A_2523 = vector.load %arg1[%get3A_2521, %get3A_2522] : memref<2048x1024xf32, #tpu.memory_space<vmem>>, vector<8x1024xf32>
      %sub3A_2524 = arith.subf %get3A_2523, %max3A_859 : vector<8x1024xf32>
      %mul3A_2525 = arith.constant 43.2808495 : f32
      %mul3A_2526 = vector.broadcast %mul3A_2525 : f32 to vector<8x1024xf32>
      %mul3A_2527 = arith.mulf %mul3A_2526, %sub3A_2524 : vector<8x1024xf32>
      %exp23A_2528 = math.exp2 %mul3A_2527 : vector<8x1024xf32>
      %add3A_2529 = arith.addf %add3A_2520, %exp23A_2528 : vector<8x1024xf32>
      %get3A_2530 = arith.constant 1480 : index
      %get3A_2531 = arith.constant 0 : index
      %get3A_2532 = vector.load %arg1[%get3A_2530, %get3A_2531] : memref<2048x1024xf32, #tpu.memory_space<vmem>>, vector<8x1024xf32>
      %sub3A_2533 = arith.subf %get3A_2532, %max3A_859 : vector<8x1024xf32>
      %mul3A_2534 = arith.constant 43.2808495 : f32
      %mul3A_2535 = vector.broadcast %mul3A_2534 : f32 to vector<8x1024xf32>
      %mul3A_2536 = arith.mulf %mul3A_2535, %sub3A_2533 : vector<8x1024xf32>
      %exp23A_2537 = math.exp2 %mul3A_2536 : vector<8x1024xf32>
      %add3A_2538 = arith.addf %add3A_2529, %exp23A_2537 : vector<8x1024xf32>
      %get3A_2539 = arith.constant 1488 : index
      %get3A_2540 = arith.constant 0 : index
      %get3A_2541 = vector.load %arg1[%get3A_2539, %get3A_2540] : memref<2048x1024xf32, #tpu.memory_space<vmem>>, vector<8x1024xf32>
      %sub3A_2542 = arith.subf %get3A_2541, %max3A_859 : vector<8x1024xf32>
      %mul3A_2543 = arith.constant 43.2808495 : f32
      %mul3A_2544 = vector.broadcast %mul3A_2543 : f32 to vector<8x1024xf32>
      %mul3A_2545 = arith.mulf %mul3A_2544, %sub3A_2542 : vector<8x1024xf32>
      %exp23A_2546 = math.exp2 %mul3A_2545 : vector<8x1024xf32>
      %add3A_2547 = arith.addf %add3A_2538, %exp23A_2546 : vector<8x1024xf32>
      %get3A_2548 = arith.constant 1496 : index
      %get3A_2549 = arith.constant 0 : index
      %get3A_2550 = vector.load %arg1[%get3A_2548, %get3A_2549] : memref<2048x1024xf32, #tpu.memory_space<vmem>>, vector<8x1024xf32>
      %sub3A_2551 = arith.subf %get3A_2550, %max3A_859 : vector<8x1024xf32>
      %mul3A_2552 = arith.constant 43.2808495 : f32
      %mul3A_2553 = vector.broadcast %mul3A_2552 : f32 to vector<8x1024xf32>
      %mul3A_2554 = arith.mulf %mul3A_2553, %sub3A_2551 : vector<8x1024xf32>
      %exp23A_2555 = math.exp2 %mul3A_2554 : vector<8x1024xf32>
      %add3A_2556 = arith.addf %add3A_2547, %exp23A_2555 : vector<8x1024xf32>
      %get3A_2557 = arith.constant 1504 : index
      %get3A_2558 = arith.constant 0 : index
      %get3A_2559 = vector.load %arg1[%get3A_2557, %get3A_2558] : memref<2048x1024xf32, #tpu.memory_space<vmem>>, vector<8x1024xf32>
      %sub3A_2560 = arith.subf %get3A_2559, %max3A_859 : vector<8x1024xf32>
      %mul3A_2561 = arith.constant 43.2808495 : f32
      %mul3A_2562 = vector.broadcast %mul3A_2561 : f32 to vector<8x1024xf32>
      %mul3A_2563 = arith.mulf %mul3A_2562, %sub3A_2560 : vector<8x1024xf32>
      %exp23A_2564 = math.exp2 %mul3A_2563 : vector<8x1024xf32>
      %add3A_2565 = arith.addf %add3A_2556, %exp23A_2564 : vector<8x1024xf32>
      %get3A_2566 = arith.constant 1512 : index
      %get3A_2567 = arith.constant 0 : index
      %get3A_2568 = vector.load %arg1[%get3A_2566, %get3A_2567] : memref<2048x1024xf32, #tpu.memory_space<vmem>>, vector<8x1024xf32>
      %sub3A_2569 = arith.subf %get3A_2568, %max3A_859 : vector<8x1024xf32>
      %mul3A_2570 = arith.constant 43.2808495 : f32
      %mul3A_2571 = vector.broadcast %mul3A_2570 : f32 to vector<8x1024xf32>
      %mul3A_2572 = arith.mulf %mul3A_2571, %sub3A_2569 : vector<8x1024xf32>
      %exp23A_2573 = math.exp2 %mul3A_2572 : vector<8x1024xf32>
      %add3A_2574 = arith.addf %add3A_2565, %exp23A_2573 : vector<8x1024xf32>
      %get3A_2575 = arith.constant 1520 : index
      %get3A_2576 = arith.constant 0 : index
      %get3A_2577 = vector.load %arg1[%get3A_2575, %get3A_2576] : memref<2048x1024xf32, #tpu.memory_space<vmem>>, vector<8x1024xf32>
      %sub3A_2578 = arith.subf %get3A_2577, %max3A_859 : vector<8x1024xf32>
      %mul3A_2579 = arith.constant 43.2808495 : f32
      %mul3A_2580 = vector.broadcast %mul3A_2579 : f32 to vector<8x1024xf32>
      %mul3A_2581 = arith.mulf %mul3A_2580, %sub3A_2578 : vector<8x1024xf32>
      %exp23A_2582 = math.exp2 %mul3A_2581 : vector<8x1024xf32>
      %add3A_2583 = arith.addf %add3A_2574, %exp23A_2582 : vector<8x1024xf32>
      %get3A_2584 = arith.constant 1528 : index
      %get3A_2585 = arith.constant 0 : index
      %get3A_2586 = vector.load %arg1[%get3A_2584, %get3A_2585] : memref<2048x1024xf32, #tpu.memory_space<vmem>>, vector<8x1024xf32>
      %sub3A_2587 = arith.subf %get3A_2586, %max3A_859 : vector<8x1024xf32>
      %mul3A_2588 = arith.constant 43.2808495 : f32
      %mul3A_2589 = vector.broadcast %mul3A_2588 : f32 to vector<8x1024xf32>
      %mul3A_2590 = arith.mulf %mul3A_2589, %sub3A_2587 : vector<8x1024xf32>
      %exp23A_2591 = math.exp2 %mul3A_2590 : vector<8x1024xf32>
      %add3A_2592 = arith.addf %add3A_2583, %exp23A_2591 : vector<8x1024xf32>
      %get3A_2593 = arith.constant 1536 : index
      %get3A_2594 = arith.constant 0 : index
      %get3A_2595 = vector.load %arg1[%get3A_2593, %get3A_2594] : memref<2048x1024xf32, #tpu.memory_space<vmem>>, vector<8x1024xf32>
      %sub3A_2596 = arith.subf %get3A_2595, %max3A_859 : vector<8x1024xf32>
      %mul3A_2597 = arith.constant 43.2808495 : f32
      %mul3A_2598 = vector.broadcast %mul3A_2597 : f32 to vector<8x1024xf32>
      %mul3A_2599 = arith.mulf %mul3A_2598, %sub3A_2596 : vector<8x1024xf32>
      %exp23A_2600 = math.exp2 %mul3A_2599 : vector<8x1024xf32>
      %add3A_2601 = arith.addf %add3A_2592, %exp23A_2600 : vector<8x1024xf32>
      %get3A_2602 = arith.constant 1544 : index
      %get3A_2603 = arith.constant 0 : index
      %get3A_2604 = vector.load %arg1[%get3A_2602, %get3A_2603] : memref<2048x1024xf32, #tpu.memory_space<vmem>>, vector<8x1024xf32>
      %sub3A_2605 = arith.subf %get3A_2604, %max3A_859 : vector<8x1024xf32>
      %mul3A_2606 = arith.constant 43.2808495 : f32
      %mul3A_2607 = vector.broadcast %mul3A_2606 : f32 to vector<8x1024xf32>
      %mul3A_2608 = arith.mulf %mul3A_2607, %sub3A_2605 : vector<8x1024xf32>
      %exp23A_2609 = math.exp2 %mul3A_2608 : vector<8x1024xf32>
      %add3A_2610 = arith.addf %add3A_2601, %exp23A_2609 : vector<8x1024xf32>
      %get3A_2611 = arith.constant 1552 : index
      %get3A_2612 = arith.constant 0 : index
      %get3A_2613 = vector.load %arg1[%get3A_2611, %get3A_2612] : memref<2048x1024xf32, #tpu.memory_space<vmem>>, vector<8x1024xf32>
      %sub3A_2614 = arith.subf %get3A_2613, %max3A_859 : vector<8x1024xf32>
      %mul3A_2615 = arith.constant 43.2808495 : f32
      %mul3A_2616 = vector.broadcast %mul3A_2615 : f32 to vector<8x1024xf32>
      %mul3A_2617 = arith.mulf %mul3A_2616, %sub3A_2614 : vector<8x1024xf32>
      %exp23A_2618 = math.exp2 %mul3A_2617 : vector<8x1024xf32>
      %add3A_2619 = arith.addf %add3A_2610, %exp23A_2618 : vector<8x1024xf32>
      %get3A_2620 = arith.constant 1560 : index
      %get3A_2621 = arith.constant 0 : index
      %get3A_2622 = vector.load %arg1[%get3A_2620, %get3A_2621] : memref<2048x1024xf32, #tpu.memory_space<vmem>>, vector<8x1024xf32>
      %sub3A_2623 = arith.subf %get3A_2622, %max3A_859 : vector<8x1024xf32>
      %mul3A_2624 = arith.constant 43.2808495 : f32
      %mul3A_2625 = vector.broadcast %mul3A_2624 : f32 to vector<8x1024xf32>
      %mul3A_2626 = arith.mulf %mul3A_2625, %sub3A_2623 : vector<8x1024xf32>
      %exp23A_2627 = math.exp2 %mul3A_2626 : vector<8x1024xf32>
      %add3A_2628 = arith.addf %add3A_2619, %exp23A_2627 : vector<8x1024xf32>
      %get3A_2629 = arith.constant 1568 : index
      %get3A_2630 = arith.constant 0 : index
      %get3A_2631 = vector.load %arg1[%get3A_2629, %get3A_2630] : memref<2048x1024xf32, #tpu.memory_space<vmem>>, vector<8x1024xf32>
      %sub3A_2632 = arith.subf %get3A_2631, %max3A_859 : vector<8x1024xf32>
      %mul3A_2633 = arith.constant 43.2808495 : f32
      %mul3A_2634 = vector.broadcast %mul3A_2633 : f32 to vector<8x1024xf32>
      %mul3A_2635 = arith.mulf %mul3A_2634, %sub3A_2632 : vector<8x1024xf32>
      %exp23A_2636 = math.exp2 %mul3A_2635 : vector<8x1024xf32>
      %add3A_2637 = arith.addf %add3A_2628, %exp23A_2636 : vector<8x1024xf32>
      %get3A_2638 = arith.constant 1576 : index
      %get3A_2639 = arith.constant 0 : index
      %get3A_2640 = vector.load %arg1[%get3A_2638, %get3A_2639] : memref<2048x1024xf32, #tpu.memory_space<vmem>>, vector<8x1024xf32>
      %sub3A_2641 = arith.subf %get3A_2640, %max3A_859 : vector<8x1024xf32>
      %mul3A_2642 = arith.constant 43.2808495 : f32
      %mul3A_2643 = vector.broadcast %mul3A_2642 : f32 to vector<8x1024xf32>
      %mul3A_2644 = arith.mulf %mul3A_2643, %sub3A_2641 : vector<8x1024xf32>
      %exp23A_2645 = math.exp2 %mul3A_2644 : vector<8x1024xf32>
      %add3A_2646 = arith.addf %add3A_2637, %exp23A_2645 : vector<8x1024xf32>
      %get3A_2647 = arith.constant 1584 : index
      %get3A_2648 = arith.constant 0 : index
      %get3A_2649 = vector.load %arg1[%get3A_2647, %get3A_2648] : memref<2048x1024xf32, #tpu.memory_space<vmem>>, vector<8x1024xf32>
      %sub3A_2650 = arith.subf %get3A_2649, %max3A_859 : vector<8x1024xf32>
      %mul3A_2651 = arith.constant 43.2808495 : f32
      %mul3A_2652 = vector.broadcast %mul3A_2651 : f32 to vector<8x1024xf32>
      %mul3A_2653 = arith.mulf %mul3A_2652, %sub3A_2650 : vector<8x1024xf32>
      %exp23A_2654 = math.exp2 %mul3A_2653 : vector<8x1024xf32>
      %add3A_2655 = arith.addf %add3A_2646, %exp23A_2654 : vector<8x1024xf32>
      %get3A_2656 = arith.constant 1592 : index
      %get3A_2657 = arith.constant 0 : index
      %get3A_2658 = vector.load %arg1[%get3A_2656, %get3A_2657] : memref<2048x1024xf32, #tpu.memory_space<vmem>>, vector<8x1024xf32>
      %sub3A_2659 = arith.subf %get3A_2658, %max3A_859 : vector<8x1024xf32>
      %mul3A_2660 = arith.constant 43.2808495 : f32
      %mul3A_2661 = vector.broadcast %mul3A_2660 : f32 to vector<8x1024xf32>
      %mul3A_2662 = arith.mulf %mul3A_2661, %sub3A_2659 : vector<8x1024xf32>
      %exp23A_2663 = math.exp2 %mul3A_2662 : vector<8x1024xf32>
      %add3A_2664 = arith.addf %add3A_2655, %exp23A_2663 : vector<8x1024xf32>
      %get3A_2665 = arith.constant 1600 : index
      %get3A_2666 = arith.constant 0 : index
      %get3A_2667 = vector.load %arg1[%get3A_2665, %get3A_2666] : memref<2048x1024xf32, #tpu.memory_space<vmem>>, vector<8x1024xf32>
      %sub3A_2668 = arith.subf %get3A_2667, %max3A_859 : vector<8x1024xf32>
      %mul3A_2669 = arith.constant 43.2808495 : f32
      %mul3A_2670 = vector.broadcast %mul3A_2669 : f32 to vector<8x1024xf32>
      %mul3A_2671 = arith.mulf %mul3A_2670, %sub3A_2668 : vector<8x1024xf32>
      %exp23A_2672 = math.exp2 %mul3A_2671 : vector<8x1024xf32>
      %add3A_2673 = arith.addf %add3A_2664, %exp23A_2672 : vector<8x1024xf32>
      %get3A_2674 = arith.constant 1608 : index
      %get3A_2675 = arith.constant 0 : index
      %get3A_2676 = vector.load %arg1[%get3A_2674, %get3A_2675] : memref<2048x1024xf32, #tpu.memory_space<vmem>>, vector<8x1024xf32>
      %sub3A_2677 = arith.subf %get3A_2676, %max3A_859 : vector<8x1024xf32>
      %mul3A_2678 = arith.constant 43.2808495 : f32
      %mul3A_2679 = vector.broadcast %mul3A_2678 : f32 to vector<8x1024xf32>
      %mul3A_2680 = arith.mulf %mul3A_2679, %sub3A_2677 : vector<8x1024xf32>
      %exp23A_2681 = math.exp2 %mul3A_2680 : vector<8x1024xf32>
      %add3A_2682 = arith.addf %add3A_2673, %exp23A_2681 : vector<8x1024xf32>
      %get3A_2683 = arith.constant 1616 : index
      %get3A_2684 = arith.constant 0 : index
      %get3A_2685 = vector.load %arg1[%get3A_2683, %get3A_2684] : memref<2048x1024xf32, #tpu.memory_space<vmem>>, vector<8x1024xf32>
      %sub3A_2686 = arith.subf %get3A_2685, %max3A_859 : vector<8x1024xf32>
      %mul3A_2687 = arith.constant 43.2808495 : f32
      %mul3A_2688 = vector.broadcast %mul3A_2687 : f32 to vector<8x1024xf32>
      %mul3A_2689 = arith.mulf %mul3A_2688, %sub3A_2686 : vector<8x1024xf32>
      %exp23A_2690 = math.exp2 %mul3A_2689 : vector<8x1024xf32>
      %add3A_2691 = arith.addf %add3A_2682, %exp23A_2690 : vector<8x1024xf32>
      %get3A_2692 = arith.constant 1624 : index
      %get3A_2693 = arith.constant 0 : index
      %get3A_2694 = vector.load %arg1[%get3A_2692, %get3A_2693] : memref<2048x1024xf32, #tpu.memory_space<vmem>>, vector<8x1024xf32>
      %sub3A_2695 = arith.subf %get3A_2694, %max3A_859 : vector<8x1024xf32>
      %mul3A_2696 = arith.constant 43.2808495 : f32
      %mul3A_2697 = vector.broadcast %mul3A_2696 : f32 to vector<8x1024xf32>
      %mul3A_2698 = arith.mulf %mul3A_2697, %sub3A_2695 : vector<8x1024xf32>
      %exp23A_2699 = math.exp2 %mul3A_2698 : vector<8x1024xf32>
      %add3A_2700 = arith.addf %add3A_2691, %exp23A_2699 : vector<8x1024xf32>
      %get3A_2701 = arith.constant 1632 : index
      %get3A_2702 = arith.constant 0 : index
      %get3A_2703 = vector.load %arg1[%get3A_2701, %get3A_2702] : memref<2048x1024xf32, #tpu.memory_space<vmem>>, vector<8x1024xf32>
      %sub3A_2704 = arith.subf %get3A_2703, %max3A_859 : vector<8x1024xf32>
      %mul3A_2705 = arith.constant 43.2808495 : f32
      %mul3A_2706 = vector.broadcast %mul3A_2705 : f32 to vector<8x1024xf32>
      %mul3A_2707 = arith.mulf %mul3A_2706, %sub3A_2704 : vector<8x1024xf32>
      %exp23A_2708 = math.exp2 %mul3A_2707 : vector<8x1024xf32>
      %add3A_2709 = arith.addf %add3A_2700, %exp23A_2708 : vector<8x1024xf32>
      %get3A_2710 = arith.constant 1640 : index
      %get3A_2711 = arith.constant 0 : index
      %get3A_2712 = vector.load %arg1[%get3A_2710, %get3A_2711] : memref<2048x1024xf32, #tpu.memory_space<vmem>>, vector<8x1024xf32>
      %sub3A_2713 = arith.subf %get3A_2712, %max3A_859 : vector<8x1024xf32>
      %mul3A_2714 = arith.constant 43.2808495 : f32
      %mul3A_2715 = vector.broadcast %mul3A_2714 : f32 to vector<8x1024xf32>
      %mul3A_2716 = arith.mulf %mul3A_2715, %sub3A_2713 : vector<8x1024xf32>
      %exp23A_2717 = math.exp2 %mul3A_2716 : vector<8x1024xf32>
      %add3A_2718 = arith.addf %add3A_2709, %exp23A_2717 : vector<8x1024xf32>
      %get3A_2719 = arith.constant 1648 : index
      %get3A_2720 = arith.constant 0 : index
      %get3A_2721 = vector.load %arg1[%get3A_2719, %get3A_2720] : memref<2048x1024xf32, #tpu.memory_space<vmem>>, vector<8x1024xf32>
      %sub3A_2722 = arith.subf %get3A_2721, %max3A_859 : vector<8x1024xf32>
      %mul3A_2723 = arith.constant 43.2808495 : f32
      %mul3A_2724 = vector.broadcast %mul3A_2723 : f32 to vector<8x1024xf32>
      %mul3A_2725 = arith.mulf %mul3A_2724, %sub3A_2722 : vector<8x1024xf32>
      %exp23A_2726 = math.exp2 %mul3A_2725 : vector<8x1024xf32>
      %add3A_2727 = arith.addf %add3A_2718, %exp23A_2726 : vector<8x1024xf32>
      %get3A_2728 = arith.constant 1656 : index
      %get3A_2729 = arith.constant 0 : index
      %get3A_2730 = vector.load %arg1[%get3A_2728, %get3A_2729] : memref<2048x1024xf32, #tpu.memory_space<vmem>>, vector<8x1024xf32>
      %sub3A_2731 = arith.subf %get3A_2730, %max3A_859 : vector<8x1024xf32>
      %mul3A_2732 = arith.constant 43.2808495 : f32
      %mul3A_2733 = vector.broadcast %mul3A_2732 : f32 to vector<8x1024xf32>
      %mul3A_2734 = arith.mulf %mul3A_2733, %sub3A_2731 : vector<8x1024xf32>
      %exp23A_2735 = math.exp2 %mul3A_2734 : vector<8x1024xf32>
      %add3A_2736 = arith.addf %add3A_2727, %exp23A_2735 : vector<8x1024xf32>
      %get3A_2737 = arith.constant 1664 : index
      %get3A_2738 = arith.constant 0 : index
      %get3A_2739 = vector.load %arg1[%get3A_2737, %get3A_2738] : memref<2048x1024xf32, #tpu.memory_space<vmem>>, vector<8x1024xf32>
      %sub3A_2740 = arith.subf %get3A_2739, %max3A_859 : vector<8x1024xf32>
      %mul3A_2741 = arith.constant 43.2808495 : f32
      %mul3A_2742 = vector.broadcast %mul3A_2741 : f32 to vector<8x1024xf32>
      %mul3A_2743 = arith.mulf %mul3A_2742, %sub3A_2740 : vector<8x1024xf32>
      %exp23A_2744 = math.exp2 %mul3A_2743 : vector<8x1024xf32>
      %add3A_2745 = arith.addf %add3A_2736, %exp23A_2744 : vector<8x1024xf32>
      %get3A_2746 = arith.constant 1672 : index
      %get3A_2747 = arith.constant 0 : index
      %get3A_2748 = vector.load %arg1[%get3A_2746, %get3A_2747] : memref<2048x1024xf32, #tpu.memory_space<vmem>>, vector<8x1024xf32>
      %sub3A_2749 = arith.subf %get3A_2748, %max3A_859 : vector<8x1024xf32>
      %mul3A_2750 = arith.constant 43.2808495 : f32
      %mul3A_2751 = vector.broadcast %mul3A_2750 : f32 to vector<8x1024xf32>
      %mul3A_2752 = arith.mulf %mul3A_2751, %sub3A_2749 : vector<8x1024xf32>
      %exp23A_2753 = math.exp2 %mul3A_2752 : vector<8x1024xf32>
      %add3A_2754 = arith.addf %add3A_2745, %exp23A_2753 : vector<8x1024xf32>
      %get3A_2755 = arith.constant 1680 : index
      %get3A_2756 = arith.constant 0 : index
      %get3A_2757 = vector.load %arg1[%get3A_2755, %get3A_2756] : memref<2048x1024xf32, #tpu.memory_space<vmem>>, vector<8x1024xf32>
      %sub3A_2758 = arith.subf %get3A_2757, %max3A_859 : vector<8x1024xf32>
      %mul3A_2759 = arith.constant 43.2808495 : f32
      %mul3A_2760 = vector.broadcast %mul3A_2759 : f32 to vector<8x1024xf32>
      %mul3A_2761 = arith.mulf %mul3A_2760, %sub3A_2758 : vector<8x1024xf32>
      %exp23A_2762 = math.exp2 %mul3A_2761 : vector<8x1024xf32>
      %add3A_2763 = arith.addf %add3A_2754, %exp23A_2762 : vector<8x1024xf32>
      %get3A_2764 = arith.constant 1688 : index
      %get3A_2765 = arith.constant 0 : index
      %get3A_2766 = vector.load %arg1[%get3A_2764, %get3A_2765] : memref<2048x1024xf32, #tpu.memory_space<vmem>>, vector<8x1024xf32>
      %sub3A_2767 = arith.subf %get3A_2766, %max3A_859 : vector<8x1024xf32>
      %mul3A_2768 = arith.constant 43.2808495 : f32
      %mul3A_2769 = vector.broadcast %mul3A_2768 : f32 to vector<8x1024xf32>
      %mul3A_2770 = arith.mulf %mul3A_2769, %sub3A_2767 : vector<8x1024xf32>
      %exp23A_2771 = math.exp2 %mul3A_2770 : vector<8x1024xf32>
      %add3A_2772 = arith.addf %add3A_2763, %exp23A_2771 : vector<8x1024xf32>
      %swap3A = arith.constant 0 : index
      %swap3A_2773 = arith.constant 0 : index
      %swap3A_2774 = vector.load %arg3[%swap3A, %swap3A_2773] : memref<8x1024xf32, #tpu.memory_space<vmem>>, vector<8x1024xf32>
      tpu.vector_store %arg3[%swap3A, %swap3A_2773], %add3A_2772 {strides = array<i32>} : memref<8x1024xf32, #tpu.memory_space<vmem>>, vector<8x1024xf32>,
      %swap3A_2775 = arith.constant 0 : index
      %swap3A_2776 = arith.constant 0 : index
      %swap3A_2777 = vector.load %arg2[%swap3A_2775, %swap3A_2776] : memref<8x1024xf32, #tpu.memory_space<vmem>>, vector<8x1024xf32>
      tpu.vector_store %arg2[%swap3A_2775, %swap3A_2776], %max3A_859 {strides = array<i32>} : memref<8x1024xf32, #tpu.memory_space<vmem>>, vector<8x1024xf32>,
    } else {
    }
    return
  }
  func.func @transform_0(%arg0: i32) -> (i32, i32) {
    %c0_i32 = arith.constant 0 : i32
    %c0_i32_0 = arith.constant 0 : i32
    return %arg0, %c0_i32 : i32, i32
  }
  func.func @transform_1(%arg0: i32) -> (i32, i32) {
    %c0_i32 = arith.constant 0 : i32
    %c0_i32_0 = arith.constant 0 : i32
    %c0_i32_1 = arith.constant 0 : i32
    return %c0_i32, %c0_i32_0 : i32, i32
  }
  func.func @transform_2(%arg0: i32) -> (i32, i32) {
    %c0_i32 = arith.constant 0 : i32
    %c0_i32_0 = arith.constant 0 : i32
    %c0_i32_1 = arith.constant 0 : i32
    return %c0_i32, %c0_i32_0 : i32, i32
  }
}

</mosaic_0001>

<sc_bundles>
// kernel: kernel.5.cloned.1.call-start
scs
__scs_entry_jumppad:
0x0: {  	(pc) =	sbr.rel $0x88, $3  }
0x1: {  	(tag) =	ssettag $0x0;
	lr =	simm.s32 $0x1  }
0x2: {  	[smem:$0x3F9F] =	sst lr;
	_ =	strace $0xD0000000  }
0x3: {  	_ = 	snop  }
0x4: {  	_ = 	snop  }
0x5: {  	_ = 	snop  }
0x6: {  	_ = 	snop  }
0x7: {  	_ = 	snop  }
__scs_overlays_trampoline_lowered:
0x8: {  	[smem:$0x3FAE] =	sst s0  }
0x9: {  	[smem:$0x3FAF] =	sst s1  }
0xa: {  	[smem:$0x3FB0] =	sst s2  }
0xb: {  	[smem:$0x3FB1] =	sst s3  }
0xc: {  	[smem:$0x3FB2] =	sst s4  }
0xd: {  	[smem:$0x3FB3] =	sst s5  }
0xe: {  	[smem:$0x3FB4] =	sst s6  }
0xf: {  	[smem:$0x3FB5] =	sst s7  }
0x10: {  	[smem:$0x3FB6] =	sst s8  }
0x11: {  	[smem:$0x3FB7] =	sst s9;
	s0 =	simm.s32 @!p0 $0x0  }
0x12: {  	s1 =	sld [smem:$0x3F9D];
	s0 =	simm.s32 @p0 $0x1  }
0x13: {  	[smem:$0x3FB8] =	sst s0;
	s0 =	simm.s32 @!p1 $0x0  }
0x14: {  	s2 =	sld [smem:$0x3F9C];
	s0 =	simm.s32 @p1 $0x1  }
0x15: {  	[smem:$0x3FB9] =	sst s0;
	s0 =	simm.s32 @!p2 $0x0  }
0x16: {  	s3 =	sld [smem:$0x3FDB];
	s0 =	simm.s32 @p2 $0x1  }
0x17: {  	s4 =	simm.s32 $0x1BF5;
	[smem:$0x3FBB] =	sst s0  }
0x18: {  	s0 =	sld [smem:$0x3F9E];
	_ =	swait.ge [sflag:s4], $0x0  }
0x19: {  	s7 =	sld [smem:$0x3F9F]  }
0x1a: {  	s8 =	sadd.s32 $0xFFFFE003, lr  }
0x1b: {  	s9 =	sadd.s32 $0xFFFFFEF7, lr;
	s5 =	simm.s32 $0xFFFFFFFF;
	p2 =	slt.u32 s8, $0xFFFFF086  }
0x1c: {  	p1 =	slt.u32 s9, $0xF7A;
	s5 =	simm.s32 @!p2 $0x0  }
0x1d: {  	s5 =	simm.s32 @p1 $0x1;
	p0 =	seq.s32 s7, s2  }
0x1e: {  	s7 =	smul.u32 @!p0 $0xF7A, s2;
	p2 =	seq.s32 @!p0 s5, $0x0  }
0x1f: {  	s9 =	smul.u32 $0xF7A, s1;
	s8 =	simm.s32 @!p0 $0x1BF5;
	p2 =	por !p2, p0  }
0x20: {  	[sflag:s8] =	ssyncset.s32 @!p0 $0xFFFFF086;
	s6 =	sadd.s32 @!p0 s3, s7;
	s7 =	simm.s32 @!p0 $0x108  }
0x21: {  	s3 =	sadd.s32 s3, s9;
	s6 =	sadd.s32 @!p0 $0x88, s6;
	s7 =	simm.s32 @p2 $0x1082  }
0x22: {  	[simem:s7], [sflag:s8] =	dma.local @!p0 [hbm:s6], $0xF7A  }
0x23: {  	s9 =	sor.u32 $0xD0000000, s2;
	s6 =	simm.s32 $0x108;
	_ =	swait.ge @!p0 [sflag:s8], $0x0  }
0x24: {  	s3 =	sadd.s32 $0x88, s3;
	s6 =	simm.s32 @!p1 $0x1082;
	[sflag:s4] =	ssyncset.s32 $0xFFFFF086  }
0x25: {  	[simem:s6], [sflag:s4] =	dma.local [hbm:s3], $0xF7A  }
0x26: {  	[smem:$0x3F9F] =	sst s1;
	(tag) =	ssettag s2;
	_ =	strace s9  }
0x27: {  	s1 =	sld [smem:$0x3FAF]  }
0x28: {  	s2 =	sld [smem:$0x3FB0]  }
0x29: {  	s4 =	sld [smem:$0x3FB2]  }
0x2a: {  	p0 =	seq.s32 s5, $0x0;
	s5 =	sld [smem:$0x3FB3]  }
0x2b: {  	s6 =	sld [smem:$0x3FB4]  }
0x2c: {  	s7 =	sld [smem:$0x3FB5]  }
0x2d: {  	s3 =	simm.s32 $0x108;
	s8 =	sld [smem:$0x3FB6]  }
0x2e: {  	s3 =	simm.s32 @!p0 $0x1082;
	s9 =	sld [smem:$0x3FB7]  }
0x2f: {  	lr =	sadd.s32 s0, s3;
	s0 =	sld [smem:$0x3FAE]  }
0x30: {  	s3 =	sld [smem:$0x3FB1]  }
0x31: {  	[smem:$0x3FBA] =	sst s10  }
0x32: {  	s10 =	sld [smem:$0x3FB8];
	_ =	sdelay $0x3  }
0x33: {  	p0 =	seq.s32 s10, $0x1;
	s10 =	sld [smem:$0x3FBA];
	_ =	sdelay $0x3  }
0x34: {  	[smem:$0x3FBA] =	sst s10  }
0x35: {  	s10 =	sld [smem:$0x3FB9];
	_ =	sdelay $0x3  }
0x36: {  	p1 =	seq.s32 s10, $0x1;
	s10 =	sld [smem:$0x3FBA];
	_ =	sdelay $0x3  }
0x37: {  	[smem:$0x3FBA] =	sst s10  }
0x38: {  	s10 =	sld [smem:$0x3FBB]  }
0x39: {  	_ = 	snop;
	(pc) =	sbr.ind lr, $3  }
0x3a: {  	_ = 	snop  }
0x3b: {  	_ = 	snop  }
0x3c: {  	p2 =	seq.s32 s10, $0x1;
	s10 =	sld [smem:$0x3FBA]  }
0x3d: {  	_ =	shalt  }
0x3e: {  	_ =	shalt  }
0x3f: {  	_ =	shalt  }
0x40: {  	_ =	shalt  }
0x41: {  	_ =	shalt  }
0x42: {  	_ =	shalt  }
0x43: {  	_ =	shalt  }
0x44: {  	_ =	shalt  }
0x45: {  	_ =	shalt  }
0x46: {  	_ =	shalt  }
0x47: {  	_ =	shalt  }
0x48: {  	_ =	shalt  }
0x49: {  	_ =	shalt  }
0x4a: {  	_ =	shalt  }
0x4b: {  	_ =	shalt  }
0x4c: {  	_ =	shalt  }
0x4d: {  	_ =	shalt  }
0x4e: {  	_ =	shalt  }
0x4f: {  	_ =	shalt  }
0x50: {  	_ =	shalt  }
0x51: {  	_ =	shalt  }
0x52: {  	_ =	shalt  }
0x53: {  	_ =	shalt  }
0x54: {  	_ =	shalt  }
0x55: {  	_ =	shalt  }
0x56: {  	_ =	shalt  }
0x57: {  	_ =	shalt  }
0x58: {  	_ =	shalt  }
0x59: {  	_ =	shalt  }
0x5a: {  	_ =	shalt  }
0x5b: {  	_ =	shalt  }
0x5c: {  	_ =	shalt  }
0x5d: {  	_ =	shalt  }
0x5e: {  	_ =	shalt  }
0x5f: {  	_ =	shalt  }
0x60: {  	_ =	shalt  }
0x61: {  	_ =	shalt  }
0x62: {  	_ =	shalt  }
0x63: {  	_ =	shalt  }
0x64: {  	_ =	shalt  }
0x65: {  	_ =	shalt  }
0x66: {  	_ =	shalt  }
0x67: {  	_ =	shalt  }
0x68: {  	_ =	shalt  }
0x69: {  	_ =	shalt  }
0x6a: {  	_ =	shalt  }
0x6b: {  	_ =	shalt  }
0x6c: {  	_ =	shalt  }
0x6d: {  	_ =	shalt  }
0x6e: {  	_ =	shalt  }
0x6f: {  	_ =	shalt  }
0x70: {  	_ =	shalt  }
0x71: {  	_ =	shalt  }
0x72: {  	_ =	shalt  }
0x73: {  	_ =	shalt  }
0x74: {  	_ =	shalt  }
0x75: {  	_ =	shalt  }
0x76: {  	_ =	shalt  }
0x77: {  	_ =	shalt  }
0x78: {  	_ =	shalt  }
0x79: {  	_ =	shalt  }
0x7a: {  	_ =	shalt  }
0x7b: {  	_ =	shalt  }
0x7c: {  	_ =	shalt  }
0x7d: {  	_ =	shalt  }
0x7e: {  	_ =	shalt  }
0x7f: {  	_ =	shalt  }
0x80: {  	_ =	shalt  }
0x81: {  	_ =	shalt  }
0x82: {  	_ =	shalt  }
0x83: {  	_ =	shalt  }
0x84: {  	_ =	shalt  }
0x85: {  	_ =	shalt  }
0x86: {  	_ =	shalt  }
0x87: {  	_ =	shalt  }
.Lfunc_end0:
.L_simem_size_0:
called_computation_lowered:
.L_overlay_start_0:
0x88: {  	s2 =	sld [smem:$0x3FD9]  }
0x89: {  	s3 =	sld [smem:$0x3FFE];
	_ =	sdelay $0x1  }
0x8a: {  	s1 =	srdreg.scid  }
0x8b: {  	s0 =	sand.u32 $0x1, s1  }
0x8c: {  	s17 =	sshll.u32 s0, $0xA;
	s2 =	sadd.s32 s3, s2  }
0x8d: {  	s2 =	sadd.s32 s2, s17  }
0x8e: {  	[smem:$0x3FC6] =	sst s2  }
0x8f: {  	_ = 	snop  }
0x90: {  	s2 =	sld [smem:$0x3FC9]  }
0x91: {  	s18 =	sld [smem:$0x3FC8];
	(tm) =	ssettm $0x1  }
0x92: {  	s4 =	sld [smem:$0x3FFB];
	_ =	sdelay $0x3  }
0x93: {  	_ =	strace s4  }
0x94: {  	s4 =	sld [smem:$0x3FFC];
	_ =	sdelay $0x3  }
0x95: {  	_ =	strace s4  }
0x96: {  	s4 =	sld [smem:$0x3FFD];
	_ =	sdelay $0x3  }
0x97: {  	_ =	strace s4  }
0x98: {  	_ =	strace $0x8FFFFFFF  }
0x99: {  	s19 =	sld [smem:$0x3FDB];
	_ =	sdelay $0x1  }
0x9a: {  	s5 =	simm.s32 $_scs_section_size  }
0x9b: {  	s6 =	simm.s32 $_size__tile_overlayer_lowered;
	s7 =	simm.s32 $_tile_overlayer_lowered  }
0x9c: {  	s22 =	simm.s32 $0x1BFF;
	s21 =	sshll.u32 s7, $0x1;
	s4 =	sadd.s32 s5, s19  }
0x9d: {  	s8 =	simm.s32 $0x0;
	s20 =	sshll.u32 s6, $0x1;
	s6 =	sadd.s32 s21, s4  }
0x9e: {  	[timem:s8], [sflag:s22] =	dma.local [hbm:s6], s20  }
0x9f: {  	_ =	swait.ge [sflag:s22], s20  }
0xa0: {  	s5 =	ssub.s32 $0x0, s20;
	[sflag:s22] =	ssyncset.done $0x0  }
0xa1: {  	[sflag:s22] =	ssyncadd.s32 s5;
	_ =	sdelay $0x1  }
0xa2: {  	s23 =	simm.s32 $0x1B8B  }
0xa3: {  	_ =	swait.ge [sflag:s23], $0x1  }
0xa4: {  	[sflag:s23] =	ssyncset.done $0x0  }
0xa5: {  	s25 =	simm.s32 $0x1B8E;
	s24 =	sld [smem:$0x3FFE];
	[sflag:s23] =	ssyncadd.s32 $0xFFFFFFFF  }
0xa6: {  	s26 =	simm.s32 $execute0_lowered;
	[smem:$0x3FD2] =	sst s25  }
0xa7: {  	s6 =	sshll.u32 s26, $0x1;
	_ =	strace $0x80000046;
	[dreg:$0x1] =	wrdreg $0xFFFFFFFF  }
0xa8: {  	s28 =	simm.s32 $_size_execute0_lowered;
	s4 =	sadd.s32 s4, s6;
	[dreg:$0x0] =	wrdreg $0x0  }
0xa9: {  	s6 =	sshll.u32 s28, $0x1;
	[dreg:$0x2] =	wrdreg s4  }
0xaa: {  	[dreg:$0x3] =	wrdreg s6  }
0xab: {  	[dreg:$0x4] =	wrdreg $0xC0  }
0xac: {  	_ =	task [dreg:s8], $0x5FFFF  }
0xad: {  	[dreg:$0x1] =	wrdreg $0xFFFFFFFF  }
0xae: {  	[dreg:$0x0] =	wrdreg $0x60  }
0xaf: {  	[dreg:$0x2] =	wrdreg s2  }
0xb0: {  	[dreg:$0x3] =	wrdreg s18  }
0xb1: {  	[dreg:$0x4] =	wrdreg s24  }
0xb2: {  	[dreg:$0x5] =	wrdreg $0x9  }
0xb3: {  	_ =	task.clear_ibuf [dreg:s8], $0x6FFFF;
	_ =	strace $0x90000046  }
0xb4: {  	s29 =	simm.s32 $0x9;
	_ =	strace $0x80000048  }
0xb5: {  	_ =	swait.ge [sflag:s29], $0x1  }
0xb6: {  	[sflag:s29] =	ssyncadd.s32 $0xFFFFFFFF  }
0xb7: {  	_ =	strace $0x90000048  }
0xb8: {  	_ =	sfence  }
0xb9: {  	s30 =	sld [smem:$0x0];
	_ =	sdelay $0x2  }
0xba: {  	s31 =	sshll.u32 s1, $0xD;
	s1 =	sshrl.u32 s1, $0x2  }
0xbb: {  	s3 =	sand.u32 $0x4000, s31;
	s1 =	sadd.s32 s1, s30  }
0xbc: {  	s0 =	sor.u32 s3, s0;
	s1 =	sshll.u32 s1, $0x11  }
0xbd: {  	s0 =	sor.u32 s1, s0  }
0xbe: {  	s0 =	sadd.s32 $0x8F2B, s0  }
0xbf: {  	[sflag:s0] =	ssyncadd.remote.s32 $0x1  }
0xc0: {  	_ =	sfence.sel $0xFFFF  }
0xc1: {  	[dreg:$0x0] =	wrdreg $0xFFFFFFFF;
	(pc) =	sbr.abs _section_cstart, $3  }
0xc2: {  	[dreg:$0x1] =	wrdreg $0xFFFFFFFF  }
0xc3: {  	_ =	task.clear_ibuf [dreg:s8], $0x2FFFF;
	_ =	strace $0x9FFFFFFF  }
0xc4: {  	(tm) =	ssettm $0x7FFFFFFF  }
0xc5: {  	_ =	shalt  }
tec
execute0_lowered:
.L_overlay_start_1:
0x0: {  	(tag) =	ssettag $0x1  }
0x1: {  	s1 =	rddreg [dreg:$0x0]  }
0x2: {  	s4 =	rddreg [dreg:$0x1]  }
0x3: {  	s5 =	rddreg [dreg:$0x2];
	s3 =	srdreg.scid  }
0x4: {  	s0 =	rddreg [dreg:$0x3];
	s2 =	stileid.u32;
	s10 =	simm.s32 $0x2  }
0x5: {  	s11 =	simm.s32 $0x80;
	s12 =	simm.s32 $0x880;
	s13 =	simm.s32 $0x1080  }
0x6: {  	s14 =	simm.s32 $0x1880;
	s15 =	simm.s32 $0x2080;
	s16 =	simm.s32 $0x2880  }
0x7: {  	s17 =	simm.s32 $0x3080;
	s18 =	simm.s32 $0x3880;
	s19 =	simm.s32 $0x4080  }
0x8: {  	s20 =	simm.s32 $0x4880;
	s21 =	simm.s32 $0x5080;
	s22 =	simm.s32 $0x5880  }
0x9: {  	s23 =	simm.s32 $0x6080;
	s24 =	simm.s32 $0x6880;
	s25 =	simm.s32 $0x7080  }
0xa: {  	s26 =	simm.s32 $0x7880;
	s28 =	simm.s32 $0x1;
	s6 =	sand.u32 $0x1, s3  }
0xb: {  	s3 =	simm.s32 $0x0;
	s7 =	sshll.u32 s2, $0x6;
	s8 =	sshll.u32 s6, $0x5  }
0xc: {  	[smem:$0x7FF] =	sst s3;
	s6 =	ssub.s32 $0x2, s6;
	s7 =	sor.u32 s8, s7  }
0xd: {  	_ =	strace $0x80000047;
	s9 =	sshrl.u32 s6, $0x1;
	s8 =	sshll.u32 s7, $0x7  }
0xe: {  	v2 =	vlaneseq.u32;
	s9 =	ssub.s32 s6, s9;
	s31 =	sshrl.u32 s7, $0x3;
	s6 =	sadd.s32 $0x200, s1  }
0xf: {  	vm0 =	vmmov $0xffff;
	v1 =	vshrl.u32 v2, $0x3;
	s7 =	sadd.s32 $0x300, s1;
	s8 =	sadd.s32 s8, s5;
	s4 =	sadd.s32 s4, s31  }
0x10: {  	v0 =	vand.u32 $0x7, v2;
	v2 =	vor.u32 $0x8, v2;
	v1 =	vmul.u32 $0x8, v1;
	s5 =	sadd.s32 $0x100, s1;
	s9 =	smax.u32 s9, $0x1;
	s8 =	sadd.s32 $0x800, s8  }
.LBB2_1:
0x11: {  	[tilespmem:s3], [sflag:$0x2] =	stream.linear.gather [hbm4b:s4+s3], $0x20, $0x38;
	[tilespmem:$0x8080] =	vst v63  }
0x12: {  	_ =	swait.ge [sflag:s10], $0x20  }
0x13: {  	[sflag:s10] =	ssyncset.done $0x0  }
0x14: {  	[sflag:s10] =	ssyncadd.s32 $0xFFFFFFE0  }
0x15: {  	v3 =	vld [tilespmem:$0x0];
	_ =	sdelay $0x4  }
0x16: {  	v4 =	vshll.u32 v3, $0x3  }
0x17: {  	v3 =	vand.u32 $0x7, v3;
	v4 =	vand.u32 $0xFFFFFFC0, v4  }
0x18: {  	v3 =	vor.u32 v3, v4  }
0x19: {  	v4 =	vperm.xlane v3, v0;
	_ =	sdelay $0x1  }
0x1a: {  	v4 =	vadd.s32 v1, v4;
	_ =	sdelay $0x4  }
0x1b: {  	[tilespmem:s11], [sflag:$0x1] =	stream.indirect_vreg.gather [hbm4b:s1+s3], $0x80, v4, vm0, $0xb8;
	[tilespmem:$0x8080] =	vst v63  }
0x1c: {  	v3 =	vperm.xlane v3, v2  }
0x1d: {  	[tilespmem:s12], [sflag:$0x1] =	stream.indirect_vreg.gather [hbm4b:s5+s3], $0x80, v4, vm0, $0xb8;
	[tilespmem:$0x8080] =	vst v63  }
0x1e: {  	v3 =	vadd.s32 v1, v3  }
0x1f: {  	[tilespmem:s13], [sflag:$0x1] =	stream.indirect_vreg.gather [hbm4b:s6+s3], $0x80, v4, vm0, $0xb8;
	[tilespmem:$0x8080] =	vst v63  }
0x20: {  	_ = 	snop  }
0x21: {  	[tilespmem:s14], [sflag:$0x1] =	stream.indirect_vreg.gather [hbm4b:s7+s3], $0x80, v4, vm0, $0xb8;
	[tilespmem:$0x8080] =	vst v63  }
0x22: {  	_ = 	snop  }
0x23: {  	[tilespmem:s15], [sflag:$0x1] =	stream.indirect_vreg.gather [hbm4b:s1+s3], $0x80, v3, vm0, $0xb8;
	[tilespmem:$0x8080] =	vst v63  }
0x24: {  	_ = 	snop  }
0x25: {  	[tilespmem:s16], [sflag:$0x1] =	stream.indirect_vreg.gather [hbm4b:s5+s3], $0x80, v3, vm0, $0xb8;
	[tilespmem:$0x8080] =	vst v63  }
0x26: {  	_ = 	snop  }
0x27: {  	[tilespmem:s17], [sflag:$0x1] =	stream.indirect_vreg.gather [hbm4b:s6+s3], $0x80, v3, vm0, $0xb8;
	[tilespmem:$0x8080] =	vst v63  }
0x28: {  	_ = 	snop  }
0x29: {  	[tilespmem:s18], [sflag:$0x1] =	stream.indirect_vreg.gather [hbm4b:s7+s3], $0x80, v3, vm0, $0xb8;
	[tilespmem:$0x8080] =	vst v63  }
0x2a: {  	v3 =	vld [tilespmem:$0x10];
	_ =	sdelay $0x4  }
0x2b: {  	v63 =	vshll.u32 v3, $0x3  }
0x2c: {  	v3 =	vand.u32 $0x7, v3;
	v4 =	vand.u32 $0xFFFFFFC0, v63  }
0x2d: {  	v3 =	vor.u32 v3, v4  }
0x2e: {  	v4 =	vperm.xlane v3, v0;
	_ =	sdelay $0x1  }
0x2f: {  	v4 =	vadd.s32 v1, v4;
	_ =	sdelay $0x4  }
0x30: {  	[tilespmem:s19], [sflag:$0x1] =	stream.indirect_vreg.gather [hbm4b:s1+s3], $0x80, v4, vm0, $0xb8;
	[tilespmem:$0x8080] =	vst v63  }
0x31: {  	v3 =	vperm.xlane v3, v2  }
0x32: {  	[tilespmem:s20], [sflag:$0x1] =	stream.indirect_vreg.gather [hbm4b:s5+s3], $0x80, v4, vm0, $0xb8;
	[tilespmem:$0x8080] =	vst v63  }
0x33: {  	v3 =	vadd.s32 v1, v3  }
0x34: {  	[tilespmem:s21], [sflag:$0x1] =	stream.indirect_vreg.gather [hbm4b:s6+s3], $0x80, v4, vm0, $0xb8;
	[tilespmem:$0x8080] =	vst v63  }
0x35: {  	_ = 	snop  }
0x36: {  	[tilespmem:s22], [sflag:$0x1] =	stream.indirect_vreg.gather [hbm4b:s7+s3], $0x80, v4, vm0, $0xb8;
	[tilespmem:$0x8080] =	vst v63  }
0x37: {  	_ = 	snop  }
0x38: {  	[tilespmem:s23], [sflag:$0x1] =	stream.indirect_vreg.gather [hbm4b:s1+s3], $0x80, v3, vm0, $0xb8;
	[tilespmem:$0x8080] =	vst v63  }
0x39: {  	_ = 	snop  }
0x3a: {  	[tilespmem:s24], [sflag:$0x1] =	stream.indirect_vreg.gather [hbm4b:s5+s3], $0x80, v3, vm0, $0xb8;
	[tilespmem:$0x8080] =	vst v63  }
0x3b: {  	_ = 	snop  }
0x3c: {  	[tilespmem:s25], [sflag:$0x1] =	stream.indirect_vreg.gather [hbm4b:s6+s3], $0x80, v3, vm0, $0xb8;
	[tilespmem:$0x8080] =	vst v63  }
0x3d: {  	_ = 	snop  }
0x3e: {  	[tilespmem:s26], [sflag:$0x1] =	stream.indirect_vreg.gather [hbm4b:s7+s3], $0x80, v3, vm0, $0xb8;
	[tilespmem:$0x8080] =	vst v63  }
0x3f: {  	_ =	swait.ge [sflag:s28], $0x8000  }
0x40: {  	p0 =	sne.s32 s9, $0x1;
	[sflag:s28] =	ssyncset.done $0x0  }
.Ltmp0:
0x41: {  	[sflag:s28] =	ssyncadd.s32 $0xFFFF8000;
	(pc) =	sbr.rel @p0 .LBB2_1-.Ltmp0, $4  }
0x42: {  	[hbm4b:s8+s3] =	stream.linear.scatter [tilespmem:s11], [sflag:$0x2], $0x8000, $0x38;
	[tilespmem:$0x8080] =	vst v63  }
0x43: {  	_ =	swait.ge [sflag:s10], $0x8000  }
0x44: {  	[sflag:s10] =	ssyncset.done $0x0  }
0x45: {  	s9 =	sadd.s32 $0xFFFFFFFF, s9;
	[sflag:s10] =	ssyncadd.s32 $0xFFFF8000  }
0x46: {  	_ =	sfence.sel $0x180000  }
0x47: {  	[bflag:$0x0] =	sbarrier.arrive $0xFFFF  }
0x48: {  	p0 =	sne.s32 s2, $0x0;
	_ =	strace $0x90000047  }
0x49: {  	s0 =	sadd.s32 @!p0 $0x100000, s0;
	[bflag:$0x2] =	sbarrier.arrive $0xFFFF  }
0x4a: {  	[sflag:s0] =	ssyncadd.tile.s32 @!p0 $0x1;
	_ =	shalt  }
.Lfunc_end2:
_tile_overlayer_lowered:
.L_overlay_start_2:
0x4b: {  	(tag) =	ssettag $0x2  }
0x4c: {  	s0 =	rddreg [dreg:$0x0];
	s2 =	stileid.u32  }
0x4d: {  	s1 =	rddreg [dreg:$0x1];
	p0 =	sne.s32 s2, $0x0  }
0x4e: {  	s3 =	rddreg [dreg:$0x2];
	[bflag:$0x3] =	sbarrier.arrive $0xFFFF;
	s2 =	simm.s32 @!p0 $0x1C02  }
0x4f: {  	[timem:s3], [sflag:s2] =	dma.local @!p0 [hbm:s0], s1  }
0x50: {  	s0 =	simm.s32 @!p0 $0x2  }
0x51: {  	_ =	swait.ge @!p0 [sflag:s0], s1  }
0x52: {  	s1 =	ssub.s32 @!p0 $0x0, s1;
	[sflag:s0] =	ssyncset.done @!p0 $0x0  }
0x53: {  	[sflag:s0] =	ssyncadd.s32 @!p0 s1  }
0x54: {  	[bflag:$0x3] =	sbarrier.arrive $0xFFFF  }
0x55: {  	_ =	shalt  }

</sc_bundles>
